<compile_context>
chip_gen: v7x
topology: tpu7x:2x2x1
jax: 0.10.2.dev20260603
libtpu: 0.0.44.dev20260713+nightly
codegen_flags: <defaults>
</compile_context>

<pallas_src>
import functools

import jax
import jax.numpy as jnp
from jax import lax
from jax.experimental import pallas as pl
from jax.experimental.pallas import tpu as pltpu
from jax.experimental.pallas import tpu_sc as plsc

_LANES = 16
_NUM_CORES = 2
_NUM_SUBCORES = 16
_NUM_WORKERS = _NUM_CORES * _NUM_SUBCORES
_CHUNK = 128
_NVAR = 8


@functools.lru_cache(maxsize=None)
def _build_sc_kernel(S: int, num_buckets: int, num_heads: int):
    L = _LANES
    NW = _NUM_WORKERS
    rows_total = num_heads * S
    assert rows_total % NW == 0
    rows_per_worker = rows_total // NW
    assert rows_per_worker % 64 == 0 and S % rows_per_worker == 0
    assert S % 128 == 0
    P = 2 * S
    assert (_NVAR * P) % (8 * _CHUNK) == 0 and P % _CHUNK == 0
    md = num_buckets // 2
    shift = md - (S - 1)
    G0 = (S - 1) - md - (_NVAR - 1)
    assert G0 % 16 == 0 and G0 > 0
    MIDC = -(-(num_buckets + _NVAR) // _CHUNK)
    MIDW = MIDC * _CHUNK
    R0 = G0 + MIDW
    assert R0 <= P and (P - R0) % 16 == 0 and MIDC % 8 == 0

    mesh = plsc.VectorSubcoreMesh(core_axis_name="c", subcore_axis_name="s")

    @functools.partial(
        pl.kernel,
        mesh=mesh,
        out_type=jax.ShapeDtypeStruct((rows_total // 8, S // 128, 8, 128), jnp.float32),
        compiler_params=pltpu.CompilerParams(use_tc_tiling_on_sc=False),
        scratch_types=[
            pltpu.VMEM((_NVAR * MIDW + 32,), jnp.int32),
            pltpu.VMEM((_NVAR, P), jnp.float32),
            pltpu.VMEM((32,), jnp.float32),
            pltpu.SemaphoreType.DMA,
        ],
    )
    def sc_kernel(bt_hbm, out_hbm, idx_v, pw_v, edge_v, sem):
        wid = lax.axis_index("s") * _NUM_CORES + lax.axis_index("c")
        row0 = wid * rows_per_worker
        h = row0 // S
        i0 = row0 - h * S

        iota = lax.iota(jnp.int32, L)
        hbase = h * num_buckets

        mid_total = _NVAR * MIDW
        idx_v[pl.ds(mid_total, L)] = jnp.full((L,), hbase, jnp.int32)
        idx_v[pl.ds(mid_total + L, L)] = jnp.full(
            (L,), hbase + num_buckets - 1, jnp.int32
        )
        edge_gather = pltpu.async_copy(
            bt_hbm.at[idx_v.at[pl.ds(mid_total, 2 * L)]], edge_v, sem
        )

        def build_idx(slot, _):
            base_e = slot * L
            c0 = base_e + iota
            for k in range(_NVAR):
                idx_v[pl.ds(k * MIDW + base_e, L)] = hbase + jnp.clip(
                    c0 - k, 0, num_buckets - 1
                )
            return 0

        lax.fori_loop(0, MIDW // L, build_idx, 0, unroll=False)
        edge_gather.wait()
        v_lo = edge_v[pl.ds(0, L)]
        v_hi = edge_v[pl.ds(L, L)]

        n_chunks = _NVAR * MIDC

        def fire_chunk(c):
            k = c // MIDC
            off = (c - k * MIDC) * _CHUNK
            src = bt_hbm.at[idx_v.at[pl.ds(k * MIDW + off, _CHUNK)]]
            return pltpu.async_copy(src, pw_v.at[k, pl.ds(G0 + off, _CHUNK)], sem)

        GDEPTH = 32
        GB = 8
        for b in range(GDEPTH):
            fire_chunk(b)

        def gather(g, _):
            cb = GDEPTH + g * GB
            handles = [fire_chunk(cb + b) for b in range(GB)]
            for hd in handles:
                hd.wait()
            return 0

        lax.fori_loop(0, (n_chunks - GDEPTH) // GB, gather, 0, unroll=False)

        def fill_lo(g, _):
            for k in range(_NVAR):
                pw_v[k, pl.ds(g * L, L)] = v_lo
            return 0

        def fill_hi(g, _):
            for k in range(_NVAR):
                pw_v[k, pl.ds(R0 + g * L, L)] = v_hi
            return 0

        lax.fori_loop(0, G0 // L, fill_lo, 0, unroll=False)
        lax.fori_loop(0, (P - R0) // L, fill_hi, 0, unroll=False)
        for b in range(GDEPTH):
            pltpu.make_async_copy(
                bt_hbm.at[pl.ds(0, _CHUNK)], pw_v.at[0, pl.ds(0, _CHUNK)], sem
            ).wait()

        n_cblk = S // 128
        rb0 = (h * S + i0) // 8

        def fire_tile(t):
            q = t // n_cblk
            c = t - q * n_cblk
            ib = i0 + 8 * q
            w0 = pl.multiple_of((S - 8) - ib + 128 * c, 8)
            src = pw_v.at[:, pl.ds(w0, 128)]
            dst = out_hbm.at[rb0 + q, c]
            return pltpu.async_copy(src, dst, sem)

        n_tiles = (rows_per_worker // 8) * n_cblk
        DEPTH = 32
        B = 8
        for b in range(DEPTH):
            fire_tile(b)

        def tiles(g, _):
            tb = DEPTH + g * B
            handles = [fire_tile(tb + b) for b in range(B)]
            for hd in handles:
                hd.wait()
            return 0

        lax.fori_loop(0, (n_tiles - DEPTH) // B, tiles, 0, unroll=False)
        for b in range(DEPTH):
            pltpu.make_async_copy(
                out_hbm.at[rb0, 0], pw_v.at[:, pl.ds(0, 128)], sem
            ).wait()

    return sc_kernel


def kernel(x, bias_values):
    S = x.shape[1]
    num_buckets, num_heads = bias_values.shape
    sc = _build_sc_kernel(S, num_buckets, num_heads)
    bt = bias_values.astype(jnp.float32).T.reshape(-1)
    out4 = sc(bt)
    out = (
        out4.reshape(num_heads, S // 8, S // 128, 8, 128)
        .transpose(0, 1, 3, 2, 4)
        .reshape(1, num_heads, S, S)
    )
    return out

# --- scband reference (transcript-rebuilt; emitter-appended) ---
"""Pipeline reference for scband-phi4-multimodal-audio-relative-attention-bias-13735305413285 (READ-ONLY COPY).

The authoritative reference and input builder live on the scoring server;
editing this copy changes nothing except your own understanding.
"""

import jax, jax.numpy as jnp
import numpy as np

MAX_DISTANCE = 1000
SYMMETRIC = False
NUM_BUCKETS = MAX_DISTANCE * (1 if SYMMETRIC else 2)
NUM_HEADS = 16


def setup_inputs(seed: int = 0) -> dict:
    key = jax.random.key(seed)
    k1, k2 = jax.random.split(key)
    x = jax.random.normal(k1, (4, 2048, 1024), dtype=jnp.float32)
    bias_values = jax.random.normal(k2, (NUM_BUCKETS, NUM_HEADS), dtype=jnp.float32) * 0.02
    return {"x": x, "bias_values": bias_values}


def reference(x, bias_values):
    max_pos = x.shape[1]
    context_position = jnp.arange(max_pos, dtype=jnp.int64 if jax.config.jax_enable_x64 else jnp.int32)[:, None]
    memory_position = jnp.arange(max_pos, dtype=jnp.int64 if jax.config.jax_enable_x64 else jnp.int32)[None, :]
    relative_position = memory_position - context_position
    relative_position = jnp.where(relative_position < -MAX_DISTANCE, -MAX_DISTANCE, relative_position)
    relative_position = jnp.where(relative_position > MAX_DISTANCE - 1, MAX_DISTANCE - 1, relative_position)
    bias_idx = relative_position
    if SYMMETRIC:
        bias_idx = jnp.abs(bias_idx)
    else:
        bias_idx = bias_idx + NUM_BUCKETS // 2
    # embedding lookup: gather rows of bias_values by bias_idx -> [S, S, H]
    att_bias = jnp.take(bias_values, bias_idx, axis=0)
    # permute(2, 0, 1).unsqueeze(0) -> [1, H, S, S]
    att_bias = jnp.transpose(att_bias, (2, 0, 1))[None, ...]
    return att_bias

if __name__ == "__main__":
    import jax
    _d = setup_inputs()
    print(jax.jit(kernel)(*tuple(_d.values())))

</pallas_src>

<mosaic_0001>
#map = affine_map<(d0, d1) -> (0)>
#map1 = affine_map<(d0, d1) -> (0, 0, 0, 0)>
module attributes {stable_mosaic.version = 14 : i64} {
  func.func @sc_kernel(%arg0: i32, %arg1: i32, %arg2: memref<32000xf32, #tpu.memory_space<hbm>>, %arg3: memref<4096x16x8x128xf32, #tpu.memory_space<hbm>>, %arg4: memref<16416xi32, #tpu.memory_space<vmem>>, %arg5: memref<8x4096xf32, #tpu.memory_space<vmem>>, %arg6: memref<32xf32, #tpu.memory_space<vmem>>, %arg7: memref<!tpu.dma_semaphore, #tpu.memory_space<semaphore_mem>>) attributes {dimension_semantics = [#tpu.dimension_semantics<core_parallel>, #tpu.dimension_semantics<subcore_parallel>], iteration_bounds = array<i64: 2, 16>, scalar_prefetch = 0 : i64, scratch_operands = 4 : i64, tpu.core_type = #tpu.core_type<sc_vector_subcore>, window_params = [{transform_indices = #map}, {transform_indices = #map1}]} {
    %mul3A = arith.constant 2 : i32
    %mul3A_0 = arith.muli %arg1, %mul3A : i32
    %add3A = arith.addi %mul3A_0, %arg0 : i32
    %mul3A_1 = arith.constant 1024 : i32
    %mul3A_2 = arith.muli %add3A, %mul3A_1 : i32
    %jit3A = arith.constant 2048 : i32
    %div3A = arith.divsi %mul3A_2, %jit3A : i32
    %sign3A = arith.constant 0 : i32
    %sign3A_3 = arith.cmpi sgt, %mul3A_2, %sign3A : i32
    %sign3A_4 = arith.extui %sign3A_3 : i1 to i32
    %sign3A_5 = arith.constant 0 : i32
    %sign3A_6 = arith.cmpi slt, %mul3A_2, %sign3A_5 : i32
    %sign3A_7 = arith.extui %sign3A_6 : i1 to i32
    %sign3A_8 = arith.subi %sign3A_4, %sign3A_7 : i32
    %sign3A_9 = arith.constant 0 : i32
    %sign3A_10 = arith.cmpi sgt, %jit3A, %sign3A_9 : i32
    %sign3A_11 = arith.extui %sign3A_10 : i1 to i32
    %sign3A_12 = arith.constant 0 : i32
    %sign3A_13 = arith.cmpi slt, %jit3A, %sign3A_12 : i32
    %sign3A_14 = arith.extui %sign3A_13 : i1 to i32
    %sign3A_15 = arith.subi %sign3A_11, %sign3A_14 : i32
    %ne3A = arith.cmpi ne, %sign3A_8, %sign3A_15 : i32
    %rem3A = arith.remsi %mul3A_2, %jit3A : i32
    %ne3A_16 = arith.constant 0 : i32
    %ne3A_17 = arith.cmpi ne, %rem3A, %ne3A_16 : i32
    %and3A = arith.andi %ne3A, %ne3A_17 : i1
    %sub3A = arith.constant 1 : i32
    %sub3A_18 = arith.subi %div3A, %sub3A : i32
    %select_n3A = arith.select %and3A, %sub3A_18, %div3A : i32
    %mul3A_19 = arith.constant 2048 : i32
    %mul3A_20 = arith.muli %select_n3A, %mul3A_19 : i32
    %sub3A_21 = arith.subi %mul3A_2, %mul3A_20 : i32
    %iota3A = tpu.iota {dimensions = array<i32: 0>} : vector<16xi32>
    %mul3A_22 = arith.constant 2000 : i32
    %mul3A_23 = arith.muli %select_n3A, %mul3A_22 : i32
    %broadcast_in_dim3A = vector.broadcast %mul3A_23 : i32 to vector<16xi32>
    %swap3A = arith.constant 16384 : index
    %swap3A_24 = tpu.vector_load %arg4[%swap3A] {strides = array<i32>} : memref<16416xi32, #tpu.memory_space<vmem>>, vector<16xi32>,
    %swap3A_25 = vector.shape_cast %swap3A_24 : vector<16xi32> to vector<16xi32>
    %swap3A_26 = vector.shape_cast %broadcast_in_dim3A : vector<16xi32> to vector<16xi32>
    tpu.vector_store %arg4[%swap3A], %swap3A_26 {strides = array<i32>} : memref<16416xi32, #tpu.memory_space<vmem>>, vector<16xi32>,
    %add3A_27 = arith.constant 2000 : i32
    %add3A_28 = arith.addi %mul3A_23, %add3A_27 : i32
    %sub3A_29 = arith.constant 1 : i32
    %sub3A_30 = arith.subi %add3A_28, %sub3A_29 : i32
    %broadcast_in_dim3A_31 = vector.broadcast %sub3A_30 : i32 to vector<16xi32>
    %swap3A_32 = arith.constant 16400 : index
    %swap3A_33 = tpu.vector_load %arg4[%swap3A_32] {strides = array<i32>} : memref<16416xi32, #tpu.memory_space<vmem>>, vector<16xi32>,
    %swap3A_34 = vector.shape_cast %swap3A_33 : vector<16xi32> to vector<16xi32>
    %swap3A_35 = vector.shape_cast %broadcast_in_dim3A_31 : vector<16xi32> to vector<16xi32>
    tpu.vector_store %arg4[%swap3A_32], %swap3A_35 {strides = array<i32>} : memref<16416xi32, #tpu.memory_space<vmem>>, vector<16xi32>,
    %dma_start3A = arith.constant 16384 : i32
    %dma_start3A_36 = tpu.memref_slice %arg4[%dma_start3A] : memref<16416xi32, #tpu.memory_space<vmem>> -> memref<32xi32, #tpu.memory_space<vmem>>
    %dma_start3A_37 = arith.constant 0 : i32
    %dma_start3A_38 = tpu.memref_slice %arg2[%dma_start3A_37] : memref<32000xf32, #tpu.memory_space<hbm>> -> memref<32000xf32, #tpu.memory_space<hbm>>
    tpu.enqueue_indirect_dma source(%dma_start3A_38 : memref<32000xf32, #tpu.memory_space<hbm>>) target(%arg6 : memref<32xf32, #tpu.memory_space<vmem>>) offsets(%dma_start3A_36 : memref<32xi32, #tpu.memory_space<vmem>>) semaphore(%arg7 : memref<!tpu.dma_semaphore, #tpu.memory_space<semaphore_mem>>)
    %scan3A = arith.constant 0 : i32
    %scan3A_39 = arith.constant 0 : i32
    %scan3A_40 = arith.constant 128 : i32
    %scan3A_41 = arith.addi %scan3A_39, %scan3A_40 : i32
    %scan3A_42 = arith.constant 1 : i32
    %scan3A_43 = scf.for %scan3A_1899 = %scan3A_39 to %scan3A_41 step %scan3A_42 iter_args(%scan3A_1900 = %scan3A) -> (i32)  : i32 {
      %mul3A_1901 = arith.constant 16 : i32
      %mul3A_1902 = arith.muli %scan3A_1899, %mul3A_1901 : i32
      %add3A_1903 = vector.broadcast %mul3A_1902 : i32 to vector<16xi32>
      %add3A_1904 = arith.addi %add3A_1903, %iota3A : vector<16xi32>
      %sub3A_1905 = arith.constant 0 : i32
      %sub3A_1906 = vector.broadcast %sub3A_1905 : i32 to vector<16xi32>
      %sub3A_1907 = arith.subi %add3A_1904, %sub3A_1906 : vector<16xi32>
      %jit3A_1908 = arith.constant 0 : i32
      %jit3A_1909 = arith.constant 1999 : i32
      %max3A = vector.broadcast %jit3A_1908 : i32 to vector<16xi32>
      %max3A_1910 = arith.maxsi %max3A, %sub3A_1907 : vector<16xi32>
      %min3A = vector.broadcast %jit3A_1909 : i32 to vector<16xi32>
      %min3A_1911 = arith.minsi %min3A, %max3A_1910 : vector<16xi32>
      %add3A_1912 = vector.broadcast %mul3A_23 : i32 to vector<16xi32>
      %add3A_1913 = arith.addi %add3A_1912, %min3A_1911 : vector<16xi32>
      %add3A_1914 = arith.constant 0 : i32
      %add3A_1915 = arith.addi %add3A_1914, %mul3A_1902 : i32
      %swap3A_1916 = arith.index_cast %add3A_1915 : i32 to index
      %swap3A_1917 = tpu.vector_load %arg4[%swap3A_1916] {strides = array<i32>} : memref<16416xi32, #tpu.memory_space<vmem>>, vector<16xi32>,
      %swap3A_1918 = vector.shape_cast %swap3A_1917 : vector<16xi32> to vector<16xi32>
      %swap3A_1919 = vector.shape_cast %add3A_1913 : vector<16xi32> to vector<16xi32>
      tpu.vector_store %arg4[%swap3A_1916], %swap3A_1919 {strides = array<i32>} : memref<16416xi32, #tpu.memory_space<vmem>>, vector<16xi32>,
      %sub3A_1920 = arith.constant 1 : i32
      %sub3A_1921 = vector.broadcast %sub3A_1920 : i32 to vector<16xi32>
      %sub3A_1922 = arith.subi %add3A_1904, %sub3A_1921 : vector<16xi32>
      %jit3A_1923 = arith.constant 0 : i32
      %jit3A_1924 = arith.constant 1999 : i32
      %max3A_1925 = vector.broadcast %jit3A_1923 : i32 to vector<16xi32>
      %max3A_1926 = arith.maxsi %max3A_1925, %sub3A_1922 : vector<16xi32>
      %min3A_1927 = vector.broadcast %jit3A_1924 : i32 to vector<16xi32>
      %min3A_1928 = arith.minsi %min3A_1927, %max3A_1926 : vector<16xi32>
      %add3A_1929 = vector.broadcast %mul3A_23 : i32 to vector<16xi32>
      %add3A_1930 = arith.addi %add3A_1929, %min3A_1928 : vector<16xi32>
      %add3A_1931 = arith.constant 2048 : i32
      %add3A_1932 = arith.addi %add3A_1931, %mul3A_1902 : i32
      %swap3A_1933 = arith.index_cast %add3A_1932 : i32 to index
      %swap3A_1934 = tpu.vector_load %arg4[%swap3A_1933] {strides = array<i32>} : memref<16416xi32, #tpu.memory_space<vmem>>, vector<16xi32>,
      %swap3A_1935 = vector.shape_cast %swap3A_1934 : vector<16xi32> to vector<16xi32>
      %swap3A_1936 = vector.shape_cast %add3A_1930 : vector<16xi32> to vector<16xi32>
      tpu.vector_store %arg4[%swap3A_1933], %swap3A_1936 {strides = array<i32>} : memref<16416xi32, #tpu.memory_space<vmem>>, vector<16xi32>,
      %sub3A_1937 = arith.constant 2 : i32
      %sub3A_1938 = vector.broadcast %sub3A_1937 : i32 to vector<16xi32>
      %sub3A_1939 = arith.subi %add3A_1904, %sub3A_1938 : vector<16xi32>
      %jit3A_1940 = arith.constant 0 : i32
      %jit3A_1941 = arith.constant 1999 : i32
      %max3A_1942 = vector.broadcast %jit3A_1940 : i32 to vector<16xi32>
      %max3A_1943 = arith.maxsi %max3A_1942, %sub3A_1939 : vector<16xi32>
      %min3A_1944 = vector.broadcast %jit3A_1941 : i32 to vector<16xi32>
      %min3A_1945 = arith.minsi %min3A_1944, %max3A_1943 : vector<16xi32>
      %add3A_1946 = vector.broadcast %mul3A_23 : i32 to vector<16xi32>
      %add3A_1947 = arith.addi %add3A_1946, %min3A_1945 : vector<16xi32>
      %add3A_1948 = arith.constant 4096 : i32
      %add3A_1949 = arith.addi %add3A_1948, %mul3A_1902 : i32
      %swap3A_1950 = arith.index_cast %add3A_1949 : i32 to index
      %swap3A_1951 = tpu.vector_load %arg4[%swap3A_1950] {strides = array<i32>} : memref<16416xi32, #tpu.memory_space<vmem>>, vector<16xi32>,
      %swap3A_1952 = vector.shape_cast %swap3A_1951 : vector<16xi32> to vector<16xi32>
      %swap3A_1953 = vector.shape_cast %add3A_1947 : vector<16xi32> to vector<16xi32>
      tpu.vector_store %arg4[%swap3A_1950], %swap3A_1953 {strides = array<i32>} : memref<16416xi32, #tpu.memory_space<vmem>>, vector<16xi32>,
      %sub3A_1954 = arith.constant 3 : i32
      %sub3A_1955 = vector.broadcast %sub3A_1954 : i32 to vector<16xi32>
      %sub3A_1956 = arith.subi %add3A_1904, %sub3A_1955 : vector<16xi32>
      %jit3A_1957 = arith.constant 0 : i32
      %jit3A_1958 = arith.constant 1999 : i32
      %max3A_1959 = vector.broadcast %jit3A_1957 : i32 to vector<16xi32>
      %max3A_1960 = arith.maxsi %max3A_1959, %sub3A_1956 : vector<16xi32>
      %min3A_1961 = vector.broadcast %jit3A_1958 : i32 to vector<16xi32>
      %min3A_1962 = arith.minsi %min3A_1961, %max3A_1960 : vector<16xi32>
      %add3A_1963 = vector.broadcast %mul3A_23 : i32 to vector<16xi32>
      %add3A_1964 = arith.addi %add3A_1963, %min3A_1962 : vector<16xi32>
      %add3A_1965 = arith.constant 6144 : i32
      %add3A_1966 = arith.addi %add3A_1965, %mul3A_1902 : i32
      %swap3A_1967 = arith.index_cast %add3A_1966 : i32 to index
      %swap3A_1968 = tpu.vector_load %arg4[%swap3A_1967] {strides = array<i32>} : memref<16416xi32, #tpu.memory_space<vmem>>, vector<16xi32>,
      %swap3A_1969 = vector.shape_cast %swap3A_1968 : vector<16xi32> to vector<16xi32>
      %swap3A_1970 = vector.shape_cast %add3A_1964 : vector<16xi32> to vector<16xi32>
      tpu.vector_store %arg4[%swap3A_1967], %swap3A_1970 {strides = array<i32>} : memref<16416xi32, #tpu.memory_space<vmem>>, vector<16xi32>,
      %sub3A_1971 = arith.constant 4 : i32
      %sub3A_1972 = vector.broadcast %sub3A_1971 : i32 to vector<16xi32>
      %sub3A_1973 = arith.subi %add3A_1904, %sub3A_1972 : vector<16xi32>
      %jit3A_1974 = arith.constant 0 : i32
      %jit3A_1975 = arith.constant 1999 : i32
      %max3A_1976 = vector.broadcast %jit3A_1974 : i32 to vector<16xi32>
      %max3A_1977 = arith.maxsi %max3A_1976, %sub3A_1973 : vector<16xi32>
      %min3A_1978 = vector.broadcast %jit3A_1975 : i32 to vector<16xi32>
      %min3A_1979 = arith.minsi %min3A_1978, %max3A_1977 : vector<16xi32>
      %add3A_1980 = vector.broadcast %mul3A_23 : i32 to vector<16xi32>
      %add3A_1981 = arith.addi %add3A_1980, %min3A_1979 : vector<16xi32>
      %add3A_1982 = arith.constant 8192 : i32
      %add3A_1983 = arith.addi %add3A_1982, %mul3A_1902 : i32
      %swap3A_1984 = arith.index_cast %add3A_1983 : i32 to index
      %swap3A_1985 = tpu.vector_load %arg4[%swap3A_1984] {strides = array<i32>} : memref<16416xi32, #tpu.memory_space<vmem>>, vector<16xi32>,
      %swap3A_1986 = vector.shape_cast %swap3A_1985 : vector<16xi32> to vector<16xi32>
      %swap3A_1987 = vector.shape_cast %add3A_1981 : vector<16xi32> to vector<16xi32>
      tpu.vector_store %arg4[%swap3A_1984], %swap3A_1987 {strides = array<i32>} : memref<16416xi32, #tpu.memory_space<vmem>>, vector<16xi32>,
      %sub3A_1988 = arith.constant 5 : i32
      %sub3A_1989 = vector.broadcast %sub3A_1988 : i32 to vector<16xi32>
      %sub3A_1990 = arith.subi %add3A_1904, %sub3A_1989 : vector<16xi32>
      %jit3A_1991 = arith.constant 0 : i32
      %jit3A_1992 = arith.constant 1999 : i32
      %max3A_1993 = vector.broadcast %jit3A_1991 : i32 to vector<16xi32>
      %max3A_1994 = arith.maxsi %max3A_1993, %sub3A_1990 : vector<16xi32>
      %min3A_1995 = vector.broadcast %jit3A_1992 : i32 to vector<16xi32>
      %min3A_1996 = arith.minsi %min3A_1995, %max3A_1994 : vector<16xi32>
      %add3A_1997 = vector.broadcast %mul3A_23 : i32 to vector<16xi32>
      %add3A_1998 = arith.addi %add3A_1997, %min3A_1996 : vector<16xi32>
      %add3A_1999 = arith.constant 10240 : i32
      %add3A_2000 = arith.addi %add3A_1999, %mul3A_1902 : i32
      %swap3A_2001 = arith.index_cast %add3A_2000 : i32 to index
      %swap3A_2002 = tpu.vector_load %arg4[%swap3A_2001] {strides = array<i32>} : memref<16416xi32, #tpu.memory_space<vmem>>, vector<16xi32>,
      %swap3A_2003 = vector.shape_cast %swap3A_2002 : vector<16xi32> to vector<16xi32>
      %swap3A_2004 = vector.shape_cast %add3A_1998 : vector<16xi32> to vector<16xi32>
      tpu.vector_store %arg4[%swap3A_2001], %swap3A_2004 {strides = array<i32>} : memref<16416xi32, #tpu.memory_space<vmem>>, vector<16xi32>,
      %sub3A_2005 = arith.constant 6 : i32
      %sub3A_2006 = vector.broadcast %sub3A_2005 : i32 to vector<16xi32>
      %sub3A_2007 = arith.subi %add3A_1904, %sub3A_2006 : vector<16xi32>
      %jit3A_2008 = arith.constant 0 : i32
      %jit3A_2009 = arith.constant 1999 : i32
      %max3A_2010 = vector.broadcast %jit3A_2008 : i32 to vector<16xi32>
      %max3A_2011 = arith.maxsi %max3A_2010, %sub3A_2007 : vector<16xi32>
      %min3A_2012 = vector.broadcast %jit3A_2009 : i32 to vector<16xi32>
      %min3A_2013 = arith.minsi %min3A_2012, %max3A_2011 : vector<16xi32>
      %add3A_2014 = vector.broadcast %mul3A_23 : i32 to vector<16xi32>
      %add3A_2015 = arith.addi %add3A_2014, %min3A_2013 : vector<16xi32>
      %add3A_2016 = arith.constant 12288 : i32
      %add3A_2017 = arith.addi %add3A_2016, %mul3A_1902 : i32
      %swap3A_2018 = arith.index_cast %add3A_2017 : i32 to index
      %swap3A_2019 = tpu.vector_load %arg4[%swap3A_2018] {strides = array<i32>} : memref<16416xi32, #tpu.memory_space<vmem>>, vector<16xi32>,
      %swap3A_2020 = vector.shape_cast %swap3A_2019 : vector<16xi32> to vector<16xi32>
      %swap3A_2021 = vector.shape_cast %add3A_2015 : vector<16xi32> to vector<16xi32>
      tpu.vector_store %arg4[%swap3A_2018], %swap3A_2021 {strides = array<i32>} : memref<16416xi32, #tpu.memory_space<vmem>>, vector<16xi32>,
      %sub3A_2022 = arith.constant 7 : i32
      %sub3A_2023 = vector.broadcast %sub3A_2022 : i32 to vector<16xi32>
      %sub3A_2024 = arith.subi %add3A_1904, %sub3A_2023 : vector<16xi32>
      %jit3A_2025 = arith.constant 0 : i32
      %jit3A_2026 = arith.constant 1999 : i32
      %max3A_2027 = vector.broadcast %jit3A_2025 : i32 to vector<16xi32>
      %max3A_2028 = arith.maxsi %max3A_2027, %sub3A_2024 : vector<16xi32>
      %min3A_2029 = vector.broadcast %jit3A_2026 : i32 to vector<16xi32>
      %min3A_2030 = arith.minsi %min3A_2029, %max3A_2028 : vector<16xi32>
      %add3A_2031 = vector.broadcast %mul3A_23 : i32 to vector<16xi32>
      %add3A_2032 = arith.addi %add3A_2031, %min3A_2030 : vector<16xi32>
      %add3A_2033 = arith.constant 14336 : i32
      %add3A_2034 = arith.addi %add3A_2033, %mul3A_1902 : i32
      %swap3A_2035 = arith.index_cast %add3A_2034 : i32 to index
      %swap3A_2036 = tpu.vector_load %arg4[%swap3A_2035] {strides = array<i32>} : memref<16416xi32, #tpu.memory_space<vmem>>, vector<16xi32>,
      %swap3A_2037 = vector.shape_cast %swap3A_2036 : vector<16xi32> to vector<16xi32>
      %swap3A_2038 = vector.shape_cast %add3A_2032 : vector<16xi32> to vector<16xi32>
      tpu.vector_store %arg4[%swap3A_2035], %swap3A_2038 {strides = array<i32>} : memref<16416xi32, #tpu.memory_space<vmem>>, vector<16xi32>,
      %scan3A_2039 = arith.constant 0 : i32
      scf.yield %scan3A_2039 : i32
    }
    %scan3A_44 = arith.constant 128 : i32
    %dma_wait3A = arith.constant 16384 : i32
    %dma_wait3A_45 = tpu.memref_slice %arg4[%dma_wait3A] : memref<16416xi32, #tpu.memory_space<vmem>> -> memref<32xi32, #tpu.memory_space<vmem>>
    %dma_wait3A_46 = arith.constant 0 : i32
    %dma_wait3A_47 = tpu.memref_slice %arg2[%dma_wait3A_46] : memref<32000xf32, #tpu.memory_space<hbm>> -> memref<32000xf32, #tpu.memory_space<hbm>>
    tpu.wait_indirect_dma semaphore(%arg7 : memref<!tpu.dma_semaphore, #tpu.memory_space<semaphore_mem>>) src(%dma_wait3A_47 : memref<32000xf32, #tpu.memory_space<hbm>>) dst(%arg6 : memref<32xf32, #tpu.memory_space<vmem>>)
    %get3A = arith.constant 0 : index
    %get3A_48 = tpu.vector_load %arg6[%get3A] {strides = array<i32>} : memref<32xf32, #tpu.memory_space<vmem>>, vector<16xf32>,
    %get3A_49 = vector.shape_cast %get3A_48 : vector<16xf32> to vector<16xf32>
    %get3A_50 = arith.constant 16 : index
    %get3A_51 = tpu.vector_load %arg6[%get3A_50] {strides = array<i32>} : memref<32xf32, #tpu.memory_space<vmem>>, vector<16xf32>,
    %get3A_52 = vector.shape_cast %get3A_51 : vector<16xf32> to vector<16xf32>
    %dma_start3A_53 = arith.constant 0 : i32
    %dma_start3A_54 = arith.constant 1040 : i32
    %dma_start3A_55 = tpu.memref_slice %arg5[%dma_start3A_53, %dma_start3A_54] : memref<8x4096xf32, #tpu.memory_space<vmem>> -> memref<1x128xf32, #tpu.memory_space<vmem>>
    %dma_start3A_56 = tpu.memref_squeeze %dma_start3A_55 : memref<1x128xf32, #tpu.memory_space<vmem>> -> memref<128xf32, #tpu.memory_space<vmem>>
    %dma_start3A_57 = arith.constant 0 : i32
    %dma_start3A_58 = tpu.memref_slice %arg4[%dma_start3A_57] : memref<16416xi32, #tpu.memory_space<vmem>> -> memref<128xi32, #tpu.memory_space<vmem>>
    %dma_start3A_59 = arith.constant 0 : i32
    %dma_start3A_60 = tpu.memref_slice %arg2[%dma_start3A_59] : memref<32000xf32, #tpu.memory_space<hbm>> -> memref<32000xf32, #tpu.memory_space<hbm>>
    tpu.enqueue_indirect_dma source(%dma_start3A_60 : memref<32000xf32, #tpu.memory_space<hbm>>) target(%dma_start3A_56 : memref<128xf32, #tpu.memory_space<vmem>>) offsets(%dma_start3A_58 : memref<128xi32, #tpu.memory_space<vmem>>) semaphore(%arg7 : memref<!tpu.dma_semaphore, #tpu.memory_space<semaphore_mem>>)
    %dma_start3A_61 = arith.constant 0 : i32
    %dma_start3A_62 = arith.constant 1168 : i32
    %dma_start3A_63 = tpu.memref_slice %arg5[%dma_start3A_61, %dma_start3A_62] : memref<8x4096xf32, #tpu.memory_space<vmem>> -> memref<1x128xf32, #tpu.memory_space<vmem>>
    %dma_start3A_64 = tpu.memref_squeeze %dma_start3A_63 : memref<1x128xf32, #tpu.memory_space<vmem>> -> memref<128xf32, #tpu.memory_space<vmem>>
    %dma_start3A_65 = arith.constant 128 : i32
    %dma_start3A_66 = tpu.memref_slice %arg4[%dma_start3A_65] : memref<16416xi32, #tpu.memory_space<vmem>> -> memref<128xi32, #tpu.memory_space<vmem>>
    %dma_start3A_67 = arith.constant 0 : i32
    %dma_start3A_68 = tpu.memref_slice %arg2[%dma_start3A_67] : memref<32000xf32, #tpu.memory_space<hbm>> -> memref<32000xf32, #tpu.memory_space<hbm>>
    tpu.enqueue_indirect_dma source(%dma_start3A_68 : memref<32000xf32, #tpu.memory_space<hbm>>) target(%dma_start3A_64 : memref<128xf32, #tpu.memory_space<vmem>>) offsets(%dma_start3A_66 : memref<128xi32, #tpu.memory_space<vmem>>) semaphore(%arg7 : memref<!tpu.dma_semaphore, #tpu.memory_space<semaphore_mem>>)
    %dma_start3A_69 = arith.constant 0 : i32
    %dma_start3A_70 = arith.constant 1296 : i32
    %dma_start3A_71 = tpu.memref_slice %arg5[%dma_start3A_69, %dma_start3A_70] : memref<8x4096xf32, #tpu.memory_space<vmem>> -> memref<1x128xf32, #tpu.memory_space<vmem>>
    %dma_start3A_72 = tpu.memref_squeeze %dma_start3A_71 : memref<1x128xf32, #tpu.memory_space<vmem>> -> memref<128xf32, #tpu.memory_space<vmem>>
    %dma_start3A_73 = arith.constant 256 : i32
    %dma_start3A_74 = tpu.memref_slice %arg4[%dma_start3A_73] : memref<16416xi32, #tpu.memory_space<vmem>> -> memref<128xi32, #tpu.memory_space<vmem>>
    %dma_start3A_75 = arith.constant 0 : i32
    %dma_start3A_76 = tpu.memref_slice %arg2[%dma_start3A_75] : memref<32000xf32, #tpu.memory_space<hbm>> -> memref<32000xf32, #tpu.memory_space<hbm>>
    tpu.enqueue_indirect_dma source(%dma_start3A_76 : memref<32000xf32, #tpu.memory_space<hbm>>) target(%dma_start3A_72 : memref<128xf32, #tpu.memory_space<vmem>>) offsets(%dma_start3A_74 : memref<128xi32, #tpu.memory_space<vmem>>) semaphore(%arg7 : memref<!tpu.dma_semaphore, #tpu.memory_space<semaphore_mem>>)
    %dma_start3A_77 = arith.constant 0 : i32
    %dma_start3A_78 = arith.constant 1424 : i32
    %dma_start3A_79 = tpu.memref_slice %arg5[%dma_start3A_77, %dma_start3A_78] : memref<8x4096xf32, #tpu.memory_space<vmem>> -> memref<1x128xf32, #tpu.memory_space<vmem>>
    %dma_start3A_80 = tpu.memref_squeeze %dma_start3A_79 : memref<1x128xf32, #tpu.memory_space<vmem>> -> memref<128xf32, #tpu.memory_space<vmem>>
    %dma_start3A_81 = arith.constant 384 : i32
    %dma_start3A_82 = tpu.memref_slice %arg4[%dma_start3A_81] : memref<16416xi32, #tpu.memory_space<vmem>> -> memref<128xi32, #tpu.memory_space<vmem>>
    %dma_start3A_83 = arith.constant 0 : i32
    %dma_start3A_84 = tpu.memref_slice %arg2[%dma_start3A_83] : memref<32000xf32, #tpu.memory_space<hbm>> -> memref<32000xf32, #tpu.memory_space<hbm>>
    tpu.enqueue_indirect_dma source(%dma_start3A_84 : memref<32000xf32, #tpu.memory_space<hbm>>) target(%dma_start3A_80 : memref<128xf32, #tpu.memory_space<vmem>>) offsets(%dma_start3A_82 : memref<128xi32, #tpu.memory_space<vmem>>) semaphore(%arg7 : memref<!tpu.dma_semaphore, #tpu.memory_space<semaphore_mem>>)
    %dma_start3A_85 = arith.constant 0 : i32
    %dma_start3A_86 = arith.constant 1552 : i32
    %dma_start3A_87 = tpu.memref_slice %arg5[%dma_start3A_85, %dma_start3A_86] : memref<8x4096xf32, #tpu.memory_space<vmem>> -> memref<1x128xf32, #tpu.memory_space<vmem>>
    %dma_start3A_88 = tpu.memref_squeeze %dma_start3A_87 : memref<1x128xf32, #tpu.memory_space<vmem>> -> memref<128xf32, #tpu.memory_space<vmem>>
    %dma_start3A_89 = arith.constant 512 : i32
    %dma_start3A_90 = tpu.memref_slice %arg4[%dma_start3A_89] : memref<16416xi32, #tpu.memory_space<vmem>> -> memref<128xi32, #tpu.memory_space<vmem>>
    %dma_start3A_91 = arith.constant 0 : i32
    %dma_start3A_92 = tpu.memref_slice %arg2[%dma_start3A_91] : memref<32000xf32, #tpu.memory_space<hbm>> -> memref<32000xf32, #tpu.memory_space<hbm>>
    tpu.enqueue_indirect_dma source(%dma_start3A_92 : memref<32000xf32, #tpu.memory_space<hbm>>) target(%dma_start3A_88 : memref<128xf32, #tpu.memory_space<vmem>>) offsets(%dma_start3A_90 : memref<128xi32, #tpu.memory_space<vmem>>) semaphore(%arg7 : memref<!tpu.dma_semaphore, #tpu.memory_space<semaphore_mem>>)
    %dma_start3A_93 = arith.constant 0 : i32
    %dma_start3A_94 = arith.constant 1680 : i32
    %dma_start3A_95 = tpu.memref_slice %arg5[%dma_start3A_93, %dma_start3A_94] : memref<8x4096xf32, #tpu.memory_space<vmem>> -> memref<1x128xf32, #tpu.memory_space<vmem>>
    %dma_start3A_96 = tpu.memref_squeeze %dma_start3A_95 : memref<1x128xf32, #tpu.memory_space<vmem>> -> memref<128xf32, #tpu.memory_space<vmem>>
    %dma_start3A_97 = arith.constant 640 : i32
    %dma_start3A_98 = tpu.memref_slice %arg4[%dma_start3A_97] : memref<16416xi32, #tpu.memory_space<vmem>> -> memref<128xi32, #tpu.memory_space<vmem>>
    %dma_start3A_99 = arith.constant 0 : i32
    %dma_start3A_100 = tpu.memref_slice %arg2[%dma_start3A_99] : memref<32000xf32, #tpu.memory_space<hbm>> -> memref<32000xf32, #tpu.memory_space<hbm>>
    tpu.enqueue_indirect_dma source(%dma_start3A_100 : memref<32000xf32, #tpu.memory_space<hbm>>) target(%dma_start3A_96 : memref<128xf32, #tpu.memory_space<vmem>>) offsets(%dma_start3A_98 : memref<128xi32, #tpu.memory_space<vmem>>) semaphore(%arg7 : memref<!tpu.dma_semaphore, #tpu.memory_space<semaphore_mem>>)
    %dma_start3A_101 = arith.constant 0 : i32
    %dma_start3A_102 = arith.constant 1808 : i32
    %dma_start3A_103 = tpu.memref_slice %arg5[%dma_start3A_101, %dma_start3A_102] : memref<8x4096xf32, #tpu.memory_space<vmem>> -> memref<1x128xf32, #tpu.memory_space<vmem>>
    %dma_start3A_104 = tpu.memref_squeeze %dma_start3A_103 : memref<1x128xf32, #tpu.memory_space<vmem>> -> memref<128xf32, #tpu.memory_space<vmem>>
    %dma_start3A_105 = arith.constant 768 : i32
    %dma_start3A_106 = tpu.memref_slice %arg4[%dma_start3A_105] : memref<16416xi32, #tpu.memory_space<vmem>> -> memref<128xi32, #tpu.memory_space<vmem>>
    %dma_start3A_107 = arith.constant 0 : i32
    %dma_start3A_108 = tpu.memref_slice %arg2[%dma_start3A_107] : memref<32000xf32, #tpu.memory_space<hbm>> -> memref<32000xf32, #tpu.memory_space<hbm>>
    tpu.enqueue_indirect_dma source(%dma_start3A_108 : memref<32000xf32, #tpu.memory_space<hbm>>) target(%dma_start3A_104 : memref<128xf32, #tpu.memory_space<vmem>>) offsets(%dma_start3A_106 : memref<128xi32, #tpu.memory_space<vmem>>) semaphore(%arg7 : memref<!tpu.dma_semaphore, #tpu.memory_space<semaphore_mem>>)
    %dma_start3A_109 = arith.constant 0 : i32
    %dma_start3A_110 = arith.constant 1936 : i32
    %dma_start3A_111 = tpu.memref_slice %arg5[%dma_start3A_109, %dma_start3A_110] : memref<8x4096xf32, #tpu.memory_space<vmem>> -> memref<1x128xf32, #tpu.memory_space<vmem>>
    %dma_start3A_112 = tpu.memref_squeeze %dma_start3A_111 : memref<1x128xf32, #tpu.memory_space<vmem>> -> memref<128xf32, #tpu.memory_space<vmem>>
    %dma_start3A_113 = arith.constant 896 : i32
    %dma_start3A_114 = tpu.memref_slice %arg4[%dma_start3A_113] : memref<16416xi32, #tpu.memory_space<vmem>> -> memref<128xi32, #tpu.memory_space<vmem>>
    %dma_start3A_115 = arith.constant 0 : i32
    %dma_start3A_116 = tpu.memref_slice %arg2[%dma_start3A_115] : memref<32000xf32, #tpu.memory_space<hbm>> -> memref<32000xf32, #tpu.memory_space<hbm>>
    tpu.enqueue_indirect_dma source(%dma_start3A_116 : memref<32000xf32, #tpu.memory_space<hbm>>) target(%dma_start3A_112 : memref<128xf32, #tpu.memory_space<vmem>>) offsets(%dma_start3A_114 : memref<128xi32, #tpu.memory_space<vmem>>) semaphore(%arg7 : memref<!tpu.dma_semaphore, #tpu.memory_space<semaphore_mem>>)
    %dma_start3A_117 = arith.constant 0 : i32
    %dma_start3A_118 = arith.constant 2064 : i32
    %dma_start3A_119 = tpu.memref_slice %arg5[%dma_start3A_117, %dma_start3A_118] : memref<8x4096xf32, #tpu.memory_space<vmem>> -> memref<1x128xf32, #tpu.memory_space<vmem>>
    %dma_start3A_120 = tpu.memref_squeeze %dma_start3A_119 : memref<1x128xf32, #tpu.memory_space<vmem>> -> memref<128xf32, #tpu.memory_space<vmem>>
    %dma_start3A_121 = arith.constant 1024 : i32
    %dma_start3A_122 = tpu.memref_slice %arg4[%dma_start3A_121] : memref<16416xi32, #tpu.memory_space<vmem>> -> memref<128xi32, #tpu.memory_space<vmem>>
    %dma_start3A_123 = arith.constant 0 : i32
    %dma_start3A_124 = tpu.memref_slice %arg2[%dma_start3A_123] : memref<32000xf32, #tpu.memory_space<hbm>> -> memref<32000xf32, #tpu.memory_space<hbm>>
    tpu.enqueue_indirect_dma source(%dma_start3A_124 : memref<32000xf32, #tpu.memory_space<hbm>>) target(%dma_start3A_120 : memref<128xf32, #tpu.memory_space<vmem>>) offsets(%dma_start3A_122 : memref<128xi32, #tpu.memory_space<vmem>>) semaphore(%arg7 : memref<!tpu.dma_semaphore, #tpu.memory_space<semaphore_mem>>)
    %dma_start3A_125 = arith.constant 0 : i32
    %dma_start3A_126 = arith.constant 2192 : i32
    %dma_start3A_127 = tpu.memref_slice %arg5[%dma_start3A_125, %dma_start3A_126] : memref<8x4096xf32, #tpu.memory_space<vmem>> -> memref<1x128xf32, #tpu.memory_space<vmem>>
    %dma_start3A_128 = tpu.memref_squeeze %dma_start3A_127 : memref<1x128xf32, #tpu.memory_space<vmem>> -> memref<128xf32, #tpu.memory_space<vmem>>
    %dma_start3A_129 = arith.constant 1152 : i32
    %dma_start3A_130 = tpu.memref_slice %arg4[%dma_start3A_129] : memref<16416xi32, #tpu.memory_space<vmem>> -> memref<128xi32, #tpu.memory_space<vmem>>
    %dma_start3A_131 = arith.constant 0 : i32
    %dma_start3A_132 = tpu.memref_slice %arg2[%dma_start3A_131] : memref<32000xf32, #tpu.memory_space<hbm>> -> memref<32000xf32, #tpu.memory_space<hbm>>
    tpu.enqueue_indirect_dma source(%dma_start3A_132 : memref<32000xf32, #tpu.memory_space<hbm>>) target(%dma_start3A_128 : memref<128xf32, #tpu.memory_space<vmem>>) offsets(%dma_start3A_130 : memref<128xi32, #tpu.memory_space<vmem>>) semaphore(%arg7 : memref<!tpu.dma_semaphore, #tpu.memory_space<semaphore_mem>>)
    %dma_start3A_133 = arith.constant 0 : i32
    %dma_start3A_134 = arith.constant 2320 : i32
    %dma_start3A_135 = tpu.memref_slice %arg5[%dma_start3A_133, %dma_start3A_134] : memref<8x4096xf32, #tpu.memory_space<vmem>> -> memref<1x128xf32, #tpu.memory_space<vmem>>
    %dma_start3A_136 = tpu.memref_squeeze %dma_start3A_135 : memref<1x128xf32, #tpu.memory_space<vmem>> -> memref<128xf32, #tpu.memory_space<vmem>>
    %dma_start3A_137 = arith.constant 1280 : i32
    %dma_start3A_138 = tpu.memref_slice %arg4[%dma_start3A_137] : memref<16416xi32, #tpu.memory_space<vmem>> -> memref<128xi32, #tpu.memory_space<vmem>>
    %dma_start3A_139 = arith.constant 0 : i32
    %dma_start3A_140 = tpu.memref_slice %arg2[%dma_start3A_139] : memref<32000xf32, #tpu.memory_space<hbm>> -> memref<32000xf32, #tpu.memory_space<hbm>>
    tpu.enqueue_indirect_dma source(%dma_start3A_140 : memref<32000xf32, #tpu.memory_space<hbm>>) target(%dma_start3A_136 : memref<128xf32, #tpu.memory_space<vmem>>) offsets(%dma_start3A_138 : memref<128xi32, #tpu.memory_space<vmem>>) semaphore(%arg7 : memref<!tpu.dma_semaphore, #tpu.memory_space<semaphore_mem>>)
    %dma_start3A_141 = arith.constant 0 : i32
    %dma_start3A_142 = arith.constant 2448 : i32
    %dma_start3A_143 = tpu.memref_slice %arg5[%dma_start3A_141, %dma_start3A_142] : memref<8x4096xf32, #tpu.memory_space<vmem>> -> memref<1x128xf32, #tpu.memory_space<vmem>>
    %dma_start3A_144 = tpu.memref_squeeze %dma_start3A_143 : memref<1x128xf32, #tpu.memory_space<vmem>> -> memref<128xf32, #tpu.memory_space<vmem>>
    %dma_start3A_145 = arith.constant 1408 : i32
    %dma_start3A_146 = tpu.memref_slice %arg4[%dma_start3A_145] : memref<16416xi32, #tpu.memory_space<vmem>> -> memref<128xi32, #tpu.memory_space<vmem>>
    %dma_start3A_147 = arith.constant 0 : i32
    %dma_start3A_148 = tpu.memref_slice %arg2[%dma_start3A_147] : memref<32000xf32, #tpu.memory_space<hbm>> -> memref<32000xf32, #tpu.memory_space<hbm>>
    tpu.enqueue_indirect_dma source(%dma_start3A_148 : memref<32000xf32, #tpu.memory_space<hbm>>) target(%dma_start3A_144 : memref<128xf32, #tpu.memory_space<vmem>>) offsets(%dma_start3A_146 : memref<128xi32, #tpu.memory_space<vmem>>) semaphore(%arg7 : memref<!tpu.dma_semaphore, #tpu.memory_space<semaphore_mem>>)
    %dma_start3A_149 = arith.constant 0 : i32
    %dma_start3A_150 = arith.constant 2576 : i32
    %dma_start3A_151 = tpu.memref_slice %arg5[%dma_start3A_149, %dma_start3A_150] : memref<8x4096xf32, #tpu.memory_space<vmem>> -> memref<1x128xf32, #tpu.memory_space<vmem>>
    %dma_start3A_152 = tpu.memref_squeeze %dma_start3A_151 : memref<1x128xf32, #tpu.memory_space<vmem>> -> memref<128xf32, #tpu.memory_space<vmem>>
    %dma_start3A_153 = arith.constant 1536 : i32
    %dma_start3A_154 = tpu.memref_slice %arg4[%dma_start3A_153] : memref<16416xi32, #tpu.memory_space<vmem>> -> memref<128xi32, #tpu.memory_space<vmem>>
    %dma_start3A_155 = arith.constant 0 : i32
    %dma_start3A_156 = tpu.memref_slice %arg2[%dma_start3A_155] : memref<32000xf32, #tpu.memory_space<hbm>> -> memref<32000xf32, #tpu.memory_space<hbm>>
    tpu.enqueue_indirect_dma source(%dma_start3A_156 : memref<32000xf32, #tpu.memory_space<hbm>>) target(%dma_start3A_152 : memref<128xf32, #tpu.memory_space<vmem>>) offsets(%dma_start3A_154 : memref<128xi32, #tpu.memory_space<vmem>>) semaphore(%arg7 : memref<!tpu.dma_semaphore, #tpu.memory_space<semaphore_mem>>)
    %dma_start3A_157 = arith.constant 0 : i32
    %dma_start3A_158 = arith.constant 2704 : i32
    %dma_start3A_159 = tpu.memref_slice %arg5[%dma_start3A_157, %dma_start3A_158] : memref<8x4096xf32, #tpu.memory_space<vmem>> -> memref<1x128xf32, #tpu.memory_space<vmem>>
    %dma_start3A_160 = tpu.memref_squeeze %dma_start3A_159 : memref<1x128xf32, #tpu.memory_space<vmem>> -> memref<128xf32, #tpu.memory_space<vmem>>
    %dma_start3A_161 = arith.constant 1664 : i32
    %dma_start3A_162 = tpu.memref_slice %arg4[%dma_start3A_161] : memref<16416xi32, #tpu.memory_space<vmem>> -> memref<128xi32, #tpu.memory_space<vmem>>
    %dma_start3A_163 = arith.constant 0 : i32
    %dma_start3A_164 = tpu.memref_slice %arg2[%dma_start3A_163] : memref<32000xf32, #tpu.memory_space<hbm>> -> memref<32000xf32, #tpu.memory_space<hbm>>
    tpu.enqueue_indirect_dma source(%dma_start3A_164 : memref<32000xf32, #tpu.memory_space<hbm>>) target(%dma_start3A_160 : memref<128xf32, #tpu.memory_space<vmem>>) offsets(%dma_start3A_162 : memref<128xi32, #tpu.memory_space<vmem>>) semaphore(%arg7 : memref<!tpu.dma_semaphore, #tpu.memory_space<semaphore_mem>>)
    %dma_start3A_165 = arith.constant 0 : i32
    %dma_start3A_166 = arith.constant 2832 : i32
    %dma_start3A_167 = tpu.memref_slice %arg5[%dma_start3A_165, %dma_start3A_166] : memref<8x4096xf32, #tpu.memory_space<vmem>> -> memref<1x128xf32, #tpu.memory_space<vmem>>
    %dma_start3A_168 = tpu.memref_squeeze %dma_start3A_167 : memref<1x128xf32, #tpu.memory_space<vmem>> -> memref<128xf32, #tpu.memory_space<vmem>>
    %dma_start3A_169 = arith.constant 1792 : i32
    %dma_start3A_170 = tpu.memref_slice %arg4[%dma_start3A_169] : memref<16416xi32, #tpu.memory_space<vmem>> -> memref<128xi32, #tpu.memory_space<vmem>>
    %dma_start3A_171 = arith.constant 0 : i32
    %dma_start3A_172 = tpu.memref_slice %arg2[%dma_start3A_171] : memref<32000xf32, #tpu.memory_space<hbm>> -> memref<32000xf32, #tpu.memory_space<hbm>>
    tpu.enqueue_indirect_dma source(%dma_start3A_172 : memref<32000xf32, #tpu.memory_space<hbm>>) target(%dma_start3A_168 : memref<128xf32, #tpu.memory_space<vmem>>) offsets(%dma_start3A_170 : memref<128xi32, #tpu.memory_space<vmem>>) semaphore(%arg7 : memref<!tpu.dma_semaphore, #tpu.memory_space<semaphore_mem>>)
    %dma_start3A_173 = arith.constant 0 : i32
    %dma_start3A_174 = arith.constant 2960 : i32
    %dma_start3A_175 = tpu.memref_slice %arg5[%dma_start3A_173, %dma_start3A_174] : memref<8x4096xf32, #tpu.memory_space<vmem>> -> memref<1x128xf32, #tpu.memory_space<vmem>>
    %dma_start3A_176 = tpu.memref_squeeze %dma_start3A_175 : memref<1x128xf32, #tpu.memory_space<vmem>> -> memref<128xf32, #tpu.memory_space<vmem>>
    %dma_start3A_177 = arith.constant 1920 : i32
    %dma_start3A_178 = tpu.memref_slice %arg4[%dma_start3A_177] : memref<16416xi32, #tpu.memory_space<vmem>> -> memref<128xi32, #tpu.memory_space<vmem>>
    %dma_start3A_179 = arith.constant 0 : i32
    %dma_start3A_180 = tpu.memref_slice %arg2[%dma_start3A_179] : memref<32000xf32, #tpu.memory_space<hbm>> -> memref<32000xf32, #tpu.memory_space<hbm>>
    tpu.enqueue_indirect_dma source(%dma_start3A_180 : memref<32000xf32, #tpu.memory_space<hbm>>) target(%dma_start3A_176 : memref<128xf32, #tpu.memory_space<vmem>>) offsets(%dma_start3A_178 : memref<128xi32, #tpu.memory_space<vmem>>) semaphore(%arg7 : memref<!tpu.dma_semaphore, #tpu.memory_space<semaphore_mem>>)
    %dma_start3A_181 = arith.constant 1 : i32
    %dma_start3A_182 = arith.constant 1040 : i32
    %dma_start3A_183 = tpu.memref_slice %arg5[%dma_start3A_181, %dma_start3A_182] : memref<8x4096xf32, #tpu.memory_space<vmem>> -> memref<1x128xf32, #tpu.memory_space<vmem>>
    %dma_start3A_184 = tpu.memref_squeeze %dma_start3A_183 : memref<1x128xf32, #tpu.memory_space<vmem>> -> memref<128xf32, #tpu.memory_space<vmem>>
    %dma_start3A_185 = arith.constant 2048 : i32
    %dma_start3A_186 = tpu.memref_slice %arg4[%dma_start3A_185] : memref<16416xi32, #tpu.memory_space<vmem>> -> memref<128xi32, #tpu.memory_space<vmem>>
    %dma_start3A_187 = arith.constant 0 : i32
    %dma_start3A_188 = tpu.memref_slice %arg2[%dma_start3A_187] : memref<32000xf32, #tpu.memory_space<hbm>> -> memref<32000xf32, #tpu.memory_space<hbm>>
    tpu.enqueue_indirect_dma source(%dma_start3A_188 : memref<32000xf32, #tpu.memory_space<hbm>>) target(%dma_start3A_184 : memref<128xf32, #tpu.memory_space<vmem>>) offsets(%dma_start3A_186 : memref<128xi32, #tpu.memory_space<vmem>>) semaphore(%arg7 : memref<!tpu.dma_semaphore, #tpu.memory_space<semaphore_mem>>)
    %dma_start3A_189 = arith.constant 1 : i32
    %dma_start3A_190 = arith.constant 1168 : i32
    %dma_start3A_191 = tpu.memref_slice %arg5[%dma_start3A_189, %dma_start3A_190] : memref<8x4096xf32, #tpu.memory_space<vmem>> -> memref<1x128xf32, #tpu.memory_space<vmem>>
    %dma_start3A_192 = tpu.memref_squeeze %dma_start3A_191 : memref<1x128xf32, #tpu.memory_space<vmem>> -> memref<128xf32, #tpu.memory_space<vmem>>
    %dma_start3A_193 = arith.constant 2176 : i32
    %dma_start3A_194 = tpu.memref_slice %arg4[%dma_start3A_193] : memref<16416xi32, #tpu.memory_space<vmem>> -> memref<128xi32, #tpu.memory_space<vmem>>
    %dma_start3A_195 = arith.constant 0 : i32
    %dma_start3A_196 = tpu.memref_slice %arg2[%dma_start3A_195] : memref<32000xf32, #tpu.memory_space<hbm>> -> memref<32000xf32, #tpu.memory_space<hbm>>
    tpu.enqueue_indirect_dma source(%dma_start3A_196 : memref<32000xf32, #tpu.memory_space<hbm>>) target(%dma_start3A_192 : memref<128xf32, #tpu.memory_space<vmem>>) offsets(%dma_start3A_194 : memref<128xi32, #tpu.memory_space<vmem>>) semaphore(%arg7 : memref<!tpu.dma_semaphore, #tpu.memory_space<semaphore_mem>>)
    %dma_start3A_197 = arith.constant 1 : i32
    %dma_start3A_198 = arith.constant 1296 : i32
    %dma_start3A_199 = tpu.memref_slice %arg5[%dma_start3A_197, %dma_start3A_198] : memref<8x4096xf32, #tpu.memory_space<vmem>> -> memref<1x128xf32, #tpu.memory_space<vmem>>
    %dma_start3A_200 = tpu.memref_squeeze %dma_start3A_199 : memref<1x128xf32, #tpu.memory_space<vmem>> -> memref<128xf32, #tpu.memory_space<vmem>>
    %dma_start3A_201 = arith.constant 2304 : i32
    %dma_start3A_202 = tpu.memref_slice %arg4[%dma_start3A_201] : memref<16416xi32, #tpu.memory_space<vmem>> -> memref<128xi32, #tpu.memory_space<vmem>>
    %dma_start3A_203 = arith.constant 0 : i32
    %dma_start3A_204 = tpu.memref_slice %arg2[%dma_start3A_203] : memref<32000xf32, #tpu.memory_space<hbm>> -> memref<32000xf32, #tpu.memory_space<hbm>>
    tpu.enqueue_indirect_dma source(%dma_start3A_204 : memref<32000xf32, #tpu.memory_space<hbm>>) target(%dma_start3A_200 : memref<128xf32, #tpu.memory_space<vmem>>) offsets(%dma_start3A_202 : memref<128xi32, #tpu.memory_space<vmem>>) semaphore(%arg7 : memref<!tpu.dma_semaphore, #tpu.memory_space<semaphore_mem>>)
    %dma_start3A_205 = arith.constant 1 : i32
    %dma_start3A_206 = arith.constant 1424 : i32
    %dma_start3A_207 = tpu.memref_slice %arg5[%dma_start3A_205, %dma_start3A_206] : memref<8x4096xf32, #tpu.memory_space<vmem>> -> memref<1x128xf32, #tpu.memory_space<vmem>>
    %dma_start3A_208 = tpu.memref_squeeze %dma_start3A_207 : memref<1x128xf32, #tpu.memory_space<vmem>> -> memref<128xf32, #tpu.memory_space<vmem>>
    %dma_start3A_209 = arith.constant 2432 : i32
    %dma_start3A_210 = tpu.memref_slice %arg4[%dma_start3A_209] : memref<16416xi32, #tpu.memory_space<vmem>> -> memref<128xi32, #tpu.memory_space<vmem>>
    %dma_start3A_211 = arith.constant 0 : i32
    %dma_start3A_212 = tpu.memref_slice %arg2[%dma_start3A_211] : memref<32000xf32, #tpu.memory_space<hbm>> -> memref<32000xf32, #tpu.memory_space<hbm>>
    tpu.enqueue_indirect_dma source(%dma_start3A_212 : memref<32000xf32, #tpu.memory_space<hbm>>) target(%dma_start3A_208 : memref<128xf32, #tpu.memory_space<vmem>>) offsets(%dma_start3A_210 : memref<128xi32, #tpu.memory_space<vmem>>) semaphore(%arg7 : memref<!tpu.dma_semaphore, #tpu.memory_space<semaphore_mem>>)
    %dma_start3A_213 = arith.constant 1 : i32
    %dma_start3A_214 = arith.constant 1552 : i32
    %dma_start3A_215 = tpu.memref_slice %arg5[%dma_start3A_213, %dma_start3A_214] : memref<8x4096xf32, #tpu.memory_space<vmem>> -> memref<1x128xf32, #tpu.memory_space<vmem>>
    %dma_start3A_216 = tpu.memref_squeeze %dma_start3A_215 : memref<1x128xf32, #tpu.memory_space<vmem>> -> memref<128xf32, #tpu.memory_space<vmem>>
    %dma_start3A_217 = arith.constant 2560 : i32
    %dma_start3A_218 = tpu.memref_slice %arg4[%dma_start3A_217] : memref<16416xi32, #tpu.memory_space<vmem>> -> memref<128xi32, #tpu.memory_space<vmem>>
    %dma_start3A_219 = arith.constant 0 : i32
    %dma_start3A_220 = tpu.memref_slice %arg2[%dma_start3A_219] : memref<32000xf32, #tpu.memory_space<hbm>> -> memref<32000xf32, #tpu.memory_space<hbm>>
    tpu.enqueue_indirect_dma source(%dma_start3A_220 : memref<32000xf32, #tpu.memory_space<hbm>>) target(%dma_start3A_216 : memref<128xf32, #tpu.memory_space<vmem>>) offsets(%dma_start3A_218 : memref<128xi32, #tpu.memory_space<vmem>>) semaphore(%arg7 : memref<!tpu.dma_semaphore, #tpu.memory_space<semaphore_mem>>)
    %dma_start3A_221 = arith.constant 1 : i32
    %dma_start3A_222 = arith.constant 1680 : i32
    %dma_start3A_223 = tpu.memref_slice %arg5[%dma_start3A_221, %dma_start3A_222] : memref<8x4096xf32, #tpu.memory_space<vmem>> -> memref<1x128xf32, #tpu.memory_space<vmem>>
    %dma_start3A_224 = tpu.memref_squeeze %dma_start3A_223 : memref<1x128xf32, #tpu.memory_space<vmem>> -> memref<128xf32, #tpu.memory_space<vmem>>
    %dma_start3A_225 = arith.constant 2688 : i32
    %dma_start3A_226 = tpu.memref_slice %arg4[%dma_start3A_225] : memref<16416xi32, #tpu.memory_space<vmem>> -> memref<128xi32, #tpu.memory_space<vmem>>
    %dma_start3A_227 = arith.constant 0 : i32
    %dma_start3A_228 = tpu.memref_slice %arg2[%dma_start3A_227] : memref<32000xf32, #tpu.memory_space<hbm>> -> memref<32000xf32, #tpu.memory_space<hbm>>
    tpu.enqueue_indirect_dma source(%dma_start3A_228 : memref<32000xf32, #tpu.memory_space<hbm>>) target(%dma_start3A_224 : memref<128xf32, #tpu.memory_space<vmem>>) offsets(%dma_start3A_226 : memref<128xi32, #tpu.memory_space<vmem>>) semaphore(%arg7 : memref<!tpu.dma_semaphore, #tpu.memory_space<semaphore_mem>>)
    %dma_start3A_229 = arith.constant 1 : i32
    %dma_start3A_230 = arith.constant 1808 : i32
    %dma_start3A_231 = tpu.memref_slice %arg5[%dma_start3A_229, %dma_start3A_230] : memref<8x4096xf32, #tpu.memory_space<vmem>> -> memref<1x128xf32, #tpu.memory_space<vmem>>
    %dma_start3A_232 = tpu.memref_squeeze %dma_start3A_231 : memref<1x128xf32, #tpu.memory_space<vmem>> -> memref<128xf32, #tpu.memory_space<vmem>>
    %dma_start3A_233 = arith.constant 2816 : i32
    %dma_start3A_234 = tpu.memref_slice %arg4[%dma_start3A_233] : memref<16416xi32, #tpu.memory_space<vmem>> -> memref<128xi32, #tpu.memory_space<vmem>>
    %dma_start3A_235 = arith.constant 0 : i32
    %dma_start3A_236 = tpu.memref_slice %arg2[%dma_start3A_235] : memref<32000xf32, #tpu.memory_space<hbm>> -> memref<32000xf32, #tpu.memory_space<hbm>>
    tpu.enqueue_indirect_dma source(%dma_start3A_236 : memref<32000xf32, #tpu.memory_space<hbm>>) target(%dma_start3A_232 : memref<128xf32, #tpu.memory_space<vmem>>) offsets(%dma_start3A_234 : memref<128xi32, #tpu.memory_space<vmem>>) semaphore(%arg7 : memref<!tpu.dma_semaphore, #tpu.memory_space<semaphore_mem>>)
    %dma_start3A_237 = arith.constant 1 : i32
    %dma_start3A_238 = arith.constant 1936 : i32
    %dma_start3A_239 = tpu.memref_slice %arg5[%dma_start3A_237, %dma_start3A_238] : memref<8x4096xf32, #tpu.memory_space<vmem>> -> memref<1x128xf32, #tpu.memory_space<vmem>>
    %dma_start3A_240 = tpu.memref_squeeze %dma_start3A_239 : memref<1x128xf32, #tpu.memory_space<vmem>> -> memref<128xf32, #tpu.memory_space<vmem>>
    %dma_start3A_241 = arith.constant 2944 : i32
    %dma_start3A_242 = tpu.memref_slice %arg4[%dma_start3A_241] : memref<16416xi32, #tpu.memory_space<vmem>> -> memref<128xi32, #tpu.memory_space<vmem>>
    %dma_start3A_243 = arith.constant 0 : i32
    %dma_start3A_244 = tpu.memref_slice %arg2[%dma_start3A_243] : memref<32000xf32, #tpu.memory_space<hbm>> -> memref<32000xf32, #tpu.memory_space<hbm>>
    tpu.enqueue_indirect_dma source(%dma_start3A_244 : memref<32000xf32, #tpu.memory_space<hbm>>) target(%dma_start3A_240 : memref<128xf32, #tpu.memory_space<vmem>>) offsets(%dma_start3A_242 : memref<128xi32, #tpu.memory_space<vmem>>) semaphore(%arg7 : memref<!tpu.dma_semaphore, #tpu.memory_space<semaphore_mem>>)
    %dma_start3A_245 = arith.constant 1 : i32
    %dma_start3A_246 = arith.constant 2064 : i32
    %dma_start3A_247 = tpu.memref_slice %arg5[%dma_start3A_245, %dma_start3A_246] : memref<8x4096xf32, #tpu.memory_space<vmem>> -> memref<1x128xf32, #tpu.memory_space<vmem>>
    %dma_start3A_248 = tpu.memref_squeeze %dma_start3A_247 : memref<1x128xf32, #tpu.memory_space<vmem>> -> memref<128xf32, #tpu.memory_space<vmem>>
    %dma_start3A_249 = arith.constant 3072 : i32
    %dma_start3A_250 = tpu.memref_slice %arg4[%dma_start3A_249] : memref<16416xi32, #tpu.memory_space<vmem>> -> memref<128xi32, #tpu.memory_space<vmem>>
    %dma_start3A_251 = arith.constant 0 : i32
    %dma_start3A_252 = tpu.memref_slice %arg2[%dma_start3A_251] : memref<32000xf32, #tpu.memory_space<hbm>> -> memref<32000xf32, #tpu.memory_space<hbm>>
    tpu.enqueue_indirect_dma source(%dma_start3A_252 : memref<32000xf32, #tpu.memory_space<hbm>>) target(%dma_start3A_248 : memref<128xf32, #tpu.memory_space<vmem>>) offsets(%dma_start3A_250 : memref<128xi32, #tpu.memory_space<vmem>>) semaphore(%arg7 : memref<!tpu.dma_semaphore, #tpu.memory_space<semaphore_mem>>)
    %dma_start3A_253 = arith.constant 1 : i32
    %dma_start3A_254 = arith.constant 2192 : i32
    %dma_start3A_255 = tpu.memref_slice %arg5[%dma_start3A_253, %dma_start3A_254] : memref<8x4096xf32, #tpu.memory_space<vmem>> -> memref<1x128xf32, #tpu.memory_space<vmem>>
    %dma_start3A_256 = tpu.memref_squeeze %dma_start3A_255 : memref<1x128xf32, #tpu.memory_space<vmem>> -> memref<128xf32, #tpu.memory_space<vmem>>
    %dma_start3A_257 = arith.constant 3200 : i32
    %dma_start3A_258 = tpu.memref_slice %arg4[%dma_start3A_257] : memref<16416xi32, #tpu.memory_space<vmem>> -> memref<128xi32, #tpu.memory_space<vmem>>
    %dma_start3A_259 = arith.constant 0 : i32
    %dma_start3A_260 = tpu.memref_slice %arg2[%dma_start3A_259] : memref<32000xf32, #tpu.memory_space<hbm>> -> memref<32000xf32, #tpu.memory_space<hbm>>
    tpu.enqueue_indirect_dma source(%dma_start3A_260 : memref<32000xf32, #tpu.memory_space<hbm>>) target(%dma_start3A_256 : memref<128xf32, #tpu.memory_space<vmem>>) offsets(%dma_start3A_258 : memref<128xi32, #tpu.memory_space<vmem>>) semaphore(%arg7 : memref<!tpu.dma_semaphore, #tpu.memory_space<semaphore_mem>>)
    %dma_start3A_261 = arith.constant 1 : i32
    %dma_start3A_262 = arith.constant 2320 : i32
    %dma_start3A_263 = tpu.memref_slice %arg5[%dma_start3A_261, %dma_start3A_262] : memref<8x4096xf32, #tpu.memory_space<vmem>> -> memref<1x128xf32, #tpu.memory_space<vmem>>
    %dma_start3A_264 = tpu.memref_squeeze %dma_start3A_263 : memref<1x128xf32, #tpu.memory_space<vmem>> -> memref<128xf32, #tpu.memory_space<vmem>>
    %dma_start3A_265 = arith.constant 3328 : i32
    %dma_start3A_266 = tpu.memref_slice %arg4[%dma_start3A_265] : memref<16416xi32, #tpu.memory_space<vmem>> -> memref<128xi32, #tpu.memory_space<vmem>>
    %dma_start3A_267 = arith.constant 0 : i32
    %dma_start3A_268 = tpu.memref_slice %arg2[%dma_start3A_267] : memref<32000xf32, #tpu.memory_space<hbm>> -> memref<32000xf32, #tpu.memory_space<hbm>>
    tpu.enqueue_indirect_dma source(%dma_start3A_268 : memref<32000xf32, #tpu.memory_space<hbm>>) target(%dma_start3A_264 : memref<128xf32, #tpu.memory_space<vmem>>) offsets(%dma_start3A_266 : memref<128xi32, #tpu.memory_space<vmem>>) semaphore(%arg7 : memref<!tpu.dma_semaphore, #tpu.memory_space<semaphore_mem>>)
    %dma_start3A_269 = arith.constant 1 : i32
    %dma_start3A_270 = arith.constant 2448 : i32
    %dma_start3A_271 = tpu.memref_slice %arg5[%dma_start3A_269, %dma_start3A_270] : memref<8x4096xf32, #tpu.memory_space<vmem>> -> memref<1x128xf32, #tpu.memory_space<vmem>>
    %dma_start3A_272 = tpu.memref_squeeze %dma_start3A_271 : memref<1x128xf32, #tpu.memory_space<vmem>> -> memref<128xf32, #tpu.memory_space<vmem>>
    %dma_start3A_273 = arith.constant 3456 : i32
    %dma_start3A_274 = tpu.memref_slice %arg4[%dma_start3A_273] : memref<16416xi32, #tpu.memory_space<vmem>> -> memref<128xi32, #tpu.memory_space<vmem>>
    %dma_start3A_275 = arith.constant 0 : i32
    %dma_start3A_276 = tpu.memref_slice %arg2[%dma_start3A_275] : memref<32000xf32, #tpu.memory_space<hbm>> -> memref<32000xf32, #tpu.memory_space<hbm>>
    tpu.enqueue_indirect_dma source(%dma_start3A_276 : memref<32000xf32, #tpu.memory_space<hbm>>) target(%dma_start3A_272 : memref<128xf32, #tpu.memory_space<vmem>>) offsets(%dma_start3A_274 : memref<128xi32, #tpu.memory_space<vmem>>) semaphore(%arg7 : memref<!tpu.dma_semaphore, #tpu.memory_space<semaphore_mem>>)
    %dma_start3A_277 = arith.constant 1 : i32
    %dma_start3A_278 = arith.constant 2576 : i32
    %dma_start3A_279 = tpu.memref_slice %arg5[%dma_start3A_277, %dma_start3A_278] : memref<8x4096xf32, #tpu.memory_space<vmem>> -> memref<1x128xf32, #tpu.memory_space<vmem>>
    %dma_start3A_280 = tpu.memref_squeeze %dma_start3A_279 : memref<1x128xf32, #tpu.memory_space<vmem>> -> memref<128xf32, #tpu.memory_space<vmem>>
    %dma_start3A_281 = arith.constant 3584 : i32
    %dma_start3A_282 = tpu.memref_slice %arg4[%dma_start3A_281] : memref<16416xi32, #tpu.memory_space<vmem>> -> memref<128xi32, #tpu.memory_space<vmem>>
    %dma_start3A_283 = arith.constant 0 : i32
    %dma_start3A_284 = tpu.memref_slice %arg2[%dma_start3A_283] : memref<32000xf32, #tpu.memory_space<hbm>> -> memref<32000xf32, #tpu.memory_space<hbm>>
    tpu.enqueue_indirect_dma source(%dma_start3A_284 : memref<32000xf32, #tpu.memory_space<hbm>>) target(%dma_start3A_280 : memref<128xf32, #tpu.memory_space<vmem>>) offsets(%dma_start3A_282 : memref<128xi32, #tpu.memory_space<vmem>>) semaphore(%arg7 : memref<!tpu.dma_semaphore, #tpu.memory_space<semaphore_mem>>)
    %dma_start3A_285 = arith.constant 1 : i32
    %dma_start3A_286 = arith.constant 2704 : i32
    %dma_start3A_287 = tpu.memref_slice %arg5[%dma_start3A_285, %dma_start3A_286] : memref<8x4096xf32, #tpu.memory_space<vmem>> -> memref<1x128xf32, #tpu.memory_space<vmem>>
    %dma_start3A_288 = tpu.memref_squeeze %dma_start3A_287 : memref<1x128xf32, #tpu.memory_space<vmem>> -> memref<128xf32, #tpu.memory_space<vmem>>
    %dma_start3A_289 = arith.constant 3712 : i32
    %dma_start3A_290 = tpu.memref_slice %arg4[%dma_start3A_289] : memref<16416xi32, #tpu.memory_space<vmem>> -> memref<128xi32, #tpu.memory_space<vmem>>
    %dma_start3A_291 = arith.constant 0 : i32
    %dma_start3A_292 = tpu.memref_slice %arg2[%dma_start3A_291] : memref<32000xf32, #tpu.memory_space<hbm>> -> memref<32000xf32, #tpu.memory_space<hbm>>
    tpu.enqueue_indirect_dma source(%dma_start3A_292 : memref<32000xf32, #tpu.memory_space<hbm>>) target(%dma_start3A_288 : memref<128xf32, #tpu.memory_space<vmem>>) offsets(%dma_start3A_290 : memref<128xi32, #tpu.memory_space<vmem>>) semaphore(%arg7 : memref<!tpu.dma_semaphore, #tpu.memory_space<semaphore_mem>>)
    %dma_start3A_293 = arith.constant 1 : i32
    %dma_start3A_294 = arith.constant 2832 : i32
    %dma_start3A_295 = tpu.memref_slice %arg5[%dma_start3A_293, %dma_start3A_294] : memref<8x4096xf32, #tpu.memory_space<vmem>> -> memref<1x128xf32, #tpu.memory_space<vmem>>
    %dma_start3A_296 = tpu.memref_squeeze %dma_start3A_295 : memref<1x128xf32, #tpu.memory_space<vmem>> -> memref<128xf32, #tpu.memory_space<vmem>>
    %dma_start3A_297 = arith.constant 3840 : i32
    %dma_start3A_298 = tpu.memref_slice %arg4[%dma_start3A_297] : memref<16416xi32, #tpu.memory_space<vmem>> -> memref<128xi32, #tpu.memory_space<vmem>>
    %dma_start3A_299 = arith.constant 0 : i32
    %dma_start3A_300 = tpu.memref_slice %arg2[%dma_start3A_299] : memref<32000xf32, #tpu.memory_space<hbm>> -> memref<32000xf32, #tpu.memory_space<hbm>>
    tpu.enqueue_indirect_dma source(%dma_start3A_300 : memref<32000xf32, #tpu.memory_space<hbm>>) target(%dma_start3A_296 : memref<128xf32, #tpu.memory_space<vmem>>) offsets(%dma_start3A_298 : memref<128xi32, #tpu.memory_space<vmem>>) semaphore(%arg7 : memref<!tpu.dma_semaphore, #tpu.memory_space<semaphore_mem>>)
    %dma_start3A_301 = arith.constant 1 : i32
    %dma_start3A_302 = arith.constant 2960 : i32
    %dma_start3A_303 = tpu.memref_slice %arg5[%dma_start3A_301, %dma_start3A_302] : memref<8x4096xf32, #tpu.memory_space<vmem>> -> memref<1x128xf32, #tpu.memory_space<vmem>>
    %dma_start3A_304 = tpu.memref_squeeze %dma_start3A_303 : memref<1x128xf32, #tpu.memory_space<vmem>> -> memref<128xf32, #tpu.memory_space<vmem>>
    %dma_start3A_305 = arith.constant 3968 : i32
    %dma_start3A_306 = tpu.memref_slice %arg4[%dma_start3A_305] : memref<16416xi32, #tpu.memory_space<vmem>> -> memref<128xi32, #tpu.memory_space<vmem>>
    %dma_start3A_307 = arith.constant 0 : i32
    %dma_start3A_308 = tpu.memref_slice %arg2[%dma_start3A_307] : memref<32000xf32, #tpu.memory_space<hbm>> -> memref<32000xf32, #tpu.memory_space<hbm>>
    tpu.enqueue_indirect_dma source(%dma_start3A_308 : memref<32000xf32, #tpu.memory_space<hbm>>) target(%dma_start3A_304 : memref<128xf32, #tpu.memory_space<vmem>>) offsets(%dma_start3A_306 : memref<128xi32, #tpu.memory_space<vmem>>) semaphore(%arg7 : memref<!tpu.dma_semaphore, #tpu.memory_space<semaphore_mem>>)
    %scan3A_309 = arith.constant 0 : i32
    %scan3A_310 = arith.constant 0 : i32
    %scan3A_311 = arith.constant 12 : i32
    %scan3A_312 = arith.addi %scan3A_310, %scan3A_311 : i32
    %scan3A_313 = arith.constant 1 : i32
    %scan3A_314 = scf.for %scan3A_1899 = %scan3A_310 to %scan3A_312 step %scan3A_313 iter_args(%scan3A_1900 = %scan3A_309) -> (i32)  : i32 {
      %mul3A_1901 = arith.constant 8 : i32
      %mul3A_1902 = arith.muli %scan3A_1899, %mul3A_1901 : i32
      %add3A_1903 = arith.constant 32 : i32
      %add3A_1904 = arith.addi %add3A_1903, %mul3A_1902 : i32
      %add3A_1905 = arith.constant 0 : i32
      %add3A_1906 = arith.addi %add3A_1904, %add3A_1905 : i32
      %jit3A_1907 = arith.constant 16 : i32
      %div3A_1908 = arith.divsi %add3A_1906, %jit3A_1907 : i32
      %sign3A_1909 = arith.constant 0 : i32
      %sign3A_1910 = arith.cmpi sgt, %add3A_1906, %sign3A_1909 : i32
      %sign3A_1911 = arith.extui %sign3A_1910 : i1 to i32
      %sign3A_1912 = arith.constant 0 : i32
      %sign3A_1913 = arith.cmpi slt, %add3A_1906, %sign3A_1912 : i32
      %sign3A_1914 = arith.extui %sign3A_1913 : i1 to i32
      %sign3A_1915 = arith.subi %sign3A_1911, %sign3A_1914 : i32
      %sign3A_1916 = arith.constant 0 : i32
      %sign3A_1917 = arith.cmpi sgt, %jit3A_1907, %sign3A_1916 : i32
      %sign3A_1918 = arith.extui %sign3A_1917 : i1 to i32
      %sign3A_1919 = arith.constant 0 : i32
      %sign3A_1920 = arith.cmpi slt, %jit3A_1907, %sign3A_1919 : i32
      %sign3A_1921 = arith.extui %sign3A_1920 : i1 to i32
      %sign3A_1922 = arith.subi %sign3A_1918, %sign3A_1921 : i32
      %ne3A_1923 = arith.cmpi ne, %sign3A_1915, %sign3A_1922 : i32
      %rem3A_1924 = arith.remsi %add3A_1906, %jit3A_1907 : i32
      %ne3A_1925 = arith.constant 0 : i32
      %ne3A_1926 = arith.cmpi ne, %rem3A_1924, %ne3A_1925 : i32
      %and3A_1927 = arith.andi %ne3A_1923, %ne3A_1926 : i1
      %sub3A_1928 = arith.constant 1 : i32
      %sub3A_1929 = arith.subi %div3A_1908, %sub3A_1928 : i32
      %select_n3A_1930 = arith.select %and3A_1927, %sub3A_1929, %div3A_1908 : i32
      %mul3A_1931 = arith.constant 16 : i32
      %mul3A_1932 = arith.muli %select_n3A_1930, %mul3A_1931 : i32
      %sub3A_1933 = arith.subi %add3A_1906, %mul3A_1932 : i32
      %mul3A_1934 = arith.constant 128 : i32
      %mul3A_1935 = arith.muli %sub3A_1933, %mul3A_1934 : i32
      %mul3A_1936 = arith.constant 2048 : i32
      %mul3A_1937 = arith.muli %select_n3A_1930, %mul3A_1936 : i32
      %add3A_1938 = arith.addi %mul3A_1937, %mul3A_1935 : i32
      %add3A_1939 = arith.constant 1040 : i32
      %add3A_1940 = arith.addi %add3A_1939, %mul3A_1935 : i32
      %dma_start3A_1941 = tpu.memref_slice %arg5[%select_n3A_1930, %add3A_1940] : memref<8x4096xf32, #tpu.memory_space<vmem>> -> memref<1x128xf32, #tpu.memory_space<vmem>>
      %dma_start3A_1942 = tpu.memref_squeeze %dma_start3A_1941 : memref<1x128xf32, #tpu.memory_space<vmem>> -> memref<128xf32, #tpu.memory_space<vmem>>
      %dma_start3A_1943 = tpu.memref_slice %arg4[%add3A_1938] : memref<16416xi32, #tpu.memory_space<vmem>> -> memref<128xi32, #tpu.memory_space<vmem>>
      %dma_start3A_1944 = arith.constant 0 : i32
      %dma_start3A_1945 = tpu.memref_slice %arg2[%dma_start3A_1944] : memref<32000xf32, #tpu.memory_space<hbm>> -> memref<32000xf32, #tpu.memory_space<hbm>>
      tpu.enqueue_indirect_dma source(%dma_start3A_1945 : memref<32000xf32, #tpu.memory_space<hbm>>) target(%dma_start3A_1942 : memref<128xf32, #tpu.memory_space<vmem>>) offsets(%dma_start3A_1943 : memref<128xi32, #tpu.memory_space<vmem>>) semaphore(%arg7 : memref<!tpu.dma_semaphore, #tpu.memory_space<semaphore_mem>>)
      %add3A_1946 = arith.constant 1 : i32
      %add3A_1947 = arith.addi %add3A_1904, %add3A_1946 : i32
      %jit3A_1948 = arith.constant 16 : i32
      %div3A_1949 = arith.divsi %add3A_1947, %jit3A_1948 : i32
      %sign3A_1950 = arith.constant 0 : i32
      %sign3A_1951 = arith.cmpi sgt, %add3A_1947, %sign3A_1950 : i32
      %sign3A_1952 = arith.extui %sign3A_1951 : i1 to i32
      %sign3A_1953 = arith.constant 0 : i32
      %sign3A_1954 = arith.cmpi slt, %add3A_1947, %sign3A_1953 : i32
      %sign3A_1955 = arith.extui %sign3A_1954 : i1 to i32
      %sign3A_1956 = arith.subi %sign3A_1952, %sign3A_1955 : i32
      %sign3A_1957 = arith.constant 0 : i32
      %sign3A_1958 = arith.cmpi sgt, %jit3A_1948, %sign3A_1957 : i32
      %sign3A_1959 = arith.extui %sign3A_1958 : i1 to i32
      %sign3A_1960 = arith.constant 0 : i32
      %sign3A_1961 = arith.cmpi slt, %jit3A_1948, %sign3A_1960 : i32
      %sign3A_1962 = arith.extui %sign3A_1961 : i1 to i32
      %sign3A_1963 = arith.subi %sign3A_1959, %sign3A_1962 : i32
      %ne3A_1964 = arith.cmpi ne, %sign3A_1956, %sign3A_1963 : i32
      %rem3A_1965 = arith.remsi %add3A_1947, %jit3A_1948 : i32
      %ne3A_1966 = arith.constant 0 : i32
      %ne3A_1967 = arith.cmpi ne, %rem3A_1965, %ne3A_1966 : i32
      %and3A_1968 = arith.andi %ne3A_1964, %ne3A_1967 : i1
      %sub3A_1969 = arith.constant 1 : i32
      %sub3A_1970 = arith.subi %div3A_1949, %sub3A_1969 : i32
      %select_n3A_1971 = arith.select %and3A_1968, %sub3A_1970, %div3A_1949 : i32
      %mul3A_1972 = arith.constant 16 : i32
      %mul3A_1973 = arith.muli %select_n3A_1971, %mul3A_1972 : i32
      %sub3A_1974 = arith.subi %add3A_1947, %mul3A_1973 : i32
      %mul3A_1975 = arith.constant 128 : i32
      %mul3A_1976 = arith.muli %sub3A_1974, %mul3A_1975 : i32
      %mul3A_1977 = arith.constant 2048 : i32
      %mul3A_1978 = arith.muli %select_n3A_1971, %mul3A_1977 : i32
      %add3A_1979 = arith.addi %mul3A_1978, %mul3A_1976 : i32
      %add3A_1980 = arith.constant 1040 : i32
      %add3A_1981 = arith.addi %add3A_1980, %mul3A_1976 : i32
      %dma_start3A_1982 = tpu.memref_slice %arg5[%select_n3A_1971, %add3A_1981] : memref<8x4096xf32, #tpu.memory_space<vmem>> -> memref<1x128xf32, #tpu.memory_space<vmem>>
      %dma_start3A_1983 = tpu.memref_squeeze %dma_start3A_1982 : memref<1x128xf32, #tpu.memory_space<vmem>> -> memref<128xf32, #tpu.memory_space<vmem>>
      %dma_start3A_1984 = tpu.memref_slice %arg4[%add3A_1979] : memref<16416xi32, #tpu.memory_space<vmem>> -> memref<128xi32, #tpu.memory_space<vmem>>
      %dma_start3A_1985 = arith.constant 0 : i32
      %dma_start3A_1986 = tpu.memref_slice %arg2[%dma_start3A_1985] : memref<32000xf32, #tpu.memory_space<hbm>> -> memref<32000xf32, #tpu.memory_space<hbm>>
      tpu.enqueue_indirect_dma source(%dma_start3A_1986 : memref<32000xf32, #tpu.memory_space<hbm>>) target(%dma_start3A_1983 : memref<128xf32, #tpu.memory_space<vmem>>) offsets(%dma_start3A_1984 : memref<128xi32, #tpu.memory_space<vmem>>) semaphore(%arg7 : memref<!tpu.dma_semaphore, #tpu.memory_space<semaphore_mem>>)
      %add3A_1987 = arith.constant 2 : i32
      %add3A_1988 = arith.addi %add3A_1904, %add3A_1987 : i32
      %jit3A_1989 = arith.constant 16 : i32
      %div3A_1990 = arith.divsi %add3A_1988, %jit3A_1989 : i32
      %sign3A_1991 = arith.constant 0 : i32
      %sign3A_1992 = arith.cmpi sgt, %add3A_1988, %sign3A_1991 : i32
      %sign3A_1993 = arith.extui %sign3A_1992 : i1 to i32
      %sign3A_1994 = arith.constant 0 : i32
      %sign3A_1995 = arith.cmpi slt, %add3A_1988, %sign3A_1994 : i32
      %sign3A_1996 = arith.extui %sign3A_1995 : i1 to i32
      %sign3A_1997 = arith.subi %sign3A_1993, %sign3A_1996 : i32
      %sign3A_1998 = arith.constant 0 : i32
      %sign3A_1999 = arith.cmpi sgt, %jit3A_1989, %sign3A_1998 : i32
      %sign3A_2000 = arith.extui %sign3A_1999 : i1 to i32
      %sign3A_2001 = arith.constant 0 : i32
      %sign3A_2002 = arith.cmpi slt, %jit3A_1989, %sign3A_2001 : i32
      %sign3A_2003 = arith.extui %sign3A_2002 : i1 to i32
      %sign3A_2004 = arith.subi %sign3A_2000, %sign3A_2003 : i32
      %ne3A_2005 = arith.cmpi ne, %sign3A_1997, %sign3A_2004 : i32
      %rem3A_2006 = arith.remsi %add3A_1988, %jit3A_1989 : i32
      %ne3A_2007 = arith.constant 0 : i32
      %ne3A_2008 = arith.cmpi ne, %rem3A_2006, %ne3A_2007 : i32
      %and3A_2009 = arith.andi %ne3A_2005, %ne3A_2008 : i1
      %sub3A_2010 = arith.constant 1 : i32
      %sub3A_2011 = arith.subi %div3A_1990, %sub3A_2010 : i32
      %select_n3A_2012 = arith.select %and3A_2009, %sub3A_2011, %div3A_1990 : i32
      %mul3A_2013 = arith.constant 16 : i32
      %mul3A_2014 = arith.muli %select_n3A_2012, %mul3A_2013 : i32
      %sub3A_2015 = arith.subi %add3A_1988, %mul3A_2014 : i32
      %mul3A_2016 = arith.constant 128 : i32
      %mul3A_2017 = arith.muli %sub3A_2015, %mul3A_2016 : i32
      %mul3A_2018 = arith.constant 2048 : i32
      %mul3A_2019 = arith.muli %select_n3A_2012, %mul3A_2018 : i32
      %add3A_2020 = arith.addi %mul3A_2019, %mul3A_2017 : i32
      %add3A_2021 = arith.constant 1040 : i32
      %add3A_2022 = arith.addi %add3A_2021, %mul3A_2017 : i32
      %dma_start3A_2023 = tpu.memref_slice %arg5[%select_n3A_2012, %add3A_2022] : memref<8x4096xf32, #tpu.memory_space<vmem>> -> memref<1x128xf32, #tpu.memory_space<vmem>>
      %dma_start3A_2024 = tpu.memref_squeeze %dma_start3A_2023 : memref<1x128xf32, #tpu.memory_space<vmem>> -> memref<128xf32, #tpu.memory_space<vmem>>
      %dma_start3A_2025 = tpu.memref_slice %arg4[%add3A_2020] : memref<16416xi32, #tpu.memory_space<vmem>> -> memref<128xi32, #tpu.memory_space<vmem>>
      %dma_start3A_2026 = arith.constant 0 : i32
      %dma_start3A_2027 = tpu.memref_slice %arg2[%dma_start3A_2026] : memref<32000xf32, #tpu.memory_space<hbm>> -> memref<32000xf32, #tpu.memory_space<hbm>>
      tpu.enqueue_indirect_dma source(%dma_start3A_2027 : memref<32000xf32, #tpu.memory_space<hbm>>) target(%dma_start3A_2024 : memref<128xf32, #tpu.memory_space<vmem>>) offsets(%dma_start3A_2025 : memref<128xi32, #tpu.memory_space<vmem>>) semaphore(%arg7 : memref<!tpu.dma_semaphore, #tpu.memory_space<semaphore_mem>>)
      %add3A_2028 = arith.constant 3 : i32
      %add3A_2029 = arith.addi %add3A_1904, %add3A_2028 : i32
      %jit3A_2030 = arith.constant 16 : i32
      %div3A_2031 = arith.divsi %add3A_2029, %jit3A_2030 : i32
      %sign3A_2032 = arith.constant 0 : i32
      %sign3A_2033 = arith.cmpi sgt, %add3A_2029, %sign3A_2032 : i32
      %sign3A_2034 = arith.extui %sign3A_2033 : i1 to i32
      %sign3A_2035 = arith.constant 0 : i32
      %sign3A_2036 = arith.cmpi slt, %add3A_2029, %sign3A_2035 : i32
      %sign3A_2037 = arith.extui %sign3A_2036 : i1 to i32
      %sign3A_2038 = arith.subi %sign3A_2034, %sign3A_2037 : i32
      %sign3A_2039 = arith.constant 0 : i32
      %sign3A_2040 = arith.cmpi sgt, %jit3A_2030, %sign3A_2039 : i32
      %sign3A_2041 = arith.extui %sign3A_2040 : i1 to i32
      %sign3A_2042 = arith.constant 0 : i32
      %sign3A_2043 = arith.cmpi slt, %jit3A_2030, %sign3A_2042 : i32
      %sign3A_2044 = arith.extui %sign3A_2043 : i1 to i32
      %sign3A_2045 = arith.subi %sign3A_2041, %sign3A_2044 : i32
      %ne3A_2046 = arith.cmpi ne, %sign3A_2038, %sign3A_2045 : i32
      %rem3A_2047 = arith.remsi %add3A_2029, %jit3A_2030 : i32
      %ne3A_2048 = arith.constant 0 : i32
      %ne3A_2049 = arith.cmpi ne, %rem3A_2047, %ne3A_2048 : i32
      %and3A_2050 = arith.andi %ne3A_2046, %ne3A_2049 : i1
      %sub3A_2051 = arith.constant 1 : i32
      %sub3A_2052 = arith.subi %div3A_2031, %sub3A_2051 : i32
      %select_n3A_2053 = arith.select %and3A_2050, %sub3A_2052, %div3A_2031 : i32
      %mul3A_2054 = arith.constant 16 : i32
      %mul3A_2055 = arith.muli %select_n3A_2053, %mul3A_2054 : i32
      %sub3A_2056 = arith.subi %add3A_2029, %mul3A_2055 : i32
      %mul3A_2057 = arith.constant 128 : i32
      %mul3A_2058 = arith.muli %sub3A_2056, %mul3A_2057 : i32
      %mul3A_2059 = arith.constant 2048 : i32
      %mul3A_2060 = arith.muli %select_n3A_2053, %mul3A_2059 : i32
      %add3A_2061 = arith.addi %mul3A_2060, %mul3A_2058 : i32
      %add3A_2062 = arith.constant 1040 : i32
      %add3A_2063 = arith.addi %add3A_2062, %mul3A_2058 : i32
      %dma_start3A_2064 = tpu.memref_slice %arg5[%select_n3A_2053, %add3A_2063] : memref<8x4096xf32, #tpu.memory_space<vmem>> -> memref<1x128xf32, #tpu.memory_space<vmem>>
      %dma_start3A_2065 = tpu.memref_squeeze %dma_start3A_2064 : memref<1x128xf32, #tpu.memory_space<vmem>> -> memref<128xf32, #tpu.memory_space<vmem>>
      %dma_start3A_2066 = tpu.memref_slice %arg4[%add3A_2061] : memref<16416xi32, #tpu.memory_space<vmem>> -> memref<128xi32, #tpu.memory_space<vmem>>
      %dma_start3A_2067 = arith.constant 0 : i32
      %dma_start3A_2068 = tpu.memref_slice %arg2[%dma_start3A_2067] : memref<32000xf32, #tpu.memory_space<hbm>> -> memref<32000xf32, #tpu.memory_space<hbm>>
      tpu.enqueue_indirect_dma source(%dma_start3A_2068 : memref<32000xf32, #tpu.memory_space<hbm>>) target(%dma_start3A_2065 : memref<128xf32, #tpu.memory_space<vmem>>) offsets(%dma_start3A_2066 : memref<128xi32, #tpu.memory_space<vmem>>) semaphore(%arg7 : memref<!tpu.dma_semaphore, #tpu.memory_space<semaphore_mem>>)
      %add3A_2069 = arith.constant 4 : i32
      %add3A_2070 = arith.addi %add3A_1904, %add3A_2069 : i32
      %jit3A_2071 = arith.constant 16 : i32
      %div3A_2072 = arith.divsi %add3A_2070, %jit3A_2071 : i32
      %sign3A_2073 = arith.constant 0 : i32
      %sign3A_2074 = arith.cmpi sgt, %add3A_2070, %sign3A_2073 : i32
      %sign3A_2075 = arith.extui %sign3A_2074 : i1 to i32
      %sign3A_2076 = arith.constant 0 : i32
      %sign3A_2077 = arith.cmpi slt, %add3A_2070, %sign3A_2076 : i32
      %sign3A_2078 = arith.extui %sign3A_2077 : i1 to i32
      %sign3A_2079 = arith.subi %sign3A_2075, %sign3A_2078 : i32
      %sign3A_2080 = arith.constant 0 : i32
      %sign3A_2081 = arith.cmpi sgt, %jit3A_2071, %sign3A_2080 : i32
      %sign3A_2082 = arith.extui %sign3A_2081 : i1 to i32
      %sign3A_2083 = arith.constant 0 : i32
      %sign3A_2084 = arith.cmpi slt, %jit3A_2071, %sign3A_2083 : i32
      %sign3A_2085 = arith.extui %sign3A_2084 : i1 to i32
      %sign3A_2086 = arith.subi %sign3A_2082, %sign3A_2085 : i32
      %ne3A_2087 = arith.cmpi ne, %sign3A_2079, %sign3A_2086 : i32
      %rem3A_2088 = arith.remsi %add3A_2070, %jit3A_2071 : i32
      %ne3A_2089 = arith.constant 0 : i32
      %ne3A_2090 = arith.cmpi ne, %rem3A_2088, %ne3A_2089 : i32
      %and3A_2091 = arith.andi %ne3A_2087, %ne3A_2090 : i1
      %sub3A_2092 = arith.constant 1 : i32
      %sub3A_2093 = arith.subi %div3A_2072, %sub3A_2092 : i32
      %select_n3A_2094 = arith.select %and3A_2091, %sub3A_2093, %div3A_2072 : i32
      %mul3A_2095 = arith.constant 16 : i32
      %mul3A_2096 = arith.muli %select_n3A_2094, %mul3A_2095 : i32
      %sub3A_2097 = arith.subi %add3A_2070, %mul3A_2096 : i32
      %mul3A_2098 = arith.constant 128 : i32
      %mul3A_2099 = arith.muli %sub3A_2097, %mul3A_2098 : i32
      %mul3A_2100 = arith.constant 2048 : i32
      %mul3A_2101 = arith.muli %select_n3A_2094, %mul3A_2100 : i32
      %add3A_2102 = arith.addi %mul3A_2101, %mul3A_2099 : i32
      %add3A_2103 = arith.constant 1040 : i32
      %add3A_2104 = arith.addi %add3A_2103, %mul3A_2099 : i32
      %dma_start3A_2105 = tpu.memref_slice %arg5[%select_n3A_2094, %add3A_2104] : memref<8x4096xf32, #tpu.memory_space<vmem>> -> memref<1x128xf32, #tpu.memory_space<vmem>>
      %dma_start3A_2106 = tpu.memref_squeeze %dma_start3A_2105 : memref<1x128xf32, #tpu.memory_space<vmem>> -> memref<128xf32, #tpu.memory_space<vmem>>
      %dma_start3A_2107 = tpu.memref_slice %arg4[%add3A_2102] : memref<16416xi32, #tpu.memory_space<vmem>> -> memref<128xi32, #tpu.memory_space<vmem>>
      %dma_start3A_2108 = arith.constant 0 : i32
      %dma_start3A_2109 = tpu.memref_slice %arg2[%dma_start3A_2108] : memref<32000xf32, #tpu.memory_space<hbm>> -> memref<32000xf32, #tpu.memory_space<hbm>>
      tpu.enqueue_indirect_dma source(%dma_start3A_2109 : memref<32000xf32, #tpu.memory_space<hbm>>) target(%dma_start3A_2106 : memref<128xf32, #tpu.memory_space<vmem>>) offsets(%dma_start3A_2107 : memref<128xi32, #tpu.memory_space<vmem>>) semaphore(%arg7 : memref<!tpu.dma_semaphore, #tpu.memory_space<semaphore_mem>>)
      %add3A_2110 = arith.constant 5 : i32
      %add3A_2111 = arith.addi %add3A_1904, %add3A_2110 : i32
      %jit3A_2112 = arith.constant 16 : i32
      %div3A_2113 = arith.divsi %add3A_2111, %jit3A_2112 : i32
      %sign3A_2114 = arith.constant 0 : i32
      %sign3A_2115 = arith.cmpi sgt, %add3A_2111, %sign3A_2114 : i32
      %sign3A_2116 = arith.extui %sign3A_2115 : i1 to i32
      %sign3A_2117 = arith.constant 0 : i32
      %sign3A_2118 = arith.cmpi slt, %add3A_2111, %sign3A_2117 : i32
      %sign3A_2119 = arith.extui %sign3A_2118 : i1 to i32
      %sign3A_2120 = arith.subi %sign3A_2116, %sign3A_2119 : i32
      %sign3A_2121 = arith.constant 0 : i32
      %sign3A_2122 = arith.cmpi sgt, %jit3A_2112, %sign3A_2121 : i32
      %sign3A_2123 = arith.extui %sign3A_2122 : i1 to i32
      %sign3A_2124 = arith.constant 0 : i32
      %sign3A_2125 = arith.cmpi slt, %jit3A_2112, %sign3A_2124 : i32
      %sign3A_2126 = arith.extui %sign3A_2125 : i1 to i32
      %sign3A_2127 = arith.subi %sign3A_2123, %sign3A_2126 : i32
      %ne3A_2128 = arith.cmpi ne, %sign3A_2120, %sign3A_2127 : i32
      %rem3A_2129 = arith.remsi %add3A_2111, %jit3A_2112 : i32
      %ne3A_2130 = arith.constant 0 : i32
      %ne3A_2131 = arith.cmpi ne, %rem3A_2129, %ne3A_2130 : i32
      %and3A_2132 = arith.andi %ne3A_2128, %ne3A_2131 : i1
      %sub3A_2133 = arith.constant 1 : i32
      %sub3A_2134 = arith.subi %div3A_2113, %sub3A_2133 : i32
      %select_n3A_2135 = arith.select %and3A_2132, %sub3A_2134, %div3A_2113 : i32
      %mul3A_2136 = arith.constant 16 : i32
      %mul3A_2137 = arith.muli %select_n3A_2135, %mul3A_2136 : i32
      %sub3A_2138 = arith.subi %add3A_2111, %mul3A_2137 : i32
      %mul3A_2139 = arith.constant 128 : i32
      %mul3A_2140 = arith.muli %sub3A_2138, %mul3A_2139 : i32
      %mul3A_2141 = arith.constant 2048 : i32
      %mul3A_2142 = arith.muli %select_n3A_2135, %mul3A_2141 : i32
      %add3A_2143 = arith.addi %mul3A_2142, %mul3A_2140 : i32
      %add3A_2144 = arith.constant 1040 : i32
      %add3A_2145 = arith.addi %add3A_2144, %mul3A_2140 : i32
      %dma_start3A_2146 = tpu.memref_slice %arg5[%select_n3A_2135, %add3A_2145] : memref<8x4096xf32, #tpu.memory_space<vmem>> -> memref<1x128xf32, #tpu.memory_space<vmem>>
      %dma_start3A_2147 = tpu.memref_squeeze %dma_start3A_2146 : memref<1x128xf32, #tpu.memory_space<vmem>> -> memref<128xf32, #tpu.memory_space<vmem>>
      %dma_start3A_2148 = tpu.memref_slice %arg4[%add3A_2143] : memref<16416xi32, #tpu.memory_space<vmem>> -> memref<128xi32, #tpu.memory_space<vmem>>
      %dma_start3A_2149 = arith.constant 0 : i32
      %dma_start3A_2150 = tpu.memref_slice %arg2[%dma_start3A_2149] : memref<32000xf32, #tpu.memory_space<hbm>> -> memref<32000xf32, #tpu.memory_space<hbm>>
      tpu.enqueue_indirect_dma source(%dma_start3A_2150 : memref<32000xf32, #tpu.memory_space<hbm>>) target(%dma_start3A_2147 : memref<128xf32, #tpu.memory_space<vmem>>) offsets(%dma_start3A_2148 : memref<128xi32, #tpu.memory_space<vmem>>) semaphore(%arg7 : memref<!tpu.dma_semaphore, #tpu.memory_space<semaphore_mem>>)
      %add3A_2151 = arith.constant 6 : i32
      %add3A_2152 = arith.addi %add3A_1904, %add3A_2151 : i32
      %jit3A_2153 = arith.constant 16 : i32
      %div3A_2154 = arith.divsi %add3A_2152, %jit3A_2153 : i32
      %sign3A_2155 = arith.constant 0 : i32
      %sign3A_2156 = arith.cmpi sgt, %add3A_2152, %sign3A_2155 : i32
      %sign3A_2157 = arith.extui %sign3A_2156 : i1 to i32
      %sign3A_2158 = arith.constant 0 : i32
      %sign3A_2159 = arith.cmpi slt, %add3A_2152, %sign3A_2158 : i32
      %sign3A_2160 = arith.extui %sign3A_2159 : i1 to i32
      %sign3A_2161 = arith.subi %sign3A_2157, %sign3A_2160 : i32
      %sign3A_2162 = arith.constant 0 : i32
      %sign3A_2163 = arith.cmpi sgt, %jit3A_2153, %sign3A_2162 : i32
      %sign3A_2164 = arith.extui %sign3A_2163 : i1 to i32
      %sign3A_2165 = arith.constant 0 : i32
      %sign3A_2166 = arith.cmpi slt, %jit3A_2153, %sign3A_2165 : i32
      %sign3A_2167 = arith.extui %sign3A_2166 : i1 to i32
      %sign3A_2168 = arith.subi %sign3A_2164, %sign3A_2167 : i32
      %ne3A_2169 = arith.cmpi ne, %sign3A_2161, %sign3A_2168 : i32
      %rem3A_2170 = arith.remsi %add3A_2152, %jit3A_2153 : i32
      %ne3A_2171 = arith.constant 0 : i32
      %ne3A_2172 = arith.cmpi ne, %rem3A_2170, %ne3A_2171 : i32
      %and3A_2173 = arith.andi %ne3A_2169, %ne3A_2172 : i1
      %sub3A_2174 = arith.constant 1 : i32
      %sub3A_2175 = arith.subi %div3A_2154, %sub3A_2174 : i32
      %select_n3A_2176 = arith.select %and3A_2173, %sub3A_2175, %div3A_2154 : i32
      %mul3A_2177 = arith.constant 16 : i32
      %mul3A_2178 = arith.muli %select_n3A_2176, %mul3A_2177 : i32
      %sub3A_2179 = arith.subi %add3A_2152, %mul3A_2178 : i32
      %mul3A_2180 = arith.constant 128 : i32
      %mul3A_2181 = arith.muli %sub3A_2179, %mul3A_2180 : i32
      %mul3A_2182 = arith.constant 2048 : i32
      %mul3A_2183 = arith.muli %select_n3A_2176, %mul3A_2182 : i32
      %add3A_2184 = arith.addi %mul3A_2183, %mul3A_2181 : i32
      %add3A_2185 = arith.constant 1040 : i32
      %add3A_2186 = arith.addi %add3A_2185, %mul3A_2181 : i32
      %dma_start3A_2187 = tpu.memref_slice %arg5[%select_n3A_2176, %add3A_2186] : memref<8x4096xf32, #tpu.memory_space<vmem>> -> memref<1x128xf32, #tpu.memory_space<vmem>>
      %dma_start3A_2188 = tpu.memref_squeeze %dma_start3A_2187 : memref<1x128xf32, #tpu.memory_space<vmem>> -> memref<128xf32, #tpu.memory_space<vmem>>
      %dma_start3A_2189 = tpu.memref_slice %arg4[%add3A_2184] : memref<16416xi32, #tpu.memory_space<vmem>> -> memref<128xi32, #tpu.memory_space<vmem>>
      %dma_start3A_2190 = arith.constant 0 : i32
      %dma_start3A_2191 = tpu.memref_slice %arg2[%dma_start3A_2190] : memref<32000xf32, #tpu.memory_space<hbm>> -> memref<32000xf32, #tpu.memory_space<hbm>>
      tpu.enqueue_indirect_dma source(%dma_start3A_2191 : memref<32000xf32, #tpu.memory_space<hbm>>) target(%dma_start3A_2188 : memref<128xf32, #tpu.memory_space<vmem>>) offsets(%dma_start3A_2189 : memref<128xi32, #tpu.memory_space<vmem>>) semaphore(%arg7 : memref<!tpu.dma_semaphore, #tpu.memory_space<semaphore_mem>>)
      %add3A_2192 = arith.constant 7 : i32
      %add3A_2193 = arith.addi %add3A_1904, %add3A_2192 : i32
      %jit3A_2194 = arith.constant 16 : i32
      %div3A_2195 = arith.divsi %add3A_2193, %jit3A_2194 : i32
      %sign3A_2196 = arith.constant 0 : i32
      %sign3A_2197 = arith.cmpi sgt, %add3A_2193, %sign3A_2196 : i32
      %sign3A_2198 = arith.extui %sign3A_2197 : i1 to i32
      %sign3A_2199 = arith.constant 0 : i32
      %sign3A_2200 = arith.cmpi slt, %add3A_2193, %sign3A_2199 : i32
      %sign3A_2201 = arith.extui %sign3A_2200 : i1 to i32
      %sign3A_2202 = arith.subi %sign3A_2198, %sign3A_2201 : i32
      %sign3A_2203 = arith.constant 0 : i32
      %sign3A_2204 = arith.cmpi sgt, %jit3A_2194, %sign3A_2203 : i32
      %sign3A_2205 = arith.extui %sign3A_2204 : i1 to i32
      %sign3A_2206 = arith.constant 0 : i32
      %sign3A_2207 = arith.cmpi slt, %jit3A_2194, %sign3A_2206 : i32
      %sign3A_2208 = arith.extui %sign3A_2207 : i1 to i32
      %sign3A_2209 = arith.subi %sign3A_2205, %sign3A_2208 : i32
      %ne3A_2210 = arith.cmpi ne, %sign3A_2202, %sign3A_2209 : i32
      %rem3A_2211 = arith.remsi %add3A_2193, %jit3A_2194 : i32
      %ne3A_2212 = arith.constant 0 : i32
      %ne3A_2213 = arith.cmpi ne, %rem3A_2211, %ne3A_2212 : i32
      %and3A_2214 = arith.andi %ne3A_2210, %ne3A_2213 : i1
      %sub3A_2215 = arith.constant 1 : i32
      %sub3A_2216 = arith.subi %div3A_2195, %sub3A_2215 : i32
      %select_n3A_2217 = arith.select %and3A_2214, %sub3A_2216, %div3A_2195 : i32
      %mul3A_2218 = arith.constant 16 : i32
      %mul3A_2219 = arith.muli %select_n3A_2217, %mul3A_2218 : i32
      %sub3A_2220 = arith.subi %add3A_2193, %mul3A_2219 : i32
      %mul3A_2221 = arith.constant 128 : i32
      %mul3A_2222 = arith.muli %sub3A_2220, %mul3A_2221 : i32
      %mul3A_2223 = arith.constant 2048 : i32
      %mul3A_2224 = arith.muli %select_n3A_2217, %mul3A_2223 : i32
      %add3A_2225 = arith.addi %mul3A_2224, %mul3A_2222 : i32
      %add3A_2226 = arith.constant 1040 : i32
      %add3A_2227 = arith.addi %add3A_2226, %mul3A_2222 : i32
      %dma_start3A_2228 = tpu.memref_slice %arg5[%select_n3A_2217, %add3A_2227] : memref<8x4096xf32, #tpu.memory_space<vmem>> -> memref<1x128xf32, #tpu.memory_space<vmem>>
      %dma_start3A_2229 = tpu.memref_squeeze %dma_start3A_2228 : memref<1x128xf32, #tpu.memory_space<vmem>> -> memref<128xf32, #tpu.memory_space<vmem>>
      %dma_start3A_2230 = tpu.memref_slice %arg4[%add3A_2225] : memref<16416xi32, #tpu.memory_space<vmem>> -> memref<128xi32, #tpu.memory_space<vmem>>
      %dma_start3A_2231 = arith.constant 0 : i32
      %dma_start3A_2232 = tpu.memref_slice %arg2[%dma_start3A_2231] : memref<32000xf32, #tpu.memory_space<hbm>> -> memref<32000xf32, #tpu.memory_space<hbm>>
      tpu.enqueue_indirect_dma source(%dma_start3A_2232 : memref<32000xf32, #tpu.memory_space<hbm>>) target(%dma_start3A_2229 : memref<128xf32, #tpu.memory_space<vmem>>) offsets(%dma_start3A_2230 : memref<128xi32, #tpu.memory_space<vmem>>) semaphore(%arg7 : memref<!tpu.dma_semaphore, #tpu.memory_space<semaphore_mem>>)
      %dma_wait3A_2233 = tpu.memref_slice %arg5[%select_n3A_1930, %add3A_1940] : memref<8x4096xf32, #tpu.memory_space<vmem>> -> memref<1x128xf32, #tpu.memory_space<vmem>>
      %dma_wait3A_2234 = tpu.memref_squeeze %dma_wait3A_2233 : memref<1x128xf32, #tpu.memory_space<vmem>> -> memref<128xf32, #tpu.memory_space<vmem>>
      %dma_wait3A_2235 = tpu.memref_slice %arg4[%add3A_1938] : memref<16416xi32, #tpu.memory_space<vmem>> -> memref<128xi32, #tpu.memory_space<vmem>>
      %dma_wait3A_2236 = arith.constant 0 : i32
      %dma_wait3A_2237 = tpu.memref_slice %arg2[%dma_wait3A_2236] : memref<32000xf32, #tpu.memory_space<hbm>> -> memref<32000xf32, #tpu.memory_space<hbm>>
      tpu.wait_indirect_dma semaphore(%arg7 : memref<!tpu.dma_semaphore, #tpu.memory_space<semaphore_mem>>) src(%dma_wait3A_2237 : memref<32000xf32, #tpu.memory_space<hbm>>) dst(%dma_wait3A_2234 : memref<128xf32, #tpu.memory_space<vmem>>)
      %dma_wait3A_2238 = tpu.memref_slice %arg5[%select_n3A_1971, %add3A_1981] : memref<8x4096xf32, #tpu.memory_space<vmem>> -> memref<1x128xf32, #tpu.memory_space<vmem>>
      %dma_wait3A_2239 = tpu.memref_squeeze %dma_wait3A_2238 : memref<1x128xf32, #tpu.memory_space<vmem>> -> memref<128xf32, #tpu.memory_space<vmem>>
      %dma_wait3A_2240 = tpu.memref_slice %arg4[%add3A_1979] : memref<16416xi32, #tpu.memory_space<vmem>> -> memref<128xi32, #tpu.memory_space<vmem>>
      %dma_wait3A_2241 = arith.constant 0 : i32
      %dma_wait3A_2242 = tpu.memref_slice %arg2[%dma_wait3A_2241] : memref<32000xf32, #tpu.memory_space<hbm>> -> memref<32000xf32, #tpu.memory_space<hbm>>
      tpu.wait_indirect_dma semaphore(%arg7 : memref<!tpu.dma_semaphore, #tpu.memory_space<semaphore_mem>>) src(%dma_wait3A_2242 : memref<32000xf32, #tpu.memory_space<hbm>>) dst(%dma_wait3A_2239 : memref<128xf32, #tpu.memory_space<vmem>>)
      %dma_wait3A_2243 = tpu.memref_slice %arg5[%select_n3A_2012, %add3A_2022] : memref<8x4096xf32, #tpu.memory_space<vmem>> -> memref<1x128xf32, #tpu.memory_space<vmem>>
      %dma_wait3A_2244 = tpu.memref_squeeze %dma_wait3A_2243 : memref<1x128xf32, #tpu.memory_space<vmem>> -> memref<128xf32, #tpu.memory_space<vmem>>
      %dma_wait3A_2245 = tpu.memref_slice %arg4[%add3A_2020] : memref<16416xi32, #tpu.memory_space<vmem>> -> memref<128xi32, #tpu.memory_space<vmem>>
      %dma_wait3A_2246 = arith.constant 0 : i32
      %dma_wait3A_2247 = tpu.memref_slice %arg2[%dma_wait3A_2246] : memref<32000xf32, #tpu.memory_space<hbm>> -> memref<32000xf32, #tpu.memory_space<hbm>>
      tpu.wait_indirect_dma semaphore(%arg7 : memref<!tpu.dma_semaphore, #tpu.memory_space<semaphore_mem>>) src(%dma_wait3A_2247 : memref<32000xf32, #tpu.memory_space<hbm>>) dst(%dma_wait3A_2244 : memref<128xf32, #tpu.memory_space<vmem>>)
      %dma_wait3A_2248 = tpu.memref_slice %arg5[%select_n3A_2053, %add3A_2063] : memref<8x4096xf32, #tpu.memory_space<vmem>> -> memref<1x128xf32, #tpu.memory_space<vmem>>
      %dma_wait3A_2249 = tpu.memref_squeeze %dma_wait3A_2248 : memref<1x128xf32, #tpu.memory_space<vmem>> -> memref<128xf32, #tpu.memory_space<vmem>>
      %dma_wait3A_2250 = tpu.memref_slice %arg4[%add3A_2061] : memref<16416xi32, #tpu.memory_space<vmem>> -> memref<128xi32, #tpu.memory_space<vmem>>
      %dma_wait3A_2251 = arith.constant 0 : i32
      %dma_wait3A_2252 = tpu.memref_slice %arg2[%dma_wait3A_2251] : memref<32000xf32, #tpu.memory_space<hbm>> -> memref<32000xf32, #tpu.memory_space<hbm>>
      tpu.wait_indirect_dma semaphore(%arg7 : memref<!tpu.dma_semaphore, #tpu.memory_space<semaphore_mem>>) src(%dma_wait3A_2252 : memref<32000xf32, #tpu.memory_space<hbm>>) dst(%dma_wait3A_2249 : memref<128xf32, #tpu.memory_space<vmem>>)
      %dma_wait3A_2253 = tpu.memref_slice %arg5[%select_n3A_2094, %add3A_2104] : memref<8x4096xf32, #tpu.memory_space<vmem>> -> memref<1x128xf32, #tpu.memory_space<vmem>>
      %dma_wait3A_2254 = tpu.memref_squeeze %dma_wait3A_2253 : memref<1x128xf32, #tpu.memory_space<vmem>> -> memref<128xf32, #tpu.memory_space<vmem>>
      %dma_wait3A_2255 = tpu.memref_slice %arg4[%add3A_2102] : memref<16416xi32, #tpu.memory_space<vmem>> -> memref<128xi32, #tpu.memory_space<vmem>>
      %dma_wait3A_2256 = arith.constant 0 : i32
      %dma_wait3A_2257 = tpu.memref_slice %arg2[%dma_wait3A_2256] : memref<32000xf32, #tpu.memory_space<hbm>> -> memref<32000xf32, #tpu.memory_space<hbm>>
      tpu.wait_indirect_dma semaphore(%arg7 : memref<!tpu.dma_semaphore, #tpu.memory_space<semaphore_mem>>) src(%dma_wait3A_2257 : memref<32000xf32, #tpu.memory_space<hbm>>) dst(%dma_wait3A_2254 : memref<128xf32, #tpu.memory_space<vmem>>)
      %dma_wait3A_2258 = tpu.memref_slice %arg5[%select_n3A_2135, %add3A_2145] : memref<8x4096xf32, #tpu.memory_space<vmem>> -> memref<1x128xf32, #tpu.memory_space<vmem>>
      %dma_wait3A_2259 = tpu.memref_squeeze %dma_wait3A_2258 : memref<1x128xf32, #tpu.memory_space<vmem>> -> memref<128xf32, #tpu.memory_space<vmem>>
      %dma_wait3A_2260 = tpu.memref_slice %arg4[%add3A_2143] : memref<16416xi32, #tpu.memory_space<vmem>> -> memref<128xi32, #tpu.memory_space<vmem>>
      %dma_wait3A_2261 = arith.constant 0 : i32
      %dma_wait3A_2262 = tpu.memref_slice %arg2[%dma_wait3A_2261] : memref<32000xf32, #tpu.memory_space<hbm>> -> memref<32000xf32, #tpu.memory_space<hbm>>
      tpu.wait_indirect_dma semaphore(%arg7 : memref<!tpu.dma_semaphore, #tpu.memory_space<semaphore_mem>>) src(%dma_wait3A_2262 : memref<32000xf32, #tpu.memory_space<hbm>>) dst(%dma_wait3A_2259 : memref<128xf32, #tpu.memory_space<vmem>>)
      %dma_wait3A_2263 = tpu.memref_slice %arg5[%select_n3A_2176, %add3A_2186] : memref<8x4096xf32, #tpu.memory_space<vmem>> -> memref<1x128xf32, #tpu.memory_space<vmem>>
      %dma_wait3A_2264 = tpu.memref_squeeze %dma_wait3A_2263 : memref<1x128xf32, #tpu.memory_space<vmem>> -> memref<128xf32, #tpu.memory_space<vmem>>
      %dma_wait3A_2265 = tpu.memref_slice %arg4[%add3A_2184] : memref<16416xi32, #tpu.memory_space<vmem>> -> memref<128xi32, #tpu.memory_space<vmem>>
      %dma_wait3A_2266 = arith.constant 0 : i32
      %dma_wait3A_2267 = tpu.memref_slice %arg2[%dma_wait3A_2266] : memref<32000xf32, #tpu.memory_space<hbm>> -> memref<32000xf32, #tpu.memory_space<hbm>>
      tpu.wait_indirect_dma semaphore(%arg7 : memref<!tpu.dma_semaphore, #tpu.memory_space<semaphore_mem>>) src(%dma_wait3A_2267 : memref<32000xf32, #tpu.memory_space<hbm>>) dst(%dma_wait3A_2264 : memref<128xf32, #tpu.memory_space<vmem>>)
      %dma_wait3A_2268 = tpu.memref_slice %arg5[%select_n3A_2217, %add3A_2227] : memref<8x4096xf32, #tpu.memory_space<vmem>> -> memref<1x128xf32, #tpu.memory_space<vmem>>
      %dma_wait3A_2269 = tpu.memref_squeeze %dma_wait3A_2268 : memref<1x128xf32, #tpu.memory_space<vmem>> -> memref<128xf32, #tpu.memory_space<vmem>>
      %dma_wait3A_2270 = tpu.memref_slice %arg4[%add3A_2225] : memref<16416xi32, #tpu.memory_space<vmem>> -> memref<128xi32, #tpu.memory_space<vmem>>
      %dma_wait3A_2271 = arith.constant 0 : i32
      %dma_wait3A_2272 = tpu.memref_slice %arg2[%dma_wait3A_2271] : memref<32000xf32, #tpu.memory_space<hbm>> -> memref<32000xf32, #tpu.memory_space<hbm>>
      tpu.wait_indirect_dma semaphore(%arg7 : memref<!tpu.dma_semaphore, #tpu.memory_space<semaphore_mem>>) src(%dma_wait3A_2272 : memref<32000xf32, #tpu.memory_space<hbm>>) dst(%dma_wait3A_2269 : memref<128xf32, #tpu.memory_space<vmem>>)
      %scan3A_2273 = arith.constant 0 : i32
      scf.yield %scan3A_2273 : i32
    }
    %scan3A_315 = arith.constant 12 : i32
    %scan3A_316 = arith.constant 0 : i32
    %scan3A_317 = arith.constant 0 : i32
    %scan3A_318 = arith.constant 65 : i32
    %scan3A_319 = arith.addi %scan3A_317, %scan3A_318 : i32
    %scan3A_320 = arith.constant 1 : i32
    %scan3A_321 = scf.for %scan3A_1899 = %scan3A_317 to %scan3A_319 step %scan3A_320 iter_args(%scan3A_1900 = %scan3A_316) -> (i32)  : i32 {
      %mul3A_1901 = arith.constant 16 : i32
      %mul3A_1902 = arith.muli %scan3A_1899, %mul3A_1901 : i32
      %swap3A_1903 = arith.constant 0 : i32
      %swap3A_1904 = arith.index_cast %swap3A_1903 : i32 to index
      %swap3A_1905 = arith.index_cast %mul3A_1902 : i32 to index
      %swap3A_1906 = tpu.vector_load %arg5[%swap3A_1904, %swap3A_1905] {strides = array<i32>} : memref<8x4096xf32, #tpu.memory_space<vmem>>, vector<1x16xf32>,
      %swap3A_1907 = vector.shape_cast %swap3A_1906 : vector<1x16xf32> to vector<16xf32>
      %swap3A_1908 = vector.shape_cast %get3A_49 : vector<16xf32> to vector<1x16xf32>
      tpu.vector_store %arg5[%swap3A_1904, %swap3A_1905], %swap3A_1908 {strides = array<i32>} : memref<8x4096xf32, #tpu.memory_space<vmem>>, vector<1x16xf32>,
      %mul3A_1909 = arith.constant 16 : i32
      %mul3A_1910 = arith.muli %scan3A_1899, %mul3A_1909 : i32
      %swap3A_1911 = arith.constant 1 : i32
      %swap3A_1912 = arith.index_cast %swap3A_1911 : i32 to index
      %swap3A_1913 = arith.index_cast %mul3A_1910 : i32 to index
      %swap3A_1914 = tpu.vector_load %arg5[%swap3A_1912, %swap3A_1913] {strides = array<i32>} : memref<8x4096xf32, #tpu.memory_space<vmem>>, vector<1x16xf32>,
      %swap3A_1915 = vector.shape_cast %swap3A_1914 : vector<1x16xf32> to vector<16xf32>
      %swap3A_1916 = vector.shape_cast %get3A_49 : vector<16xf32> to vector<1x16xf32>
      tpu.vector_store %arg5[%swap3A_1912, %swap3A_1913], %swap3A_1916 {strides = array<i32>} : memref<8x4096xf32, #tpu.memory_space<vmem>>, vector<1x16xf32>,
      %mul3A_1917 = arith.constant 16 : i32
      %mul3A_1918 = arith.muli %scan3A_1899, %mul3A_1917 : i32
      %swap3A_1919 = arith.constant 2 : i32
      %swap3A_1920 = arith.index_cast %swap3A_1919 : i32 to index
      %swap3A_1921 = arith.index_cast %mul3A_1918 : i32 to index
      %swap3A_1922 = tpu.vector_load %arg5[%swap3A_1920, %swap3A_1921] {strides = array<i32>} : memref<8x4096xf32, #tpu.memory_space<vmem>>, vector<1x16xf32>,
      %swap3A_1923 = vector.shape_cast %swap3A_1922 : vector<1x16xf32> to vector<16xf32>
      %swap3A_1924 = vector.shape_cast %get3A_49 : vector<16xf32> to vector<1x16xf32>
      tpu.vector_store %arg5[%swap3A_1920, %swap3A_1921], %swap3A_1924 {strides = array<i32>} : memref<8x4096xf32, #tpu.memory_space<vmem>>, vector<1x16xf32>,
      %mul3A_1925 = arith.constant 16 : i32
      %mul3A_1926 = arith.muli %scan3A_1899, %mul3A_1925 : i32
      %swap3A_1927 = arith.constant 3 : i32
      %swap3A_1928 = arith.index_cast %swap3A_1927 : i32 to index
      %swap3A_1929 = arith.index_cast %mul3A_1926 : i32 to index
      %swap3A_1930 = tpu.vector_load %arg5[%swap3A_1928, %swap3A_1929] {strides = array<i32>} : memref<8x4096xf32, #tpu.memory_space<vmem>>, vector<1x16xf32>,
      %swap3A_1931 = vector.shape_cast %swap3A_1930 : vector<1x16xf32> to vector<16xf32>
      %swap3A_1932 = vector.shape_cast %get3A_49 : vector<16xf32> to vector<1x16xf32>
      tpu.vector_store %arg5[%swap3A_1928, %swap3A_1929], %swap3A_1932 {strides = array<i32>} : memref<8x4096xf32, #tpu.memory_space<vmem>>, vector<1x16xf32>,
      %mul3A_1933 = arith.constant 16 : i32
      %mul3A_1934 = arith.muli %scan3A_1899, %mul3A_1933 : i32
      %swap3A_1935 = arith.constant 4 : i32
      %swap3A_1936 = arith.index_cast %swap3A_1935 : i32 to index
      %swap3A_1937 = arith.index_cast %mul3A_1934 : i32 to index
      %swap3A_1938 = tpu.vector_load %arg5[%swap3A_1936, %swap3A_1937] {strides = array<i32>} : memref<8x4096xf32, #tpu.memory_space<vmem>>, vector<1x16xf32>,
      %swap3A_1939 = vector.shape_cast %swap3A_1938 : vector<1x16xf32> to vector<16xf32>
      %swap3A_1940 = vector.shape_cast %get3A_49 : vector<16xf32> to vector<1x16xf32>
      tpu.vector_store %arg5[%swap3A_1936, %swap3A_1937], %swap3A_1940 {strides = array<i32>} : memref<8x4096xf32, #tpu.memory_space<vmem>>, vector<1x16xf32>,
      %mul3A_1941 = arith.constant 16 : i32
      %mul3A_1942 = arith.muli %scan3A_1899, %mul3A_1941 : i32
      %swap3A_1943 = arith.constant 5 : i32
      %swap3A_1944 = arith.index_cast %swap3A_1943 : i32 to index
      %swap3A_1945 = arith.index_cast %mul3A_1942 : i32 to index
      %swap3A_1946 = tpu.vector_load %arg5[%swap3A_1944, %swap3A_1945] {strides = array<i32>} : memref<8x4096xf32, #tpu.memory_space<vmem>>, vector<1x16xf32>,
      %swap3A_1947 = vector.shape_cast %swap3A_1946 : vector<1x16xf32> to vector<16xf32>
      %swap3A_1948 = vector.shape_cast %get3A_49 : vector<16xf32> to vector<1x16xf32>
      tpu.vector_store %arg5[%swap3A_1944, %swap3A_1945], %swap3A_1948 {strides = array<i32>} : memref<8x4096xf32, #tpu.memory_space<vmem>>, vector<1x16xf32>,
      %mul3A_1949 = arith.constant 16 : i32
      %mul3A_1950 = arith.muli %scan3A_1899, %mul3A_1949 : i32
      %swap3A_1951 = arith.constant 6 : i32
      %swap3A_1952 = arith.index_cast %swap3A_1951 : i32 to index
      %swap3A_1953 = arith.index_cast %mul3A_1950 : i32 to index
      %swap3A_1954 = tpu.vector_load %arg5[%swap3A_1952, %swap3A_1953] {strides = array<i32>} : memref<8x4096xf32, #tpu.memory_space<vmem>>, vector<1x16xf32>,
      %swap3A_1955 = vector.shape_cast %swap3A_1954 : vector<1x16xf32> to vector<16xf32>
      %swap3A_1956 = vector.shape_cast %get3A_49 : vector<16xf32> to vector<1x16xf32>
      tpu.vector_store %arg5[%swap3A_1952, %swap3A_1953], %swap3A_1956 {strides = array<i32>} : memref<8x4096xf32, #tpu.memory_space<vmem>>, vector<1x16xf32>,
      %mul3A_1957 = arith.constant 16 : i32
      %mul3A_1958 = arith.muli %scan3A_1899, %mul3A_1957 : i32
      %swap3A_1959 = arith.constant 7 : i32
      %swap3A_1960 = arith.index_cast %swap3A_1959 : i32 to index
      %swap3A_1961 = arith.index_cast %mul3A_1958 : i32 to index
      %swap3A_1962 = tpu.vector_load %arg5[%swap3A_1960, %swap3A_1961] {strides = array<i32>} : memref<8x4096xf32, #tpu.memory_space<vmem>>, vector<1x16xf32>,
      %swap3A_1963 = vector.shape_cast %swap3A_1962 : vector<1x16xf32> to vector<16xf32>
      %swap3A_1964 = vector.shape_cast %get3A_49 : vector<16xf32> to vector<1x16xf32>
      tpu.vector_store %arg5[%swap3A_1960, %swap3A_1961], %swap3A_1964 {strides = array<i32>} : memref<8x4096xf32, #tpu.memory_space<vmem>>, vector<1x16xf32>,
      %scan3A_1965 = arith.constant 0 : i32
      scf.yield %scan3A_1965 : i32
    }
    %scan3A_322 = arith.constant 65 : i32
    %scan3A_323 = arith.constant 0 : i32
    %scan3A_324 = arith.constant 0 : i32
    %scan3A_325 = arith.constant 63 : i32
    %scan3A_326 = arith.addi %scan3A_324, %scan3A_325 : i32
    %scan3A_327 = arith.constant 1 : i32
    %scan3A_328 = scf.for %scan3A_1899 = %scan3A_324 to %scan3A_326 step %scan3A_327 iter_args(%scan3A_1900 = %scan3A_323) -> (i32)  : i32 {
      %mul3A_1901 = arith.constant 16 : i32
      %mul3A_1902 = arith.muli %scan3A_1899, %mul3A_1901 : i32
      %add3A_1903 = arith.constant 3088 : i32
      %add3A_1904 = arith.addi %add3A_1903, %mul3A_1902 : i32
      %swap3A_1905 = arith.constant 0 : i32
      %swap3A_1906 = arith.index_cast %swap3A_1905 : i32 to index
      %swap3A_1907 = arith.index_cast %add3A_1904 : i32 to index
      %swap3A_1908 = tpu.vector_load %arg5[%swap3A_1906, %swap3A_1907] {strides = array<i32>} : memref<8x4096xf32, #tpu.memory_space<vmem>>, vector<1x16xf32>,
      %swap3A_1909 = vector.shape_cast %swap3A_1908 : vector<1x16xf32> to vector<16xf32>
      %swap3A_1910 = vector.shape_cast %get3A_52 : vector<16xf32> to vector<1x16xf32>
      tpu.vector_store %arg5[%swap3A_1906, %swap3A_1907], %swap3A_1910 {strides = array<i32>} : memref<8x4096xf32, #tpu.memory_space<vmem>>, vector<1x16xf32>,
      %mul3A_1911 = arith.constant 16 : i32
      %mul3A_1912 = arith.muli %scan3A_1899, %mul3A_1911 : i32
      %add3A_1913 = arith.constant 3088 : i32
      %add3A_1914 = arith.addi %add3A_1913, %mul3A_1912 : i32
      %swap3A_1915 = arith.constant 1 : i32
      %swap3A_1916 = arith.index_cast %swap3A_1915 : i32 to index
      %swap3A_1917 = arith.index_cast %add3A_1914 : i32 to index
      %swap3A_1918 = tpu.vector_load %arg5[%swap3A_1916, %swap3A_1917] {strides = array<i32>} : memref<8x4096xf32, #tpu.memory_space<vmem>>, vector<1x16xf32>,
      %swap3A_1919 = vector.shape_cast %swap3A_1918 : vector<1x16xf32> to vector<16xf32>
      %swap3A_1920 = vector.shape_cast %get3A_52 : vector<16xf32> to vector<1x16xf32>
      tpu.vector_store %arg5[%swap3A_1916, %swap3A_1917], %swap3A_1920 {strides = array<i32>} : memref<8x4096xf32, #tpu.memory_space<vmem>>, vector<1x16xf32>,
      %mul3A_1921 = arith.constant 16 : i32
      %mul3A_1922 = arith.muli %scan3A_1899, %mul3A_1921 : i32
      %add3A_1923 = arith.constant 3088 : i32
      %add3A_1924 = arith.addi %add3A_1923, %mul3A_1922 : i32
      %swap3A_1925 = arith.constant 2 : i32
      %swap3A_1926 = arith.index_cast %swap3A_1925 : i32 to index
      %swap3A_1927 = arith.index_cast %add3A_1924 : i32 to index
      %swap3A_1928 = tpu.vector_load %arg5[%swap3A_1926, %swap3A_1927] {strides = array<i32>} : memref<8x4096xf32, #tpu.memory_space<vmem>>, vector<1x16xf32>,
      %swap3A_1929 = vector.shape_cast %swap3A_1928 : vector<1x16xf32> to vector<16xf32>
      %swap3A_1930 = vector.shape_cast %get3A_52 : vector<16xf32> to vector<1x16xf32>
      tpu.vector_store %arg5[%swap3A_1926, %swap3A_1927], %swap3A_1930 {strides = array<i32>} : memref<8x4096xf32, #tpu.memory_space<vmem>>, vector<1x16xf32>,
      %mul3A_1931 = arith.constant 16 : i32
      %mul3A_1932 = arith.muli %scan3A_1899, %mul3A_1931 : i32
      %add3A_1933 = arith.constant 3088 : i32
      %add3A_1934 = arith.addi %add3A_1933, %mul3A_1932 : i32
      %swap3A_1935 = arith.constant 3 : i32
      %swap3A_1936 = arith.index_cast %swap3A_1935 : i32 to index
      %swap3A_1937 = arith.index_cast %add3A_1934 : i32 to index
      %swap3A_1938 = tpu.vector_load %arg5[%swap3A_1936, %swap3A_1937] {strides = array<i32>} : memref<8x4096xf32, #tpu.memory_space<vmem>>, vector<1x16xf32>,
      %swap3A_1939 = vector.shape_cast %swap3A_1938 : vector<1x16xf32> to vector<16xf32>
      %swap3A_1940 = vector.shape_cast %get3A_52 : vector<16xf32> to vector<1x16xf32>
      tpu.vector_store %arg5[%swap3A_1936, %swap3A_1937], %swap3A_1940 {strides = array<i32>} : memref<8x4096xf32, #tpu.memory_space<vmem>>, vector<1x16xf32>,
      %mul3A_1941 = arith.constant 16 : i32
      %mul3A_1942 = arith.muli %scan3A_1899, %mul3A_1941 : i32
      %add3A_1943 = arith.constant 3088 : i32
      %add3A_1944 = arith.addi %add3A_1943, %mul3A_1942 : i32
      %swap3A_1945 = arith.constant 4 : i32
      %swap3A_1946 = arith.index_cast %swap3A_1945 : i32 to index
      %swap3A_1947 = arith.index_cast %add3A_1944 : i32 to index
      %swap3A_1948 = tpu.vector_load %arg5[%swap3A_1946, %swap3A_1947] {strides = array<i32>} : memref<8x4096xf32, #tpu.memory_space<vmem>>, vector<1x16xf32>,
      %swap3A_1949 = vector.shape_cast %swap3A_1948 : vector<1x16xf32> to vector<16xf32>
      %swap3A_1950 = vector.shape_cast %get3A_52 : vector<16xf32> to vector<1x16xf32>
      tpu.vector_store %arg5[%swap3A_1946, %swap3A_1947], %swap3A_1950 {strides = array<i32>} : memref<8x4096xf32, #tpu.memory_space<vmem>>, vector<1x16xf32>,
      %mul3A_1951 = arith.constant 16 : i32
      %mul3A_1952 = arith.muli %scan3A_1899, %mul3A_1951 : i32
      %add3A_1953 = arith.constant 3088 : i32
      %add3A_1954 = arith.addi %add3A_1953, %mul3A_1952 : i32
      %swap3A_1955 = arith.constant 5 : i32
      %swap3A_1956 = arith.index_cast %swap3A_1955 : i32 to index
      %swap3A_1957 = arith.index_cast %add3A_1954 : i32 to index
      %swap3A_1958 = tpu.vector_load %arg5[%swap3A_1956, %swap3A_1957] {strides = array<i32>} : memref<8x4096xf32, #tpu.memory_space<vmem>>, vector<1x16xf32>,
      %swap3A_1959 = vector.shape_cast %swap3A_1958 : vector<1x16xf32> to vector<16xf32>
      %swap3A_1960 = vector.shape_cast %get3A_52 : vector<16xf32> to vector<1x16xf32>
      tpu.vector_store %arg5[%swap3A_1956, %swap3A_1957], %swap3A_1960 {strides = array<i32>} : memref<8x4096xf32, #tpu.memory_space<vmem>>, vector<1x16xf32>,
      %mul3A_1961 = arith.constant 16 : i32
      %mul3A_1962 = arith.muli %scan3A_1899, %mul3A_1961 : i32
      %add3A_1963 = arith.constant 3088 : i32
      %add3A_1964 = arith.addi %add3A_1963, %mul3A_1962 : i32
      %swap3A_1965 = arith.constant 6 : i32
      %swap3A_1966 = arith.index_cast %swap3A_1965 : i32 to index
      %swap3A_1967 = arith.index_cast %add3A_1964 : i32 to index
      %swap3A_1968 = tpu.vector_load %arg5[%swap3A_1966, %swap3A_1967] {strides = array<i32>} : memref<8x4096xf32, #tpu.memory_space<vmem>>, vector<1x16xf32>,
      %swap3A_1969 = vector.shape_cast %swap3A_1968 : vector<1x16xf32> to vector<16xf32>
      %swap3A_1970 = vector.shape_cast %get3A_52 : vector<16xf32> to vector<1x16xf32>
      tpu.vector_store %arg5[%swap3A_1966, %swap3A_1967], %swap3A_1970 {strides = array<i32>} : memref<8x4096xf32, #tpu.memory_space<vmem>>, vector<1x16xf32>,
      %mul3A_1971 = arith.constant 16 : i32
      %mul3A_1972 = arith.muli %scan3A_1899, %mul3A_1971 : i32
      %add3A_1973 = arith.constant 3088 : i32
      %add3A_1974 = arith.addi %add3A_1973, %mul3A_1972 : i32
      %swap3A_1975 = arith.constant 7 : i32
      %swap3A_1976 = arith.index_cast %swap3A_1975 : i32 to index
      %swap3A_1977 = arith.index_cast %add3A_1974 : i32 to index
      %swap3A_1978 = tpu.vector_load %arg5[%swap3A_1976, %swap3A_1977] {strides = array<i32>} : memref<8x4096xf32, #tpu.memory_space<vmem>>, vector<1x16xf32>,
      %swap3A_1979 = vector.shape_cast %swap3A_1978 : vector<1x16xf32> to vector<16xf32>
      %swap3A_1980 = vector.shape_cast %get3A_52 : vector<16xf32> to vector<1x16xf32>
      tpu.vector_store %arg5[%swap3A_1976, %swap3A_1977], %swap3A_1980 {strides = array<i32>} : memref<8x4096xf32, #tpu.memory_space<vmem>>, vector<1x16xf32>,
      %scan3A_1981 = arith.constant 0 : i32
      scf.yield %scan3A_1981 : i32
    }
    %scan3A_329 = arith.constant 63 : i32
    %dma_wait3A_330 = arith.constant 0 : i32
    %dma_wait3A_331 = arith.constant 0 : i32
    %dma_wait3A_332 = tpu.memref_slice %arg5[%dma_wait3A_330, %dma_wait3A_331] : memref<8x4096xf32, #tpu.memory_space<vmem>> -> memref<1x128xf32, #tpu.memory_space<vmem>>
    %dma_wait3A_333 = tpu.memref_squeeze %dma_wait3A_332 : memref<1x128xf32, #tpu.memory_space<vmem>> -> memref<128xf32, #tpu.memory_space<vmem>>
    %dma_wait3A_334 = arith.constant 0 : i32
    %dma_wait3A_335 = tpu.memref_slice %arg2[%dma_wait3A_334] : memref<32000xf32, #tpu.memory_space<hbm>> -> memref<128xf32, #tpu.memory_space<hbm>>
    %dma_wait3A_336 = arith.constant 0 : i32
    %dma_wait3A_337 = tpu.memref_slice %arg5[%dma_wait3A_330, %dma_wait3A_336] : memref<8x4096xf32, #tpu.memory_space<vmem>> -> memref<1x128xf32, #tpu.memory_space<vmem>>
    %dma_wait3A_338 = tpu.memref_squeeze %dma_wait3A_337 : memref<1x128xf32, #tpu.memory_space<vmem>> -> memref<128xf32, #tpu.memory_space<vmem>>
    %dma_wait3A_339 = arith.constant 0 : i32
    %dma_wait3A_340 = tpu.memref_slice %arg2[%dma_wait3A_339] : memref<32000xf32, #tpu.memory_space<hbm>> -> memref<128xf32, #tpu.memory_space<hbm>>
    tpu.wait_dma2 semaphore(%arg7 : memref<!tpu.dma_semaphore, #tpu.memory_space<semaphore_mem>>) src(%dma_wait3A_340 : memref<128xf32, #tpu.memory_space<hbm>>) dst(%dma_wait3A_338 : memref<128xf32, #tpu.memory_space<vmem>>)
    %dma_wait3A_341 = arith.constant 0 : i32
    %dma_wait3A_342 = arith.constant 0 : i32
    %dma_wait3A_343 = tpu.memref_slice %arg5[%dma_wait3A_341, %dma_wait3A_342] : memref<8x4096xf32, #tpu.memory_space<vmem>> -> memref<1x128xf32, #tpu.memory_space<vmem>>
    %dma_wait3A_344 = tpu.memref_squeeze %dma_wait3A_343 : memref<1x128xf32, #tpu.memory_space<vmem>> -> memref<128xf32, #tpu.memory_space<vmem>>
    %dma_wait3A_345 = arith.constant 0 : i32
    %dma_wait3A_346 = tpu.memref_slice %arg2[%dma_wait3A_345] : memref<32000xf32, #tpu.memory_space<hbm>> -> memref<128xf32, #tpu.memory_space<hbm>>
    %dma_wait3A_347 = arith.constant 0 : i32
    %dma_wait3A_348 = tpu.memref_slice %arg5[%dma_wait3A_341, %dma_wait3A_347] : memref<8x4096xf32, #tpu.memory_space<vmem>> -> memref<1x128xf32, #tpu.memory_space<vmem>>
    %dma_wait3A_349 = tpu.memref_squeeze %dma_wait3A_348 : memref<1x128xf32, #tpu.memory_space<vmem>> -> memref<128xf32, #tpu.memory_space<vmem>>
    %dma_wait3A_350 = arith.constant 0 : i32
    %dma_wait3A_351 = tpu.memref_slice %arg2[%dma_wait3A_350] : memref<32000xf32, #tpu.memory_space<hbm>> -> memref<128xf32, #tpu.memory_space<hbm>>
    tpu.wait_dma2 semaphore(%arg7 : memref<!tpu.dma_semaphore, #tpu.memory_space<semaphore_mem>>) src(%dma_wait3A_351 : memref<128xf32, #tpu.memory_space<hbm>>) dst(%dma_wait3A_349 : memref<128xf32, #tpu.memory_space<vmem>>)
    %dma_wait3A_352 = arith.constant 0 : i32
    %dma_wait3A_353 = arith.constant 0 : i32
    %dma_wait3A_354 = tpu.memref_slice %arg5[%dma_wait3A_352, %dma_wait3A_353] : memref<8x4096xf32, #tpu.memory_space<vmem>> -> memref<1x128xf32, #tpu.memory_space<vmem>>
    %dma_wait3A_355 = tpu.memref_squeeze %dma_wait3A_354 : memref<1x128xf32, #tpu.memory_space<vmem>> -> memref<128xf32, #tpu.memory_space<vmem>>
    %dma_wait3A_356 = arith.constant 0 : i32
    %dma_wait3A_357 = tpu.memref_slice %arg2[%dma_wait3A_356] : memref<32000xf32, #tpu.memory_space<hbm>> -> memref<128xf32, #tpu.memory_space<hbm>>
    %dma_wait3A_358 = arith.constant 0 : i32
    %dma_wait3A_359 = tpu.memref_slice %arg5[%dma_wait3A_352, %dma_wait3A_358] : memref<8x4096xf32, #tpu.memory_space<vmem>> -> memref<1x128xf32, #tpu.memory_space<vmem>>
    %dma_wait3A_360 = tpu.memref_squeeze %dma_wait3A_359 : memref<1x128xf32, #tpu.memory_space<vmem>> -> memref<128xf32, #tpu.memory_space<vmem>>
    %dma_wait3A_361 = arith.constant 0 : i32
    %dma_wait3A_362 = tpu.memref_slice %arg2[%dma_wait3A_361] : memref<32000xf32, #tpu.memory_space<hbm>> -> memref<128xf32, #tpu.memory_space<hbm>>
    tpu.wait_dma2 semaphore(%arg7 : memref<!tpu.dma_semaphore, #tpu.memory_space<semaphore_mem>>) src(%dma_wait3A_362 : memref<128xf32, #tpu.memory_space<hbm>>) dst(%dma_wait3A_360 : memref<128xf32, #tpu.memory_space<vmem>>)
    %dma_wait3A_363 = arith.constant 0 : i32
    %dma_wait3A_364 = arith.constant 0 : i32
    %dma_wait3A_365 = tpu.memref_slice %arg5[%dma_wait3A_363, %dma_wait3A_364] : memref<8x4096xf32, #tpu.memory_space<vmem>> -> memref<1x128xf32, #tpu.memory_space<vmem>>
    %dma_wait3A_366 = tpu.memref_squeeze %dma_wait3A_365 : memref<1x128xf32, #tpu.memory_space<vmem>> -> memref<128xf32, #tpu.memory_space<vmem>>
    %dma_wait3A_367 = arith.constant 0 : i32
    %dma_wait3A_368 = tpu.memref_slice %arg2[%dma_wait3A_367] : memref<32000xf32, #tpu.memory_space<hbm>> -> memref<128xf32, #tpu.memory_space<hbm>>
    %dma_wait3A_369 = arith.constant 0 : i32
    %dma_wait3A_370 = tpu.memref_slice %arg5[%dma_wait3A_363, %dma_wait3A_369] : memref<8x4096xf32, #tpu.memory_space<vmem>> -> memref<1x128xf32, #tpu.memory_space<vmem>>
    %dma_wait3A_371 = tpu.memref_squeeze %dma_wait3A_370 : memref<1x128xf32, #tpu.memory_space<vmem>> -> memref<128xf32, #tpu.memory_space<vmem>>
    %dma_wait3A_372 = arith.constant 0 : i32
    %dma_wait3A_373 = tpu.memref_slice %arg2[%dma_wait3A_372] : memref<32000xf32, #tpu.memory_space<hbm>> -> memref<128xf32, #tpu.memory_space<hbm>>
    tpu.wait_dma2 semaphore(%arg7 : memref<!tpu.dma_semaphore, #tpu.memory_space<semaphore_mem>>) src(%dma_wait3A_373 : memref<128xf32, #tpu.memory_space<hbm>>) dst(%dma_wait3A_371 : memref<128xf32, #tpu.memory_space<vmem>>)
    %dma_wait3A_374 = arith.constant 0 : i32
    %dma_wait3A_375 = arith.constant 0 : i32
    %dma_wait3A_376 = tpu.memref_slice %arg5[%dma_wait3A_374, %dma_wait3A_375] : memref<8x4096xf32, #tpu.memory_space<vmem>> -> memref<1x128xf32, #tpu.memory_space<vmem>>
    %dma_wait3A_377 = tpu.memref_squeeze %dma_wait3A_376 : memref<1x128xf32, #tpu.memory_space<vmem>> -> memref<128xf32, #tpu.memory_space<vmem>>
    %dma_wait3A_378 = arith.constant 0 : i32
    %dma_wait3A_379 = tpu.memref_slice %arg2[%dma_wait3A_378] : memref<32000xf32, #tpu.memory_space<hbm>> -> memref<128xf32, #tpu.memory_space<hbm>>
    %dma_wait3A_380 = arith.constant 0 : i32
    %dma_wait3A_381 = tpu.memref_slice %arg5[%dma_wait3A_374, %dma_wait3A_380] : memref<8x4096xf32, #tpu.memory_space<vmem>> -> memref<1x128xf32, #tpu.memory_space<vmem>>
    %dma_wait3A_382 = tpu.memref_squeeze %dma_wait3A_381 : memref<1x128xf32, #tpu.memory_space<vmem>> -> memref<128xf32, #tpu.memory_space<vmem>>
    %dma_wait3A_383 = arith.constant 0 : i32
    %dma_wait3A_384 = tpu.memref_slice %arg2[%dma_wait3A_383] : memref<32000xf32, #tpu.memory_space<hbm>> -> memref<128xf32, #tpu.memory_space<hbm>>
    tpu.wait_dma2 semaphore(%arg7 : memref<!tpu.dma_semaphore, #tpu.memory_space<semaphore_mem>>) src(%dma_wait3A_384 : memref<128xf32, #tpu.memory_space<hbm>>) dst(%dma_wait3A_382 : memref<128xf32, #tpu.memory_space<vmem>>)
    %dma_wait3A_385 = arith.constant 0 : i32
    %dma_wait3A_386 = arith.constant 0 : i32
    %dma_wait3A_387 = tpu.memref_slice %arg5[%dma_wait3A_385, %dma_wait3A_386] : memref<8x4096xf32, #tpu.memory_space<vmem>> -> memref<1x128xf32, #tpu.memory_space<vmem>>
    %dma_wait3A_388 = tpu.memref_squeeze %dma_wait3A_387 : memref<1x128xf32, #tpu.memory_space<vmem>> -> memref<128xf32, #tpu.memory_space<vmem>>
    %dma_wait3A_389 = arith.constant 0 : i32
    %dma_wait3A_390 = tpu.memref_slice %arg2[%dma_wait3A_389] : memref<32000xf32, #tpu.memory_space<hbm>> -> memref<128xf32, #tpu.memory_space<hbm>>
    %dma_wait3A_391 = arith.constant 0 : i32
    %dma_wait3A_392 = tpu.memref_slice %arg5[%dma_wait3A_385, %dma_wait3A_391] : memref<8x4096xf32, #tpu.memory_space<vmem>> -> memref<1x128xf32, #tpu.memory_space<vmem>>
    %dma_wait3A_393 = tpu.memref_squeeze %dma_wait3A_392 : memref<1x128xf32, #tpu.memory_space<vmem>> -> memref<128xf32, #tpu.memory_space<vmem>>
    %dma_wait3A_394 = arith.constant 0 : i32
    %dma_wait3A_395 = tpu.memref_slice %arg2[%dma_wait3A_394] : memref<32000xf32, #tpu.memory_space<hbm>> -> memref<128xf32, #tpu.memory_space<hbm>>
    tpu.wait_dma2 semaphore(%arg7 : memref<!tpu.dma_semaphore, #tpu.memory_space<semaphore_mem>>) src(%dma_wait3A_395 : memref<128xf32, #tpu.memory_space<hbm>>) dst(%dma_wait3A_393 : memref<128xf32, #tpu.memory_space<vmem>>)
    %dma_wait3A_396 = arith.constant 0 : i32
    %dma_wait3A_397 = arith.constant 0 : i32
    %dma_wait3A_398 = tpu.memref_slice %arg5[%dma_wait3A_396, %dma_wait3A_397] : memref<8x4096xf32, #tpu.memory_space<vmem>> -> memref<1x128xf32, #tpu.memory_space<vmem>>
    %dma_wait3A_399 = tpu.memref_squeeze %dma_wait3A_398 : memref<1x128xf32, #tpu.memory_space<vmem>> -> memref<128xf32, #tpu.memory_space<vmem>>
    %dma_wait3A_400 = arith.constant 0 : i32
    %dma_wait3A_401 = tpu.memref_slice %arg2[%dma_wait3A_400] : memref<32000xf32, #tpu.memory_space<hbm>> -> memref<128xf32, #tpu.memory_space<hbm>>
    %dma_wait3A_402 = arith.constant 0 : i32
    %dma_wait3A_403 = tpu.memref_slice %arg5[%dma_wait3A_396, %dma_wait3A_402] : memref<8x4096xf32, #tpu.memory_space<vmem>> -> memref<1x128xf32, #tpu.memory_space<vmem>>
    %dma_wait3A_404 = tpu.memref_squeeze %dma_wait3A_403 : memref<1x128xf32, #tpu.memory_space<vmem>> -> memref<128xf32, #tpu.memory_space<vmem>>
    %dma_wait3A_405 = arith.constant 0 : i32
    %dma_wait3A_406 = tpu.memref_slice %arg2[%dma_wait3A_405] : memref<32000xf32, #tpu.memory_space<hbm>> -> memref<128xf32, #tpu.memory_space<hbm>>
    tpu.wait_dma2 semaphore(%arg7 : memref<!tpu.dma_semaphore, #tpu.memory_space<semaphore_mem>>) src(%dma_wait3A_406 : memref<128xf32, #tpu.memory_space<hbm>>) dst(%dma_wait3A_404 : memref<128xf32, #tpu.memory_space<vmem>>)
    %dma_wait3A_407 = arith.constant 0 : i32
    %dma_wait3A_408 = arith.constant 0 : i32
    %dma_wait3A_409 = tpu.memref_slice %arg5[%dma_wait3A_407, %dma_wait3A_408] : memref<8x4096xf32, #tpu.memory_space<vmem>> -> memref<1x128xf32, #tpu.memory_space<vmem>>
    %dma_wait3A_410 = tpu.memref_squeeze %dma_wait3A_409 : memref<1x128xf32, #tpu.memory_space<vmem>> -> memref<128xf32, #tpu.memory_space<vmem>>
    %dma_wait3A_411 = arith.constant 0 : i32
    %dma_wait3A_412 = tpu.memref_slice %arg2[%dma_wait3A_411] : memref<32000xf32, #tpu.memory_space<hbm>> -> memref<128xf32, #tpu.memory_space<hbm>>
    %dma_wait3A_413 = arith.constant 0 : i32
    %dma_wait3A_414 = tpu.memref_slice %arg5[%dma_wait3A_407, %dma_wait3A_413] : memref<8x4096xf32, #tpu.memory_space<vmem>> -> memref<1x128xf32, #tpu.memory_space<vmem>>
    %dma_wait3A_415 = tpu.memref_squeeze %dma_wait3A_414 : memref<1x128xf32, #tpu.memory_space<vmem>> -> memref<128xf32, #tpu.memory_space<vmem>>
    %dma_wait3A_416 = arith.constant 0 : i32
    %dma_wait3A_417 = tpu.memref_slice %arg2[%dma_wait3A_416] : memref<32000xf32, #tpu.memory_space<hbm>> -> memref<128xf32, #tpu.memory_space<hbm>>
    tpu.wait_dma2 semaphore(%arg7 : memref<!tpu.dma_semaphore, #tpu.memory_space<semaphore_mem>>) src(%dma_wait3A_417 : memref<128xf32, #tpu.memory_space<hbm>>) dst(%dma_wait3A_415 : memref<128xf32, #tpu.memory_space<vmem>>)
    %dma_wait3A_418 = arith.constant 0 : i32
    %dma_wait3A_419 = arith.constant 0 : i32
    %dma_wait3A_420 = tpu.memref_slice %arg5[%dma_wait3A_418, %dma_wait3A_419] : memref<8x4096xf32, #tpu.memory_space<vmem>> -> memref<1x128xf32, #tpu.memory_space<vmem>>
    %dma_wait3A_421 = tpu.memref_squeeze %dma_wait3A_420 : memref<1x128xf32, #tpu.memory_space<vmem>> -> memref<128xf32, #tpu.memory_space<vmem>>
    %dma_wait3A_422 = arith.constant 0 : i32
    %dma_wait3A_423 = tpu.memref_slice %arg2[%dma_wait3A_422] : memref<32000xf32, #tpu.memory_space<hbm>> -> memref<128xf32, #tpu.memory_space<hbm>>
    %dma_wait3A_424 = arith.constant 0 : i32
    %dma_wait3A_425 = tpu.memref_slice %arg5[%dma_wait3A_418, %dma_wait3A_424] : memref<8x4096xf32, #tpu.memory_space<vmem>> -> memref<1x128xf32, #tpu.memory_space<vmem>>
    %dma_wait3A_426 = tpu.memref_squeeze %dma_wait3A_425 : memref<1x128xf32, #tpu.memory_space<vmem>> -> memref<128xf32, #tpu.memory_space<vmem>>
    %dma_wait3A_427 = arith.constant 0 : i32
    %dma_wait3A_428 = tpu.memref_slice %arg2[%dma_wait3A_427] : memref<32000xf32, #tpu.memory_space<hbm>> -> memref<128xf32, #tpu.memory_space<hbm>>
    tpu.wait_dma2 semaphore(%arg7 : memref<!tpu.dma_semaphore, #tpu.memory_space<semaphore_mem>>) src(%dma_wait3A_428 : memref<128xf32, #tpu.memory_space<hbm>>) dst(%dma_wait3A_426 : memref<128xf32, #tpu.memory_space<vmem>>)
    %dma_wait3A_429 = arith.constant 0 : i32
    %dma_wait3A_430 = arith.constant 0 : i32
    %dma_wait3A_431 = tpu.memref_slice %arg5[%dma_wait3A_429, %dma_wait3A_430] : memref<8x4096xf32, #tpu.memory_space<vmem>> -> memref<1x128xf32, #tpu.memory_space<vmem>>
    %dma_wait3A_432 = tpu.memref_squeeze %dma_wait3A_431 : memref<1x128xf32, #tpu.memory_space<vmem>> -> memref<128xf32, #tpu.memory_space<vmem>>
    %dma_wait3A_433 = arith.constant 0 : i32
    %dma_wait3A_434 = tpu.memref_slice %arg2[%dma_wait3A_433] : memref<32000xf32, #tpu.memory_space<hbm>> -> memref<128xf32, #tpu.memory_space<hbm>>
    %dma_wait3A_435 = arith.constant 0 : i32
    %dma_wait3A_436 = tpu.memref_slice %arg5[%dma_wait3A_429, %dma_wait3A_435] : memref<8x4096xf32, #tpu.memory_space<vmem>> -> memref<1x128xf32, #tpu.memory_space<vmem>>
    %dma_wait3A_437 = tpu.memref_squeeze %dma_wait3A_436 : memref<1x128xf32, #tpu.memory_space<vmem>> -> memref<128xf32, #tpu.memory_space<vmem>>
    %dma_wait3A_438 = arith.constant 0 : i32
    %dma_wait3A_439 = tpu.memref_slice %arg2[%dma_wait3A_438] : memref<32000xf32, #tpu.memory_space<hbm>> -> memref<128xf32, #tpu.memory_space<hbm>>
    tpu.wait_dma2 semaphore(%arg7 : memref<!tpu.dma_semaphore, #tpu.memory_space<semaphore_mem>>) src(%dma_wait3A_439 : memref<128xf32, #tpu.memory_space<hbm>>) dst(%dma_wait3A_437 : memref<128xf32, #tpu.memory_space<vmem>>)
    %dma_wait3A_440 = arith.constant 0 : i32
    %dma_wait3A_441 = arith.constant 0 : i32
    %dma_wait3A_442 = tpu.memref_slice %arg5[%dma_wait3A_440, %dma_wait3A_441] : memref<8x4096xf32, #tpu.memory_space<vmem>> -> memref<1x128xf32, #tpu.memory_space<vmem>>
    %dma_wait3A_443 = tpu.memref_squeeze %dma_wait3A_442 : memref<1x128xf32, #tpu.memory_space<vmem>> -> memref<128xf32, #tpu.memory_space<vmem>>
    %dma_wait3A_444 = arith.constant 0 : i32
    %dma_wait3A_445 = tpu.memref_slice %arg2[%dma_wait3A_444] : memref<32000xf32, #tpu.memory_space<hbm>> -> memref<128xf32, #tpu.memory_space<hbm>>
    %dma_wait3A_446 = arith.constant 0 : i32
    %dma_wait3A_447 = tpu.memref_slice %arg5[%dma_wait3A_440, %dma_wait3A_446] : memref<8x4096xf32, #tpu.memory_space<vmem>> -> memref<1x128xf32, #tpu.memory_space<vmem>>
    %dma_wait3A_448 = tpu.memref_squeeze %dma_wait3A_447 : memref<1x128xf32, #tpu.memory_space<vmem>> -> memref<128xf32, #tpu.memory_space<vmem>>
    %dma_wait3A_449 = arith.constant 0 : i32
    %dma_wait3A_450 = tpu.memref_slice %arg2[%dma_wait3A_449] : memref<32000xf32, #tpu.memory_space<hbm>> -> memref<128xf32, #tpu.memory_space<hbm>>
    tpu.wait_dma2 semaphore(%arg7 : memref<!tpu.dma_semaphore, #tpu.memory_space<semaphore_mem>>) src(%dma_wait3A_450 : memref<128xf32, #tpu.memory_space<hbm>>) dst(%dma_wait3A_448 : memref<128xf32, #tpu.memory_space<vmem>>)
    %dma_wait3A_451 = arith.constant 0 : i32
    %dma_wait3A_452 = arith.constant 0 : i32
    %dma_wait3A_453 = tpu.memref_slice %arg5[%dma_wait3A_451, %dma_wait3A_452] : memref<8x4096xf32, #tpu.memory_space<vmem>> -> memref<1x128xf32, #tpu.memory_space<vmem>>
    %dma_wait3A_454 = tpu.memref_squeeze %dma_wait3A_453 : memref<1x128xf32, #tpu.memory_space<vmem>> -> memref<128xf32, #tpu.memory_space<vmem>>
    %dma_wait3A_455 = arith.constant 0 : i32
    %dma_wait3A_456 = tpu.memref_slice %arg2[%dma_wait3A_455] : memref<32000xf32, #tpu.memory_space<hbm>> -> memref<128xf32, #tpu.memory_space<hbm>>
    %dma_wait3A_457 = arith.constant 0 : i32
    %dma_wait3A_458 = tpu.memref_slice %arg5[%dma_wait3A_451, %dma_wait3A_457] : memref<8x4096xf32, #tpu.memory_space<vmem>> -> memref<1x128xf32, #tpu.memory_space<vmem>>
    %dma_wait3A_459 = tpu.memref_squeeze %dma_wait3A_458 : memref<1x128xf32, #tpu.memory_space<vmem>> -> memref<128xf32, #tpu.memory_space<vmem>>
    %dma_wait3A_460 = arith.constant 0 : i32
    %dma_wait3A_461 = tpu.memref_slice %arg2[%dma_wait3A_460] : memref<32000xf32, #tpu.memory_space<hbm>> -> memref<128xf32, #tpu.memory_space<hbm>>
    tpu.wait_dma2 semaphore(%arg7 : memref<!tpu.dma_semaphore, #tpu.memory_space<semaphore_mem>>) src(%dma_wait3A_461 : memref<128xf32, #tpu.memory_space<hbm>>) dst(%dma_wait3A_459 : memref<128xf32, #tpu.memory_space<vmem>>)
    %dma_wait3A_462 = arith.constant 0 : i32
    %dma_wait3A_463 = arith.constant 0 : i32
    %dma_wait3A_464 = tpu.memref_slice %arg5[%dma_wait3A_462, %dma_wait3A_463] : memref<8x4096xf32, #tpu.memory_space<vmem>> -> memref<1x128xf32, #tpu.memory_space<vmem>>
    %dma_wait3A_465 = tpu.memref_squeeze %dma_wait3A_464 : memref<1x128xf32, #tpu.memory_space<vmem>> -> memref<128xf32, #tpu.memory_space<vmem>>
    %dma_wait3A_466 = arith.constant 0 : i32
    %dma_wait3A_467 = tpu.memref_slice %arg2[%dma_wait3A_466] : memref<32000xf32, #tpu.memory_space<hbm>> -> memref<128xf32, #tpu.memory_space<hbm>>
    %dma_wait3A_468 = arith.constant 0 : i32
    %dma_wait3A_469 = tpu.memref_slice %arg5[%dma_wait3A_462, %dma_wait3A_468] : memref<8x4096xf32, #tpu.memory_space<vmem>> -> memref<1x128xf32, #tpu.memory_space<vmem>>
    %dma_wait3A_470 = tpu.memref_squeeze %dma_wait3A_469 : memref<1x128xf32, #tpu.memory_space<vmem>> -> memref<128xf32, #tpu.memory_space<vmem>>
    %dma_wait3A_471 = arith.constant 0 : i32
    %dma_wait3A_472 = tpu.memref_slice %arg2[%dma_wait3A_471] : memref<32000xf32, #tpu.memory_space<hbm>> -> memref<128xf32, #tpu.memory_space<hbm>>
    tpu.wait_dma2 semaphore(%arg7 : memref<!tpu.dma_semaphore, #tpu.memory_space<semaphore_mem>>) src(%dma_wait3A_472 : memref<128xf32, #tpu.memory_space<hbm>>) dst(%dma_wait3A_470 : memref<128xf32, #tpu.memory_space<vmem>>)
    %dma_wait3A_473 = arith.constant 0 : i32
    %dma_wait3A_474 = arith.constant 0 : i32
    %dma_wait3A_475 = tpu.memref_slice %arg5[%dma_wait3A_473, %dma_wait3A_474] : memref<8x4096xf32, #tpu.memory_space<vmem>> -> memref<1x128xf32, #tpu.memory_space<vmem>>
    %dma_wait3A_476 = tpu.memref_squeeze %dma_wait3A_475 : memref<1x128xf32, #tpu.memory_space<vmem>> -> memref<128xf32, #tpu.memory_space<vmem>>
    %dma_wait3A_477 = arith.constant 0 : i32
    %dma_wait3A_478 = tpu.memref_slice %arg2[%dma_wait3A_477] : memref<32000xf32, #tpu.memory_space<hbm>> -> memref<128xf32, #tpu.memory_space<hbm>>
    %dma_wait3A_479 = arith.constant 0 : i32
    %dma_wait3A_480 = tpu.memref_slice %arg5[%dma_wait3A_473, %dma_wait3A_479] : memref<8x4096xf32, #tpu.memory_space<vmem>> -> memref<1x128xf32, #tpu.memory_space<vmem>>
    %dma_wait3A_481 = tpu.memref_squeeze %dma_wait3A_480 : memref<1x128xf32, #tpu.memory_space<vmem>> -> memref<128xf32, #tpu.memory_space<vmem>>
    %dma_wait3A_482 = arith.constant 0 : i32
    %dma_wait3A_483 = tpu.memref_slice %arg2[%dma_wait3A_482] : memref<32000xf32, #tpu.memory_space<hbm>> -> memref<128xf32, #tpu.memory_space<hbm>>
    tpu.wait_dma2 semaphore(%arg7 : memref<!tpu.dma_semaphore, #tpu.memory_space<semaphore_mem>>) src(%dma_wait3A_483 : memref<128xf32, #tpu.memory_space<hbm>>) dst(%dma_wait3A_481 : memref<128xf32, #tpu.memory_space<vmem>>)
    %dma_wait3A_484 = arith.constant 0 : i32
    %dma_wait3A_485 = arith.constant 0 : i32
    %dma_wait3A_486 = tpu.memref_slice %arg5[%dma_wait3A_484, %dma_wait3A_485] : memref<8x4096xf32, #tpu.memory_space<vmem>> -> memref<1x128xf32, #tpu.memory_space<vmem>>
    %dma_wait3A_487 = tpu.memref_squeeze %dma_wait3A_486 : memref<1x128xf32, #tpu.memory_space<vmem>> -> memref<128xf32, #tpu.memory_space<vmem>>
    %dma_wait3A_488 = arith.constant 0 : i32
    %dma_wait3A_489 = tpu.memref_slice %arg2[%dma_wait3A_488] : memref<32000xf32, #tpu.memory_space<hbm>> -> memref<128xf32, #tpu.memory_space<hbm>>
    %dma_wait3A_490 = arith.constant 0 : i32
    %dma_wait3A_491 = tpu.memref_slice %arg5[%dma_wait3A_484, %dma_wait3A_490] : memref<8x4096xf32, #tpu.memory_space<vmem>> -> memref<1x128xf32, #tpu.memory_space<vmem>>
    %dma_wait3A_492 = tpu.memref_squeeze %dma_wait3A_491 : memref<1x128xf32, #tpu.memory_space<vmem>> -> memref<128xf32, #tpu.memory_space<vmem>>
    %dma_wait3A_493 = arith.constant 0 : i32
    %dma_wait3A_494 = tpu.memref_slice %arg2[%dma_wait3A_493] : memref<32000xf32, #tpu.memory_space<hbm>> -> memref<128xf32, #tpu.memory_space<hbm>>
    tpu.wait_dma2 semaphore(%arg7 : memref<!tpu.dma_semaphore, #tpu.memory_space<semaphore_mem>>) src(%dma_wait3A_494 : memref<128xf32, #tpu.memory_space<hbm>>) dst(%dma_wait3A_492 : memref<128xf32, #tpu.memory_space<vmem>>)
    %dma_wait3A_495 = arith.constant 0 : i32
    %dma_wait3A_496 = arith.constant 0 : i32
    %dma_wait3A_497 = tpu.memref_slice %arg5[%dma_wait3A_495, %dma_wait3A_496] : memref<8x4096xf32, #tpu.memory_space<vmem>> -> memref<1x128xf32, #tpu.memory_space<vmem>>
    %dma_wait3A_498 = tpu.memref_squeeze %dma_wait3A_497 : memref<1x128xf32, #tpu.memory_space<vmem>> -> memref<128xf32, #tpu.memory_space<vmem>>
    %dma_wait3A_499 = arith.constant 0 : i32
    %dma_wait3A_500 = tpu.memref_slice %arg2[%dma_wait3A_499] : memref<32000xf32, #tpu.memory_space<hbm>> -> memref<128xf32, #tpu.memory_space<hbm>>
    %dma_wait3A_501 = arith.constant 0 : i32
    %dma_wait3A_502 = tpu.memref_slice %arg5[%dma_wait3A_495, %dma_wait3A_501] : memref<8x4096xf32, #tpu.memory_space<vmem>> -> memref<1x128xf32, #tpu.memory_space<vmem>>
    %dma_wait3A_503 = tpu.memref_squeeze %dma_wait3A_502 : memref<1x128xf32, #tpu.memory_space<vmem>> -> memref<128xf32, #tpu.memory_space<vmem>>
    %dma_wait3A_504 = arith.constant 0 : i32
    %dma_wait3A_505 = tpu.memref_slice %arg2[%dma_wait3A_504] : memref<32000xf32, #tpu.memory_space<hbm>> -> memref<128xf32, #tpu.memory_space<hbm>>
    tpu.wait_dma2 semaphore(%arg7 : memref<!tpu.dma_semaphore, #tpu.memory_space<semaphore_mem>>) src(%dma_wait3A_505 : memref<128xf32, #tpu.memory_space<hbm>>) dst(%dma_wait3A_503 : memref<128xf32, #tpu.memory_space<vmem>>)
    %dma_wait3A_506 = arith.constant 0 : i32
    %dma_wait3A_507 = arith.constant 0 : i32
    %dma_wait3A_508 = tpu.memref_slice %arg5[%dma_wait3A_506, %dma_wait3A_507] : memref<8x4096xf32, #tpu.memory_space<vmem>> -> memref<1x128xf32, #tpu.memory_space<vmem>>
    %dma_wait3A_509 = tpu.memref_squeeze %dma_wait3A_508 : memref<1x128xf32, #tpu.memory_space<vmem>> -> memref<128xf32, #tpu.memory_space<vmem>>
    %dma_wait3A_510 = arith.constant 0 : i32
    %dma_wait3A_511 = tpu.memref_slice %arg2[%dma_wait3A_510] : memref<32000xf32, #tpu.memory_space<hbm>> -> memref<128xf32, #tpu.memory_space<hbm>>
    %dma_wait3A_512 = arith.constant 0 : i32
    %dma_wait3A_513 = tpu.memref_slice %arg5[%dma_wait3A_506, %dma_wait3A_512] : memref<8x4096xf32, #tpu.memory_space<vmem>> -> memref<1x128xf32, #tpu.memory_space<vmem>>
    %dma_wait3A_514 = tpu.memref_squeeze %dma_wait3A_513 : memref<1x128xf32, #tpu.memory_space<vmem>> -> memref<128xf32, #tpu.memory_space<vmem>>
    %dma_wait3A_515 = arith.constant 0 : i32
    %dma_wait3A_516 = tpu.memref_slice %arg2[%dma_wait3A_515] : memref<32000xf32, #tpu.memory_space<hbm>> -> memref<128xf32, #tpu.memory_space<hbm>>
    tpu.wait_dma2 semaphore(%arg7 : memref<!tpu.dma_semaphore, #tpu.memory_space<semaphore_mem>>) src(%dma_wait3A_516 : memref<128xf32, #tpu.memory_space<hbm>>) dst(%dma_wait3A_514 : memref<128xf32, #tpu.memory_space<vmem>>)
    %dma_wait3A_517 = arith.constant 0 : i32
    %dma_wait3A_518 = arith.constant 0 : i32
    %dma_wait3A_519 = tpu.memref_slice %arg5[%dma_wait3A_517, %dma_wait3A_518] : memref<8x4096xf32, #tpu.memory_space<vmem>> -> memref<1x128xf32, #tpu.memory_space<vmem>>
    %dma_wait3A_520 = tpu.memref_squeeze %dma_wait3A_519 : memref<1x128xf32, #tpu.memory_space<vmem>> -> memref<128xf32, #tpu.memory_space<vmem>>
    %dma_wait3A_521 = arith.constant 0 : i32
    %dma_wait3A_522 = tpu.memref_slice %arg2[%dma_wait3A_521] : memref<32000xf32, #tpu.memory_space<hbm>> -> memref<128xf32, #tpu.memory_space<hbm>>
    %dma_wait3A_523 = arith.constant 0 : i32
    %dma_wait3A_524 = tpu.memref_slice %arg5[%dma_wait3A_517, %dma_wait3A_523] : memref<8x4096xf32, #tpu.memory_space<vmem>> -> memref<1x128xf32, #tpu.memory_space<vmem>>
    %dma_wait3A_525 = tpu.memref_squeeze %dma_wait3A_524 : memref<1x128xf32, #tpu.memory_space<vmem>> -> memref<128xf32, #tpu.memory_space<vmem>>
    %dma_wait3A_526 = arith.constant 0 : i32
    %dma_wait3A_527 = tpu.memref_slice %arg2[%dma_wait3A_526] : memref<32000xf32, #tpu.memory_space<hbm>> -> memref<128xf32, #tpu.memory_space<hbm>>
    tpu.wait_dma2 semaphore(%arg7 : memref<!tpu.dma_semaphore, #tpu.memory_space<semaphore_mem>>) src(%dma_wait3A_527 : memref<128xf32, #tpu.memory_space<hbm>>) dst(%dma_wait3A_525 : memref<128xf32, #tpu.memory_space<vmem>>)
    %dma_wait3A_528 = arith.constant 0 : i32
    %dma_wait3A_529 = arith.constant 0 : i32
    %dma_wait3A_530 = tpu.memref_slice %arg5[%dma_wait3A_528, %dma_wait3A_529] : memref<8x4096xf32, #tpu.memory_space<vmem>> -> memref<1x128xf32, #tpu.memory_space<vmem>>
    %dma_wait3A_531 = tpu.memref_squeeze %dma_wait3A_530 : memref<1x128xf32, #tpu.memory_space<vmem>> -> memref<128xf32, #tpu.memory_space<vmem>>
    %dma_wait3A_532 = arith.constant 0 : i32
    %dma_wait3A_533 = tpu.memref_slice %arg2[%dma_wait3A_532] : memref<32000xf32, #tpu.memory_space<hbm>> -> memref<128xf32, #tpu.memory_space<hbm>>
    %dma_wait3A_534 = arith.constant 0 : i32
    %dma_wait3A_535 = tpu.memref_slice %arg5[%dma_wait3A_528, %dma_wait3A_534] : memref<8x4096xf32, #tpu.memory_space<vmem>> -> memref<1x128xf32, #tpu.memory_space<vmem>>
    %dma_wait3A_536 = tpu.memref_squeeze %dma_wait3A_535 : memref<1x128xf32, #tpu.memory_space<vmem>> -> memref<128xf32, #tpu.memory_space<vmem>>
    %dma_wait3A_537 = arith.constant 0 : i32
    %dma_wait3A_538 = tpu.memref_slice %arg2[%dma_wait3A_537] : memref<32000xf32, #tpu.memory_space<hbm>> -> memref<128xf32, #tpu.memory_space<hbm>>
    tpu.wait_dma2 semaphore(%arg7 : memref<!tpu.dma_semaphore, #tpu.memory_space<semaphore_mem>>) src(%dma_wait3A_538 : memref<128xf32, #tpu.memory_space<hbm>>) dst(%dma_wait3A_536 : memref<128xf32, #tpu.memory_space<vmem>>)
    %dma_wait3A_539 = arith.constant 0 : i32
    %dma_wait3A_540 = arith.constant 0 : i32
    %dma_wait3A_541 = tpu.memref_slice %arg5[%dma_wait3A_539, %dma_wait3A_540] : memref<8x4096xf32, #tpu.memory_space<vmem>> -> memref<1x128xf32, #tpu.memory_space<vmem>>
    %dma_wait3A_542 = tpu.memref_squeeze %dma_wait3A_541 : memref<1x128xf32, #tpu.memory_space<vmem>> -> memref<128xf32, #tpu.memory_space<vmem>>
    %dma_wait3A_543 = arith.constant 0 : i32
    %dma_wait3A_544 = tpu.memref_slice %arg2[%dma_wait3A_543] : memref<32000xf32, #tpu.memory_space<hbm>> -> memref<128xf32, #tpu.memory_space<hbm>>
    %dma_wait3A_545 = arith.constant 0 : i32
    %dma_wait3A_546 = tpu.memref_slice %arg5[%dma_wait3A_539, %dma_wait3A_545] : memref<8x4096xf32, #tpu.memory_space<vmem>> -> memref<1x128xf32, #tpu.memory_space<vmem>>
    %dma_wait3A_547 = tpu.memref_squeeze %dma_wait3A_546 : memref<1x128xf32, #tpu.memory_space<vmem>> -> memref<128xf32, #tpu.memory_space<vmem>>
    %dma_wait3A_548 = arith.constant 0 : i32
    %dma_wait3A_549 = tpu.memref_slice %arg2[%dma_wait3A_548] : memref<32000xf32, #tpu.memory_space<hbm>> -> memref<128xf32, #tpu.memory_space<hbm>>
    tpu.wait_dma2 semaphore(%arg7 : memref<!tpu.dma_semaphore, #tpu.memory_space<semaphore_mem>>) src(%dma_wait3A_549 : memref<128xf32, #tpu.memory_space<hbm>>) dst(%dma_wait3A_547 : memref<128xf32, #tpu.memory_space<vmem>>)
    %dma_wait3A_550 = arith.constant 0 : i32
    %dma_wait3A_551 = arith.constant 0 : i32
    %dma_wait3A_552 = tpu.memref_slice %arg5[%dma_wait3A_550, %dma_wait3A_551] : memref<8x4096xf32, #tpu.memory_space<vmem>> -> memref<1x128xf32, #tpu.memory_space<vmem>>
    %dma_wait3A_553 = tpu.memref_squeeze %dma_wait3A_552 : memref<1x128xf32, #tpu.memory_space<vmem>> -> memref<128xf32, #tpu.memory_space<vmem>>
    %dma_wait3A_554 = arith.constant 0 : i32
    %dma_wait3A_555 = tpu.memref_slice %arg2[%dma_wait3A_554] : memref<32000xf32, #tpu.memory_space<hbm>> -> memref<128xf32, #tpu.memory_space<hbm>>
    %dma_wait3A_556 = arith.constant 0 : i32
    %dma_wait3A_557 = tpu.memref_slice %arg5[%dma_wait3A_550, %dma_wait3A_556] : memref<8x4096xf32, #tpu.memory_space<vmem>> -> memref<1x128xf32, #tpu.memory_space<vmem>>
    %dma_wait3A_558 = tpu.memref_squeeze %dma_wait3A_557 : memref<1x128xf32, #tpu.memory_space<vmem>> -> memref<128xf32, #tpu.memory_space<vmem>>
    %dma_wait3A_559 = arith.constant 0 : i32
    %dma_wait3A_560 = tpu.memref_slice %arg2[%dma_wait3A_559] : memref<32000xf32, #tpu.memory_space<hbm>> -> memref<128xf32, #tpu.memory_space<hbm>>
    tpu.wait_dma2 semaphore(%arg7 : memref<!tpu.dma_semaphore, #tpu.memory_space<semaphore_mem>>) src(%dma_wait3A_560 : memref<128xf32, #tpu.memory_space<hbm>>) dst(%dma_wait3A_558 : memref<128xf32, #tpu.memory_space<vmem>>)
    %dma_wait3A_561 = arith.constant 0 : i32
    %dma_wait3A_562 = arith.constant 0 : i32
    %dma_wait3A_563 = tpu.memref_slice %arg5[%dma_wait3A_561, %dma_wait3A_562] : memref<8x4096xf32, #tpu.memory_space<vmem>> -> memref<1x128xf32, #tpu.memory_space<vmem>>
    %dma_wait3A_564 = tpu.memref_squeeze %dma_wait3A_563 : memref<1x128xf32, #tpu.memory_space<vmem>> -> memref<128xf32, #tpu.memory_space<vmem>>
    %dma_wait3A_565 = arith.constant 0 : i32
    %dma_wait3A_566 = tpu.memref_slice %arg2[%dma_wait3A_565] : memref<32000xf32, #tpu.memory_space<hbm>> -> memref<128xf32, #tpu.memory_space<hbm>>
    %dma_wait3A_567 = arith.constant 0 : i32
    %dma_wait3A_568 = tpu.memref_slice %arg5[%dma_wait3A_561, %dma_wait3A_567] : memref<8x4096xf32, #tpu.memory_space<vmem>> -> memref<1x128xf32, #tpu.memory_space<vmem>>
    %dma_wait3A_569 = tpu.memref_squeeze %dma_wait3A_568 : memref<1x128xf32, #tpu.memory_space<vmem>> -> memref<128xf32, #tpu.memory_space<vmem>>
    %dma_wait3A_570 = arith.constant 0 : i32
    %dma_wait3A_571 = tpu.memref_slice %arg2[%dma_wait3A_570] : memref<32000xf32, #tpu.memory_space<hbm>> -> memref<128xf32, #tpu.memory_space<hbm>>
    tpu.wait_dma2 semaphore(%arg7 : memref<!tpu.dma_semaphore, #tpu.memory_space<semaphore_mem>>) src(%dma_wait3A_571 : memref<128xf32, #tpu.memory_space<hbm>>) dst(%dma_wait3A_569 : memref<128xf32, #tpu.memory_space<vmem>>)
    %dma_wait3A_572 = arith.constant 0 : i32
    %dma_wait3A_573 = arith.constant 0 : i32
    %dma_wait3A_574 = tpu.memref_slice %arg5[%dma_wait3A_572, %dma_wait3A_573] : memref<8x4096xf32, #tpu.memory_space<vmem>> -> memref<1x128xf32, #tpu.memory_space<vmem>>
    %dma_wait3A_575 = tpu.memref_squeeze %dma_wait3A_574 : memref<1x128xf32, #tpu.memory_space<vmem>> -> memref<128xf32, #tpu.memory_space<vmem>>
    %dma_wait3A_576 = arith.constant 0 : i32
    %dma_wait3A_577 = tpu.memref_slice %arg2[%dma_wait3A_576] : memref<32000xf32, #tpu.memory_space<hbm>> -> memref<128xf32, #tpu.memory_space<hbm>>
    %dma_wait3A_578 = arith.constant 0 : i32
    %dma_wait3A_579 = tpu.memref_slice %arg5[%dma_wait3A_572, %dma_wait3A_578] : memref<8x4096xf32, #tpu.memory_space<vmem>> -> memref<1x128xf32, #tpu.memory_space<vmem>>
    %dma_wait3A_580 = tpu.memref_squeeze %dma_wait3A_579 : memref<1x128xf32, #tpu.memory_space<vmem>> -> memref<128xf32, #tpu.memory_space<vmem>>
    %dma_wait3A_581 = arith.constant 0 : i32
    %dma_wait3A_582 = tpu.memref_slice %arg2[%dma_wait3A_581] : memref<32000xf32, #tpu.memory_space<hbm>> -> memref<128xf32, #tpu.memory_space<hbm>>
    tpu.wait_dma2 semaphore(%arg7 : memref<!tpu.dma_semaphore, #tpu.memory_space<semaphore_mem>>) src(%dma_wait3A_582 : memref<128xf32, #tpu.memory_space<hbm>>) dst(%dma_wait3A_580 : memref<128xf32, #tpu.memory_space<vmem>>)
    %dma_wait3A_583 = arith.constant 0 : i32
    %dma_wait3A_584 = arith.constant 0 : i32
    %dma_wait3A_585 = tpu.memref_slice %arg5[%dma_wait3A_583, %dma_wait3A_584] : memref<8x4096xf32, #tpu.memory_space<vmem>> -> memref<1x128xf32, #tpu.memory_space<vmem>>
    %dma_wait3A_586 = tpu.memref_squeeze %dma_wait3A_585 : memref<1x128xf32, #tpu.memory_space<vmem>> -> memref<128xf32, #tpu.memory_space<vmem>>
    %dma_wait3A_587 = arith.constant 0 : i32
    %dma_wait3A_588 = tpu.memref_slice %arg2[%dma_wait3A_587] : memref<32000xf32, #tpu.memory_space<hbm>> -> memref<128xf32, #tpu.memory_space<hbm>>
    %dma_wait3A_589 = arith.constant 0 : i32
    %dma_wait3A_590 = tpu.memref_slice %arg5[%dma_wait3A_583, %dma_wait3A_589] : memref<8x4096xf32, #tpu.memory_space<vmem>> -> memref<1x128xf32, #tpu.memory_space<vmem>>
    %dma_wait3A_591 = tpu.memref_squeeze %dma_wait3A_590 : memref<1x128xf32, #tpu.memory_space<vmem>> -> memref<128xf32, #tpu.memory_space<vmem>>
    %dma_wait3A_592 = arith.constant 0 : i32
    %dma_wait3A_593 = tpu.memref_slice %arg2[%dma_wait3A_592] : memref<32000xf32, #tpu.memory_space<hbm>> -> memref<128xf32, #tpu.memory_space<hbm>>
    tpu.wait_dma2 semaphore(%arg7 : memref<!tpu.dma_semaphore, #tpu.memory_space<semaphore_mem>>) src(%dma_wait3A_593 : memref<128xf32, #tpu.memory_space<hbm>>) dst(%dma_wait3A_591 : memref<128xf32, #tpu.memory_space<vmem>>)
    %dma_wait3A_594 = arith.constant 0 : i32
    %dma_wait3A_595 = arith.constant 0 : i32
    %dma_wait3A_596 = tpu.memref_slice %arg5[%dma_wait3A_594, %dma_wait3A_595] : memref<8x4096xf32, #tpu.memory_space<vmem>> -> memref<1x128xf32, #tpu.memory_space<vmem>>
    %dma_wait3A_597 = tpu.memref_squeeze %dma_wait3A_596 : memref<1x128xf32, #tpu.memory_space<vmem>> -> memref<128xf32, #tpu.memory_space<vmem>>
    %dma_wait3A_598 = arith.constant 0 : i32
    %dma_wait3A_599 = tpu.memref_slice %arg2[%dma_wait3A_598] : memref<32000xf32, #tpu.memory_space<hbm>> -> memref<128xf32, #tpu.memory_space<hbm>>
    %dma_wait3A_600 = arith.constant 0 : i32
    %dma_wait3A_601 = tpu.memref_slice %arg5[%dma_wait3A_594, %dma_wait3A_600] : memref<8x4096xf32, #tpu.memory_space<vmem>> -> memref<1x128xf32, #tpu.memory_space<vmem>>
    %dma_wait3A_602 = tpu.memref_squeeze %dma_wait3A_601 : memref<1x128xf32, #tpu.memory_space<vmem>> -> memref<128xf32, #tpu.memory_space<vmem>>
    %dma_wait3A_603 = arith.constant 0 : i32
    %dma_wait3A_604 = tpu.memref_slice %arg2[%dma_wait3A_603] : memref<32000xf32, #tpu.memory_space<hbm>> -> memref<128xf32, #tpu.memory_space<hbm>>
    tpu.wait_dma2 semaphore(%arg7 : memref<!tpu.dma_semaphore, #tpu.memory_space<semaphore_mem>>) src(%dma_wait3A_604 : memref<128xf32, #tpu.memory_space<hbm>>) dst(%dma_wait3A_602 : memref<128xf32, #tpu.memory_space<vmem>>)
    %dma_wait3A_605 = arith.constant 0 : i32
    %dma_wait3A_606 = arith.constant 0 : i32
    %dma_wait3A_607 = tpu.memref_slice %arg5[%dma_wait3A_605, %dma_wait3A_606] : memref<8x4096xf32, #tpu.memory_space<vmem>> -> memref<1x128xf32, #tpu.memory_space<vmem>>
    %dma_wait3A_608 = tpu.memref_squeeze %dma_wait3A_607 : memref<1x128xf32, #tpu.memory_space<vmem>> -> memref<128xf32, #tpu.memory_space<vmem>>
    %dma_wait3A_609 = arith.constant 0 : i32
    %dma_wait3A_610 = tpu.memref_slice %arg2[%dma_wait3A_609] : memref<32000xf32, #tpu.memory_space<hbm>> -> memref<128xf32, #tpu.memory_space<hbm>>
    %dma_wait3A_611 = arith.constant 0 : i32
    %dma_wait3A_612 = tpu.memref_slice %arg5[%dma_wait3A_605, %dma_wait3A_611] : memref<8x4096xf32, #tpu.memory_space<vmem>> -> memref<1x128xf32, #tpu.memory_space<vmem>>
    %dma_wait3A_613 = tpu.memref_squeeze %dma_wait3A_612 : memref<1x128xf32, #tpu.memory_space<vmem>> -> memref<128xf32, #tpu.memory_space<vmem>>
    %dma_wait3A_614 = arith.constant 0 : i32
    %dma_wait3A_615 = tpu.memref_slice %arg2[%dma_wait3A_614] : memref<32000xf32, #tpu.memory_space<hbm>> -> memref<128xf32, #tpu.memory_space<hbm>>
    tpu.wait_dma2 semaphore(%arg7 : memref<!tpu.dma_semaphore, #tpu.memory_space<semaphore_mem>>) src(%dma_wait3A_615 : memref<128xf32, #tpu.memory_space<hbm>>) dst(%dma_wait3A_613 : memref<128xf32, #tpu.memory_space<vmem>>)
    %dma_wait3A_616 = arith.constant 0 : i32
    %dma_wait3A_617 = arith.constant 0 : i32
    %dma_wait3A_618 = tpu.memref_slice %arg5[%dma_wait3A_616, %dma_wait3A_617] : memref<8x4096xf32, #tpu.memory_space<vmem>> -> memref<1x128xf32, #tpu.memory_space<vmem>>
    %dma_wait3A_619 = tpu.memref_squeeze %dma_wait3A_618 : memref<1x128xf32, #tpu.memory_space<vmem>> -> memref<128xf32, #tpu.memory_space<vmem>>
    %dma_wait3A_620 = arith.constant 0 : i32
    %dma_wait3A_621 = tpu.memref_slice %arg2[%dma_wait3A_620] : memref<32000xf32, #tpu.memory_space<hbm>> -> memref<128xf32, #tpu.memory_space<hbm>>
    %dma_wait3A_622 = arith.constant 0 : i32
    %dma_wait3A_623 = tpu.memref_slice %arg5[%dma_wait3A_616, %dma_wait3A_622] : memref<8x4096xf32, #tpu.memory_space<vmem>> -> memref<1x128xf32, #tpu.memory_space<vmem>>
    %dma_wait3A_624 = tpu.memref_squeeze %dma_wait3A_623 : memref<1x128xf32, #tpu.memory_space<vmem>> -> memref<128xf32, #tpu.memory_space<vmem>>
    %dma_wait3A_625 = arith.constant 0 : i32
    %dma_wait3A_626 = tpu.memref_slice %arg2[%dma_wait3A_625] : memref<32000xf32, #tpu.memory_space<hbm>> -> memref<128xf32, #tpu.memory_space<hbm>>
    tpu.wait_dma2 semaphore(%arg7 : memref<!tpu.dma_semaphore, #tpu.memory_space<semaphore_mem>>) src(%dma_wait3A_626 : memref<128xf32, #tpu.memory_space<hbm>>) dst(%dma_wait3A_624 : memref<128xf32, #tpu.memory_space<vmem>>)
    %dma_wait3A_627 = arith.constant 0 : i32
    %dma_wait3A_628 = arith.constant 0 : i32
    %dma_wait3A_629 = tpu.memref_slice %arg5[%dma_wait3A_627, %dma_wait3A_628] : memref<8x4096xf32, #tpu.memory_space<vmem>> -> memref<1x128xf32, #tpu.memory_space<vmem>>
    %dma_wait3A_630 = tpu.memref_squeeze %dma_wait3A_629 : memref<1x128xf32, #tpu.memory_space<vmem>> -> memref<128xf32, #tpu.memory_space<vmem>>
    %dma_wait3A_631 = arith.constant 0 : i32
    %dma_wait3A_632 = tpu.memref_slice %arg2[%dma_wait3A_631] : memref<32000xf32, #tpu.memory_space<hbm>> -> memref<128xf32, #tpu.memory_space<hbm>>
    %dma_wait3A_633 = arith.constant 0 : i32
    %dma_wait3A_634 = tpu.memref_slice %arg5[%dma_wait3A_627, %dma_wait3A_633] : memref<8x4096xf32, #tpu.memory_space<vmem>> -> memref<1x128xf32, #tpu.memory_space<vmem>>
    %dma_wait3A_635 = tpu.memref_squeeze %dma_wait3A_634 : memref<1x128xf32, #tpu.memory_space<vmem>> -> memref<128xf32, #tpu.memory_space<vmem>>
    %dma_wait3A_636 = arith.constant 0 : i32
    %dma_wait3A_637 = tpu.memref_slice %arg2[%dma_wait3A_636] : memref<32000xf32, #tpu.memory_space<hbm>> -> memref<128xf32, #tpu.memory_space<hbm>>
    tpu.wait_dma2 semaphore(%arg7 : memref<!tpu.dma_semaphore, #tpu.memory_space<semaphore_mem>>) src(%dma_wait3A_637 : memref<128xf32, #tpu.memory_space<hbm>>) dst(%dma_wait3A_635 : memref<128xf32, #tpu.memory_space<vmem>>)
    %dma_wait3A_638 = arith.constant 0 : i32
    %dma_wait3A_639 = arith.constant 0 : i32
    %dma_wait3A_640 = tpu.memref_slice %arg5[%dma_wait3A_638, %dma_wait3A_639] : memref<8x4096xf32, #tpu.memory_space<vmem>> -> memref<1x128xf32, #tpu.memory_space<vmem>>
    %dma_wait3A_641 = tpu.memref_squeeze %dma_wait3A_640 : memref<1x128xf32, #tpu.memory_space<vmem>> -> memref<128xf32, #tpu.memory_space<vmem>>
    %dma_wait3A_642 = arith.constant 0 : i32
    %dma_wait3A_643 = tpu.memref_slice %arg2[%dma_wait3A_642] : memref<32000xf32, #tpu.memory_space<hbm>> -> memref<128xf32, #tpu.memory_space<hbm>>
    %dma_wait3A_644 = arith.constant 0 : i32
    %dma_wait3A_645 = tpu.memref_slice %arg5[%dma_wait3A_638, %dma_wait3A_644] : memref<8x4096xf32, #tpu.memory_space<vmem>> -> memref<1x128xf32, #tpu.memory_space<vmem>>
    %dma_wait3A_646 = tpu.memref_squeeze %dma_wait3A_645 : memref<1x128xf32, #tpu.memory_space<vmem>> -> memref<128xf32, #tpu.memory_space<vmem>>
    %dma_wait3A_647 = arith.constant 0 : i32
    %dma_wait3A_648 = tpu.memref_slice %arg2[%dma_wait3A_647] : memref<32000xf32, #tpu.memory_space<hbm>> -> memref<128xf32, #tpu.memory_space<hbm>>
    tpu.wait_dma2 semaphore(%arg7 : memref<!tpu.dma_semaphore, #tpu.memory_space<semaphore_mem>>) src(%dma_wait3A_648 : memref<128xf32, #tpu.memory_space<hbm>>) dst(%dma_wait3A_646 : memref<128xf32, #tpu.memory_space<vmem>>)
    %dma_wait3A_649 = arith.constant 0 : i32
    %dma_wait3A_650 = arith.constant 0 : i32
    %dma_wait3A_651 = tpu.memref_slice %arg5[%dma_wait3A_649, %dma_wait3A_650] : memref<8x4096xf32, #tpu.memory_space<vmem>> -> memref<1x128xf32, #tpu.memory_space<vmem>>
    %dma_wait3A_652 = tpu.memref_squeeze %dma_wait3A_651 : memref<1x128xf32, #tpu.memory_space<vmem>> -> memref<128xf32, #tpu.memory_space<vmem>>
    %dma_wait3A_653 = arith.constant 0 : i32
    %dma_wait3A_654 = tpu.memref_slice %arg2[%dma_wait3A_653] : memref<32000xf32, #tpu.memory_space<hbm>> -> memref<128xf32, #tpu.memory_space<hbm>>
    %dma_wait3A_655 = arith.constant 0 : i32
    %dma_wait3A_656 = tpu.memref_slice %arg5[%dma_wait3A_649, %dma_wait3A_655] : memref<8x4096xf32, #tpu.memory_space<vmem>> -> memref<1x128xf32, #tpu.memory_space<vmem>>
    %dma_wait3A_657 = tpu.memref_squeeze %dma_wait3A_656 : memref<1x128xf32, #tpu.memory_space<vmem>> -> memref<128xf32, #tpu.memory_space<vmem>>
    %dma_wait3A_658 = arith.constant 0 : i32
    %dma_wait3A_659 = tpu.memref_slice %arg2[%dma_wait3A_658] : memref<32000xf32, #tpu.memory_space<hbm>> -> memref<128xf32, #tpu.memory_space<hbm>>
    tpu.wait_dma2 semaphore(%arg7 : memref<!tpu.dma_semaphore, #tpu.memory_space<semaphore_mem>>) src(%dma_wait3A_659 : memref<128xf32, #tpu.memory_space<hbm>>) dst(%dma_wait3A_657 : memref<128xf32, #tpu.memory_space<vmem>>)
    %dma_wait3A_660 = arith.constant 0 : i32
    %dma_wait3A_661 = arith.constant 0 : i32
    %dma_wait3A_662 = tpu.memref_slice %arg5[%dma_wait3A_660, %dma_wait3A_661] : memref<8x4096xf32, #tpu.memory_space<vmem>> -> memref<1x128xf32, #tpu.memory_space<vmem>>
    %dma_wait3A_663 = tpu.memref_squeeze %dma_wait3A_662 : memref<1x128xf32, #tpu.memory_space<vmem>> -> memref<128xf32, #tpu.memory_space<vmem>>
    %dma_wait3A_664 = arith.constant 0 : i32
    %dma_wait3A_665 = tpu.memref_slice %arg2[%dma_wait3A_664] : memref<32000xf32, #tpu.memory_space<hbm>> -> memref<128xf32, #tpu.memory_space<hbm>>
    %dma_wait3A_666 = arith.constant 0 : i32
    %dma_wait3A_667 = tpu.memref_slice %arg5[%dma_wait3A_660, %dma_wait3A_666] : memref<8x4096xf32, #tpu.memory_space<vmem>> -> memref<1x128xf32, #tpu.memory_space<vmem>>
    %dma_wait3A_668 = tpu.memref_squeeze %dma_wait3A_667 : memref<1x128xf32, #tpu.memory_space<vmem>> -> memref<128xf32, #tpu.memory_space<vmem>>
    %dma_wait3A_669 = arith.constant 0 : i32
    %dma_wait3A_670 = tpu.memref_slice %arg2[%dma_wait3A_669] : memref<32000xf32, #tpu.memory_space<hbm>> -> memref<128xf32, #tpu.memory_space<hbm>>
    tpu.wait_dma2 semaphore(%arg7 : memref<!tpu.dma_semaphore, #tpu.memory_space<semaphore_mem>>) src(%dma_wait3A_670 : memref<128xf32, #tpu.memory_space<hbm>>) dst(%dma_wait3A_668 : memref<128xf32, #tpu.memory_space<vmem>>)
    %dma_wait3A_671 = arith.constant 0 : i32
    %dma_wait3A_672 = arith.constant 0 : i32
    %dma_wait3A_673 = tpu.memref_slice %arg5[%dma_wait3A_671, %dma_wait3A_672] : memref<8x4096xf32, #tpu.memory_space<vmem>> -> memref<1x128xf32, #tpu.memory_space<vmem>>
    %dma_wait3A_674 = tpu.memref_squeeze %dma_wait3A_673 : memref<1x128xf32, #tpu.memory_space<vmem>> -> memref<128xf32, #tpu.memory_space<vmem>>
    %dma_wait3A_675 = arith.constant 0 : i32
    %dma_wait3A_676 = tpu.memref_slice %arg2[%dma_wait3A_675] : memref<32000xf32, #tpu.memory_space<hbm>> -> memref<128xf32, #tpu.memory_space<hbm>>
    %dma_wait3A_677 = arith.constant 0 : i32
    %dma_wait3A_678 = tpu.memref_slice %arg5[%dma_wait3A_671, %dma_wait3A_677] : memref<8x4096xf32, #tpu.memory_space<vmem>> -> memref<1x128xf32, #tpu.memory_space<vmem>>
    %dma_wait3A_679 = tpu.memref_squeeze %dma_wait3A_678 : memref<1x128xf32, #tpu.memory_space<vmem>> -> memref<128xf32, #tpu.memory_space<vmem>>
    %dma_wait3A_680 = arith.constant 0 : i32
    %dma_wait3A_681 = tpu.memref_slice %arg2[%dma_wait3A_680] : memref<32000xf32, #tpu.memory_space<hbm>> -> memref<128xf32, #tpu.memory_space<hbm>>
    tpu.wait_dma2 semaphore(%arg7 : memref<!tpu.dma_semaphore, #tpu.memory_space<semaphore_mem>>) src(%dma_wait3A_681 : memref<128xf32, #tpu.memory_space<hbm>>) dst(%dma_wait3A_679 : memref<128xf32, #tpu.memory_space<vmem>>)
    %mul3A_682 = arith.constant 2048 : i32
    %mul3A_683 = arith.muli %select_n3A, %mul3A_682 : i32
    %add3A_684 = arith.addi %mul3A_683, %sub3A_21 : i32
    %jit3A_685 = arith.constant 8 : i32
    %div3A_686 = arith.divsi %add3A_684, %jit3A_685 : i32
    %sign3A_687 = arith.constant 0 : i32
    %sign3A_688 = arith.cmpi sgt, %add3A_684, %sign3A_687 : i32
    %sign3A_689 = arith.extui %sign3A_688 : i1 to i32
    %sign3A_690 = arith.constant 0 : i32
    %sign3A_691 = arith.cmpi slt, %add3A_684, %sign3A_690 : i32
    %sign3A_692 = arith.extui %sign3A_691 : i1 to i32
    %sign3A_693 = arith.subi %sign3A_689, %sign3A_692 : i32
    %sign3A_694 = arith.constant 0 : i32
    %sign3A_695 = arith.cmpi sgt, %jit3A_685, %sign3A_694 : i32
    %sign3A_696 = arith.extui %sign3A_695 : i1 to i32
    %sign3A_697 = arith.constant 0 : i32
    %sign3A_698 = arith.cmpi slt, %jit3A_685, %sign3A_697 : i32
    %sign3A_699 = arith.extui %sign3A_698 : i1 to i32
    %sign3A_700 = arith.subi %sign3A_696, %sign3A_699 : i32
    %ne3A_701 = arith.cmpi ne, %sign3A_693, %sign3A_700 : i32
    %rem3A_702 = arith.remsi %add3A_684, %jit3A_685 : i32
    %ne3A_703 = arith.constant 0 : i32
    %ne3A_704 = arith.cmpi ne, %rem3A_702, %ne3A_703 : i32
    %and3A_705 = arith.andi %ne3A_701, %ne3A_704 : i1
    %sub3A_706 = arith.constant 1 : i32
    %sub3A_707 = arith.subi %div3A_686, %sub3A_706 : i32
    %select_n3A_708 = arith.select %and3A_705, %sub3A_707, %div3A_686 : i32
    %add3A_709 = arith.constant 0 : i32
    %add3A_710 = arith.addi %sub3A_21, %add3A_709 : i32
    %sub3A_711 = arith.constant 2040 : i32
    %sub3A_712 = arith.subi %sub3A_711, %add3A_710 : i32
    %add3A_713 = arith.constant 0 : i32
    %add3A_714 = arith.addi %sub3A_712, %add3A_713 : i32
    %multiple_of3A = tpu.assume_multiple %add3A_714, 8 : i32
    %add3A_715 = arith.constant 0 : i32
    %add3A_716 = arith.addi %select_n3A_708, %add3A_715 : i32
    %dma_start3A_717 = arith.constant 0 : i32
    %dma_start3A_718 = arith.constant 0 : i32
    %dma_start3A_719 = tpu.memref_slice %arg5[%dma_start3A_718, %multiple_of3A] : memref<8x4096xf32, #tpu.memory_space<vmem>> -> memref<8x128xf32, #tpu.memory_space<vmem>>
    %dma_start3A_720 = arith.constant 0 : i32
    %dma_start3A_721 = arith.constant 0 : i32
    %dma_start3A_722 = tpu.memref_slice %arg3[%add3A_716, %dma_start3A_717, %dma_start3A_720, %dma_start3A_721] : memref<4096x16x8x128xf32, #tpu.memory_space<hbm>> -> memref<1x1x8x128xf32, #tpu.memory_space<hbm>>
    %dma_start3A_723 = tpu.memref_squeeze %dma_start3A_722 : memref<1x1x8x128xf32, #tpu.memory_space<hbm>> -> memref<8x128xf32, #tpu.memory_space<hbm>>
    %dma_start3A_724 = arith.constant 0 : i32
    %dma_start3A_725 = arith.constant 0 : i32
    %dma_start3A_726 = tpu.memref_slice %arg3[%add3A_716, %dma_start3A_717, %dma_start3A_724, %dma_start3A_725] : memref<4096x16x8x128xf32, #tpu.memory_space<hbm>> -> memref<1x1x8x128xf32, #tpu.memory_space<hbm>>
    %dma_start3A_727 = tpu.memref_squeeze %dma_start3A_726 : memref<1x1x8x128xf32, #tpu.memory_space<hbm>> -> memref<8x128xf32, #tpu.memory_space<hbm>>
    %dma_start3A_728 = arith.constant 0 : i32
    %dma_start3A_729 = tpu.memref_slice %arg5[%dma_start3A_728, %multiple_of3A] : memref<8x4096xf32, #tpu.memory_space<vmem>> -> memref<8x128xf32, #tpu.memory_space<vmem>>
    tpu.enqueue_dma source(%dma_start3A_729 : memref<8x128xf32, #tpu.memory_space<vmem>>) target(%dma_start3A_727 : memref<8x128xf32, #tpu.memory_space<hbm>>) target_semaphore(%arg7 : memref<!tpu.dma_semaphore, #tpu.memory_space<semaphore_mem>>)
    %add3A_730 = arith.constant 0 : i32
    %add3A_731 = arith.addi %sub3A_21, %add3A_730 : i32
    %sub3A_732 = arith.constant 2040 : i32
    %sub3A_733 = arith.subi %sub3A_732, %add3A_731 : i32
    %add3A_734 = arith.constant 128 : i32
    %add3A_735 = arith.addi %sub3A_733, %add3A_734 : i32
    %multiple_of3A_736 = tpu.assume_multiple %add3A_735, 8 : i32
    %add3A_737 = arith.constant 0 : i32
    %add3A_738 = arith.addi %select_n3A_708, %add3A_737 : i32
    %dma_start3A_739 = arith.constant 1 : i32
    %dma_start3A_740 = arith.constant 0 : i32
    %dma_start3A_741 = tpu.memref_slice %arg5[%dma_start3A_740, %multiple_of3A_736] : memref<8x4096xf32, #tpu.memory_space<vmem>> -> memref<8x128xf32, #tpu.memory_space<vmem>>
    %dma_start3A_742 = arith.constant 0 : i32
    %dma_start3A_743 = arith.constant 0 : i32
    %dma_start3A_744 = tpu.memref_slice %arg3[%add3A_738, %dma_start3A_739, %dma_start3A_742, %dma_start3A_743] : memref<4096x16x8x128xf32, #tpu.memory_space<hbm>> -> memref<1x1x8x128xf32, #tpu.memory_space<hbm>>
    %dma_start3A_745 = tpu.memref_squeeze %dma_start3A_744 : memref<1x1x8x128xf32, #tpu.memory_space<hbm>> -> memref<8x128xf32, #tpu.memory_space<hbm>>
    %dma_start3A_746 = arith.constant 0 : i32
    %dma_start3A_747 = arith.constant 0 : i32
    %dma_start3A_748 = tpu.memref_slice %arg3[%add3A_738, %dma_start3A_739, %dma_start3A_746, %dma_start3A_747] : memref<4096x16x8x128xf32, #tpu.memory_space<hbm>> -> memref<1x1x8x128xf32, #tpu.memory_space<hbm>>
    %dma_start3A_749 = tpu.memref_squeeze %dma_start3A_748 : memref<1x1x8x128xf32, #tpu.memory_space<hbm>> -> memref<8x128xf32, #tpu.memory_space<hbm>>
    %dma_start3A_750 = arith.constant 0 : i32
    %dma_start3A_751 = tpu.memref_slice %arg5[%dma_start3A_750, %multiple_of3A_736] : memref<8x4096xf32, #tpu.memory_space<vmem>> -> memref<8x128xf32, #tpu.memory_space<vmem>>
    tpu.enqueue_dma source(%dma_start3A_751 : memref<8x128xf32, #tpu.memory_space<vmem>>) target(%dma_start3A_749 : memref<8x128xf32, #tpu.memory_space<hbm>>) target_semaphore(%arg7 : memref<!tpu.dma_semaphore, #tpu.memory_space<semaphore_mem>>)
    %add3A_752 = arith.constant 0 : i32
    %add3A_753 = arith.addi %sub3A_21, %add3A_752 : i32
    %sub3A_754 = arith.constant 2040 : i32
    %sub3A_755 = arith.subi %sub3A_754, %add3A_753 : i32
    %add3A_756 = arith.constant 256 : i32
    %add3A_757 = arith.addi %sub3A_755, %add3A_756 : i32
    %multiple_of3A_758 = tpu.assume_multiple %add3A_757, 8 : i32
    %add3A_759 = arith.constant 0 : i32
    %add3A_760 = arith.addi %select_n3A_708, %add3A_759 : i32
    %dma_start3A_761 = arith.constant 2 : i32
    %dma_start3A_762 = arith.constant 0 : i32
    %dma_start3A_763 = tpu.memref_slice %arg5[%dma_start3A_762, %multiple_of3A_758] : memref<8x4096xf32, #tpu.memory_space<vmem>> -> memref<8x128xf32, #tpu.memory_space<vmem>>
    %dma_start3A_764 = arith.constant 0 : i32
    %dma_start3A_765 = arith.constant 0 : i32
    %dma_start3A_766 = tpu.memref_slice %arg3[%add3A_760, %dma_start3A_761, %dma_start3A_764, %dma_start3A_765] : memref<4096x16x8x128xf32, #tpu.memory_space<hbm>> -> memref<1x1x8x128xf32, #tpu.memory_space<hbm>>
    %dma_start3A_767 = tpu.memref_squeeze %dma_start3A_766 : memref<1x1x8x128xf32, #tpu.memory_space<hbm>> -> memref<8x128xf32, #tpu.memory_space<hbm>>
    %dma_start3A_768 = arith.constant 0 : i32
    %dma_start3A_769 = arith.constant 0 : i32
    %dma_start3A_770 = tpu.memref_slice %arg3[%add3A_760, %dma_start3A_761, %dma_start3A_768, %dma_start3A_769] : memref<4096x16x8x128xf32, #tpu.memory_space<hbm>> -> memref<1x1x8x128xf32, #tpu.memory_space<hbm>>
    %dma_start3A_771 = tpu.memref_squeeze %dma_start3A_770 : memref<1x1x8x128xf32, #tpu.memory_space<hbm>> -> memref<8x128xf32, #tpu.memory_space<hbm>>
    %dma_start3A_772 = arith.constant 0 : i32
    %dma_start3A_773 = tpu.memref_slice %arg5[%dma_start3A_772, %multiple_of3A_758] : memref<8x4096xf32, #tpu.memory_space<vmem>> -> memref<8x128xf32, #tpu.memory_space<vmem>>
    tpu.enqueue_dma source(%dma_start3A_773 : memref<8x128xf32, #tpu.memory_space<vmem>>) target(%dma_start3A_771 : memref<8x128xf32, #tpu.memory_space<hbm>>) target_semaphore(%arg7 : memref<!tpu.dma_semaphore, #tpu.memory_space<semaphore_mem>>)
    %add3A_774 = arith.constant 0 : i32
    %add3A_775 = arith.addi %sub3A_21, %add3A_774 : i32
    %sub3A_776 = arith.constant 2040 : i32
    %sub3A_777 = arith.subi %sub3A_776, %add3A_775 : i32
    %add3A_778 = arith.constant 384 : i32
    %add3A_779 = arith.addi %sub3A_777, %add3A_778 : i32
    %multiple_of3A_780 = tpu.assume_multiple %add3A_779, 8 : i32
    %add3A_781 = arith.constant 0 : i32
    %add3A_782 = arith.addi %select_n3A_708, %add3A_781 : i32
    %dma_start3A_783 = arith.constant 3 : i32
    %dma_start3A_784 = arith.constant 0 : i32
    %dma_start3A_785 = tpu.memref_slice %arg5[%dma_start3A_784, %multiple_of3A_780] : memref<8x4096xf32, #tpu.memory_space<vmem>> -> memref<8x128xf32, #tpu.memory_space<vmem>>
    %dma_start3A_786 = arith.constant 0 : i32
    %dma_start3A_787 = arith.constant 0 : i32
    %dma_start3A_788 = tpu.memref_slice %arg3[%add3A_782, %dma_start3A_783, %dma_start3A_786, %dma_start3A_787] : memref<4096x16x8x128xf32, #tpu.memory_space<hbm>> -> memref<1x1x8x128xf32, #tpu.memory_space<hbm>>
    %dma_start3A_789 = tpu.memref_squeeze %dma_start3A_788 : memref<1x1x8x128xf32, #tpu.memory_space<hbm>> -> memref<8x128xf32, #tpu.memory_space<hbm>>
    %dma_start3A_790 = arith.constant 0 : i32
    %dma_start3A_791 = arith.constant 0 : i32
    %dma_start3A_792 = tpu.memref_slice %arg3[%add3A_782, %dma_start3A_783, %dma_start3A_790, %dma_start3A_791] : memref<4096x16x8x128xf32, #tpu.memory_space<hbm>> -> memref<1x1x8x128xf32, #tpu.memory_space<hbm>>
    %dma_start3A_793 = tpu.memref_squeeze %dma_start3A_792 : memref<1x1x8x128xf32, #tpu.memory_space<hbm>> -> memref<8x128xf32, #tpu.memory_space<hbm>>
    %dma_start3A_794 = arith.constant 0 : i32
    %dma_start3A_795 = tpu.memref_slice %arg5[%dma_start3A_794, %multiple_of3A_780] : memref<8x4096xf32, #tpu.memory_space<vmem>> -> memref<8x128xf32, #tpu.memory_space<vmem>>
    tpu.enqueue_dma source(%dma_start3A_795 : memref<8x128xf32, #tpu.memory_space<vmem>>) target(%dma_start3A_793 : memref<8x128xf32, #tpu.memory_space<hbm>>) target_semaphore(%arg7 : memref<!tpu.dma_semaphore, #tpu.memory_space<semaphore_mem>>)
    %add3A_796 = arith.constant 0 : i32
    %add3A_797 = arith.addi %sub3A_21, %add3A_796 : i32
    %sub3A_798 = arith.constant 2040 : i32
    %sub3A_799 = arith.subi %sub3A_798, %add3A_797 : i32
    %add3A_800 = arith.constant 512 : i32
    %add3A_801 = arith.addi %sub3A_799, %add3A_800 : i32
    %multiple_of3A_802 = tpu.assume_multiple %add3A_801, 8 : i32
    %add3A_803 = arith.constant 0 : i32
    %add3A_804 = arith.addi %select_n3A_708, %add3A_803 : i32
    %dma_start3A_805 = arith.constant 4 : i32
    %dma_start3A_806 = arith.constant 0 : i32
    %dma_start3A_807 = tpu.memref_slice %arg5[%dma_start3A_806, %multiple_of3A_802] : memref<8x4096xf32, #tpu.memory_space<vmem>> -> memref<8x128xf32, #tpu.memory_space<vmem>>
    %dma_start3A_808 = arith.constant 0 : i32
    %dma_start3A_809 = arith.constant 0 : i32
    %dma_start3A_810 = tpu.memref_slice %arg3[%add3A_804, %dma_start3A_805, %dma_start3A_808, %dma_start3A_809] : memref<4096x16x8x128xf32, #tpu.memory_space<hbm>> -> memref<1x1x8x128xf32, #tpu.memory_space<hbm>>
    %dma_start3A_811 = tpu.memref_squeeze %dma_start3A_810 : memref<1x1x8x128xf32, #tpu.memory_space<hbm>> -> memref<8x128xf32, #tpu.memory_space<hbm>>
    %dma_start3A_812 = arith.constant 0 : i32
    %dma_start3A_813 = arith.constant 0 : i32
    %dma_start3A_814 = tpu.memref_slice %arg3[%add3A_804, %dma_start3A_805, %dma_start3A_812, %dma_start3A_813] : memref<4096x16x8x128xf32, #tpu.memory_space<hbm>> -> memref<1x1x8x128xf32, #tpu.memory_space<hbm>>
    %dma_start3A_815 = tpu.memref_squeeze %dma_start3A_814 : memref<1x1x8x128xf32, #tpu.memory_space<hbm>> -> memref<8x128xf32, #tpu.memory_space<hbm>>
    %dma_start3A_816 = arith.constant 0 : i32
    %dma_start3A_817 = tpu.memref_slice %arg5[%dma_start3A_816, %multiple_of3A_802] : memref<8x4096xf32, #tpu.memory_space<vmem>> -> memref<8x128xf32, #tpu.memory_space<vmem>>
    tpu.enqueue_dma source(%dma_start3A_817 : memref<8x128xf32, #tpu.memory_space<vmem>>) target(%dma_start3A_815 : memref<8x128xf32, #tpu.memory_space<hbm>>) target_semaphore(%arg7 : memref<!tpu.dma_semaphore, #tpu.memory_space<semaphore_mem>>)
    %add3A_818 = arith.constant 0 : i32
    %add3A_819 = arith.addi %sub3A_21, %add3A_818 : i32
    %sub3A_820 = arith.constant 2040 : i32
    %sub3A_821 = arith.subi %sub3A_820, %add3A_819 : i32
    %add3A_822 = arith.constant 640 : i32
    %add3A_823 = arith.addi %sub3A_821, %add3A_822 : i32
    %multiple_of3A_824 = tpu.assume_multiple %add3A_823, 8 : i32
    %add3A_825 = arith.constant 0 : i32
    %add3A_826 = arith.addi %select_n3A_708, %add3A_825 : i32
    %dma_start3A_827 = arith.constant 5 : i32
    %dma_start3A_828 = arith.constant 0 : i32
    %dma_start3A_829 = tpu.memref_slice %arg5[%dma_start3A_828, %multiple_of3A_824] : memref<8x4096xf32, #tpu.memory_space<vmem>> -> memref<8x128xf32, #tpu.memory_space<vmem>>
    %dma_start3A_830 = arith.constant 0 : i32
    %dma_start3A_831 = arith.constant 0 : i32
    %dma_start3A_832 = tpu.memref_slice %arg3[%add3A_826, %dma_start3A_827, %dma_start3A_830, %dma_start3A_831] : memref<4096x16x8x128xf32, #tpu.memory_space<hbm>> -> memref<1x1x8x128xf32, #tpu.memory_space<hbm>>
    %dma_start3A_833 = tpu.memref_squeeze %dma_start3A_832 : memref<1x1x8x128xf32, #tpu.memory_space<hbm>> -> memref<8x128xf32, #tpu.memory_space<hbm>>
    %dma_start3A_834 = arith.constant 0 : i32
    %dma_start3A_835 = arith.constant 0 : i32
    %dma_start3A_836 = tpu.memref_slice %arg3[%add3A_826, %dma_start3A_827, %dma_start3A_834, %dma_start3A_835] : memref<4096x16x8x128xf32, #tpu.memory_space<hbm>> -> memref<1x1x8x128xf32, #tpu.memory_space<hbm>>
    %dma_start3A_837 = tpu.memref_squeeze %dma_start3A_836 : memref<1x1x8x128xf32, #tpu.memory_space<hbm>> -> memref<8x128xf32, #tpu.memory_space<hbm>>
    %dma_start3A_838 = arith.constant 0 : i32
    %dma_start3A_839 = tpu.memref_slice %arg5[%dma_start3A_838, %multiple_of3A_824] : memref<8x4096xf32, #tpu.memory_space<vmem>> -> memref<8x128xf32, #tpu.memory_space<vmem>>
    tpu.enqueue_dma source(%dma_start3A_839 : memref<8x128xf32, #tpu.memory_space<vmem>>) target(%dma_start3A_837 : memref<8x128xf32, #tpu.memory_space<hbm>>) target_semaphore(%arg7 : memref<!tpu.dma_semaphore, #tpu.memory_space<semaphore_mem>>)
    %add3A_840 = arith.constant 0 : i32
    %add3A_841 = arith.addi %sub3A_21, %add3A_840 : i32
    %sub3A_842 = arith.constant 2040 : i32
    %sub3A_843 = arith.subi %sub3A_842, %add3A_841 : i32
    %add3A_844 = arith.constant 768 : i32
    %add3A_845 = arith.addi %sub3A_843, %add3A_844 : i32
    %multiple_of3A_846 = tpu.assume_multiple %add3A_845, 8 : i32
    %add3A_847 = arith.constant 0 : i32
    %add3A_848 = arith.addi %select_n3A_708, %add3A_847 : i32
    %dma_start3A_849 = arith.constant 6 : i32
    %dma_start3A_850 = arith.constant 0 : i32
    %dma_start3A_851 = tpu.memref_slice %arg5[%dma_start3A_850, %multiple_of3A_846] : memref<8x4096xf32, #tpu.memory_space<vmem>> -> memref<8x128xf32, #tpu.memory_space<vmem>>
    %dma_start3A_852 = arith.constant 0 : i32
    %dma_start3A_853 = arith.constant 0 : i32
    %dma_start3A_854 = tpu.memref_slice %arg3[%add3A_848, %dma_start3A_849, %dma_start3A_852, %dma_start3A_853] : memref<4096x16x8x128xf32, #tpu.memory_space<hbm>> -> memref<1x1x8x128xf32, #tpu.memory_space<hbm>>
    %dma_start3A_855 = tpu.memref_squeeze %dma_start3A_854 : memref<1x1x8x128xf32, #tpu.memory_space<hbm>> -> memref<8x128xf32, #tpu.memory_space<hbm>>
    %dma_start3A_856 = arith.constant 0 : i32
    %dma_start3A_857 = arith.constant 0 : i32
    %dma_start3A_858 = tpu.memref_slice %arg3[%add3A_848, %dma_start3A_849, %dma_start3A_856, %dma_start3A_857] : memref<4096x16x8x128xf32, #tpu.memory_space<hbm>> -> memref<1x1x8x128xf32, #tpu.memory_space<hbm>>
    %dma_start3A_859 = tpu.memref_squeeze %dma_start3A_858 : memref<1x1x8x128xf32, #tpu.memory_space<hbm>> -> memref<8x128xf32, #tpu.memory_space<hbm>>
    %dma_start3A_860 = arith.constant 0 : i32
    %dma_start3A_861 = tpu.memref_slice %arg5[%dma_start3A_860, %multiple_of3A_846] : memref<8x4096xf32, #tpu.memory_space<vmem>> -> memref<8x128xf32, #tpu.memory_space<vmem>>
    tpu.enqueue_dma source(%dma_start3A_861 : memref<8x128xf32, #tpu.memory_space<vmem>>) target(%dma_start3A_859 : memref<8x128xf32, #tpu.memory_space<hbm>>) target_semaphore(%arg7 : memref<!tpu.dma_semaphore, #tpu.memory_space<semaphore_mem>>)
    %add3A_862 = arith.constant 0 : i32
    %add3A_863 = arith.addi %sub3A_21, %add3A_862 : i32
    %sub3A_864 = arith.constant 2040 : i32
    %sub3A_865 = arith.subi %sub3A_864, %add3A_863 : i32
    %add3A_866 = arith.constant 896 : i32
    %add3A_867 = arith.addi %sub3A_865, %add3A_866 : i32
    %multiple_of3A_868 = tpu.assume_multiple %add3A_867, 8 : i32
    %add3A_869 = arith.constant 0 : i32
    %add3A_870 = arith.addi %select_n3A_708, %add3A_869 : i32
    %dma_start3A_871 = arith.constant 7 : i32
    %dma_start3A_872 = arith.constant 0 : i32
    %dma_start3A_873 = tpu.memref_slice %arg5[%dma_start3A_872, %multiple_of3A_868] : memref<8x4096xf32, #tpu.memory_space<vmem>> -> memref<8x128xf32, #tpu.memory_space<vmem>>
    %dma_start3A_874 = arith.constant 0 : i32
    %dma_start3A_875 = arith.constant 0 : i32
    %dma_start3A_876 = tpu.memref_slice %arg3[%add3A_870, %dma_start3A_871, %dma_start3A_874, %dma_start3A_875] : memref<4096x16x8x128xf32, #tpu.memory_space<hbm>> -> memref<1x1x8x128xf32, #tpu.memory_space<hbm>>
    %dma_start3A_877 = tpu.memref_squeeze %dma_start3A_876 : memref<1x1x8x128xf32, #tpu.memory_space<hbm>> -> memref<8x128xf32, #tpu.memory_space<hbm>>
    %dma_start3A_878 = arith.constant 0 : i32
    %dma_start3A_879 = arith.constant 0 : i32
    %dma_start3A_880 = tpu.memref_slice %arg3[%add3A_870, %dma_start3A_871, %dma_start3A_878, %dma_start3A_879] : memref<4096x16x8x128xf32, #tpu.memory_space<hbm>> -> memref<1x1x8x128xf32, #tpu.memory_space<hbm>>
    %dma_start3A_881 = tpu.memref_squeeze %dma_start3A_880 : memref<1x1x8x128xf32, #tpu.memory_space<hbm>> -> memref<8x128xf32, #tpu.memory_space<hbm>>
    %dma_start3A_882 = arith.constant 0 : i32
    %dma_start3A_883 = tpu.memref_slice %arg5[%dma_start3A_882, %multiple_of3A_868] : memref<8x4096xf32, #tpu.memory_space<vmem>> -> memref<8x128xf32, #tpu.memory_space<vmem>>
    tpu.enqueue_dma source(%dma_start3A_883 : memref<8x128xf32, #tpu.memory_space<vmem>>) target(%dma_start3A_881 : memref<8x128xf32, #tpu.memory_space<hbm>>) target_semaphore(%arg7 : memref<!tpu.dma_semaphore, #tpu.memory_space<semaphore_mem>>)
    %add3A_884 = arith.constant 0 : i32
    %add3A_885 = arith.addi %sub3A_21, %add3A_884 : i32
    %sub3A_886 = arith.constant 2040 : i32
    %sub3A_887 = arith.subi %sub3A_886, %add3A_885 : i32
    %add3A_888 = arith.constant 1024 : i32
    %add3A_889 = arith.addi %sub3A_887, %add3A_888 : i32
    %multiple_of3A_890 = tpu.assume_multiple %add3A_889, 8 : i32
    %add3A_891 = arith.constant 0 : i32
    %add3A_892 = arith.addi %select_n3A_708, %add3A_891 : i32
    %dma_start3A_893 = arith.constant 8 : i32
    %dma_start3A_894 = arith.constant 0 : i32
    %dma_start3A_895 = tpu.memref_slice %arg5[%dma_start3A_894, %multiple_of3A_890] : memref<8x4096xf32, #tpu.memory_space<vmem>> -> memref<8x128xf32, #tpu.memory_space<vmem>>
    %dma_start3A_896 = arith.constant 0 : i32
    %dma_start3A_897 = arith.constant 0 : i32
    %dma_start3A_898 = tpu.memref_slice %arg3[%add3A_892, %dma_start3A_893, %dma_start3A_896, %dma_start3A_897] : memref<4096x16x8x128xf32, #tpu.memory_space<hbm>> -> memref<1x1x8x128xf32, #tpu.memory_space<hbm>>
    %dma_start3A_899 = tpu.memref_squeeze %dma_start3A_898 : memref<1x1x8x128xf32, #tpu.memory_space<hbm>> -> memref<8x128xf32, #tpu.memory_space<hbm>>
    %dma_start3A_900 = arith.constant 0 : i32
    %dma_start3A_901 = arith.constant 0 : i32
    %dma_start3A_902 = tpu.memref_slice %arg3[%add3A_892, %dma_start3A_893, %dma_start3A_900, %dma_start3A_901] : memref<4096x16x8x128xf32, #tpu.memory_space<hbm>> -> memref<1x1x8x128xf32, #tpu.memory_space<hbm>>
    %dma_start3A_903 = tpu.memref_squeeze %dma_start3A_902 : memref<1x1x8x128xf32, #tpu.memory_space<hbm>> -> memref<8x128xf32, #tpu.memory_space<hbm>>
    %dma_start3A_904 = arith.constant 0 : i32
    %dma_start3A_905 = tpu.memref_slice %arg5[%dma_start3A_904, %multiple_of3A_890] : memref<8x4096xf32, #tpu.memory_space<vmem>> -> memref<8x128xf32, #tpu.memory_space<vmem>>
    tpu.enqueue_dma source(%dma_start3A_905 : memref<8x128xf32, #tpu.memory_space<vmem>>) target(%dma_start3A_903 : memref<8x128xf32, #tpu.memory_space<hbm>>) target_semaphore(%arg7 : memref<!tpu.dma_semaphore, #tpu.memory_space<semaphore_mem>>)
    %add3A_906 = arith.constant 0 : i32
    %add3A_907 = arith.addi %sub3A_21, %add3A_906 : i32
    %sub3A_908 = arith.constant 2040 : i32
    %sub3A_909 = arith.subi %sub3A_908, %add3A_907 : i32
    %add3A_910 = arith.constant 1152 : i32
    %add3A_911 = arith.addi %sub3A_909, %add3A_910 : i32
    %multiple_of3A_912 = tpu.assume_multiple %add3A_911, 8 : i32
    %add3A_913 = arith.constant 0 : i32
    %add3A_914 = arith.addi %select_n3A_708, %add3A_913 : i32
    %dma_start3A_915 = arith.constant 9 : i32
    %dma_start3A_916 = arith.constant 0 : i32
    %dma_start3A_917 = tpu.memref_slice %arg5[%dma_start3A_916, %multiple_of3A_912] : memref<8x4096xf32, #tpu.memory_space<vmem>> -> memref<8x128xf32, #tpu.memory_space<vmem>>
    %dma_start3A_918 = arith.constant 0 : i32
    %dma_start3A_919 = arith.constant 0 : i32
    %dma_start3A_920 = tpu.memref_slice %arg3[%add3A_914, %dma_start3A_915, %dma_start3A_918, %dma_start3A_919] : memref<4096x16x8x128xf32, #tpu.memory_space<hbm>> -> memref<1x1x8x128xf32, #tpu.memory_space<hbm>>
    %dma_start3A_921 = tpu.memref_squeeze %dma_start3A_920 : memref<1x1x8x128xf32, #tpu.memory_space<hbm>> -> memref<8x128xf32, #tpu.memory_space<hbm>>
    %dma_start3A_922 = arith.constant 0 : i32
    %dma_start3A_923 = arith.constant 0 : i32
    %dma_start3A_924 = tpu.memref_slice %arg3[%add3A_914, %dma_start3A_915, %dma_start3A_922, %dma_start3A_923] : memref<4096x16x8x128xf32, #tpu.memory_space<hbm>> -> memref<1x1x8x128xf32, #tpu.memory_space<hbm>>
    %dma_start3A_925 = tpu.memref_squeeze %dma_start3A_924 : memref<1x1x8x128xf32, #tpu.memory_space<hbm>> -> memref<8x128xf32, #tpu.memory_space<hbm>>
    %dma_start3A_926 = arith.constant 0 : i32
    %dma_start3A_927 = tpu.memref_slice %arg5[%dma_start3A_926, %multiple_of3A_912] : memref<8x4096xf32, #tpu.memory_space<vmem>> -> memref<8x128xf32, #tpu.memory_space<vmem>>
    tpu.enqueue_dma source(%dma_start3A_927 : memref<8x128xf32, #tpu.memory_space<vmem>>) target(%dma_start3A_925 : memref<8x128xf32, #tpu.memory_space<hbm>>) target_semaphore(%arg7 : memref<!tpu.dma_semaphore, #tpu.memory_space<semaphore_mem>>)
    %add3A_928 = arith.constant 0 : i32
    %add3A_929 = arith.addi %sub3A_21, %add3A_928 : i32
    %sub3A_930 = arith.constant 2040 : i32
    %sub3A_931 = arith.subi %sub3A_930, %add3A_929 : i32
    %add3A_932 = arith.constant 1280 : i32
    %add3A_933 = arith.addi %sub3A_931, %add3A_932 : i32
    %multiple_of3A_934 = tpu.assume_multiple %add3A_933, 8 : i32
    %add3A_935 = arith.constant 0 : i32
    %add3A_936 = arith.addi %select_n3A_708, %add3A_935 : i32
    %dma_start3A_937 = arith.constant 10 : i32
    %dma_start3A_938 = arith.constant 0 : i32
    %dma_start3A_939 = tpu.memref_slice %arg5[%dma_start3A_938, %multiple_of3A_934] : memref<8x4096xf32, #tpu.memory_space<vmem>> -> memref<8x128xf32, #tpu.memory_space<vmem>>
    %dma_start3A_940 = arith.constant 0 : i32
    %dma_start3A_941 = arith.constant 0 : i32
    %dma_start3A_942 = tpu.memref_slice %arg3[%add3A_936, %dma_start3A_937, %dma_start3A_940, %dma_start3A_941] : memref<4096x16x8x128xf32, #tpu.memory_space<hbm>> -> memref<1x1x8x128xf32, #tpu.memory_space<hbm>>
    %dma_start3A_943 = tpu.memref_squeeze %dma_start3A_942 : memref<1x1x8x128xf32, #tpu.memory_space<hbm>> -> memref<8x128xf32, #tpu.memory_space<hbm>>
    %dma_start3A_944 = arith.constant 0 : i32
    %dma_start3A_945 = arith.constant 0 : i32
    %dma_start3A_946 = tpu.memref_slice %arg3[%add3A_936, %dma_start3A_937, %dma_start3A_944, %dma_start3A_945] : memref<4096x16x8x128xf32, #tpu.memory_space<hbm>> -> memref<1x1x8x128xf32, #tpu.memory_space<hbm>>
    %dma_start3A_947 = tpu.memref_squeeze %dma_start3A_946 : memref<1x1x8x128xf32, #tpu.memory_space<hbm>> -> memref<8x128xf32, #tpu.memory_space<hbm>>
    %dma_start3A_948 = arith.constant 0 : i32
    %dma_start3A_949 = tpu.memref_slice %arg5[%dma_start3A_948, %multiple_of3A_934] : memref<8x4096xf32, #tpu.memory_space<vmem>> -> memref<8x128xf32, #tpu.memory_space<vmem>>
    tpu.enqueue_dma source(%dma_start3A_949 : memref<8x128xf32, #tpu.memory_space<vmem>>) target(%dma_start3A_947 : memref<8x128xf32, #tpu.memory_space<hbm>>) target_semaphore(%arg7 : memref<!tpu.dma_semaphore, #tpu.memory_space<semaphore_mem>>)
    %add3A_950 = arith.constant 0 : i32
    %add3A_951 = arith.addi %sub3A_21, %add3A_950 : i32
    %sub3A_952 = arith.constant 2040 : i32
    %sub3A_953 = arith.subi %sub3A_952, %add3A_951 : i32
    %add3A_954 = arith.constant 1408 : i32
    %add3A_955 = arith.addi %sub3A_953, %add3A_954 : i32
    %multiple_of3A_956 = tpu.assume_multiple %add3A_955, 8 : i32
    %add3A_957 = arith.constant 0 : i32
    %add3A_958 = arith.addi %select_n3A_708, %add3A_957 : i32
    %dma_start3A_959 = arith.constant 11 : i32
    %dma_start3A_960 = arith.constant 0 : i32
    %dma_start3A_961 = tpu.memref_slice %arg5[%dma_start3A_960, %multiple_of3A_956] : memref<8x4096xf32, #tpu.memory_space<vmem>> -> memref<8x128xf32, #tpu.memory_space<vmem>>
    %dma_start3A_962 = arith.constant 0 : i32
    %dma_start3A_963 = arith.constant 0 : i32
    %dma_start3A_964 = tpu.memref_slice %arg3[%add3A_958, %dma_start3A_959, %dma_start3A_962, %dma_start3A_963] : memref<4096x16x8x128xf32, #tpu.memory_space<hbm>> -> memref<1x1x8x128xf32, #tpu.memory_space<hbm>>
    %dma_start3A_965 = tpu.memref_squeeze %dma_start3A_964 : memref<1x1x8x128xf32, #tpu.memory_space<hbm>> -> memref<8x128xf32, #tpu.memory_space<hbm>>
    %dma_start3A_966 = arith.constant 0 : i32
    %dma_start3A_967 = arith.constant 0 : i32
    %dma_start3A_968 = tpu.memref_slice %arg3[%add3A_958, %dma_start3A_959, %dma_start3A_966, %dma_start3A_967] : memref<4096x16x8x128xf32, #tpu.memory_space<hbm>> -> memref<1x1x8x128xf32, #tpu.memory_space<hbm>>
    %dma_start3A_969 = tpu.memref_squeeze %dma_start3A_968 : memref<1x1x8x128xf32, #tpu.memory_space<hbm>> -> memref<8x128xf32, #tpu.memory_space<hbm>>
    %dma_start3A_970 = arith.constant 0 : i32
    %dma_start3A_971 = tpu.memref_slice %arg5[%dma_start3A_970, %multiple_of3A_956] : memref<8x4096xf32, #tpu.memory_space<vmem>> -> memref<8x128xf32, #tpu.memory_space<vmem>>
    tpu.enqueue_dma source(%dma_start3A_971 : memref<8x128xf32, #tpu.memory_space<vmem>>) target(%dma_start3A_969 : memref<8x128xf32, #tpu.memory_space<hbm>>) target_semaphore(%arg7 : memref<!tpu.dma_semaphore, #tpu.memory_space<semaphore_mem>>)
    %add3A_972 = arith.constant 0 : i32
    %add3A_973 = arith.addi %sub3A_21, %add3A_972 : i32
    %sub3A_974 = arith.constant 2040 : i32
    %sub3A_975 = arith.subi %sub3A_974, %add3A_973 : i32
    %add3A_976 = arith.constant 1536 : i32
    %add3A_977 = arith.addi %sub3A_975, %add3A_976 : i32
    %multiple_of3A_978 = tpu.assume_multiple %add3A_977, 8 : i32
    %add3A_979 = arith.constant 0 : i32
    %add3A_980 = arith.addi %select_n3A_708, %add3A_979 : i32
    %dma_start3A_981 = arith.constant 12 : i32
    %dma_start3A_982 = arith.constant 0 : i32
    %dma_start3A_983 = tpu.memref_slice %arg5[%dma_start3A_982, %multiple_of3A_978] : memref<8x4096xf32, #tpu.memory_space<vmem>> -> memref<8x128xf32, #tpu.memory_space<vmem>>
    %dma_start3A_984 = arith.constant 0 : i32
    %dma_start3A_985 = arith.constant 0 : i32
    %dma_start3A_986 = tpu.memref_slice %arg3[%add3A_980, %dma_start3A_981, %dma_start3A_984, %dma_start3A_985] : memref<4096x16x8x128xf32, #tpu.memory_space<hbm>> -> memref<1x1x8x128xf32, #tpu.memory_space<hbm>>
    %dma_start3A_987 = tpu.memref_squeeze %dma_start3A_986 : memref<1x1x8x128xf32, #tpu.memory_space<hbm>> -> memref<8x128xf32, #tpu.memory_space<hbm>>
    %dma_start3A_988 = arith.constant 0 : i32
    %dma_start3A_989 = arith.constant 0 : i32
    %dma_start3A_990 = tpu.memref_slice %arg3[%add3A_980, %dma_start3A_981, %dma_start3A_988, %dma_start3A_989] : memref<4096x16x8x128xf32, #tpu.memory_space<hbm>> -> memref<1x1x8x128xf32, #tpu.memory_space<hbm>>
    %dma_start3A_991 = tpu.memref_squeeze %dma_start3A_990 : memref<1x1x8x128xf32, #tpu.memory_space<hbm>> -> memref<8x128xf32, #tpu.memory_space<hbm>>
    %dma_start3A_992 = arith.constant 0 : i32
    %dma_start3A_993 = tpu.memref_slice %arg5[%dma_start3A_992, %multiple_of3A_978] : memref<8x4096xf32, #tpu.memory_space<vmem>> -> memref<8x128xf32, #tpu.memory_space<vmem>>
    tpu.enqueue_dma source(%dma_start3A_993 : memref<8x128xf32, #tpu.memory_space<vmem>>) target(%dma_start3A_991 : memref<8x128xf32, #tpu.memory_space<hbm>>) target_semaphore(%arg7 : memref<!tpu.dma_semaphore, #tpu.memory_space<semaphore_mem>>)
    %add3A_994 = arith.constant 0 : i32
    %add3A_995 = arith.addi %sub3A_21, %add3A_994 : i32
    %sub3A_996 = arith.constant 2040 : i32
    %sub3A_997 = arith.subi %sub3A_996, %add3A_995 : i32
    %add3A_998 = arith.constant 1664 : i32
    %add3A_999 = arith.addi %sub3A_997, %add3A_998 : i32
    %multiple_of3A_1000 = tpu.assume_multiple %add3A_999, 8 : i32
    %add3A_1001 = arith.constant 0 : i32
    %add3A_1002 = arith.addi %select_n3A_708, %add3A_1001 : i32
    %dma_start3A_1003 = arith.constant 13 : i32
    %dma_start3A_1004 = arith.constant 0 : i32
    %dma_start3A_1005 = tpu.memref_slice %arg5[%dma_start3A_1004, %multiple_of3A_1000] : memref<8x4096xf32, #tpu.memory_space<vmem>> -> memref<8x128xf32, #tpu.memory_space<vmem>>
    %dma_start3A_1006 = arith.constant 0 : i32
    %dma_start3A_1007 = arith.constant 0 : i32
    %dma_start3A_1008 = tpu.memref_slice %arg3[%add3A_1002, %dma_start3A_1003, %dma_start3A_1006, %dma_start3A_1007] : memref<4096x16x8x128xf32, #tpu.memory_space<hbm>> -> memref<1x1x8x128xf32, #tpu.memory_space<hbm>>
    %dma_start3A_1009 = tpu.memref_squeeze %dma_start3A_1008 : memref<1x1x8x128xf32, #tpu.memory_space<hbm>> -> memref<8x128xf32, #tpu.memory_space<hbm>>
    %dma_start3A_1010 = arith.constant 0 : i32
    %dma_start3A_1011 = arith.constant 0 : i32
    %dma_start3A_1012 = tpu.memref_slice %arg3[%add3A_1002, %dma_start3A_1003, %dma_start3A_1010, %dma_start3A_1011] : memref<4096x16x8x128xf32, #tpu.memory_space<hbm>> -> memref<1x1x8x128xf32, #tpu.memory_space<hbm>>
    %dma_start3A_1013 = tpu.memref_squeeze %dma_start3A_1012 : memref<1x1x8x128xf32, #tpu.memory_space<hbm>> -> memref<8x128xf32, #tpu.memory_space<hbm>>
    %dma_start3A_1014 = arith.constant 0 : i32
    %dma_start3A_1015 = tpu.memref_slice %arg5[%dma_start3A_1014, %multiple_of3A_1000] : memref<8x4096xf32, #tpu.memory_space<vmem>> -> memref<8x128xf32, #tpu.memory_space<vmem>>
    tpu.enqueue_dma source(%dma_start3A_1015 : memref<8x128xf32, #tpu.memory_space<vmem>>) target(%dma_start3A_1013 : memref<8x128xf32, #tpu.memory_space<hbm>>) target_semaphore(%arg7 : memref<!tpu.dma_semaphore, #tpu.memory_space<semaphore_mem>>)
    %add3A_1016 = arith.constant 0 : i32
    %add3A_1017 = arith.addi %sub3A_21, %add3A_1016 : i32
    %sub3A_1018 = arith.constant 2040 : i32
    %sub3A_1019 = arith.subi %sub3A_1018, %add3A_1017 : i32
    %add3A_1020 = arith.constant 1792 : i32
    %add3A_1021 = arith.addi %sub3A_1019, %add3A_1020 : i32
    %multiple_of3A_1022 = tpu.assume_multiple %add3A_1021, 8 : i32
    %add3A_1023 = arith.constant 0 : i32
    %add3A_1024 = arith.addi %select_n3A_708, %add3A_1023 : i32
    %dma_start3A_1025 = arith.constant 14 : i32
    %dma_start3A_1026 = arith.constant 0 : i32
    %dma_start3A_1027 = tpu.memref_slice %arg5[%dma_start3A_1026, %multiple_of3A_1022] : memref<8x4096xf32, #tpu.memory_space<vmem>> -> memref<8x128xf32, #tpu.memory_space<vmem>>
    %dma_start3A_1028 = arith.constant 0 : i32
    %dma_start3A_1029 = arith.constant 0 : i32
    %dma_start3A_1030 = tpu.memref_slice %arg3[%add3A_1024, %dma_start3A_1025, %dma_start3A_1028, %dma_start3A_1029] : memref<4096x16x8x128xf32, #tpu.memory_space<hbm>> -> memref<1x1x8x128xf32, #tpu.memory_space<hbm>>
    %dma_start3A_1031 = tpu.memref_squeeze %dma_start3A_1030 : memref<1x1x8x128xf32, #tpu.memory_space<hbm>> -> memref<8x128xf32, #tpu.memory_space<hbm>>
    %dma_start3A_1032 = arith.constant 0 : i32
    %dma_start3A_1033 = arith.constant 0 : i32
    %dma_start3A_1034 = tpu.memref_slice %arg3[%add3A_1024, %dma_start3A_1025, %dma_start3A_1032, %dma_start3A_1033] : memref<4096x16x8x128xf32, #tpu.memory_space<hbm>> -> memref<1x1x8x128xf32, #tpu.memory_space<hbm>>
    %dma_start3A_1035 = tpu.memref_squeeze %dma_start3A_1034 : memref<1x1x8x128xf32, #tpu.memory_space<hbm>> -> memref<8x128xf32, #tpu.memory_space<hbm>>
    %dma_start3A_1036 = arith.constant 0 : i32
    %dma_start3A_1037 = tpu.memref_slice %arg5[%dma_start3A_1036, %multiple_of3A_1022] : memref<8x4096xf32, #tpu.memory_space<vmem>> -> memref<8x128xf32, #tpu.memory_space<vmem>>
    tpu.enqueue_dma source(%dma_start3A_1037 : memref<8x128xf32, #tpu.memory_space<vmem>>) target(%dma_start3A_1035 : memref<8x128xf32, #tpu.memory_space<hbm>>) target_semaphore(%arg7 : memref<!tpu.dma_semaphore, #tpu.memory_space<semaphore_mem>>)
    %add3A_1038 = arith.constant 0 : i32
    %add3A_1039 = arith.addi %sub3A_21, %add3A_1038 : i32
    %sub3A_1040 = arith.constant 2040 : i32
    %sub3A_1041 = arith.subi %sub3A_1040, %add3A_1039 : i32
    %add3A_1042 = arith.constant 1920 : i32
    %add3A_1043 = arith.addi %sub3A_1041, %add3A_1042 : i32
    %multiple_of3A_1044 = tpu.assume_multiple %add3A_1043, 8 : i32
    %add3A_1045 = arith.constant 0 : i32
    %add3A_1046 = arith.addi %select_n3A_708, %add3A_1045 : i32
    %dma_start3A_1047 = arith.constant 15 : i32
    %dma_start3A_1048 = arith.constant 0 : i32
    %dma_start3A_1049 = tpu.memref_slice %arg5[%dma_start3A_1048, %multiple_of3A_1044] : memref<8x4096xf32, #tpu.memory_space<vmem>> -> memref<8x128xf32, #tpu.memory_space<vmem>>
    %dma_start3A_1050 = arith.constant 0 : i32
    %dma_start3A_1051 = arith.constant 0 : i32
    %dma_start3A_1052 = tpu.memref_slice %arg3[%add3A_1046, %dma_start3A_1047, %dma_start3A_1050, %dma_start3A_1051] : memref<4096x16x8x128xf32, #tpu.memory_space<hbm>> -> memref<1x1x8x128xf32, #tpu.memory_space<hbm>>
    %dma_start3A_1053 = tpu.memref_squeeze %dma_start3A_1052 : memref<1x1x8x128xf32, #tpu.memory_space<hbm>> -> memref<8x128xf32, #tpu.memory_space<hbm>>
    %dma_start3A_1054 = arith.constant 0 : i32
    %dma_start3A_1055 = arith.constant 0 : i32
    %dma_start3A_1056 = tpu.memref_slice %arg3[%add3A_1046, %dma_start3A_1047, %dma_start3A_1054, %dma_start3A_1055] : memref<4096x16x8x128xf32, #tpu.memory_space<hbm>> -> memref<1x1x8x128xf32, #tpu.memory_space<hbm>>
    %dma_start3A_1057 = tpu.memref_squeeze %dma_start3A_1056 : memref<1x1x8x128xf32, #tpu.memory_space<hbm>> -> memref<8x128xf32, #tpu.memory_space<hbm>>
    %dma_start3A_1058 = arith.constant 0 : i32
    %dma_start3A_1059 = tpu.memref_slice %arg5[%dma_start3A_1058, %multiple_of3A_1044] : memref<8x4096xf32, #tpu.memory_space<vmem>> -> memref<8x128xf32, #tpu.memory_space<vmem>>
    tpu.enqueue_dma source(%dma_start3A_1059 : memref<8x128xf32, #tpu.memory_space<vmem>>) target(%dma_start3A_1057 : memref<8x128xf32, #tpu.memory_space<hbm>>) target_semaphore(%arg7 : memref<!tpu.dma_semaphore, #tpu.memory_space<semaphore_mem>>)
    %add3A_1060 = arith.constant 8 : i32
    %add3A_1061 = arith.addi %sub3A_21, %add3A_1060 : i32
    %sub3A_1062 = arith.constant 2040 : i32
    %sub3A_1063 = arith.subi %sub3A_1062, %add3A_1061 : i32
    %add3A_1064 = arith.constant 0 : i32
    %add3A_1065 = arith.addi %sub3A_1063, %add3A_1064 : i32
    %multiple_of3A_1066 = tpu.assume_multiple %add3A_1065, 8 : i32
    %add3A_1067 = arith.constant 1 : i32
    %add3A_1068 = arith.addi %select_n3A_708, %add3A_1067 : i32
    %dma_start3A_1069 = arith.constant 0 : i32
    %dma_start3A_1070 = arith.constant 0 : i32
    %dma_start3A_1071 = tpu.memref_slice %arg5[%dma_start3A_1070, %multiple_of3A_1066] : memref<8x4096xf32, #tpu.memory_space<vmem>> -> memref<8x128xf32, #tpu.memory_space<vmem>>
    %dma_start3A_1072 = arith.constant 0 : i32
    %dma_start3A_1073 = arith.constant 0 : i32
    %dma_start3A_1074 = tpu.memref_slice %arg3[%add3A_1068, %dma_start3A_1069, %dma_start3A_1072, %dma_start3A_1073] : memref<4096x16x8x128xf32, #tpu.memory_space<hbm>> -> memref<1x1x8x128xf32, #tpu.memory_space<hbm>>
    %dma_start3A_1075 = tpu.memref_squeeze %dma_start3A_1074 : memref<1x1x8x128xf32, #tpu.memory_space<hbm>> -> memref<8x128xf32, #tpu.memory_space<hbm>>
    %dma_start3A_1076 = arith.constant 0 : i32
    %dma_start3A_1077 = arith.constant 0 : i32
    %dma_start3A_1078 = tpu.memref_slice %arg3[%add3A_1068, %dma_start3A_1069, %dma_start3A_1076, %dma_start3A_1077] : memref<4096x16x8x128xf32, #tpu.memory_space<hbm>> -> memref<1x1x8x128xf32, #tpu.memory_space<hbm>>
    %dma_start3A_1079 = tpu.memref_squeeze %dma_start3A_1078 : memref<1x1x8x128xf32, #tpu.memory_space<hbm>> -> memref<8x128xf32, #tpu.memory_space<hbm>>
    %dma_start3A_1080 = arith.constant 0 : i32
    %dma_start3A_1081 = tpu.memref_slice %arg5[%dma_start3A_1080, %multiple_of3A_1066] : memref<8x4096xf32, #tpu.memory_space<vmem>> -> memref<8x128xf32, #tpu.memory_space<vmem>>
    tpu.enqueue_dma source(%dma_start3A_1081 : memref<8x128xf32, #tpu.memory_space<vmem>>) target(%dma_start3A_1079 : memref<8x128xf32, #tpu.memory_space<hbm>>) target_semaphore(%arg7 : memref<!tpu.dma_semaphore, #tpu.memory_space<semaphore_mem>>)
    %add3A_1082 = arith.constant 8 : i32
    %add3A_1083 = arith.addi %sub3A_21, %add3A_1082 : i32
    %sub3A_1084 = arith.constant 2040 : i32
    %sub3A_1085 = arith.subi %sub3A_1084, %add3A_1083 : i32
    %add3A_1086 = arith.constant 128 : i32
    %add3A_1087 = arith.addi %sub3A_1085, %add3A_1086 : i32
    %multiple_of3A_1088 = tpu.assume_multiple %add3A_1087, 8 : i32
    %add3A_1089 = arith.constant 1 : i32
    %add3A_1090 = arith.addi %select_n3A_708, %add3A_1089 : i32
    %dma_start3A_1091 = arith.constant 1 : i32
    %dma_start3A_1092 = arith.constant 0 : i32
    %dma_start3A_1093 = tpu.memref_slice %arg5[%dma_start3A_1092, %multiple_of3A_1088] : memref<8x4096xf32, #tpu.memory_space<vmem>> -> memref<8x128xf32, #tpu.memory_space<vmem>>
    %dma_start3A_1094 = arith.constant 0 : i32
    %dma_start3A_1095 = arith.constant 0 : i32
    %dma_start3A_1096 = tpu.memref_slice %arg3[%add3A_1090, %dma_start3A_1091, %dma_start3A_1094, %dma_start3A_1095] : memref<4096x16x8x128xf32, #tpu.memory_space<hbm>> -> memref<1x1x8x128xf32, #tpu.memory_space<hbm>>
    %dma_start3A_1097 = tpu.memref_squeeze %dma_start3A_1096 : memref<1x1x8x128xf32, #tpu.memory_space<hbm>> -> memref<8x128xf32, #tpu.memory_space<hbm>>
    %dma_start3A_1098 = arith.constant 0 : i32
    %dma_start3A_1099 = arith.constant 0 : i32
    %dma_start3A_1100 = tpu.memref_slice %arg3[%add3A_1090, %dma_start3A_1091, %dma_start3A_1098, %dma_start3A_1099] : memref<4096x16x8x128xf32, #tpu.memory_space<hbm>> -> memref<1x1x8x128xf32, #tpu.memory_space<hbm>>
    %dma_start3A_1101 = tpu.memref_squeeze %dma_start3A_1100 : memref<1x1x8x128xf32, #tpu.memory_space<hbm>> -> memref<8x128xf32, #tpu.memory_space<hbm>>
    %dma_start3A_1102 = arith.constant 0 : i32
    %dma_start3A_1103 = tpu.memref_slice %arg5[%dma_start3A_1102, %multiple_of3A_1088] : memref<8x4096xf32, #tpu.memory_space<vmem>> -> memref<8x128xf32, #tpu.memory_space<vmem>>
    tpu.enqueue_dma source(%dma_start3A_1103 : memref<8x128xf32, #tpu.memory_space<vmem>>) target(%dma_start3A_1101 : memref<8x128xf32, #tpu.memory_space<hbm>>) target_semaphore(%arg7 : memref<!tpu.dma_semaphore, #tpu.memory_space<semaphore_mem>>)
    %add3A_1104 = arith.constant 8 : i32
    %add3A_1105 = arith.addi %sub3A_21, %add3A_1104 : i32
    %sub3A_1106 = arith.constant 2040 : i32
    %sub3A_1107 = arith.subi %sub3A_1106, %add3A_1105 : i32
    %add3A_1108 = arith.constant 256 : i32
    %add3A_1109 = arith.addi %sub3A_1107, %add3A_1108 : i32
    %multiple_of3A_1110 = tpu.assume_multiple %add3A_1109, 8 : i32
    %add3A_1111 = arith.constant 1 : i32
    %add3A_1112 = arith.addi %select_n3A_708, %add3A_1111 : i32
    %dma_start3A_1113 = arith.constant 2 : i32
    %dma_start3A_1114 = arith.constant 0 : i32
    %dma_start3A_1115 = tpu.memref_slice %arg5[%dma_start3A_1114, %multiple_of3A_1110] : memref<8x4096xf32, #tpu.memory_space<vmem>> -> memref<8x128xf32, #tpu.memory_space<vmem>>
    %dma_start3A_1116 = arith.constant 0 : i32
    %dma_start3A_1117 = arith.constant 0 : i32
    %dma_start3A_1118 = tpu.memref_slice %arg3[%add3A_1112, %dma_start3A_1113, %dma_start3A_1116, %dma_start3A_1117] : memref<4096x16x8x128xf32, #tpu.memory_space<hbm>> -> memref<1x1x8x128xf32, #tpu.memory_space<hbm>>
    %dma_start3A_1119 = tpu.memref_squeeze %dma_start3A_1118 : memref<1x1x8x128xf32, #tpu.memory_space<hbm>> -> memref<8x128xf32, #tpu.memory_space<hbm>>
    %dma_start3A_1120 = arith.constant 0 : i32
    %dma_start3A_1121 = arith.constant 0 : i32
    %dma_start3A_1122 = tpu.memref_slice %arg3[%add3A_1112, %dma_start3A_1113, %dma_start3A_1120, %dma_start3A_1121] : memref<4096x16x8x128xf32, #tpu.memory_space<hbm>> -> memref<1x1x8x128xf32, #tpu.memory_space<hbm>>
    %dma_start3A_1123 = tpu.memref_squeeze %dma_start3A_1122 : memref<1x1x8x128xf32, #tpu.memory_space<hbm>> -> memref<8x128xf32, #tpu.memory_space<hbm>>
    %dma_start3A_1124 = arith.constant 0 : i32
    %dma_start3A_1125 = tpu.memref_slice %arg5[%dma_start3A_1124, %multiple_of3A_1110] : memref<8x4096xf32, #tpu.memory_space<vmem>> -> memref<8x128xf32, #tpu.memory_space<vmem>>
    tpu.enqueue_dma source(%dma_start3A_1125 : memref<8x128xf32, #tpu.memory_space<vmem>>) target(%dma_start3A_1123 : memref<8x128xf32, #tpu.memory_space<hbm>>) target_semaphore(%arg7 : memref<!tpu.dma_semaphore, #tpu.memory_space<semaphore_mem>>)
    %add3A_1126 = arith.constant 8 : i32
    %add3A_1127 = arith.addi %sub3A_21, %add3A_1126 : i32
    %sub3A_1128 = arith.constant 2040 : i32
    %sub3A_1129 = arith.subi %sub3A_1128, %add3A_1127 : i32
    %add3A_1130 = arith.constant 384 : i32
    %add3A_1131 = arith.addi %sub3A_1129, %add3A_1130 : i32
    %multiple_of3A_1132 = tpu.assume_multiple %add3A_1131, 8 : i32
    %add3A_1133 = arith.constant 1 : i32
    %add3A_1134 = arith.addi %select_n3A_708, %add3A_1133 : i32
    %dma_start3A_1135 = arith.constant 3 : i32
    %dma_start3A_1136 = arith.constant 0 : i32
    %dma_start3A_1137 = tpu.memref_slice %arg5[%dma_start3A_1136, %multiple_of3A_1132] : memref<8x4096xf32, #tpu.memory_space<vmem>> -> memref<8x128xf32, #tpu.memory_space<vmem>>
    %dma_start3A_1138 = arith.constant 0 : i32
    %dma_start3A_1139 = arith.constant 0 : i32
    %dma_start3A_1140 = tpu.memref_slice %arg3[%add3A_1134, %dma_start3A_1135, %dma_start3A_1138, %dma_start3A_1139] : memref<4096x16x8x128xf32, #tpu.memory_space<hbm>> -> memref<1x1x8x128xf32, #tpu.memory_space<hbm>>
    %dma_start3A_1141 = tpu.memref_squeeze %dma_start3A_1140 : memref<1x1x8x128xf32, #tpu.memory_space<hbm>> -> memref<8x128xf32, #tpu.memory_space<hbm>>
    %dma_start3A_1142 = arith.constant 0 : i32
    %dma_start3A_1143 = arith.constant 0 : i32
    %dma_start3A_1144 = tpu.memref_slice %arg3[%add3A_1134, %dma_start3A_1135, %dma_start3A_1142, %dma_start3A_1143] : memref<4096x16x8x128xf32, #tpu.memory_space<hbm>> -> memref<1x1x8x128xf32, #tpu.memory_space<hbm>>
    %dma_start3A_1145 = tpu.memref_squeeze %dma_start3A_1144 : memref<1x1x8x128xf32, #tpu.memory_space<hbm>> -> memref<8x128xf32, #tpu.memory_space<hbm>>
    %dma_start3A_1146 = arith.constant 0 : i32
    %dma_start3A_1147 = tpu.memref_slice %arg5[%dma_start3A_1146, %multiple_of3A_1132] : memref<8x4096xf32, #tpu.memory_space<vmem>> -> memref<8x128xf32, #tpu.memory_space<vmem>>
    tpu.enqueue_dma source(%dma_start3A_1147 : memref<8x128xf32, #tpu.memory_space<vmem>>) target(%dma_start3A_1145 : memref<8x128xf32, #tpu.memory_space<hbm>>) target_semaphore(%arg7 : memref<!tpu.dma_semaphore, #tpu.memory_space<semaphore_mem>>)
    %add3A_1148 = arith.constant 8 : i32
    %add3A_1149 = arith.addi %sub3A_21, %add3A_1148 : i32
    %sub3A_1150 = arith.constant 2040 : i32
    %sub3A_1151 = arith.subi %sub3A_1150, %add3A_1149 : i32
    %add3A_1152 = arith.constant 512 : i32
    %add3A_1153 = arith.addi %sub3A_1151, %add3A_1152 : i32
    %multiple_of3A_1154 = tpu.assume_multiple %add3A_1153, 8 : i32
    %add3A_1155 = arith.constant 1 : i32
    %add3A_1156 = arith.addi %select_n3A_708, %add3A_1155 : i32
    %dma_start3A_1157 = arith.constant 4 : i32
    %dma_start3A_1158 = arith.constant 0 : i32
    %dma_start3A_1159 = tpu.memref_slice %arg5[%dma_start3A_1158, %multiple_of3A_1154] : memref<8x4096xf32, #tpu.memory_space<vmem>> -> memref<8x128xf32, #tpu.memory_space<vmem>>
    %dma_start3A_1160 = arith.constant 0 : i32
    %dma_start3A_1161 = arith.constant 0 : i32
    %dma_start3A_1162 = tpu.memref_slice %arg3[%add3A_1156, %dma_start3A_1157, %dma_start3A_1160, %dma_start3A_1161] : memref<4096x16x8x128xf32, #tpu.memory_space<hbm>> -> memref<1x1x8x128xf32, #tpu.memory_space<hbm>>
    %dma_start3A_1163 = tpu.memref_squeeze %dma_start3A_1162 : memref<1x1x8x128xf32, #tpu.memory_space<hbm>> -> memref<8x128xf32, #tpu.memory_space<hbm>>
    %dma_start3A_1164 = arith.constant 0 : i32
    %dma_start3A_1165 = arith.constant 0 : i32
    %dma_start3A_1166 = tpu.memref_slice %arg3[%add3A_1156, %dma_start3A_1157, %dma_start3A_1164, %dma_start3A_1165] : memref<4096x16x8x128xf32, #tpu.memory_space<hbm>> -> memref<1x1x8x128xf32, #tpu.memory_space<hbm>>
    %dma_start3A_1167 = tpu.memref_squeeze %dma_start3A_1166 : memref<1x1x8x128xf32, #tpu.memory_space<hbm>> -> memref<8x128xf32, #tpu.memory_space<hbm>>
    %dma_start3A_1168 = arith.constant 0 : i32
    %dma_start3A_1169 = tpu.memref_slice %arg5[%dma_start3A_1168, %multiple_of3A_1154] : memref<8x4096xf32, #tpu.memory_space<vmem>> -> memref<8x128xf32, #tpu.memory_space<vmem>>
    tpu.enqueue_dma source(%dma_start3A_1169 : memref<8x128xf32, #tpu.memory_space<vmem>>) target(%dma_start3A_1167 : memref<8x128xf32, #tpu.memory_space<hbm>>) target_semaphore(%arg7 : memref<!tpu.dma_semaphore, #tpu.memory_space<semaphore_mem>>)
    %add3A_1170 = arith.constant 8 : i32
    %add3A_1171 = arith.addi %sub3A_21, %add3A_1170 : i32
    %sub3A_1172 = arith.constant 2040 : i32
    %sub3A_1173 = arith.subi %sub3A_1172, %add3A_1171 : i32
    %add3A_1174 = arith.constant 640 : i32
    %add3A_1175 = arith.addi %sub3A_1173, %add3A_1174 : i32
    %multiple_of3A_1176 = tpu.assume_multiple %add3A_1175, 8 : i32
    %add3A_1177 = arith.constant 1 : i32
    %add3A_1178 = arith.addi %select_n3A_708, %add3A_1177 : i32
    %dma_start3A_1179 = arith.constant 5 : i32
    %dma_start3A_1180 = arith.constant 0 : i32
    %dma_start3A_1181 = tpu.memref_slice %arg5[%dma_start3A_1180, %multiple_of3A_1176] : memref<8x4096xf32, #tpu.memory_space<vmem>> -> memref<8x128xf32, #tpu.memory_space<vmem>>
    %dma_start3A_1182 = arith.constant 0 : i32
    %dma_start3A_1183 = arith.constant 0 : i32
    %dma_start3A_1184 = tpu.memref_slice %arg3[%add3A_1178, %dma_start3A_1179, %dma_start3A_1182, %dma_start3A_1183] : memref<4096x16x8x128xf32, #tpu.memory_space<hbm>> -> memref<1x1x8x128xf32, #tpu.memory_space<hbm>>
    %dma_start3A_1185 = tpu.memref_squeeze %dma_start3A_1184 : memref<1x1x8x128xf32, #tpu.memory_space<hbm>> -> memref<8x128xf32, #tpu.memory_space<hbm>>
    %dma_start3A_1186 = arith.constant 0 : i32
    %dma_start3A_1187 = arith.constant 0 : i32
    %dma_start3A_1188 = tpu.memref_slice %arg3[%add3A_1178, %dma_start3A_1179, %dma_start3A_1186, %dma_start3A_1187] : memref<4096x16x8x128xf32, #tpu.memory_space<hbm>> -> memref<1x1x8x128xf32, #tpu.memory_space<hbm>>
    %dma_start3A_1189 = tpu.memref_squeeze %dma_start3A_1188 : memref<1x1x8x128xf32, #tpu.memory_space<hbm>> -> memref<8x128xf32, #tpu.memory_space<hbm>>
    %dma_start3A_1190 = arith.constant 0 : i32
    %dma_start3A_1191 = tpu.memref_slice %arg5[%dma_start3A_1190, %multiple_of3A_1176] : memref<8x4096xf32, #tpu.memory_space<vmem>> -> memref<8x128xf32, #tpu.memory_space<vmem>>
    tpu.enqueue_dma source(%dma_start3A_1191 : memref<8x128xf32, #tpu.memory_space<vmem>>) target(%dma_start3A_1189 : memref<8x128xf32, #tpu.memory_space<hbm>>) target_semaphore(%arg7 : memref<!tpu.dma_semaphore, #tpu.memory_space<semaphore_mem>>)
    %add3A_1192 = arith.constant 8 : i32
    %add3A_1193 = arith.addi %sub3A_21, %add3A_1192 : i32
    %sub3A_1194 = arith.constant 2040 : i32
    %sub3A_1195 = arith.subi %sub3A_1194, %add3A_1193 : i32
    %add3A_1196 = arith.constant 768 : i32
    %add3A_1197 = arith.addi %sub3A_1195, %add3A_1196 : i32
    %multiple_of3A_1198 = tpu.assume_multiple %add3A_1197, 8 : i32
    %add3A_1199 = arith.constant 1 : i32
    %add3A_1200 = arith.addi %select_n3A_708, %add3A_1199 : i32
    %dma_start3A_1201 = arith.constant 6 : i32
    %dma_start3A_1202 = arith.constant 0 : i32
    %dma_start3A_1203 = tpu.memref_slice %arg5[%dma_start3A_1202, %multiple_of3A_1198] : memref<8x4096xf32, #tpu.memory_space<vmem>> -> memref<8x128xf32, #tpu.memory_space<vmem>>
    %dma_start3A_1204 = arith.constant 0 : i32
    %dma_start3A_1205 = arith.constant 0 : i32
    %dma_start3A_1206 = tpu.memref_slice %arg3[%add3A_1200, %dma_start3A_1201, %dma_start3A_1204, %dma_start3A_1205] : memref<4096x16x8x128xf32, #tpu.memory_space<hbm>> -> memref<1x1x8x128xf32, #tpu.memory_space<hbm>>
    %dma_start3A_1207 = tpu.memref_squeeze %dma_start3A_1206 : memref<1x1x8x128xf32, #tpu.memory_space<hbm>> -> memref<8x128xf32, #tpu.memory_space<hbm>>
    %dma_start3A_1208 = arith.constant 0 : i32
    %dma_start3A_1209 = arith.constant 0 : i32
    %dma_start3A_1210 = tpu.memref_slice %arg3[%add3A_1200, %dma_start3A_1201, %dma_start3A_1208, %dma_start3A_1209] : memref<4096x16x8x128xf32, #tpu.memory_space<hbm>> -> memref<1x1x8x128xf32, #tpu.memory_space<hbm>>
    %dma_start3A_1211 = tpu.memref_squeeze %dma_start3A_1210 : memref<1x1x8x128xf32, #tpu.memory_space<hbm>> -> memref<8x128xf32, #tpu.memory_space<hbm>>
    %dma_start3A_1212 = arith.constant 0 : i32
    %dma_start3A_1213 = tpu.memref_slice %arg5[%dma_start3A_1212, %multiple_of3A_1198] : memref<8x4096xf32, #tpu.memory_space<vmem>> -> memref<8x128xf32, #tpu.memory_space<vmem>>
    tpu.enqueue_dma source(%dma_start3A_1213 : memref<8x128xf32, #tpu.memory_space<vmem>>) target(%dma_start3A_1211 : memref<8x128xf32, #tpu.memory_space<hbm>>) target_semaphore(%arg7 : memref<!tpu.dma_semaphore, #tpu.memory_space<semaphore_mem>>)
    %add3A_1214 = arith.constant 8 : i32
    %add3A_1215 = arith.addi %sub3A_21, %add3A_1214 : i32
    %sub3A_1216 = arith.constant 2040 : i32
    %sub3A_1217 = arith.subi %sub3A_1216, %add3A_1215 : i32
    %add3A_1218 = arith.constant 896 : i32
    %add3A_1219 = arith.addi %sub3A_1217, %add3A_1218 : i32
    %multiple_of3A_1220 = tpu.assume_multiple %add3A_1219, 8 : i32
    %add3A_1221 = arith.constant 1 : i32
    %add3A_1222 = arith.addi %select_n3A_708, %add3A_1221 : i32
    %dma_start3A_1223 = arith.constant 7 : i32
    %dma_start3A_1224 = arith.constant 0 : i32
    %dma_start3A_1225 = tpu.memref_slice %arg5[%dma_start3A_1224, %multiple_of3A_1220] : memref<8x4096xf32, #tpu.memory_space<vmem>> -> memref<8x128xf32, #tpu.memory_space<vmem>>
    %dma_start3A_1226 = arith.constant 0 : i32
    %dma_start3A_1227 = arith.constant 0 : i32
    %dma_start3A_1228 = tpu.memref_slice %arg3[%add3A_1222, %dma_start3A_1223, %dma_start3A_1226, %dma_start3A_1227] : memref<4096x16x8x128xf32, #tpu.memory_space<hbm>> -> memref<1x1x8x128xf32, #tpu.memory_space<hbm>>
    %dma_start3A_1229 = tpu.memref_squeeze %dma_start3A_1228 : memref<1x1x8x128xf32, #tpu.memory_space<hbm>> -> memref<8x128xf32, #tpu.memory_space<hbm>>
    %dma_start3A_1230 = arith.constant 0 : i32
    %dma_start3A_1231 = arith.constant 0 : i32
    %dma_start3A_1232 = tpu.memref_slice %arg3[%add3A_1222, %dma_start3A_1223, %dma_start3A_1230, %dma_start3A_1231] : memref<4096x16x8x128xf32, #tpu.memory_space<hbm>> -> memref<1x1x8x128xf32, #tpu.memory_space<hbm>>
    %dma_start3A_1233 = tpu.memref_squeeze %dma_start3A_1232 : memref<1x1x8x128xf32, #tpu.memory_space<hbm>> -> memref<8x128xf32, #tpu.memory_space<hbm>>
    %dma_start3A_1234 = arith.constant 0 : i32
    %dma_start3A_1235 = tpu.memref_slice %arg5[%dma_start3A_1234, %multiple_of3A_1220] : memref<8x4096xf32, #tpu.memory_space<vmem>> -> memref<8x128xf32, #tpu.memory_space<vmem>>
    tpu.enqueue_dma source(%dma_start3A_1235 : memref<8x128xf32, #tpu.memory_space<vmem>>) target(%dma_start3A_1233 : memref<8x128xf32, #tpu.memory_space<hbm>>) target_semaphore(%arg7 : memref<!tpu.dma_semaphore, #tpu.memory_space<semaphore_mem>>)
    %add3A_1236 = arith.constant 8 : i32
    %add3A_1237 = arith.addi %sub3A_21, %add3A_1236 : i32
    %sub3A_1238 = arith.constant 2040 : i32
    %sub3A_1239 = arith.subi %sub3A_1238, %add3A_1237 : i32
    %add3A_1240 = arith.constant 1024 : i32
    %add3A_1241 = arith.addi %sub3A_1239, %add3A_1240 : i32
    %multiple_of3A_1242 = tpu.assume_multiple %add3A_1241, 8 : i32
    %add3A_1243 = arith.constant 1 : i32
    %add3A_1244 = arith.addi %select_n3A_708, %add3A_1243 : i32
    %dma_start3A_1245 = arith.constant 8 : i32
    %dma_start3A_1246 = arith.constant 0 : i32
    %dma_start3A_1247 = tpu.memref_slice %arg5[%dma_start3A_1246, %multiple_of3A_1242] : memref<8x4096xf32, #tpu.memory_space<vmem>> -> memref<8x128xf32, #tpu.memory_space<vmem>>
    %dma_start3A_1248 = arith.constant 0 : i32
    %dma_start3A_1249 = arith.constant 0 : i32
    %dma_start3A_1250 = tpu.memref_slice %arg3[%add3A_1244, %dma_start3A_1245, %dma_start3A_1248, %dma_start3A_1249] : memref<4096x16x8x128xf32, #tpu.memory_space<hbm>> -> memref<1x1x8x128xf32, #tpu.memory_space<hbm>>
    %dma_start3A_1251 = tpu.memref_squeeze %dma_start3A_1250 : memref<1x1x8x128xf32, #tpu.memory_space<hbm>> -> memref<8x128xf32, #tpu.memory_space<hbm>>
    %dma_start3A_1252 = arith.constant 0 : i32
    %dma_start3A_1253 = arith.constant 0 : i32
    %dma_start3A_1254 = tpu.memref_slice %arg3[%add3A_1244, %dma_start3A_1245, %dma_start3A_1252, %dma_start3A_1253] : memref<4096x16x8x128xf32, #tpu.memory_space<hbm>> -> memref<1x1x8x128xf32, #tpu.memory_space<hbm>>
    %dma_start3A_1255 = tpu.memref_squeeze %dma_start3A_1254 : memref<1x1x8x128xf32, #tpu.memory_space<hbm>> -> memref<8x128xf32, #tpu.memory_space<hbm>>
    %dma_start3A_1256 = arith.constant 0 : i32
    %dma_start3A_1257 = tpu.memref_slice %arg5[%dma_start3A_1256, %multiple_of3A_1242] : memref<8x4096xf32, #tpu.memory_space<vmem>> -> memref<8x128xf32, #tpu.memory_space<vmem>>
    tpu.enqueue_dma source(%dma_start3A_1257 : memref<8x128xf32, #tpu.memory_space<vmem>>) target(%dma_start3A_1255 : memref<8x128xf32, #tpu.memory_space<hbm>>) target_semaphore(%arg7 : memref<!tpu.dma_semaphore, #tpu.memory_space<semaphore_mem>>)
    %add3A_1258 = arith.constant 8 : i32
    %add3A_1259 = arith.addi %sub3A_21, %add3A_1258 : i32
    %sub3A_1260 = arith.constant 2040 : i32
    %sub3A_1261 = arith.subi %sub3A_1260, %add3A_1259 : i32
    %add3A_1262 = arith.constant 1152 : i32
    %add3A_1263 = arith.addi %sub3A_1261, %add3A_1262 : i32
    %multiple_of3A_1264 = tpu.assume_multiple %add3A_1263, 8 : i32
    %add3A_1265 = arith.constant 1 : i32
    %add3A_1266 = arith.addi %select_n3A_708, %add3A_1265 : i32
    %dma_start3A_1267 = arith.constant 9 : i32
    %dma_start3A_1268 = arith.constant 0 : i32
    %dma_start3A_1269 = tpu.memref_slice %arg5[%dma_start3A_1268, %multiple_of3A_1264] : memref<8x4096xf32, #tpu.memory_space<vmem>> -> memref<8x128xf32, #tpu.memory_space<vmem>>
    %dma_start3A_1270 = arith.constant 0 : i32
    %dma_start3A_1271 = arith.constant 0 : i32
    %dma_start3A_1272 = tpu.memref_slice %arg3[%add3A_1266, %dma_start3A_1267, %dma_start3A_1270, %dma_start3A_1271] : memref<4096x16x8x128xf32, #tpu.memory_space<hbm>> -> memref<1x1x8x128xf32, #tpu.memory_space<hbm>>
    %dma_start3A_1273 = tpu.memref_squeeze %dma_start3A_1272 : memref<1x1x8x128xf32, #tpu.memory_space<hbm>> -> memref<8x128xf32, #tpu.memory_space<hbm>>
    %dma_start3A_1274 = arith.constant 0 : i32
    %dma_start3A_1275 = arith.constant 0 : i32
    %dma_start3A_1276 = tpu.memref_slice %arg3[%add3A_1266, %dma_start3A_1267, %dma_start3A_1274, %dma_start3A_1275] : memref<4096x16x8x128xf32, #tpu.memory_space<hbm>> -> memref<1x1x8x128xf32, #tpu.memory_space<hbm>>
    %dma_start3A_1277 = tpu.memref_squeeze %dma_start3A_1276 : memref<1x1x8x128xf32, #tpu.memory_space<hbm>> -> memref<8x128xf32, #tpu.memory_space<hbm>>
    %dma_start3A_1278 = arith.constant 0 : i32
    %dma_start3A_1279 = tpu.memref_slice %arg5[%dma_start3A_1278, %multiple_of3A_1264] : memref<8x4096xf32, #tpu.memory_space<vmem>> -> memref<8x128xf32, #tpu.memory_space<vmem>>
    tpu.enqueue_dma source(%dma_start3A_1279 : memref<8x128xf32, #tpu.memory_space<vmem>>) target(%dma_start3A_1277 : memref<8x128xf32, #tpu.memory_space<hbm>>) target_semaphore(%arg7 : memref<!tpu.dma_semaphore, #tpu.memory_space<semaphore_mem>>)
    %add3A_1280 = arith.constant 8 : i32
    %add3A_1281 = arith.addi %sub3A_21, %add3A_1280 : i32
    %sub3A_1282 = arith.constant 2040 : i32
    %sub3A_1283 = arith.subi %sub3A_1282, %add3A_1281 : i32
    %add3A_1284 = arith.constant 1280 : i32
    %add3A_1285 = arith.addi %sub3A_1283, %add3A_1284 : i32
    %multiple_of3A_1286 = tpu.assume_multiple %add3A_1285, 8 : i32
    %add3A_1287 = arith.constant 1 : i32
    %add3A_1288 = arith.addi %select_n3A_708, %add3A_1287 : i32
    %dma_start3A_1289 = arith.constant 10 : i32
    %dma_start3A_1290 = arith.constant 0 : i32
    %dma_start3A_1291 = tpu.memref_slice %arg5[%dma_start3A_1290, %multiple_of3A_1286] : memref<8x4096xf32, #tpu.memory_space<vmem>> -> memref<8x128xf32, #tpu.memory_space<vmem>>
    %dma_start3A_1292 = arith.constant 0 : i32
    %dma_start3A_1293 = arith.constant 0 : i32
    %dma_start3A_1294 = tpu.memref_slice %arg3[%add3A_1288, %dma_start3A_1289, %dma_start3A_1292, %dma_start3A_1293] : memref<4096x16x8x128xf32, #tpu.memory_space<hbm>> -> memref<1x1x8x128xf32, #tpu.memory_space<hbm>>
    %dma_start3A_1295 = tpu.memref_squeeze %dma_start3A_1294 : memref<1x1x8x128xf32, #tpu.memory_space<hbm>> -> memref<8x128xf32, #tpu.memory_space<hbm>>
    %dma_start3A_1296 = arith.constant 0 : i32
    %dma_start3A_1297 = arith.constant 0 : i32
    %dma_start3A_1298 = tpu.memref_slice %arg3[%add3A_1288, %dma_start3A_1289, %dma_start3A_1296, %dma_start3A_1297] : memref<4096x16x8x128xf32, #tpu.memory_space<hbm>> -> memref<1x1x8x128xf32, #tpu.memory_space<hbm>>
    %dma_start3A_1299 = tpu.memref_squeeze %dma_start3A_1298 : memref<1x1x8x128xf32, #tpu.memory_space<hbm>> -> memref<8x128xf32, #tpu.memory_space<hbm>>
    %dma_start3A_1300 = arith.constant 0 : i32
    %dma_start3A_1301 = tpu.memref_slice %arg5[%dma_start3A_1300, %multiple_of3A_1286] : memref<8x4096xf32, #tpu.memory_space<vmem>> -> memref<8x128xf32, #tpu.memory_space<vmem>>
    tpu.enqueue_dma source(%dma_start3A_1301 : memref<8x128xf32, #tpu.memory_space<vmem>>) target(%dma_start3A_1299 : memref<8x128xf32, #tpu.memory_space<hbm>>) target_semaphore(%arg7 : memref<!tpu.dma_semaphore, #tpu.memory_space<semaphore_mem>>)
    %add3A_1302 = arith.constant 8 : i32
    %add3A_1303 = arith.addi %sub3A_21, %add3A_1302 : i32
    %sub3A_1304 = arith.constant 2040 : i32
    %sub3A_1305 = arith.subi %sub3A_1304, %add3A_1303 : i32
    %add3A_1306 = arith.constant 1408 : i32
    %add3A_1307 = arith.addi %sub3A_1305, %add3A_1306 : i32
    %multiple_of3A_1308 = tpu.assume_multiple %add3A_1307, 8 : i32
    %add3A_1309 = arith.constant 1 : i32
    %add3A_1310 = arith.addi %select_n3A_708, %add3A_1309 : i32
    %dma_start3A_1311 = arith.constant 11 : i32
    %dma_start3A_1312 = arith.constant 0 : i32
    %dma_start3A_1313 = tpu.memref_slice %arg5[%dma_start3A_1312, %multiple_of3A_1308] : memref<8x4096xf32, #tpu.memory_space<vmem>> -> memref<8x128xf32, #tpu.memory_space<vmem>>
    %dma_start3A_1314 = arith.constant 0 : i32
    %dma_start3A_1315 = arith.constant 0 : i32
    %dma_start3A_1316 = tpu.memref_slice %arg3[%add3A_1310, %dma_start3A_1311, %dma_start3A_1314, %dma_start3A_1315] : memref<4096x16x8x128xf32, #tpu.memory_space<hbm>> -> memref<1x1x8x128xf32, #tpu.memory_space<hbm>>
    %dma_start3A_1317 = tpu.memref_squeeze %dma_start3A_1316 : memref<1x1x8x128xf32, #tpu.memory_space<hbm>> -> memref<8x128xf32, #tpu.memory_space<hbm>>
    %dma_start3A_1318 = arith.constant 0 : i32
    %dma_start3A_1319 = arith.constant 0 : i32
    %dma_start3A_1320 = tpu.memref_slice %arg3[%add3A_1310, %dma_start3A_1311, %dma_start3A_1318, %dma_start3A_1319] : memref<4096x16x8x128xf32, #tpu.memory_space<hbm>> -> memref<1x1x8x128xf32, #tpu.memory_space<hbm>>
    %dma_start3A_1321 = tpu.memref_squeeze %dma_start3A_1320 : memref<1x1x8x128xf32, #tpu.memory_space<hbm>> -> memref<8x128xf32, #tpu.memory_space<hbm>>
    %dma_start3A_1322 = arith.constant 0 : i32
    %dma_start3A_1323 = tpu.memref_slice %arg5[%dma_start3A_1322, %multiple_of3A_1308] : memref<8x4096xf32, #tpu.memory_space<vmem>> -> memref<8x128xf32, #tpu.memory_space<vmem>>
    tpu.enqueue_dma source(%dma_start3A_1323 : memref<8x128xf32, #tpu.memory_space<vmem>>) target(%dma_start3A_1321 : memref<8x128xf32, #tpu.memory_space<hbm>>) target_semaphore(%arg7 : memref<!tpu.dma_semaphore, #tpu.memory_space<semaphore_mem>>)
    %add3A_1324 = arith.constant 8 : i32
    %add3A_1325 = arith.addi %sub3A_21, %add3A_1324 : i32
    %sub3A_1326 = arith.constant 2040 : i32
    %sub3A_1327 = arith.subi %sub3A_1326, %add3A_1325 : i32
    %add3A_1328 = arith.constant 1536 : i32
    %add3A_1329 = arith.addi %sub3A_1327, %add3A_1328 : i32
    %multiple_of3A_1330 = tpu.assume_multiple %add3A_1329, 8 : i32
    %add3A_1331 = arith.constant 1 : i32
    %add3A_1332 = arith.addi %select_n3A_708, %add3A_1331 : i32
    %dma_start3A_1333 = arith.constant 12 : i32
    %dma_start3A_1334 = arith.constant 0 : i32
    %dma_start3A_1335 = tpu.memref_slice %arg5[%dma_start3A_1334, %multiple_of3A_1330] : memref<8x4096xf32, #tpu.memory_space<vmem>> -> memref<8x128xf32, #tpu.memory_space<vmem>>
    %dma_start3A_1336 = arith.constant 0 : i32
    %dma_start3A_1337 = arith.constant 0 : i32
    %dma_start3A_1338 = tpu.memref_slice %arg3[%add3A_1332, %dma_start3A_1333, %dma_start3A_1336, %dma_start3A_1337] : memref<4096x16x8x128xf32, #tpu.memory_space<hbm>> -> memref<1x1x8x128xf32, #tpu.memory_space<hbm>>
    %dma_start3A_1339 = tpu.memref_squeeze %dma_start3A_1338 : memref<1x1x8x128xf32, #tpu.memory_space<hbm>> -> memref<8x128xf32, #tpu.memory_space<hbm>>
    %dma_start3A_1340 = arith.constant 0 : i32
    %dma_start3A_1341 = arith.constant 0 : i32
    %dma_start3A_1342 = tpu.memref_slice %arg3[%add3A_1332, %dma_start3A_1333, %dma_start3A_1340, %dma_start3A_1341] : memref<4096x16x8x128xf32, #tpu.memory_space<hbm>> -> memref<1x1x8x128xf32, #tpu.memory_space<hbm>>
    %dma_start3A_1343 = tpu.memref_squeeze %dma_start3A_1342 : memref<1x1x8x128xf32, #tpu.memory_space<hbm>> -> memref<8x128xf32, #tpu.memory_space<hbm>>
    %dma_start3A_1344 = arith.constant 0 : i32
    %dma_start3A_1345 = tpu.memref_slice %arg5[%dma_start3A_1344, %multiple_of3A_1330] : memref<8x4096xf32, #tpu.memory_space<vmem>> -> memref<8x128xf32, #tpu.memory_space<vmem>>
    tpu.enqueue_dma source(%dma_start3A_1345 : memref<8x128xf32, #tpu.memory_space<vmem>>) target(%dma_start3A_1343 : memref<8x128xf32, #tpu.memory_space<hbm>>) target_semaphore(%arg7 : memref<!tpu.dma_semaphore, #tpu.memory_space<semaphore_mem>>)
    %add3A_1346 = arith.constant 8 : i32
    %add3A_1347 = arith.addi %sub3A_21, %add3A_1346 : i32
    %sub3A_1348 = arith.constant 2040 : i32
    %sub3A_1349 = arith.subi %sub3A_1348, %add3A_1347 : i32
    %add3A_1350 = arith.constant 1664 : i32
    %add3A_1351 = arith.addi %sub3A_1349, %add3A_1350 : i32
    %multiple_of3A_1352 = tpu.assume_multiple %add3A_1351, 8 : i32
    %add3A_1353 = arith.constant 1 : i32
    %add3A_1354 = arith.addi %select_n3A_708, %add3A_1353 : i32
    %dma_start3A_1355 = arith.constant 13 : i32
    %dma_start3A_1356 = arith.constant 0 : i32
    %dma_start3A_1357 = tpu.memref_slice %arg5[%dma_start3A_1356, %multiple_of3A_1352] : memref<8x4096xf32, #tpu.memory_space<vmem>> -> memref<8x128xf32, #tpu.memory_space<vmem>>
    %dma_start3A_1358 = arith.constant 0 : i32
    %dma_start3A_1359 = arith.constant 0 : i32
    %dma_start3A_1360 = tpu.memref_slice %arg3[%add3A_1354, %dma_start3A_1355, %dma_start3A_1358, %dma_start3A_1359] : memref<4096x16x8x128xf32, #tpu.memory_space<hbm>> -> memref<1x1x8x128xf32, #tpu.memory_space<hbm>>
    %dma_start3A_1361 = tpu.memref_squeeze %dma_start3A_1360 : memref<1x1x8x128xf32, #tpu.memory_space<hbm>> -> memref<8x128xf32, #tpu.memory_space<hbm>>
    %dma_start3A_1362 = arith.constant 0 : i32
    %dma_start3A_1363 = arith.constant 0 : i32
    %dma_start3A_1364 = tpu.memref_slice %arg3[%add3A_1354, %dma_start3A_1355, %dma_start3A_1362, %dma_start3A_1363] : memref<4096x16x8x128xf32, #tpu.memory_space<hbm>> -> memref<1x1x8x128xf32, #tpu.memory_space<hbm>>
    %dma_start3A_1365 = tpu.memref_squeeze %dma_start3A_1364 : memref<1x1x8x128xf32, #tpu.memory_space<hbm>> -> memref<8x128xf32, #tpu.memory_space<hbm>>
    %dma_start3A_1366 = arith.constant 0 : i32
    %dma_start3A_1367 = tpu.memref_slice %arg5[%dma_start3A_1366, %multiple_of3A_1352] : memref<8x4096xf32, #tpu.memory_space<vmem>> -> memref<8x128xf32, #tpu.memory_space<vmem>>
    tpu.enqueue_dma source(%dma_start3A_1367 : memref<8x128xf32, #tpu.memory_space<vmem>>) target(%dma_start3A_1365 : memref<8x128xf32, #tpu.memory_space<hbm>>) target_semaphore(%arg7 : memref<!tpu.dma_semaphore, #tpu.memory_space<semaphore_mem>>)
    %add3A_1368 = arith.constant 8 : i32
    %add3A_1369 = arith.addi %sub3A_21, %add3A_1368 : i32
    %sub3A_1370 = arith.constant 2040 : i32
    %sub3A_1371 = arith.subi %sub3A_1370, %add3A_1369 : i32
    %add3A_1372 = arith.constant 1792 : i32
    %add3A_1373 = arith.addi %sub3A_1371, %add3A_1372 : i32
    %multiple_of3A_1374 = tpu.assume_multiple %add3A_1373, 8 : i32
    %add3A_1375 = arith.constant 1 : i32
    %add3A_1376 = arith.addi %select_n3A_708, %add3A_1375 : i32
    %dma_start3A_1377 = arith.constant 14 : i32
    %dma_start3A_1378 = arith.constant 0 : i32
    %dma_start3A_1379 = tpu.memref_slice %arg5[%dma_start3A_1378, %multiple_of3A_1374] : memref<8x4096xf32, #tpu.memory_space<vmem>> -> memref<8x128xf32, #tpu.memory_space<vmem>>
    %dma_start3A_1380 = arith.constant 0 : i32
    %dma_start3A_1381 = arith.constant 0 : i32
    %dma_start3A_1382 = tpu.memref_slice %arg3[%add3A_1376, %dma_start3A_1377, %dma_start3A_1380, %dma_start3A_1381] : memref<4096x16x8x128xf32, #tpu.memory_space<hbm>> -> memref<1x1x8x128xf32, #tpu.memory_space<hbm>>
    %dma_start3A_1383 = tpu.memref_squeeze %dma_start3A_1382 : memref<1x1x8x128xf32, #tpu.memory_space<hbm>> -> memref<8x128xf32, #tpu.memory_space<hbm>>
    %dma_start3A_1384 = arith.constant 0 : i32
    %dma_start3A_1385 = arith.constant 0 : i32
    %dma_start3A_1386 = tpu.memref_slice %arg3[%add3A_1376, %dma_start3A_1377, %dma_start3A_1384, %dma_start3A_1385] : memref<4096x16x8x128xf32, #tpu.memory_space<hbm>> -> memref<1x1x8x128xf32, #tpu.memory_space<hbm>>
    %dma_start3A_1387 = tpu.memref_squeeze %dma_start3A_1386 : memref<1x1x8x128xf32, #tpu.memory_space<hbm>> -> memref<8x128xf32, #tpu.memory_space<hbm>>
    %dma_start3A_1388 = arith.constant 0 : i32
    %dma_start3A_1389 = tpu.memref_slice %arg5[%dma_start3A_1388, %multiple_of3A_1374] : memref<8x4096xf32, #tpu.memory_space<vmem>> -> memref<8x128xf32, #tpu.memory_space<vmem>>
    tpu.enqueue_dma source(%dma_start3A_1389 : memref<8x128xf32, #tpu.memory_space<vmem>>) target(%dma_start3A_1387 : memref<8x128xf32, #tpu.memory_space<hbm>>) target_semaphore(%arg7 : memref<!tpu.dma_semaphore, #tpu.memory_space<semaphore_mem>>)
    %add3A_1390 = arith.constant 8 : i32
    %add3A_1391 = arith.addi %sub3A_21, %add3A_1390 : i32
    %sub3A_1392 = arith.constant 2040 : i32
    %sub3A_1393 = arith.subi %sub3A_1392, %add3A_1391 : i32
    %add3A_1394 = arith.constant 1920 : i32
    %add3A_1395 = arith.addi %sub3A_1393, %add3A_1394 : i32
    %multiple_of3A_1396 = tpu.assume_multiple %add3A_1395, 8 : i32
    %add3A_1397 = arith.constant 1 : i32
    %add3A_1398 = arith.addi %select_n3A_708, %add3A_1397 : i32
    %dma_start3A_1399 = arith.constant 15 : i32
    %dma_start3A_1400 = arith.constant 0 : i32
    %dma_start3A_1401 = tpu.memref_slice %arg5[%dma_start3A_1400, %multiple_of3A_1396] : memref<8x4096xf32, #tpu.memory_space<vmem>> -> memref<8x128xf32, #tpu.memory_space<vmem>>
    %dma_start3A_1402 = arith.constant 0 : i32
    %dma_start3A_1403 = arith.constant 0 : i32
    %dma_start3A_1404 = tpu.memref_slice %arg3[%add3A_1398, %dma_start3A_1399, %dma_start3A_1402, %dma_start3A_1403] : memref<4096x16x8x128xf32, #tpu.memory_space<hbm>> -> memref<1x1x8x128xf32, #tpu.memory_space<hbm>>
    %dma_start3A_1405 = tpu.memref_squeeze %dma_start3A_1404 : memref<1x1x8x128xf32, #tpu.memory_space<hbm>> -> memref<8x128xf32, #tpu.memory_space<hbm>>
    %dma_start3A_1406 = arith.constant 0 : i32
    %dma_start3A_1407 = arith.constant 0 : i32
    %dma_start3A_1408 = tpu.memref_slice %arg3[%add3A_1398, %dma_start3A_1399, %dma_start3A_1406, %dma_start3A_1407] : memref<4096x16x8x128xf32, #tpu.memory_space<hbm>> -> memref<1x1x8x128xf32, #tpu.memory_space<hbm>>
    %dma_start3A_1409 = tpu.memref_squeeze %dma_start3A_1408 : memref<1x1x8x128xf32, #tpu.memory_space<hbm>> -> memref<8x128xf32, #tpu.memory_space<hbm>>
    %dma_start3A_1410 = arith.constant 0 : i32
    %dma_start3A_1411 = tpu.memref_slice %arg5[%dma_start3A_1410, %multiple_of3A_1396] : memref<8x4096xf32, #tpu.memory_space<vmem>> -> memref<8x128xf32, #tpu.memory_space<vmem>>
    tpu.enqueue_dma source(%dma_start3A_1411 : memref<8x128xf32, #tpu.memory_space<vmem>>) target(%dma_start3A_1409 : memref<8x128xf32, #tpu.memory_space<hbm>>) target_semaphore(%arg7 : memref<!tpu.dma_semaphore, #tpu.memory_space<semaphore_mem>>)
    %scan3A_1412 = arith.constant 0 : i32
    %scan3A_1413 = arith.constant 0 : i32
    %scan3A_1414 = arith.constant 252 : i32
    %scan3A_1415 = arith.addi %scan3A_1413, %scan3A_1414 : i32
    %scan3A_1416 = arith.constant 1 : i32
    %scan3A_1417 = scf.for %scan3A_1899 = %scan3A_1413 to %scan3A_1415 step %scan3A_1416 iter_args(%scan3A_1900 = %scan3A_1412) -> (i32)  : i32 {
      %mul3A_1901 = arith.constant 8 : i32
      %mul3A_1902 = arith.muli %scan3A_1899, %mul3A_1901 : i32
      %add3A_1903 = arith.constant 32 : i32
      %add3A_1904 = arith.addi %add3A_1903, %mul3A_1902 : i32
      %add3A_1905 = arith.constant 0 : i32
      %add3A_1906 = arith.addi %add3A_1904, %add3A_1905 : i32
      %jit3A_1907 = arith.constant 16 : i32
      %div3A_1908 = arith.divsi %add3A_1906, %jit3A_1907 : i32
      %sign3A_1909 = arith.constant 0 : i32
      %sign3A_1910 = arith.cmpi sgt, %add3A_1906, %sign3A_1909 : i32
      %sign3A_1911 = arith.extui %sign3A_1910 : i1 to i32
      %sign3A_1912 = arith.constant 0 : i32
      %sign3A_1913 = arith.cmpi slt, %add3A_1906, %sign3A_1912 : i32
      %sign3A_1914 = arith.extui %sign3A_1913 : i1 to i32
      %sign3A_1915 = arith.subi %sign3A_1911, %sign3A_1914 : i32
      %sign3A_1916 = arith.constant 0 : i32
      %sign3A_1917 = arith.cmpi sgt, %jit3A_1907, %sign3A_1916 : i32
      %sign3A_1918 = arith.extui %sign3A_1917 : i1 to i32
      %sign3A_1919 = arith.constant 0 : i32
      %sign3A_1920 = arith.cmpi slt, %jit3A_1907, %sign3A_1919 : i32
      %sign3A_1921 = arith.extui %sign3A_1920 : i1 to i32
      %sign3A_1922 = arith.subi %sign3A_1918, %sign3A_1921 : i32
      %ne3A_1923 = arith.cmpi ne, %sign3A_1915, %sign3A_1922 : i32
      %rem3A_1924 = arith.remsi %add3A_1906, %jit3A_1907 : i32
      %ne3A_1925 = arith.constant 0 : i32
      %ne3A_1926 = arith.cmpi ne, %rem3A_1924, %ne3A_1925 : i32
      %and3A_1927 = arith.andi %ne3A_1923, %ne3A_1926 : i1
      %sub3A_1928 = arith.constant 1 : i32
      %sub3A_1929 = arith.subi %div3A_1908, %sub3A_1928 : i32
      %select_n3A_1930 = arith.select %and3A_1927, %sub3A_1929, %div3A_1908 : i32
      %mul3A_1931 = arith.constant 16 : i32
      %mul3A_1932 = arith.muli %select_n3A_1930, %mul3A_1931 : i32
      %sub3A_1933 = arith.subi %add3A_1906, %mul3A_1932 : i32
      %mul3A_1934 = arith.constant 8 : i32
      %mul3A_1935 = arith.muli %mul3A_1934, %select_n3A_1930 : i32
      %add3A_1936 = arith.addi %sub3A_21, %mul3A_1935 : i32
      %sub3A_1937 = arith.constant 2040 : i32
      %sub3A_1938 = arith.subi %sub3A_1937, %add3A_1936 : i32
      %mul3A_1939 = arith.constant 128 : i32
      %mul3A_1940 = arith.muli %mul3A_1939, %sub3A_1933 : i32
      %add3A_1941 = arith.addi %sub3A_1938, %mul3A_1940 : i32
      %multiple_of3A_1942 = tpu.assume_multiple %add3A_1941, 8 : i32
      %add3A_1943 = arith.addi %select_n3A_708, %select_n3A_1930 : i32
      %dma_start3A_1944 = arith.constant 0 : i32
      %dma_start3A_1945 = tpu.memref_slice %arg5[%dma_start3A_1944, %multiple_of3A_1942] : memref<8x4096xf32, #tpu.memory_space<vmem>> -> memref<8x128xf32, #tpu.memory_space<vmem>>
      %dma_start3A_1946 = arith.constant 0 : i32
      %dma_start3A_1947 = arith.constant 0 : i32
      %dma_start3A_1948 = tpu.memref_slice %arg3[%add3A_1943, %sub3A_1933, %dma_start3A_1946, %dma_start3A_1947] : memref<4096x16x8x128xf32, #tpu.memory_space<hbm>> -> memref<1x1x8x128xf32, #tpu.memory_space<hbm>>
      %dma_start3A_1949 = tpu.memref_squeeze %dma_start3A_1948 : memref<1x1x8x128xf32, #tpu.memory_space<hbm>> -> memref<8x128xf32, #tpu.memory_space<hbm>>
      %dma_start3A_1950 = arith.constant 0 : i32
      %dma_start3A_1951 = arith.constant 0 : i32
      %dma_start3A_1952 = tpu.memref_slice %arg3[%add3A_1943, %sub3A_1933, %dma_start3A_1950, %dma_start3A_1951] : memref<4096x16x8x128xf32, #tpu.memory_space<hbm>> -> memref<1x1x8x128xf32, #tpu.memory_space<hbm>>
      %dma_start3A_1953 = tpu.memref_squeeze %dma_start3A_1952 : memref<1x1x8x128xf32, #tpu.memory_space<hbm>> -> memref<8x128xf32, #tpu.memory_space<hbm>>
      %dma_start3A_1954 = arith.constant 0 : i32
      %dma_start3A_1955 = tpu.memref_slice %arg5[%dma_start3A_1954, %multiple_of3A_1942] : memref<8x4096xf32, #tpu.memory_space<vmem>> -> memref<8x128xf32, #tpu.memory_space<vmem>>
      tpu.enqueue_dma source(%dma_start3A_1955 : memref<8x128xf32, #tpu.memory_space<vmem>>) target(%dma_start3A_1953 : memref<8x128xf32, #tpu.memory_space<hbm>>) target_semaphore(%arg7 : memref<!tpu.dma_semaphore, #tpu.memory_space<semaphore_mem>>)
      %add3A_1956 = arith.constant 1 : i32
      %add3A_1957 = arith.addi %add3A_1904, %add3A_1956 : i32
      %jit3A_1958 = arith.constant 16 : i32
      %div3A_1959 = arith.divsi %add3A_1957, %jit3A_1958 : i32
      %sign3A_1960 = arith.constant 0 : i32
      %sign3A_1961 = arith.cmpi sgt, %add3A_1957, %sign3A_1960 : i32
      %sign3A_1962 = arith.extui %sign3A_1961 : i1 to i32
      %sign3A_1963 = arith.constant 0 : i32
      %sign3A_1964 = arith.cmpi slt, %add3A_1957, %sign3A_1963 : i32
      %sign3A_1965 = arith.extui %sign3A_1964 : i1 to i32
      %sign3A_1966 = arith.subi %sign3A_1962, %sign3A_1965 : i32
      %sign3A_1967 = arith.constant 0 : i32
      %sign3A_1968 = arith.cmpi sgt, %jit3A_1958, %sign3A_1967 : i32
      %sign3A_1969 = arith.extui %sign3A_1968 : i1 to i32
      %sign3A_1970 = arith.constant 0 : i32
      %sign3A_1971 = arith.cmpi slt, %jit3A_1958, %sign3A_1970 : i32
      %sign3A_1972 = arith.extui %sign3A_1971 : i1 to i32
      %sign3A_1973 = arith.subi %sign3A_1969, %sign3A_1972 : i32
      %ne3A_1974 = arith.cmpi ne, %sign3A_1966, %sign3A_1973 : i32
      %rem3A_1975 = arith.remsi %add3A_1957, %jit3A_1958 : i32
      %ne3A_1976 = arith.constant 0 : i32
      %ne3A_1977 = arith.cmpi ne, %rem3A_1975, %ne3A_1976 : i32
      %and3A_1978 = arith.andi %ne3A_1974, %ne3A_1977 : i1
      %sub3A_1979 = arith.constant 1 : i32
      %sub3A_1980 = arith.subi %div3A_1959, %sub3A_1979 : i32
      %select_n3A_1981 = arith.select %and3A_1978, %sub3A_1980, %div3A_1959 : i32
      %mul3A_1982 = arith.constant 16 : i32
      %mul3A_1983 = arith.muli %select_n3A_1981, %mul3A_1982 : i32
      %sub3A_1984 = arith.subi %add3A_1957, %mul3A_1983 : i32
      %mul3A_1985 = arith.constant 8 : i32
      %mul3A_1986 = arith.muli %mul3A_1985, %select_n3A_1981 : i32
      %add3A_1987 = arith.addi %sub3A_21, %mul3A_1986 : i32
      %sub3A_1988 = arith.constant 2040 : i32
      %sub3A_1989 = arith.subi %sub3A_1988, %add3A_1987 : i32
      %mul3A_1990 = arith.constant 128 : i32
      %mul3A_1991 = arith.muli %mul3A_1990, %sub3A_1984 : i32
      %add3A_1992 = arith.addi %sub3A_1989, %mul3A_1991 : i32
      %multiple_of3A_1993 = tpu.assume_multiple %add3A_1992, 8 : i32
      %add3A_1994 = arith.addi %select_n3A_708, %select_n3A_1981 : i32
      %dma_start3A_1995 = arith.constant 0 : i32
      %dma_start3A_1996 = tpu.memref_slice %arg5[%dma_start3A_1995, %multiple_of3A_1993] : memref<8x4096xf32, #tpu.memory_space<vmem>> -> memref<8x128xf32, #tpu.memory_space<vmem>>
      %dma_start3A_1997 = arith.constant 0 : i32
      %dma_start3A_1998 = arith.constant 0 : i32
      %dma_start3A_1999 = tpu.memref_slice %arg3[%add3A_1994, %sub3A_1984, %dma_start3A_1997, %dma_start3A_1998] : memref<4096x16x8x128xf32, #tpu.memory_space<hbm>> -> memref<1x1x8x128xf32, #tpu.memory_space<hbm>>
      %dma_start3A_2000 = tpu.memref_squeeze %dma_start3A_1999 : memref<1x1x8x128xf32, #tpu.memory_space<hbm>> -> memref<8x128xf32, #tpu.memory_space<hbm>>
      %dma_start3A_2001 = arith.constant 0 : i32
      %dma_start3A_2002 = arith.constant 0 : i32
      %dma_start3A_2003 = tpu.memref_slice %arg3[%add3A_1994, %sub3A_1984, %dma_start3A_2001, %dma_start3A_2002] : memref<4096x16x8x128xf32, #tpu.memory_space<hbm>> -> memref<1x1x8x128xf32, #tpu.memory_space<hbm>>
      %dma_start3A_2004 = tpu.memref_squeeze %dma_start3A_2003 : memref<1x1x8x128xf32, #tpu.memory_space<hbm>> -> memref<8x128xf32, #tpu.memory_space<hbm>>
      %dma_start3A_2005 = arith.constant 0 : i32
      %dma_start3A_2006 = tpu.memref_slice %arg5[%dma_start3A_2005, %multiple_of3A_1993] : memref<8x4096xf32, #tpu.memory_space<vmem>> -> memref<8x128xf32, #tpu.memory_space<vmem>>
      tpu.enqueue_dma source(%dma_start3A_2006 : memref<8x128xf32, #tpu.memory_space<vmem>>) target(%dma_start3A_2004 : memref<8x128xf32, #tpu.memory_space<hbm>>) target_semaphore(%arg7 : memref<!tpu.dma_semaphore, #tpu.memory_space<semaphore_mem>>)
      %add3A_2007 = arith.constant 2 : i32
      %add3A_2008 = arith.addi %add3A_1904, %add3A_2007 : i32
      %jit3A_2009 = arith.constant 16 : i32
      %div3A_2010 = arith.divsi %add3A_2008, %jit3A_2009 : i32
      %sign3A_2011 = arith.constant 0 : i32
      %sign3A_2012 = arith.cmpi sgt, %add3A_2008, %sign3A_2011 : i32
      %sign3A_2013 = arith.extui %sign3A_2012 : i1 to i32
      %sign3A_2014 = arith.constant 0 : i32
      %sign3A_2015 = arith.cmpi slt, %add3A_2008, %sign3A_2014 : i32
      %sign3A_2016 = arith.extui %sign3A_2015 : i1 to i32
      %sign3A_2017 = arith.subi %sign3A_2013, %sign3A_2016 : i32
      %sign3A_2018 = arith.constant 0 : i32
      %sign3A_2019 = arith.cmpi sgt, %jit3A_2009, %sign3A_2018 : i32
      %sign3A_2020 = arith.extui %sign3A_2019 : i1 to i32
      %sign3A_2021 = arith.constant 0 : i32
      %sign3A_2022 = arith.cmpi slt, %jit3A_2009, %sign3A_2021 : i32
      %sign3A_2023 = arith.extui %sign3A_2022 : i1 to i32
      %sign3A_2024 = arith.subi %sign3A_2020, %sign3A_2023 : i32
      %ne3A_2025 = arith.cmpi ne, %sign3A_2017, %sign3A_2024 : i32
      %rem3A_2026 = arith.remsi %add3A_2008, %jit3A_2009 : i32
      %ne3A_2027 = arith.constant 0 : i32
      %ne3A_2028 = arith.cmpi ne, %rem3A_2026, %ne3A_2027 : i32
      %and3A_2029 = arith.andi %ne3A_2025, %ne3A_2028 : i1
      %sub3A_2030 = arith.constant 1 : i32
      %sub3A_2031 = arith.subi %div3A_2010, %sub3A_2030 : i32
      %select_n3A_2032 = arith.select %and3A_2029, %sub3A_2031, %div3A_2010 : i32
      %mul3A_2033 = arith.constant 16 : i32
      %mul3A_2034 = arith.muli %select_n3A_2032, %mul3A_2033 : i32
      %sub3A_2035 = arith.subi %add3A_2008, %mul3A_2034 : i32
      %mul3A_2036 = arith.constant 8 : i32
      %mul3A_2037 = arith.muli %mul3A_2036, %select_n3A_2032 : i32
      %add3A_2038 = arith.addi %sub3A_21, %mul3A_2037 : i32
      %sub3A_2039 = arith.constant 2040 : i32
      %sub3A_2040 = arith.subi %sub3A_2039, %add3A_2038 : i32
      %mul3A_2041 = arith.constant 128 : i32
      %mul3A_2042 = arith.muli %mul3A_2041, %sub3A_2035 : i32
      %add3A_2043 = arith.addi %sub3A_2040, %mul3A_2042 : i32
      %multiple_of3A_2044 = tpu.assume_multiple %add3A_2043, 8 : i32
      %add3A_2045 = arith.addi %select_n3A_708, %select_n3A_2032 : i32
      %dma_start3A_2046 = arith.constant 0 : i32
      %dma_start3A_2047 = tpu.memref_slice %arg5[%dma_start3A_2046, %multiple_of3A_2044] : memref<8x4096xf32, #tpu.memory_space<vmem>> -> memref<8x128xf32, #tpu.memory_space<vmem>>
      %dma_start3A_2048 = arith.constant 0 : i32
      %dma_start3A_2049 = arith.constant 0 : i32
      %dma_start3A_2050 = tpu.memref_slice %arg3[%add3A_2045, %sub3A_2035, %dma_start3A_2048, %dma_start3A_2049] : memref<4096x16x8x128xf32, #tpu.memory_space<hbm>> -> memref<1x1x8x128xf32, #tpu.memory_space<hbm>>
      %dma_start3A_2051 = tpu.memref_squeeze %dma_start3A_2050 : memref<1x1x8x128xf32, #tpu.memory_space<hbm>> -> memref<8x128xf32, #tpu.memory_space<hbm>>
      %dma_start3A_2052 = arith.constant 0 : i32
      %dma_start3A_2053 = arith.constant 0 : i32
      %dma_start3A_2054 = tpu.memref_slice %arg3[%add3A_2045, %sub3A_2035, %dma_start3A_2052, %dma_start3A_2053] : memref<4096x16x8x128xf32, #tpu.memory_space<hbm>> -> memref<1x1x8x128xf32, #tpu.memory_space<hbm>>
      %dma_start3A_2055 = tpu.memref_squeeze %dma_start3A_2054 : memref<1x1x8x128xf32, #tpu.memory_space<hbm>> -> memref<8x128xf32, #tpu.memory_space<hbm>>
      %dma_start3A_2056 = arith.constant 0 : i32
      %dma_start3A_2057 = tpu.memref_slice %arg5[%dma_start3A_2056, %multiple_of3A_2044] : memref<8x4096xf32, #tpu.memory_space<vmem>> -> memref<8x128xf32, #tpu.memory_space<vmem>>
      tpu.enqueue_dma source(%dma_start3A_2057 : memref<8x128xf32, #tpu.memory_space<vmem>>) target(%dma_start3A_2055 : memref<8x128xf32, #tpu.memory_space<hbm>>) target_semaphore(%arg7 : memref<!tpu.dma_semaphore, #tpu.memory_space<semaphore_mem>>)
      %add3A_2058 = arith.constant 3 : i32
      %add3A_2059 = arith.addi %add3A_1904, %add3A_2058 : i32
      %jit3A_2060 = arith.constant 16 : i32
      %div3A_2061 = arith.divsi %add3A_2059, %jit3A_2060 : i32
      %sign3A_2062 = arith.constant 0 : i32
      %sign3A_2063 = arith.cmpi sgt, %add3A_2059, %sign3A_2062 : i32
      %sign3A_2064 = arith.extui %sign3A_2063 : i1 to i32
      %sign3A_2065 = arith.constant 0 : i32
      %sign3A_2066 = arith.cmpi slt, %add3A_2059, %sign3A_2065 : i32
      %sign3A_2067 = arith.extui %sign3A_2066 : i1 to i32
      %sign3A_2068 = arith.subi %sign3A_2064, %sign3A_2067 : i32
      %sign3A_2069 = arith.constant 0 : i32
      %sign3A_2070 = arith.cmpi sgt, %jit3A_2060, %sign3A_2069 : i32
      %sign3A_2071 = arith.extui %sign3A_2070 : i1 to i32
      %sign3A_2072 = arith.constant 0 : i32
      %sign3A_2073 = arith.cmpi slt, %jit3A_2060, %sign3A_2072 : i32
      %sign3A_2074 = arith.extui %sign3A_2073 : i1 to i32
      %sign3A_2075 = arith.subi %sign3A_2071, %sign3A_2074 : i32
      %ne3A_2076 = arith.cmpi ne, %sign3A_2068, %sign3A_2075 : i32
      %rem3A_2077 = arith.remsi %add3A_2059, %jit3A_2060 : i32
      %ne3A_2078 = arith.constant 0 : i32
      %ne3A_2079 = arith.cmpi ne, %rem3A_2077, %ne3A_2078 : i32
      %and3A_2080 = arith.andi %ne3A_2076, %ne3A_2079 : i1
      %sub3A_2081 = arith.constant 1 : i32
      %sub3A_2082 = arith.subi %div3A_2061, %sub3A_2081 : i32
      %select_n3A_2083 = arith.select %and3A_2080, %sub3A_2082, %div3A_2061 : i32
      %mul3A_2084 = arith.constant 16 : i32
      %mul3A_2085 = arith.muli %select_n3A_2083, %mul3A_2084 : i32
      %sub3A_2086 = arith.subi %add3A_2059, %mul3A_2085 : i32
      %mul3A_2087 = arith.constant 8 : i32
      %mul3A_2088 = arith.muli %mul3A_2087, %select_n3A_2083 : i32
      %add3A_2089 = arith.addi %sub3A_21, %mul3A_2088 : i32
      %sub3A_2090 = arith.constant 2040 : i32
      %sub3A_2091 = arith.subi %sub3A_2090, %add3A_2089 : i32
      %mul3A_2092 = arith.constant 128 : i32
      %mul3A_2093 = arith.muli %mul3A_2092, %sub3A_2086 : i32
      %add3A_2094 = arith.addi %sub3A_2091, %mul3A_2093 : i32
      %multiple_of3A_2095 = tpu.assume_multiple %add3A_2094, 8 : i32
      %add3A_2096 = arith.addi %select_n3A_708, %select_n3A_2083 : i32
      %dma_start3A_2097 = arith.constant 0 : i32
      %dma_start3A_2098 = tpu.memref_slice %arg5[%dma_start3A_2097, %multiple_of3A_2095] : memref<8x4096xf32, #tpu.memory_space<vmem>> -> memref<8x128xf32, #tpu.memory_space<vmem>>
      %dma_start3A_2099 = arith.constant 0 : i32
      %dma_start3A_2100 = arith.constant 0 : i32
      %dma_start3A_2101 = tpu.memref_slice %arg3[%add3A_2096, %sub3A_2086, %dma_start3A_2099, %dma_start3A_2100] : memref<4096x16x8x128xf32, #tpu.memory_space<hbm>> -> memref<1x1x8x128xf32, #tpu.memory_space<hbm>>
      %dma_start3A_2102 = tpu.memref_squeeze %dma_start3A_2101 : memref<1x1x8x128xf32, #tpu.memory_space<hbm>> -> memref<8x128xf32, #tpu.memory_space<hbm>>
      %dma_start3A_2103 = arith.constant 0 : i32
      %dma_start3A_2104 = arith.constant 0 : i32
      %dma_start3A_2105 = tpu.memref_slice %arg3[%add3A_2096, %sub3A_2086, %dma_start3A_2103, %dma_start3A_2104] : memref<4096x16x8x128xf32, #tpu.memory_space<hbm>> -> memref<1x1x8x128xf32, #tpu.memory_space<hbm>>
      %dma_start3A_2106 = tpu.memref_squeeze %dma_start3A_2105 : memref<1x1x8x128xf32, #tpu.memory_space<hbm>> -> memref<8x128xf32, #tpu.memory_space<hbm>>
      %dma_start3A_2107 = arith.constant 0 : i32
      %dma_start3A_2108 = tpu.memref_slice %arg5[%dma_start3A_2107, %multiple_of3A_2095] : memref<8x4096xf32, #tpu.memory_space<vmem>> -> memref<8x128xf32, #tpu.memory_space<vmem>>
      tpu.enqueue_dma source(%dma_start3A_2108 : memref<8x128xf32, #tpu.memory_space<vmem>>) target(%dma_start3A_2106 : memref<8x128xf32, #tpu.memory_space<hbm>>) target_semaphore(%arg7 : memref<!tpu.dma_semaphore, #tpu.memory_space<semaphore_mem>>)
      %add3A_2109 = arith.constant 4 : i32
      %add3A_2110 = arith.addi %add3A_1904, %add3A_2109 : i32
      %jit3A_2111 = arith.constant 16 : i32
      %div3A_2112 = arith.divsi %add3A_2110, %jit3A_2111 : i32
      %sign3A_2113 = arith.constant 0 : i32
      %sign3A_2114 = arith.cmpi sgt, %add3A_2110, %sign3A_2113 : i32
      %sign3A_2115 = arith.extui %sign3A_2114 : i1 to i32
      %sign3A_2116 = arith.constant 0 : i32
      %sign3A_2117 = arith.cmpi slt, %add3A_2110, %sign3A_2116 : i32
      %sign3A_2118 = arith.extui %sign3A_2117 : i1 to i32
      %sign3A_2119 = arith.subi %sign3A_2115, %sign3A_2118 : i32
      %sign3A_2120 = arith.constant 0 : i32
      %sign3A_2121 = arith.cmpi sgt, %jit3A_2111, %sign3A_2120 : i32
      %sign3A_2122 = arith.extui %sign3A_2121 : i1 to i32
      %sign3A_2123 = arith.constant 0 : i32
      %sign3A_2124 = arith.cmpi slt, %jit3A_2111, %sign3A_2123 : i32
      %sign3A_2125 = arith.extui %sign3A_2124 : i1 to i32
      %sign3A_2126 = arith.subi %sign3A_2122, %sign3A_2125 : i32
      %ne3A_2127 = arith.cmpi ne, %sign3A_2119, %sign3A_2126 : i32
      %rem3A_2128 = arith.remsi %add3A_2110, %jit3A_2111 : i32
      %ne3A_2129 = arith.constant 0 : i32
      %ne3A_2130 = arith.cmpi ne, %rem3A_2128, %ne3A_2129 : i32
      %and3A_2131 = arith.andi %ne3A_2127, %ne3A_2130 : i1
      %sub3A_2132 = arith.constant 1 : i32
      %sub3A_2133 = arith.subi %div3A_2112, %sub3A_2132 : i32
      %select_n3A_2134 = arith.select %and3A_2131, %sub3A_2133, %div3A_2112 : i32
      %mul3A_2135 = arith.constant 16 : i32
      %mul3A_2136 = arith.muli %select_n3A_2134, %mul3A_2135 : i32
      %sub3A_2137 = arith.subi %add3A_2110, %mul3A_2136 : i32
      %mul3A_2138 = arith.constant 8 : i32
      %mul3A_2139 = arith.muli %mul3A_2138, %select_n3A_2134 : i32
      %add3A_2140 = arith.addi %sub3A_21, %mul3A_2139 : i32
      %sub3A_2141 = arith.constant 2040 : i32
      %sub3A_2142 = arith.subi %sub3A_2141, %add3A_2140 : i32
      %mul3A_2143 = arith.constant 128 : i32
      %mul3A_2144 = arith.muli %mul3A_2143, %sub3A_2137 : i32
      %add3A_2145 = arith.addi %sub3A_2142, %mul3A_2144 : i32
      %multiple_of3A_2146 = tpu.assume_multiple %add3A_2145, 8 : i32
      %add3A_2147 = arith.addi %select_n3A_708, %select_n3A_2134 : i32
      %dma_start3A_2148 = arith.constant 0 : i32
      %dma_start3A_2149 = tpu.memref_slice %arg5[%dma_start3A_2148, %multiple_of3A_2146] : memref<8x4096xf32, #tpu.memory_space<vmem>> -> memref<8x128xf32, #tpu.memory_space<vmem>>
      %dma_start3A_2150 = arith.constant 0 : i32
      %dma_start3A_2151 = arith.constant 0 : i32
      %dma_start3A_2152 = tpu.memref_slice %arg3[%add3A_2147, %sub3A_2137, %dma_start3A_2150, %dma_start3A_2151] : memref<4096x16x8x128xf32, #tpu.memory_space<hbm>> -> memref<1x1x8x128xf32, #tpu.memory_space<hbm>>
      %dma_start3A_2153 = tpu.memref_squeeze %dma_start3A_2152 : memref<1x1x8x128xf32, #tpu.memory_space<hbm>> -> memref<8x128xf32, #tpu.memory_space<hbm>>
      %dma_start3A_2154 = arith.constant 0 : i32
      %dma_start3A_2155 = arith.constant 0 : i32
      %dma_start3A_2156 = tpu.memref_slice %arg3[%add3A_2147, %sub3A_2137, %dma_start3A_2154, %dma_start3A_2155] : memref<4096x16x8x128xf32, #tpu.memory_space<hbm>> -> memref<1x1x8x128xf32, #tpu.memory_space<hbm>>
      %dma_start3A_2157 = tpu.memref_squeeze %dma_start3A_2156 : memref<1x1x8x128xf32, #tpu.memory_space<hbm>> -> memref<8x128xf32, #tpu.memory_space<hbm>>
      %dma_start3A_2158 = arith.constant 0 : i32
      %dma_start3A_2159 = tpu.memref_slice %arg5[%dma_start3A_2158, %multiple_of3A_2146] : memref<8x4096xf32, #tpu.memory_space<vmem>> -> memref<8x128xf32, #tpu.memory_space<vmem>>
      tpu.enqueue_dma source(%dma_start3A_2159 : memref<8x128xf32, #tpu.memory_space<vmem>>) target(%dma_start3A_2157 : memref<8x128xf32, #tpu.memory_space<hbm>>) target_semaphore(%arg7 : memref<!tpu.dma_semaphore, #tpu.memory_space<semaphore_mem>>)
      %add3A_2160 = arith.constant 5 : i32
      %add3A_2161 = arith.addi %add3A_1904, %add3A_2160 : i32
      %jit3A_2162 = arith.constant 16 : i32
      %div3A_2163 = arith.divsi %add3A_2161, %jit3A_2162 : i32
      %sign3A_2164 = arith.constant 0 : i32
      %sign3A_2165 = arith.cmpi sgt, %add3A_2161, %sign3A_2164 : i32
      %sign3A_2166 = arith.extui %sign3A_2165 : i1 to i32
      %sign3A_2167 = arith.constant 0 : i32
      %sign3A_2168 = arith.cmpi slt, %add3A_2161, %sign3A_2167 : i32
      %sign3A_2169 = arith.extui %sign3A_2168 : i1 to i32
      %sign3A_2170 = arith.subi %sign3A_2166, %sign3A_2169 : i32
      %sign3A_2171 = arith.constant 0 : i32
      %sign3A_2172 = arith.cmpi sgt, %jit3A_2162, %sign3A_2171 : i32
      %sign3A_2173 = arith.extui %sign3A_2172 : i1 to i32
      %sign3A_2174 = arith.constant 0 : i32
      %sign3A_2175 = arith.cmpi slt, %jit3A_2162, %sign3A_2174 : i32
      %sign3A_2176 = arith.extui %sign3A_2175 : i1 to i32
      %sign3A_2177 = arith.subi %sign3A_2173, %sign3A_2176 : i32
      %ne3A_2178 = arith.cmpi ne, %sign3A_2170, %sign3A_2177 : i32
      %rem3A_2179 = arith.remsi %add3A_2161, %jit3A_2162 : i32
      %ne3A_2180 = arith.constant 0 : i32
      %ne3A_2181 = arith.cmpi ne, %rem3A_2179, %ne3A_2180 : i32
      %and3A_2182 = arith.andi %ne3A_2178, %ne3A_2181 : i1
      %sub3A_2183 = arith.constant 1 : i32
      %sub3A_2184 = arith.subi %div3A_2163, %sub3A_2183 : i32
      %select_n3A_2185 = arith.select %and3A_2182, %sub3A_2184, %div3A_2163 : i32
      %mul3A_2186 = arith.constant 16 : i32
      %mul3A_2187 = arith.muli %select_n3A_2185, %mul3A_2186 : i32
      %sub3A_2188 = arith.subi %add3A_2161, %mul3A_2187 : i32
      %mul3A_2189 = arith.constant 8 : i32
      %mul3A_2190 = arith.muli %mul3A_2189, %select_n3A_2185 : i32
      %add3A_2191 = arith.addi %sub3A_21, %mul3A_2190 : i32
      %sub3A_2192 = arith.constant 2040 : i32
      %sub3A_2193 = arith.subi %sub3A_2192, %add3A_2191 : i32
      %mul3A_2194 = arith.constant 128 : i32
      %mul3A_2195 = arith.muli %mul3A_2194, %sub3A_2188 : i32
      %add3A_2196 = arith.addi %sub3A_2193, %mul3A_2195 : i32
      %multiple_of3A_2197 = tpu.assume_multiple %add3A_2196, 8 : i32
      %add3A_2198 = arith.addi %select_n3A_708, %select_n3A_2185 : i32
      %dma_start3A_2199 = arith.constant 0 : i32
      %dma_start3A_2200 = tpu.memref_slice %arg5[%dma_start3A_2199, %multiple_of3A_2197] : memref<8x4096xf32, #tpu.memory_space<vmem>> -> memref<8x128xf32, #tpu.memory_space<vmem>>
      %dma_start3A_2201 = arith.constant 0 : i32
      %dma_start3A_2202 = arith.constant 0 : i32
      %dma_start3A_2203 = tpu.memref_slice %arg3[%add3A_2198, %sub3A_2188, %dma_start3A_2201, %dma_start3A_2202] : memref<4096x16x8x128xf32, #tpu.memory_space<hbm>> -> memref<1x1x8x128xf32, #tpu.memory_space<hbm>>
      %dma_start3A_2204 = tpu.memref_squeeze %dma_start3A_2203 : memref<1x1x8x128xf32, #tpu.memory_space<hbm>> -> memref<8x128xf32, #tpu.memory_space<hbm>>
      %dma_start3A_2205 = arith.constant 0 : i32
      %dma_start3A_2206 = arith.constant 0 : i32
      %dma_start3A_2207 = tpu.memref_slice %arg3[%add3A_2198, %sub3A_2188, %dma_start3A_2205, %dma_start3A_2206] : memref<4096x16x8x128xf32, #tpu.memory_space<hbm>> -> memref<1x1x8x128xf32, #tpu.memory_space<hbm>>
      %dma_start3A_2208 = tpu.memref_squeeze %dma_start3A_2207 : memref<1x1x8x128xf32, #tpu.memory_space<hbm>> -> memref<8x128xf32, #tpu.memory_space<hbm>>
      %dma_start3A_2209 = arith.constant 0 : i32
      %dma_start3A_2210 = tpu.memref_slice %arg5[%dma_start3A_2209, %multiple_of3A_2197] : memref<8x4096xf32, #tpu.memory_space<vmem>> -> memref<8x128xf32, #tpu.memory_space<vmem>>
      tpu.enqueue_dma source(%dma_start3A_2210 : memref<8x128xf32, #tpu.memory_space<vmem>>) target(%dma_start3A_2208 : memref<8x128xf32, #tpu.memory_space<hbm>>) target_semaphore(%arg7 : memref<!tpu.dma_semaphore, #tpu.memory_space<semaphore_mem>>)
      %add3A_2211 = arith.constant 6 : i32
      %add3A_2212 = arith.addi %add3A_1904, %add3A_2211 : i32
      %jit3A_2213 = arith.constant 16 : i32
      %div3A_2214 = arith.divsi %add3A_2212, %jit3A_2213 : i32
      %sign3A_2215 = arith.constant 0 : i32
      %sign3A_2216 = arith.cmpi sgt, %add3A_2212, %sign3A_2215 : i32
      %sign3A_2217 = arith.extui %sign3A_2216 : i1 to i32
      %sign3A_2218 = arith.constant 0 : i32
      %sign3A_2219 = arith.cmpi slt, %add3A_2212, %sign3A_2218 : i32
      %sign3A_2220 = arith.extui %sign3A_2219 : i1 to i32
      %sign3A_2221 = arith.subi %sign3A_2217, %sign3A_2220 : i32
      %sign3A_2222 = arith.constant 0 : i32
      %sign3A_2223 = arith.cmpi sgt, %jit3A_2213, %sign3A_2222 : i32
      %sign3A_2224 = arith.extui %sign3A_2223 : i1 to i32
      %sign3A_2225 = arith.constant 0 : i32
      %sign3A_2226 = arith.cmpi slt, %jit3A_2213, %sign3A_2225 : i32
      %sign3A_2227 = arith.extui %sign3A_2226 : i1 to i32
      %sign3A_2228 = arith.subi %sign3A_2224, %sign3A_2227 : i32
      %ne3A_2229 = arith.cmpi ne, %sign3A_2221, %sign3A_2228 : i32
      %rem3A_2230 = arith.remsi %add3A_2212, %jit3A_2213 : i32
      %ne3A_2231 = arith.constant 0 : i32
      %ne3A_2232 = arith.cmpi ne, %rem3A_2230, %ne3A_2231 : i32
      %and3A_2233 = arith.andi %ne3A_2229, %ne3A_2232 : i1
      %sub3A_2234 = arith.constant 1 : i32
      %sub3A_2235 = arith.subi %div3A_2214, %sub3A_2234 : i32
      %select_n3A_2236 = arith.select %and3A_2233, %sub3A_2235, %div3A_2214 : i32
      %mul3A_2237 = arith.constant 16 : i32
      %mul3A_2238 = arith.muli %select_n3A_2236, %mul3A_2237 : i32
      %sub3A_2239 = arith.subi %add3A_2212, %mul3A_2238 : i32
      %mul3A_2240 = arith.constant 8 : i32
      %mul3A_2241 = arith.muli %mul3A_2240, %select_n3A_2236 : i32
      %add3A_2242 = arith.addi %sub3A_21, %mul3A_2241 : i32
      %sub3A_2243 = arith.constant 2040 : i32
      %sub3A_2244 = arith.subi %sub3A_2243, %add3A_2242 : i32
      %mul3A_2245 = arith.constant 128 : i32
      %mul3A_2246 = arith.muli %mul3A_2245, %sub3A_2239 : i32
      %add3A_2247 = arith.addi %sub3A_2244, %mul3A_2246 : i32
      %multiple_of3A_2248 = tpu.assume_multiple %add3A_2247, 8 : i32
      %add3A_2249 = arith.addi %select_n3A_708, %select_n3A_2236 : i32
      %dma_start3A_2250 = arith.constant 0 : i32
      %dma_start3A_2251 = tpu.memref_slice %arg5[%dma_start3A_2250, %multiple_of3A_2248] : memref<8x4096xf32, #tpu.memory_space<vmem>> -> memref<8x128xf32, #tpu.memory_space<vmem>>
      %dma_start3A_2252 = arith.constant 0 : i32
      %dma_start3A_2253 = arith.constant 0 : i32
      %dma_start3A_2254 = tpu.memref_slice %arg3[%add3A_2249, %sub3A_2239, %dma_start3A_2252, %dma_start3A_2253] : memref<4096x16x8x128xf32, #tpu.memory_space<hbm>> -> memref<1x1x8x128xf32, #tpu.memory_space<hbm>>
      %dma_start3A_2255 = tpu.memref_squeeze %dma_start3A_2254 : memref<1x1x8x128xf32, #tpu.memory_space<hbm>> -> memref<8x128xf32, #tpu.memory_space<hbm>>
      %dma_start3A_2256 = arith.constant 0 : i32
      %dma_start3A_2257 = arith.constant 0 : i32
      %dma_start3A_2258 = tpu.memref_slice %arg3[%add3A_2249, %sub3A_2239, %dma_start3A_2256, %dma_start3A_2257] : memref<4096x16x8x128xf32, #tpu.memory_space<hbm>> -> memref<1x1x8x128xf32, #tpu.memory_space<hbm>>
      %dma_start3A_2259 = tpu.memref_squeeze %dma_start3A_2258 : memref<1x1x8x128xf32, #tpu.memory_space<hbm>> -> memref<8x128xf32, #tpu.memory_space<hbm>>
      %dma_start3A_2260 = arith.constant 0 : i32
      %dma_start3A_2261 = tpu.memref_slice %arg5[%dma_start3A_2260, %multiple_of3A_2248] : memref<8x4096xf32, #tpu.memory_space<vmem>> -> memref<8x128xf32, #tpu.memory_space<vmem>>
      tpu.enqueue_dma source(%dma_start3A_2261 : memref<8x128xf32, #tpu.memory_space<vmem>>) target(%dma_start3A_2259 : memref<8x128xf32, #tpu.memory_space<hbm>>) target_semaphore(%arg7 : memref<!tpu.dma_semaphore, #tpu.memory_space<semaphore_mem>>)
      %add3A_2262 = arith.constant 7 : i32
      %add3A_2263 = arith.addi %add3A_1904, %add3A_2262 : i32
      %jit3A_2264 = arith.constant 16 : i32
      %div3A_2265 = arith.divsi %add3A_2263, %jit3A_2264 : i32
      %sign3A_2266 = arith.constant 0 : i32
      %sign3A_2267 = arith.cmpi sgt, %add3A_2263, %sign3A_2266 : i32
      %sign3A_2268 = arith.extui %sign3A_2267 : i1 to i32
      %sign3A_2269 = arith.constant 0 : i32
      %sign3A_2270 = arith.cmpi slt, %add3A_2263, %sign3A_2269 : i32
      %sign3A_2271 = arith.extui %sign3A_2270 : i1 to i32
      %sign3A_2272 = arith.subi %sign3A_2268, %sign3A_2271 : i32
      %sign3A_2273 = arith.constant 0 : i32
      %sign3A_2274 = arith.cmpi sgt, %jit3A_2264, %sign3A_2273 : i32
      %sign3A_2275 = arith.extui %sign3A_2274 : i1 to i32
      %sign3A_2276 = arith.constant 0 : i32
      %sign3A_2277 = arith.cmpi slt, %jit3A_2264, %sign3A_2276 : i32
      %sign3A_2278 = arith.extui %sign3A_2277 : i1 to i32
      %sign3A_2279 = arith.subi %sign3A_2275, %sign3A_2278 : i32
      %ne3A_2280 = arith.cmpi ne, %sign3A_2272, %sign3A_2279 : i32
      %rem3A_2281 = arith.remsi %add3A_2263, %jit3A_2264 : i32
      %ne3A_2282 = arith.constant 0 : i32
      %ne3A_2283 = arith.cmpi ne, %rem3A_2281, %ne3A_2282 : i32
      %and3A_2284 = arith.andi %ne3A_2280, %ne3A_2283 : i1
      %sub3A_2285 = arith.constant 1 : i32
      %sub3A_2286 = arith.subi %div3A_2265, %sub3A_2285 : i32
      %select_n3A_2287 = arith.select %and3A_2284, %sub3A_2286, %div3A_2265 : i32
      %mul3A_2288 = arith.constant 16 : i32
      %mul3A_2289 = arith.muli %select_n3A_2287, %mul3A_2288 : i32
      %sub3A_2290 = arith.subi %add3A_2263, %mul3A_2289 : i32
      %mul3A_2291 = arith.constant 8 : i32
      %mul3A_2292 = arith.muli %mul3A_2291, %select_n3A_2287 : i32
      %add3A_2293 = arith.addi %sub3A_21, %mul3A_2292 : i32
      %sub3A_2294 = arith.constant 2040 : i32
      %sub3A_2295 = arith.subi %sub3A_2294, %add3A_2293 : i32
      %mul3A_2296 = arith.constant 128 : i32
      %mul3A_2297 = arith.muli %mul3A_2296, %sub3A_2290 : i32
      %add3A_2298 = arith.addi %sub3A_2295, %mul3A_2297 : i32
      %multiple_of3A_2299 = tpu.assume_multiple %add3A_2298, 8 : i32
      %add3A_2300 = arith.addi %select_n3A_708, %select_n3A_2287 : i32
      %dma_start3A_2301 = arith.constant 0 : i32
      %dma_start3A_2302 = tpu.memref_slice %arg5[%dma_start3A_2301, %multiple_of3A_2299] : memref<8x4096xf32, #tpu.memory_space<vmem>> -> memref<8x128xf32, #tpu.memory_space<vmem>>
      %dma_start3A_2303 = arith.constant 0 : i32
      %dma_start3A_2304 = arith.constant 0 : i32
      %dma_start3A_2305 = tpu.memref_slice %arg3[%add3A_2300, %sub3A_2290, %dma_start3A_2303, %dma_start3A_2304] : memref<4096x16x8x128xf32, #tpu.memory_space<hbm>> -> memref<1x1x8x128xf32, #tpu.memory_space<hbm>>
      %dma_start3A_2306 = tpu.memref_squeeze %dma_start3A_2305 : memref<1x1x8x128xf32, #tpu.memory_space<hbm>> -> memref<8x128xf32, #tpu.memory_space<hbm>>
      %dma_start3A_2307 = arith.constant 0 : i32
      %dma_start3A_2308 = arith.constant 0 : i32
      %dma_start3A_2309 = tpu.memref_slice %arg3[%add3A_2300, %sub3A_2290, %dma_start3A_2307, %dma_start3A_2308] : memref<4096x16x8x128xf32, #tpu.memory_space<hbm>> -> memref<1x1x8x128xf32, #tpu.memory_space<hbm>>
      %dma_start3A_2310 = tpu.memref_squeeze %dma_start3A_2309 : memref<1x1x8x128xf32, #tpu.memory_space<hbm>> -> memref<8x128xf32, #tpu.memory_space<hbm>>
      %dma_start3A_2311 = arith.constant 0 : i32
      %dma_start3A_2312 = tpu.memref_slice %arg5[%dma_start3A_2311, %multiple_of3A_2299] : memref<8x4096xf32, #tpu.memory_space<vmem>> -> memref<8x128xf32, #tpu.memory_space<vmem>>
      tpu.enqueue_dma source(%dma_start3A_2312 : memref<8x128xf32, #tpu.memory_space<vmem>>) target(%dma_start3A_2310 : memref<8x128xf32, #tpu.memory_space<hbm>>) target_semaphore(%arg7 : memref<!tpu.dma_semaphore, #tpu.memory_space<semaphore_mem>>)
      %dma_wait3A_2313 = arith.constant 0 : i32
      %dma_wait3A_2314 = tpu.memref_slice %arg5[%dma_wait3A_2313, %multiple_of3A_1942] : memref<8x4096xf32, #tpu.memory_space<vmem>> -> memref<8x128xf32, #tpu.memory_space<vmem>>
      %dma_wait3A_2315 = arith.constant 0 : i32
      %dma_wait3A_2316 = arith.constant 0 : i32
      %dma_wait3A_2317 = tpu.memref_slice %arg3[%add3A_1943, %sub3A_1933, %dma_wait3A_2315, %dma_wait3A_2316] : memref<4096x16x8x128xf32, #tpu.memory_space<hbm>> -> memref<1x1x8x128xf32, #tpu.memory_space<hbm>>
      %dma_wait3A_2318 = tpu.memref_squeeze %dma_wait3A_2317 : memref<1x1x8x128xf32, #tpu.memory_space<hbm>> -> memref<8x128xf32, #tpu.memory_space<hbm>>
      %dma_wait3A_2319 = arith.constant 0 : i32
      %dma_wait3A_2320 = arith.constant 0 : i32
      %dma_wait3A_2321 = tpu.memref_slice %arg3[%add3A_1943, %sub3A_1933, %dma_wait3A_2319, %dma_wait3A_2320] : memref<4096x16x8x128xf32, #tpu.memory_space<hbm>> -> memref<1x1x8x128xf32, #tpu.memory_space<hbm>>
      %dma_wait3A_2322 = tpu.memref_squeeze %dma_wait3A_2321 : memref<1x1x8x128xf32, #tpu.memory_space<hbm>> -> memref<8x128xf32, #tpu.memory_space<hbm>>
      %dma_wait3A_2323 = arith.constant 0 : i32
      %dma_wait3A_2324 = tpu.memref_slice %arg5[%dma_wait3A_2323, %multiple_of3A_1942] : memref<8x4096xf32, #tpu.memory_space<vmem>> -> memref<8x128xf32, #tpu.memory_space<vmem>>
      tpu.wait_dma2 semaphore(%arg7 : memref<!tpu.dma_semaphore, #tpu.memory_space<semaphore_mem>>) src(%dma_wait3A_2324 : memref<8x128xf32, #tpu.memory_space<vmem>>) dst(%dma_wait3A_2322 : memref<8x128xf32, #tpu.memory_space<hbm>>)
      %dma_wait3A_2325 = arith.constant 0 : i32
      %dma_wait3A_2326 = tpu.memref_slice %arg5[%dma_wait3A_2325, %multiple_of3A_1993] : memref<8x4096xf32, #tpu.memory_space<vmem>> -> memref<8x128xf32, #tpu.memory_space<vmem>>
      %dma_wait3A_2327 = arith.constant 0 : i32
      %dma_wait3A_2328 = arith.constant 0 : i32
      %dma_wait3A_2329 = tpu.memref_slice %arg3[%add3A_1994, %sub3A_1984, %dma_wait3A_2327, %dma_wait3A_2328] : memref<4096x16x8x128xf32, #tpu.memory_space<hbm>> -> memref<1x1x8x128xf32, #tpu.memory_space<hbm>>
      %dma_wait3A_2330 = tpu.memref_squeeze %dma_wait3A_2329 : memref<1x1x8x128xf32, #tpu.memory_space<hbm>> -> memref<8x128xf32, #tpu.memory_space<hbm>>
      %dma_wait3A_2331 = arith.constant 0 : i32
      %dma_wait3A_2332 = arith.constant 0 : i32
      %dma_wait3A_2333 = tpu.memref_slice %arg3[%add3A_1994, %sub3A_1984, %dma_wait3A_2331, %dma_wait3A_2332] : memref<4096x16x8x128xf32, #tpu.memory_space<hbm>> -> memref<1x1x8x128xf32, #tpu.memory_space<hbm>>
      %dma_wait3A_2334 = tpu.memref_squeeze %dma_wait3A_2333 : memref<1x1x8x128xf32, #tpu.memory_space<hbm>> -> memref<8x128xf32, #tpu.memory_space<hbm>>
      %dma_wait3A_2335 = arith.constant 0 : i32
      %dma_wait3A_2336 = tpu.memref_slice %arg5[%dma_wait3A_2335, %multiple_of3A_1993] : memref<8x4096xf32, #tpu.memory_space<vmem>> -> memref<8x128xf32, #tpu.memory_space<vmem>>
      tpu.wait_dma2 semaphore(%arg7 : memref<!tpu.dma_semaphore, #tpu.memory_space<semaphore_mem>>) src(%dma_wait3A_2336 : memref<8x128xf32, #tpu.memory_space<vmem>>) dst(%dma_wait3A_2334 : memref<8x128xf32, #tpu.memory_space<hbm>>)
      %dma_wait3A_2337 = arith.constant 0 : i32
      %dma_wait3A_2338 = tpu.memref_slice %arg5[%dma_wait3A_2337, %multiple_of3A_2044] : memref<8x4096xf32, #tpu.memory_space<vmem>> -> memref<8x128xf32, #tpu.memory_space<vmem>>
      %dma_wait3A_2339 = arith.constant 0 : i32
      %dma_wait3A_2340 = arith.constant 0 : i32
      %dma_wait3A_2341 = tpu.memref_slice %arg3[%add3A_2045, %sub3A_2035, %dma_wait3A_2339, %dma_wait3A_2340] : memref<4096x16x8x128xf32, #tpu.memory_space<hbm>> -> memref<1x1x8x128xf32, #tpu.memory_space<hbm>>
      %dma_wait3A_2342 = tpu.memref_squeeze %dma_wait3A_2341 : memref<1x1x8x128xf32, #tpu.memory_space<hbm>> -> memref<8x128xf32, #tpu.memory_space<hbm>>
      %dma_wait3A_2343 = arith.constant 0 : i32
      %dma_wait3A_2344 = arith.constant 0 : i32
      %dma_wait3A_2345 = tpu.memref_slice %arg3[%add3A_2045, %sub3A_2035, %dma_wait3A_2343, %dma_wait3A_2344] : memref<4096x16x8x128xf32, #tpu.memory_space<hbm>> -> memref<1x1x8x128xf32, #tpu.memory_space<hbm>>
      %dma_wait3A_2346 = tpu.memref_squeeze %dma_wait3A_2345 : memref<1x1x8x128xf32, #tpu.memory_space<hbm>> -> memref<8x128xf32, #tpu.memory_space<hbm>>
      %dma_wait3A_2347 = arith.constant 0 : i32
      %dma_wait3A_2348 = tpu.memref_slice %arg5[%dma_wait3A_2347, %multiple_of3A_2044] : memref<8x4096xf32, #tpu.memory_space<vmem>> -> memref<8x128xf32, #tpu.memory_space<vmem>>
      tpu.wait_dma2 semaphore(%arg7 : memref<!tpu.dma_semaphore, #tpu.memory_space<semaphore_mem>>) src(%dma_wait3A_2348 : memref<8x128xf32, #tpu.memory_space<vmem>>) dst(%dma_wait3A_2346 : memref<8x128xf32, #tpu.memory_space<hbm>>)
      %dma_wait3A_2349 = arith.constant 0 : i32
      %dma_wait3A_2350 = tpu.memref_slice %arg5[%dma_wait3A_2349, %multiple_of3A_2095] : memref<8x4096xf32, #tpu.memory_space<vmem>> -> memref<8x128xf32, #tpu.memory_space<vmem>>
      %dma_wait3A_2351 = arith.constant 0 : i32
      %dma_wait3A_2352 = arith.constant 0 : i32
      %dma_wait3A_2353 = tpu.memref_slice %arg3[%add3A_2096, %sub3A_2086, %dma_wait3A_2351, %dma_wait3A_2352] : memref<4096x16x8x128xf32, #tpu.memory_space<hbm>> -> memref<1x1x8x128xf32, #tpu.memory_space<hbm>>
      %dma_wait3A_2354 = tpu.memref_squeeze %dma_wait3A_2353 : memref<1x1x8x128xf32, #tpu.memory_space<hbm>> -> memref<8x128xf32, #tpu.memory_space<hbm>>
      %dma_wait3A_2355 = arith.constant 0 : i32
      %dma_wait3A_2356 = arith.constant 0 : i32
      %dma_wait3A_2357 = tpu.memref_slice %arg3[%add3A_2096, %sub3A_2086, %dma_wait3A_2355, %dma_wait3A_2356] : memref<4096x16x8x128xf32, #tpu.memory_space<hbm>> -> memref<1x1x8x128xf32, #tpu.memory_space<hbm>>
      %dma_wait3A_2358 = tpu.memref_squeeze %dma_wait3A_2357 : memref<1x1x8x128xf32, #tpu.memory_space<hbm>> -> memref<8x128xf32, #tpu.memory_space<hbm>>
      %dma_wait3A_2359 = arith.constant 0 : i32
      %dma_wait3A_2360 = tpu.memref_slice %arg5[%dma_wait3A_2359, %multiple_of3A_2095] : memref<8x4096xf32, #tpu.memory_space<vmem>> -> memref<8x128xf32, #tpu.memory_space<vmem>>
      tpu.wait_dma2 semaphore(%arg7 : memref<!tpu.dma_semaphore, #tpu.memory_space<semaphore_mem>>) src(%dma_wait3A_2360 : memref<8x128xf32, #tpu.memory_space<vmem>>) dst(%dma_wait3A_2358 : memref<8x128xf32, #tpu.memory_space<hbm>>)
      %dma_wait3A_2361 = arith.constant 0 : i32
      %dma_wait3A_2362 = tpu.memref_slice %arg5[%dma_wait3A_2361, %multiple_of3A_2146] : memref<8x4096xf32, #tpu.memory_space<vmem>> -> memref<8x128xf32, #tpu.memory_space<vmem>>
      %dma_wait3A_2363 = arith.constant 0 : i32
      %dma_wait3A_2364 = arith.constant 0 : i32
      %dma_wait3A_2365 = tpu.memref_slice %arg3[%add3A_2147, %sub3A_2137, %dma_wait3A_2363, %dma_wait3A_2364] : memref<4096x16x8x128xf32, #tpu.memory_space<hbm>> -> memref<1x1x8x128xf32, #tpu.memory_space<hbm>>
      %dma_wait3A_2366 = tpu.memref_squeeze %dma_wait3A_2365 : memref<1x1x8x128xf32, #tpu.memory_space<hbm>> -> memref<8x128xf32, #tpu.memory_space<hbm>>
      %dma_wait3A_2367 = arith.constant 0 : i32
      %dma_wait3A_2368 = arith.constant 0 : i32
      %dma_wait3A_2369 = tpu.memref_slice %arg3[%add3A_2147, %sub3A_2137, %dma_wait3A_2367, %dma_wait3A_2368] : memref<4096x16x8x128xf32, #tpu.memory_space<hbm>> -> memref<1x1x8x128xf32, #tpu.memory_space<hbm>>
      %dma_wait3A_2370 = tpu.memref_squeeze %dma_wait3A_2369 : memref<1x1x8x128xf32, #tpu.memory_space<hbm>> -> memref<8x128xf32, #tpu.memory_space<hbm>>
      %dma_wait3A_2371 = arith.constant 0 : i32
      %dma_wait3A_2372 = tpu.memref_slice %arg5[%dma_wait3A_2371, %multiple_of3A_2146] : memref<8x4096xf32, #tpu.memory_space<vmem>> -> memref<8x128xf32, #tpu.memory_space<vmem>>
      tpu.wait_dma2 semaphore(%arg7 : memref<!tpu.dma_semaphore, #tpu.memory_space<semaphore_mem>>) src(%dma_wait3A_2372 : memref<8x128xf32, #tpu.memory_space<vmem>>) dst(%dma_wait3A_2370 : memref<8x128xf32, #tpu.memory_space<hbm>>)
      %dma_wait3A_2373 = arith.constant 0 : i32
      %dma_wait3A_2374 = tpu.memref_slice %arg5[%dma_wait3A_2373, %multiple_of3A_2197] : memref<8x4096xf32, #tpu.memory_space<vmem>> -> memref<8x128xf32, #tpu.memory_space<vmem>>
      %dma_wait3A_2375 = arith.constant 0 : i32
      %dma_wait3A_2376 = arith.constant 0 : i32
      %dma_wait3A_2377 = tpu.memref_slice %arg3[%add3A_2198, %sub3A_2188, %dma_wait3A_2375, %dma_wait3A_2376] : memref<4096x16x8x128xf32, #tpu.memory_space<hbm>> -> memref<1x1x8x128xf32, #tpu.memory_space<hbm>>
      %dma_wait3A_2378 = tpu.memref_squeeze %dma_wait3A_2377 : memref<1x1x8x128xf32, #tpu.memory_space<hbm>> -> memref<8x128xf32, #tpu.memory_space<hbm>>
      %dma_wait3A_2379 = arith.constant 0 : i32
      %dma_wait3A_2380 = arith.constant 0 : i32
      %dma_wait3A_2381 = tpu.memref_slice %arg3[%add3A_2198, %sub3A_2188, %dma_wait3A_2379, %dma_wait3A_2380] : memref<4096x16x8x128xf32, #tpu.memory_space<hbm>> -> memref<1x1x8x128xf32, #tpu.memory_space<hbm>>
      %dma_wait3A_2382 = tpu.memref_squeeze %dma_wait3A_2381 : memref<1x1x8x128xf32, #tpu.memory_space<hbm>> -> memref<8x128xf32, #tpu.memory_space<hbm>>
      %dma_wait3A_2383 = arith.constant 0 : i32
      %dma_wait3A_2384 = tpu.memref_slice %arg5[%dma_wait3A_2383, %multiple_of3A_2197] : memref<8x4096xf32, #tpu.memory_space<vmem>> -> memref<8x128xf32, #tpu.memory_space<vmem>>
      tpu.wait_dma2 semaphore(%arg7 : memref<!tpu.dma_semaphore, #tpu.memory_space<semaphore_mem>>) src(%dma_wait3A_2384 : memref<8x128xf32, #tpu.memory_space<vmem>>) dst(%dma_wait3A_2382 : memref<8x128xf32, #tpu.memory_space<hbm>>)
      %dma_wait3A_2385 = arith.constant 0 : i32
      %dma_wait3A_2386 = tpu.memref_slice %arg5[%dma_wait3A_2385, %multiple_of3A_2248] : memref<8x4096xf32, #tpu.memory_space<vmem>> -> memref<8x128xf32, #tpu.memory_space<vmem>>
      %dma_wait3A_2387 = arith.constant 0 : i32
      %dma_wait3A_2388 = arith.constant 0 : i32
      %dma_wait3A_2389 = tpu.memref_slice %arg3[%add3A_2249, %sub3A_2239, %dma_wait3A_2387, %dma_wait3A_2388] : memref<4096x16x8x128xf32, #tpu.memory_space<hbm>> -> memref<1x1x8x128xf32, #tpu.memory_space<hbm>>
      %dma_wait3A_2390 = tpu.memref_squeeze %dma_wait3A_2389 : memref<1x1x8x128xf32, #tpu.memory_space<hbm>> -> memref<8x128xf32, #tpu.memory_space<hbm>>
      %dma_wait3A_2391 = arith.constant 0 : i32
      %dma_wait3A_2392 = arith.constant 0 : i32
      %dma_wait3A_2393 = tpu.memref_slice %arg3[%add3A_2249, %sub3A_2239, %dma_wait3A_2391, %dma_wait3A_2392] : memref<4096x16x8x128xf32, #tpu.memory_space<hbm>> -> memref<1x1x8x128xf32, #tpu.memory_space<hbm>>
      %dma_wait3A_2394 = tpu.memref_squeeze %dma_wait3A_2393 : memref<1x1x8x128xf32, #tpu.memory_space<hbm>> -> memref<8x128xf32, #tpu.memory_space<hbm>>
      %dma_wait3A_2395 = arith.constant 0 : i32
      %dma_wait3A_2396 = tpu.memref_slice %arg5[%dma_wait3A_2395, %multiple_of3A_2248] : memref<8x4096xf32, #tpu.memory_space<vmem>> -> memref<8x128xf32, #tpu.memory_space<vmem>>
      tpu.wait_dma2 semaphore(%arg7 : memref<!tpu.dma_semaphore, #tpu.memory_space<semaphore_mem>>) src(%dma_wait3A_2396 : memref<8x128xf32, #tpu.memory_space<vmem>>) dst(%dma_wait3A_2394 : memref<8x128xf32, #tpu.memory_space<hbm>>)
      %dma_wait3A_2397 = arith.constant 0 : i32
      %dma_wait3A_2398 = tpu.memref_slice %arg5[%dma_wait3A_2397, %multiple_of3A_2299] : memref<8x4096xf32, #tpu.memory_space<vmem>> -> memref<8x128xf32, #tpu.memory_space<vmem>>
      %dma_wait3A_2399 = arith.constant 0 : i32
      %dma_wait3A_2400 = arith.constant 0 : i32
      %dma_wait3A_2401 = tpu.memref_slice %arg3[%add3A_2300, %sub3A_2290, %dma_wait3A_2399, %dma_wait3A_2400] : memref<4096x16x8x128xf32, #tpu.memory_space<hbm>> -> memref<1x1x8x128xf32, #tpu.memory_space<hbm>>
      %dma_wait3A_2402 = tpu.memref_squeeze %dma_wait3A_2401 : memref<1x1x8x128xf32, #tpu.memory_space<hbm>> -> memref<8x128xf32, #tpu.memory_space<hbm>>
      %dma_wait3A_2403 = arith.constant 0 : i32
      %dma_wait3A_2404 = arith.constant 0 : i32
      %dma_wait3A_2405 = tpu.memref_slice %arg3[%add3A_2300, %sub3A_2290, %dma_wait3A_2403, %dma_wait3A_2404] : memref<4096x16x8x128xf32, #tpu.memory_space<hbm>> -> memref<1x1x8x128xf32, #tpu.memory_space<hbm>>
      %dma_wait3A_2406 = tpu.memref_squeeze %dma_wait3A_2405 : memref<1x1x8x128xf32, #tpu.memory_space<hbm>> -> memref<8x128xf32, #tpu.memory_space<hbm>>
      %dma_wait3A_2407 = arith.constant 0 : i32
      %dma_wait3A_2408 = tpu.memref_slice %arg5[%dma_wait3A_2407, %multiple_of3A_2299] : memref<8x4096xf32, #tpu.memory_space<vmem>> -> memref<8x128xf32, #tpu.memory_space<vmem>>
      tpu.wait_dma2 semaphore(%arg7 : memref<!tpu.dma_semaphore, #tpu.memory_space<semaphore_mem>>) src(%dma_wait3A_2408 : memref<8x128xf32, #tpu.memory_space<vmem>>) dst(%dma_wait3A_2406 : memref<8x128xf32, #tpu.memory_space<hbm>>)
      %scan3A_2409 = arith.constant 0 : i32
      scf.yield %scan3A_2409 : i32
    }
    %scan3A_1418 = arith.constant 252 : i32
    %dma_wait3A_1419 = arith.constant 0 : i32
    %dma_wait3A_1420 = arith.constant 0 : i32
    %dma_wait3A_1421 = arith.constant 0 : i32
    %dma_wait3A_1422 = tpu.memref_slice %arg5[%dma_wait3A_1420, %dma_wait3A_1421] : memref<8x4096xf32, #tpu.memory_space<vmem>> -> memref<8x128xf32, #tpu.memory_space<vmem>>
    %dma_wait3A_1423 = arith.constant 0 : i32
    %dma_wait3A_1424 = arith.constant 0 : i32
    %dma_wait3A_1425 = tpu.memref_slice %arg3[%select_n3A_708, %dma_wait3A_1419, %dma_wait3A_1423, %dma_wait3A_1424] : memref<4096x16x8x128xf32, #tpu.memory_space<hbm>> -> memref<1x1x8x128xf32, #tpu.memory_space<hbm>>
    %dma_wait3A_1426 = tpu.memref_squeeze %dma_wait3A_1425 : memref<1x1x8x128xf32, #tpu.memory_space<hbm>> -> memref<8x128xf32, #tpu.memory_space<hbm>>
    %dma_wait3A_1427 = arith.constant 0 : i32
    %dma_wait3A_1428 = arith.constant 0 : i32
    %dma_wait3A_1429 = tpu.memref_slice %arg5[%dma_wait3A_1427, %dma_wait3A_1428] : memref<8x4096xf32, #tpu.memory_space<vmem>> -> memref<8x128xf32, #tpu.memory_space<vmem>>
    %dma_wait3A_1430 = arith.constant 0 : i32
    %dma_wait3A_1431 = arith.constant 0 : i32
    %dma_wait3A_1432 = tpu.memref_slice %arg3[%select_n3A_708, %dma_wait3A_1419, %dma_wait3A_1430, %dma_wait3A_1431] : memref<4096x16x8x128xf32, #tpu.memory_space<hbm>> -> memref<1x1x8x128xf32, #tpu.memory_space<hbm>>
    %dma_wait3A_1433 = tpu.memref_squeeze %dma_wait3A_1432 : memref<1x1x8x128xf32, #tpu.memory_space<hbm>> -> memref<8x128xf32, #tpu.memory_space<hbm>>
    tpu.wait_dma2 semaphore(%arg7 : memref<!tpu.dma_semaphore, #tpu.memory_space<semaphore_mem>>) src(%dma_wait3A_1433 : memref<8x128xf32, #tpu.memory_space<hbm>>) dst(%dma_wait3A_1429 : memref<8x128xf32, #tpu.memory_space<vmem>>)
    %dma_wait3A_1434 = arith.constant 0 : i32
    %dma_wait3A_1435 = arith.constant 0 : i32
    %dma_wait3A_1436 = arith.constant 0 : i32
    %dma_wait3A_1437 = tpu.memref_slice %arg5[%dma_wait3A_1435, %dma_wait3A_1436] : memref<8x4096xf32, #tpu.memory_space<vmem>> -> memref<8x128xf32, #tpu.memory_space<vmem>>
    %dma_wait3A_1438 = arith.constant 0 : i32
    %dma_wait3A_1439 = arith.constant 0 : i32
    %dma_wait3A_1440 = tpu.memref_slice %arg3[%select_n3A_708, %dma_wait3A_1434, %dma_wait3A_1438, %dma_wait3A_1439] : memref<4096x16x8x128xf32, #tpu.memory_space<hbm>> -> memref<1x1x8x128xf32, #tpu.memory_space<hbm>>
    %dma_wait3A_1441 = tpu.memref_squeeze %dma_wait3A_1440 : memref<1x1x8x128xf32, #tpu.memory_space<hbm>> -> memref<8x128xf32, #tpu.memory_space<hbm>>
    %dma_wait3A_1442 = arith.constant 0 : i32
    %dma_wait3A_1443 = arith.constant 0 : i32
    %dma_wait3A_1444 = tpu.memref_slice %arg5[%dma_wait3A_1442, %dma_wait3A_1443] : memref<8x4096xf32, #tpu.memory_space<vmem>> -> memref<8x128xf32, #tpu.memory_space<vmem>>
    %dma_wait3A_1445 = arith.constant 0 : i32
    %dma_wait3A_1446 = arith.constant 0 : i32
    %dma_wait3A_1447 = tpu.memref_slice %arg3[%select_n3A_708, %dma_wait3A_1434, %dma_wait3A_1445, %dma_wait3A_1446] : memref<4096x16x8x128xf32, #tpu.memory_space<hbm>> -> memref<1x1x8x128xf32, #tpu.memory_space<hbm>>
    %dma_wait3A_1448 = tpu.memref_squeeze %dma_wait3A_1447 : memref<1x1x8x128xf32, #tpu.memory_space<hbm>> -> memref<8x128xf32, #tpu.memory_space<hbm>>
    tpu.wait_dma2 semaphore(%arg7 : memref<!tpu.dma_semaphore, #tpu.memory_space<semaphore_mem>>) src(%dma_wait3A_1448 : memref<8x128xf32, #tpu.memory_space<hbm>>) dst(%dma_wait3A_1444 : memref<8x128xf32, #tpu.memory_space<vmem>>)
    %dma_wait3A_1449 = arith.constant 0 : i32
    %dma_wait3A_1450 = arith.constant 0 : i32
    %dma_wait3A_1451 = arith.constant 0 : i32
    %dma_wait3A_1452 = tpu.memref_slice %arg5[%dma_wait3A_1450, %dma_wait3A_1451] : memref<8x4096xf32, #tpu.memory_space<vmem>> -> memref<8x128xf32, #tpu.memory_space<vmem>>
    %dma_wait3A_1453 = arith.constant 0 : i32
    %dma_wait3A_1454 = arith.constant 0 : i32
    %dma_wait3A_1455 = tpu.memref_slice %arg3[%select_n3A_708, %dma_wait3A_1449, %dma_wait3A_1453, %dma_wait3A_1454] : memref<4096x16x8x128xf32, #tpu.memory_space<hbm>> -> memref<1x1x8x128xf32, #tpu.memory_space<hbm>>
    %dma_wait3A_1456 = tpu.memref_squeeze %dma_wait3A_1455 : memref<1x1x8x128xf32, #tpu.memory_space<hbm>> -> memref<8x128xf32, #tpu.memory_space<hbm>>
    %dma_wait3A_1457 = arith.constant 0 : i32
    %dma_wait3A_1458 = arith.constant 0 : i32
    %dma_wait3A_1459 = tpu.memref_slice %arg5[%dma_wait3A_1457, %dma_wait3A_1458] : memref<8x4096xf32, #tpu.memory_space<vmem>> -> memref<8x128xf32, #tpu.memory_space<vmem>>
    %dma_wait3A_1460 = arith.constant 0 : i32
    %dma_wait3A_1461 = arith.constant 0 : i32
    %dma_wait3A_1462 = tpu.memref_slice %arg3[%select_n3A_708, %dma_wait3A_1449, %dma_wait3A_1460, %dma_wait3A_1461] : memref<4096x16x8x128xf32, #tpu.memory_space<hbm>> -> memref<1x1x8x128xf32, #tpu.memory_space<hbm>>
    %dma_wait3A_1463 = tpu.memref_squeeze %dma_wait3A_1462 : memref<1x1x8x128xf32, #tpu.memory_space<hbm>> -> memref<8x128xf32, #tpu.memory_space<hbm>>
    tpu.wait_dma2 semaphore(%arg7 : memref<!tpu.dma_semaphore, #tpu.memory_space<semaphore_mem>>) src(%dma_wait3A_1463 : memref<8x128xf32, #tpu.memory_space<hbm>>) dst(%dma_wait3A_1459 : memref<8x128xf32, #tpu.memory_space<vmem>>)
    %dma_wait3A_1464 = arith.constant 0 : i32
    %dma_wait3A_1465 = arith.constant 0 : i32
    %dma_wait3A_1466 = arith.constant 0 : i32
    %dma_wait3A_1467 = tpu.memref_slice %arg5[%dma_wait3A_1465, %dma_wait3A_1466] : memref<8x4096xf32, #tpu.memory_space<vmem>> -> memref<8x128xf32, #tpu.memory_space<vmem>>
    %dma_wait3A_1468 = arith.constant 0 : i32
    %dma_wait3A_1469 = arith.constant 0 : i32
    %dma_wait3A_1470 = tpu.memref_slice %arg3[%select_n3A_708, %dma_wait3A_1464, %dma_wait3A_1468, %dma_wait3A_1469] : memref<4096x16x8x128xf32, #tpu.memory_space<hbm>> -> memref<1x1x8x128xf32, #tpu.memory_space<hbm>>
    %dma_wait3A_1471 = tpu.memref_squeeze %dma_wait3A_1470 : memref<1x1x8x128xf32, #tpu.memory_space<hbm>> -> memref<8x128xf32, #tpu.memory_space<hbm>>
    %dma_wait3A_1472 = arith.constant 0 : i32
    %dma_wait3A_1473 = arith.constant 0 : i32
    %dma_wait3A_1474 = tpu.memref_slice %arg5[%dma_wait3A_1472, %dma_wait3A_1473] : memref<8x4096xf32, #tpu.memory_space<vmem>> -> memref<8x128xf32, #tpu.memory_space<vmem>>
    %dma_wait3A_1475 = arith.constant 0 : i32
    %dma_wait3A_1476 = arith.constant 0 : i32
    %dma_wait3A_1477 = tpu.memref_slice %arg3[%select_n3A_708, %dma_wait3A_1464, %dma_wait3A_1475, %dma_wait3A_1476] : memref<4096x16x8x128xf32, #tpu.memory_space<hbm>> -> memref<1x1x8x128xf32, #tpu.memory_space<hbm>>
    %dma_wait3A_1478 = tpu.memref_squeeze %dma_wait3A_1477 : memref<1x1x8x128xf32, #tpu.memory_space<hbm>> -> memref<8x128xf32, #tpu.memory_space<hbm>>
    tpu.wait_dma2 semaphore(%arg7 : memref<!tpu.dma_semaphore, #tpu.memory_space<semaphore_mem>>) src(%dma_wait3A_1478 : memref<8x128xf32, #tpu.memory_space<hbm>>) dst(%dma_wait3A_1474 : memref<8x128xf32, #tpu.memory_space<vmem>>)
    %dma_wait3A_1479 = arith.constant 0 : i32
    %dma_wait3A_1480 = arith.constant 0 : i32
    %dma_wait3A_1481 = arith.constant 0 : i32
    %dma_wait3A_1482 = tpu.memref_slice %arg5[%dma_wait3A_1480, %dma_wait3A_1481] : memref<8x4096xf32, #tpu.memory_space<vmem>> -> memref<8x128xf32, #tpu.memory_space<vmem>>
    %dma_wait3A_1483 = arith.constant 0 : i32
    %dma_wait3A_1484 = arith.constant 0 : i32
    %dma_wait3A_1485 = tpu.memref_slice %arg3[%select_n3A_708, %dma_wait3A_1479, %dma_wait3A_1483, %dma_wait3A_1484] : memref<4096x16x8x128xf32, #tpu.memory_space<hbm>> -> memref<1x1x8x128xf32, #tpu.memory_space<hbm>>
    %dma_wait3A_1486 = tpu.memref_squeeze %dma_wait3A_1485 : memref<1x1x8x128xf32, #tpu.memory_space<hbm>> -> memref<8x128xf32, #tpu.memory_space<hbm>>
    %dma_wait3A_1487 = arith.constant 0 : i32
    %dma_wait3A_1488 = arith.constant 0 : i32
    %dma_wait3A_1489 = tpu.memref_slice %arg5[%dma_wait3A_1487, %dma_wait3A_1488] : memref<8x4096xf32, #tpu.memory_space<vmem>> -> memref<8x128xf32, #tpu.memory_space<vmem>>
    %dma_wait3A_1490 = arith.constant 0 : i32
    %dma_wait3A_1491 = arith.constant 0 : i32
    %dma_wait3A_1492 = tpu.memref_slice %arg3[%select_n3A_708, %dma_wait3A_1479, %dma_wait3A_1490, %dma_wait3A_1491] : memref<4096x16x8x128xf32, #tpu.memory_space<hbm>> -> memref<1x1x8x128xf32, #tpu.memory_space<hbm>>
    %dma_wait3A_1493 = tpu.memref_squeeze %dma_wait3A_1492 : memref<1x1x8x128xf32, #tpu.memory_space<hbm>> -> memref<8x128xf32, #tpu.memory_space<hbm>>
    tpu.wait_dma2 semaphore(%arg7 : memref<!tpu.dma_semaphore, #tpu.memory_space<semaphore_mem>>) src(%dma_wait3A_1493 : memref<8x128xf32, #tpu.memory_space<hbm>>) dst(%dma_wait3A_1489 : memref<8x128xf32, #tpu.memory_space<vmem>>)
    %dma_wait3A_1494 = arith.constant 0 : i32
    %dma_wait3A_1495 = arith.constant 0 : i32
    %dma_wait3A_1496 = arith.constant 0 : i32
    %dma_wait3A_1497 = tpu.memref_slice %arg5[%dma_wait3A_1495, %dma_wait3A_1496] : memref<8x4096xf32, #tpu.memory_space<vmem>> -> memref<8x128xf32, #tpu.memory_space<vmem>>
    %dma_wait3A_1498 = arith.constant 0 : i32
    %dma_wait3A_1499 = arith.constant 0 : i32
    %dma_wait3A_1500 = tpu.memref_slice %arg3[%select_n3A_708, %dma_wait3A_1494, %dma_wait3A_1498, %dma_wait3A_1499] : memref<4096x16x8x128xf32, #tpu.memory_space<hbm>> -> memref<1x1x8x128xf32, #tpu.memory_space<hbm>>
    %dma_wait3A_1501 = tpu.memref_squeeze %dma_wait3A_1500 : memref<1x1x8x128xf32, #tpu.memory_space<hbm>> -> memref<8x128xf32, #tpu.memory_space<hbm>>
    %dma_wait3A_1502 = arith.constant 0 : i32
    %dma_wait3A_1503 = arith.constant 0 : i32
    %dma_wait3A_1504 = tpu.memref_slice %arg5[%dma_wait3A_1502, %dma_wait3A_1503] : memref<8x4096xf32, #tpu.memory_space<vmem>> -> memref<8x128xf32, #tpu.memory_space<vmem>>
    %dma_wait3A_1505 = arith.constant 0 : i32
    %dma_wait3A_1506 = arith.constant 0 : i32
    %dma_wait3A_1507 = tpu.memref_slice %arg3[%select_n3A_708, %dma_wait3A_1494, %dma_wait3A_1505, %dma_wait3A_1506] : memref<4096x16x8x128xf32, #tpu.memory_space<hbm>> -> memref<1x1x8x128xf32, #tpu.memory_space<hbm>>
    %dma_wait3A_1508 = tpu.memref_squeeze %dma_wait3A_1507 : memref<1x1x8x128xf32, #tpu.memory_space<hbm>> -> memref<8x128xf32, #tpu.memory_space<hbm>>
    tpu.wait_dma2 semaphore(%arg7 : memref<!tpu.dma_semaphore, #tpu.memory_space<semaphore_mem>>) src(%dma_wait3A_1508 : memref<8x128xf32, #tpu.memory_space<hbm>>) dst(%dma_wait3A_1504 : memref<8x128xf32, #tpu.memory_space<vmem>>)
    %dma_wait3A_1509 = arith.constant 0 : i32
    %dma_wait3A_1510 = arith.constant 0 : i32
    %dma_wait3A_1511 = arith.constant 0 : i32
    %dma_wait3A_1512 = tpu.memref_slice %arg5[%dma_wait3A_1510, %dma_wait3A_1511] : memref<8x4096xf32, #tpu.memory_space<vmem>> -> memref<8x128xf32, #tpu.memory_space<vmem>>
    %dma_wait3A_1513 = arith.constant 0 : i32
    %dma_wait3A_1514 = arith.constant 0 : i32
    %dma_wait3A_1515 = tpu.memref_slice %arg3[%select_n3A_708, %dma_wait3A_1509, %dma_wait3A_1513, %dma_wait3A_1514] : memref<4096x16x8x128xf32, #tpu.memory_space<hbm>> -> memref<1x1x8x128xf32, #tpu.memory_space<hbm>>
    %dma_wait3A_1516 = tpu.memref_squeeze %dma_wait3A_1515 : memref<1x1x8x128xf32, #tpu.memory_space<hbm>> -> memref<8x128xf32, #tpu.memory_space<hbm>>
    %dma_wait3A_1517 = arith.constant 0 : i32
    %dma_wait3A_1518 = arith.constant 0 : i32
    %dma_wait3A_1519 = tpu.memref_slice %arg5[%dma_wait3A_1517, %dma_wait3A_1518] : memref<8x4096xf32, #tpu.memory_space<vmem>> -> memref<8x128xf32, #tpu.memory_space<vmem>>
    %dma_wait3A_1520 = arith.constant 0 : i32
    %dma_wait3A_1521 = arith.constant 0 : i32
    %dma_wait3A_1522 = tpu.memref_slice %arg3[%select_n3A_708, %dma_wait3A_1509, %dma_wait3A_1520, %dma_wait3A_1521] : memref<4096x16x8x128xf32, #tpu.memory_space<hbm>> -> memref<1x1x8x128xf32, #tpu.memory_space<hbm>>
    %dma_wait3A_1523 = tpu.memref_squeeze %dma_wait3A_1522 : memref<1x1x8x128xf32, #tpu.memory_space<hbm>> -> memref<8x128xf32, #tpu.memory_space<hbm>>
    tpu.wait_dma2 semaphore(%arg7 : memref<!tpu.dma_semaphore, #tpu.memory_space<semaphore_mem>>) src(%dma_wait3A_1523 : memref<8x128xf32, #tpu.memory_space<hbm>>) dst(%dma_wait3A_1519 : memref<8x128xf32, #tpu.memory_space<vmem>>)
    %dma_wait3A_1524 = arith.constant 0 : i32
    %dma_wait3A_1525 = arith.constant 0 : i32
    %dma_wait3A_1526 = arith.constant 0 : i32
    %dma_wait3A_1527 = tpu.memref_slice %arg5[%dma_wait3A_1525, %dma_wait3A_1526] : memref<8x4096xf32, #tpu.memory_space<vmem>> -> memref<8x128xf32, #tpu.memory_space<vmem>>
    %dma_wait3A_1528 = arith.constant 0 : i32
    %dma_wait3A_1529 = arith.constant 0 : i32
    %dma_wait3A_1530 = tpu.memref_slice %arg3[%select_n3A_708, %dma_wait3A_1524, %dma_wait3A_1528, %dma_wait3A_1529] : memref<4096x16x8x128xf32, #tpu.memory_space<hbm>> -> memref<1x1x8x128xf32, #tpu.memory_space<hbm>>
    %dma_wait3A_1531 = tpu.memref_squeeze %dma_wait3A_1530 : memref<1x1x8x128xf32, #tpu.memory_space<hbm>> -> memref<8x128xf32, #tpu.memory_space<hbm>>
    %dma_wait3A_1532 = arith.constant 0 : i32
    %dma_wait3A_1533 = arith.constant 0 : i32
    %dma_wait3A_1534 = tpu.memref_slice %arg5[%dma_wait3A_1532, %dma_wait3A_1533] : memref<8x4096xf32, #tpu.memory_space<vmem>> -> memref<8x128xf32, #tpu.memory_space<vmem>>
    %dma_wait3A_1535 = arith.constant 0 : i32
    %dma_wait3A_1536 = arith.constant 0 : i32
    %dma_wait3A_1537 = tpu.memref_slice %arg3[%select_n3A_708, %dma_wait3A_1524, %dma_wait3A_1535, %dma_wait3A_1536] : memref<4096x16x8x128xf32, #tpu.memory_space<hbm>> -> memref<1x1x8x128xf32, #tpu.memory_space<hbm>>
    %dma_wait3A_1538 = tpu.memref_squeeze %dma_wait3A_1537 : memref<1x1x8x128xf32, #tpu.memory_space<hbm>> -> memref<8x128xf32, #tpu.memory_space<hbm>>
    tpu.wait_dma2 semaphore(%arg7 : memref<!tpu.dma_semaphore, #tpu.memory_space<semaphore_mem>>) src(%dma_wait3A_1538 : memref<8x128xf32, #tpu.memory_space<hbm>>) dst(%dma_wait3A_1534 : memref<8x128xf32, #tpu.memory_space<vmem>>)
    %dma_wait3A_1539 = arith.constant 0 : i32
    %dma_wait3A_1540 = arith.constant 0 : i32
    %dma_wait3A_1541 = arith.constant 0 : i32
    %dma_wait3A_1542 = tpu.memref_slice %arg5[%dma_wait3A_1540, %dma_wait3A_1541] : memref<8x4096xf32, #tpu.memory_space<vmem>> -> memref<8x128xf32, #tpu.memory_space<vmem>>
    %dma_wait3A_1543 = arith.constant 0 : i32
    %dma_wait3A_1544 = arith.constant 0 : i32
    %dma_wait3A_1545 = tpu.memref_slice %arg3[%select_n3A_708, %dma_wait3A_1539, %dma_wait3A_1543, %dma_wait3A_1544] : memref<4096x16x8x128xf32, #tpu.memory_space<hbm>> -> memref<1x1x8x128xf32, #tpu.memory_space<hbm>>
    %dma_wait3A_1546 = tpu.memref_squeeze %dma_wait3A_1545 : memref<1x1x8x128xf32, #tpu.memory_space<hbm>> -> memref<8x128xf32, #tpu.memory_space<hbm>>
    %dma_wait3A_1547 = arith.constant 0 : i32
    %dma_wait3A_1548 = arith.constant 0 : i32
    %dma_wait3A_1549 = tpu.memref_slice %arg5[%dma_wait3A_1547, %dma_wait3A_1548] : memref<8x4096xf32, #tpu.memory_space<vmem>> -> memref<8x128xf32, #tpu.memory_space<vmem>>
    %dma_wait3A_1550 = arith.constant 0 : i32
    %dma_wait3A_1551 = arith.constant 0 : i32
    %dma_wait3A_1552 = tpu.memref_slice %arg3[%select_n3A_708, %dma_wait3A_1539, %dma_wait3A_1550, %dma_wait3A_1551] : memref<4096x16x8x128xf32, #tpu.memory_space<hbm>> -> memref<1x1x8x128xf32, #tpu.memory_space<hbm>>
    %dma_wait3A_1553 = tpu.memref_squeeze %dma_wait3A_1552 : memref<1x1x8x128xf32, #tpu.memory_space<hbm>> -> memref<8x128xf32, #tpu.memory_space<hbm>>
    tpu.wait_dma2 semaphore(%arg7 : memref<!tpu.dma_semaphore, #tpu.memory_space<semaphore_mem>>) src(%dma_wait3A_1553 : memref<8x128xf32, #tpu.memory_space<hbm>>) dst(%dma_wait3A_1549 : memref<8x128xf32, #tpu.memory_space<vmem>>)
    %dma_wait3A_1554 = arith.constant 0 : i32
    %dma_wait3A_1555 = arith.constant 0 : i32
    %dma_wait3A_1556 = arith.constant 0 : i32
    %dma_wait3A_1557 = tpu.memref_slice %arg5[%dma_wait3A_1555, %dma_wait3A_1556] : memref<8x4096xf32, #tpu.memory_space<vmem>> -> memref<8x128xf32, #tpu.memory_space<vmem>>
    %dma_wait3A_1558 = arith.constant 0 : i32
    %dma_wait3A_1559 = arith.constant 0 : i32
    %dma_wait3A_1560 = tpu.memref_slice %arg3[%select_n3A_708, %dma_wait3A_1554, %dma_wait3A_1558, %dma_wait3A_1559] : memref<4096x16x8x128xf32, #tpu.memory_space<hbm>> -> memref<1x1x8x128xf32, #tpu.memory_space<hbm>>
    %dma_wait3A_1561 = tpu.memref_squeeze %dma_wait3A_1560 : memref<1x1x8x128xf32, #tpu.memory_space<hbm>> -> memref<8x128xf32, #tpu.memory_space<hbm>>
    %dma_wait3A_1562 = arith.constant 0 : i32
    %dma_wait3A_1563 = arith.constant 0 : i32
    %dma_wait3A_1564 = tpu.memref_slice %arg5[%dma_wait3A_1562, %dma_wait3A_1563] : memref<8x4096xf32, #tpu.memory_space<vmem>> -> memref<8x128xf32, #tpu.memory_space<vmem>>
    %dma_wait3A_1565 = arith.constant 0 : i32
    %dma_wait3A_1566 = arith.constant 0 : i32
    %dma_wait3A_1567 = tpu.memref_slice %arg3[%select_n3A_708, %dma_wait3A_1554, %dma_wait3A_1565, %dma_wait3A_1566] : memref<4096x16x8x128xf32, #tpu.memory_space<hbm>> -> memref<1x1x8x128xf32, #tpu.memory_space<hbm>>
    %dma_wait3A_1568 = tpu.memref_squeeze %dma_wait3A_1567 : memref<1x1x8x128xf32, #tpu.memory_space<hbm>> -> memref<8x128xf32, #tpu.memory_space<hbm>>
    tpu.wait_dma2 semaphore(%arg7 : memref<!tpu.dma_semaphore, #tpu.memory_space<semaphore_mem>>) src(%dma_wait3A_1568 : memref<8x128xf32, #tpu.memory_space<hbm>>) dst(%dma_wait3A_1564 : memref<8x128xf32, #tpu.memory_space<vmem>>)
    %dma_wait3A_1569 = arith.constant 0 : i32
    %dma_wait3A_1570 = arith.constant 0 : i32
    %dma_wait3A_1571 = arith.constant 0 : i32
    %dma_wait3A_1572 = tpu.memref_slice %arg5[%dma_wait3A_1570, %dma_wait3A_1571] : memref<8x4096xf32, #tpu.memory_space<vmem>> -> memref<8x128xf32, #tpu.memory_space<vmem>>
    %dma_wait3A_1573 = arith.constant 0 : i32
    %dma_wait3A_1574 = arith.constant 0 : i32
    %dma_wait3A_1575 = tpu.memref_slice %arg3[%select_n3A_708, %dma_wait3A_1569, %dma_wait3A_1573, %dma_wait3A_1574] : memref<4096x16x8x128xf32, #tpu.memory_space<hbm>> -> memref<1x1x8x128xf32, #tpu.memory_space<hbm>>
    %dma_wait3A_1576 = tpu.memref_squeeze %dma_wait3A_1575 : memref<1x1x8x128xf32, #tpu.memory_space<hbm>> -> memref<8x128xf32, #tpu.memory_space<hbm>>
    %dma_wait3A_1577 = arith.constant 0 : i32
    %dma_wait3A_1578 = arith.constant 0 : i32
    %dma_wait3A_1579 = tpu.memref_slice %arg5[%dma_wait3A_1577, %dma_wait3A_1578] : memref<8x4096xf32, #tpu.memory_space<vmem>> -> memref<8x128xf32, #tpu.memory_space<vmem>>
    %dma_wait3A_1580 = arith.constant 0 : i32
    %dma_wait3A_1581 = arith.constant 0 : i32
    %dma_wait3A_1582 = tpu.memref_slice %arg3[%select_n3A_708, %dma_wait3A_1569, %dma_wait3A_1580, %dma_wait3A_1581] : memref<4096x16x8x128xf32, #tpu.memory_space<hbm>> -> memref<1x1x8x128xf32, #tpu.memory_space<hbm>>
    %dma_wait3A_1583 = tpu.memref_squeeze %dma_wait3A_1582 : memref<1x1x8x128xf32, #tpu.memory_space<hbm>> -> memref<8x128xf32, #tpu.memory_space<hbm>>
    tpu.wait_dma2 semaphore(%arg7 : memref<!tpu.dma_semaphore, #tpu.memory_space<semaphore_mem>>) src(%dma_wait3A_1583 : memref<8x128xf32, #tpu.memory_space<hbm>>) dst(%dma_wait3A_1579 : memref<8x128xf32, #tpu.memory_space<vmem>>)
    %dma_wait3A_1584 = arith.constant 0 : i32
    %dma_wait3A_1585 = arith.constant 0 : i32
    %dma_wait3A_1586 = arith.constant 0 : i32
    %dma_wait3A_1587 = tpu.memref_slice %arg5[%dma_wait3A_1585, %dma_wait3A_1586] : memref<8x4096xf32, #tpu.memory_space<vmem>> -> memref<8x128xf32, #tpu.memory_space<vmem>>
    %dma_wait3A_1588 = arith.constant 0 : i32
    %dma_wait3A_1589 = arith.constant 0 : i32
    %dma_wait3A_1590 = tpu.memref_slice %arg3[%select_n3A_708, %dma_wait3A_1584, %dma_wait3A_1588, %dma_wait3A_1589] : memref<4096x16x8x128xf32, #tpu.memory_space<hbm>> -> memref<1x1x8x128xf32, #tpu.memory_space<hbm>>
    %dma_wait3A_1591 = tpu.memref_squeeze %dma_wait3A_1590 : memref<1x1x8x128xf32, #tpu.memory_space<hbm>> -> memref<8x128xf32, #tpu.memory_space<hbm>>
    %dma_wait3A_1592 = arith.constant 0 : i32
    %dma_wait3A_1593 = arith.constant 0 : i32
    %dma_wait3A_1594 = tpu.memref_slice %arg5[%dma_wait3A_1592, %dma_wait3A_1593] : memref<8x4096xf32, #tpu.memory_space<vmem>> -> memref<8x128xf32, #tpu.memory_space<vmem>>
    %dma_wait3A_1595 = arith.constant 0 : i32
    %dma_wait3A_1596 = arith.constant 0 : i32
    %dma_wait3A_1597 = tpu.memref_slice %arg3[%select_n3A_708, %dma_wait3A_1584, %dma_wait3A_1595, %dma_wait3A_1596] : memref<4096x16x8x128xf32, #tpu.memory_space<hbm>> -> memref<1x1x8x128xf32, #tpu.memory_space<hbm>>
    %dma_wait3A_1598 = tpu.memref_squeeze %dma_wait3A_1597 : memref<1x1x8x128xf32, #tpu.memory_space<hbm>> -> memref<8x128xf32, #tpu.memory_space<hbm>>
    tpu.wait_dma2 semaphore(%arg7 : memref<!tpu.dma_semaphore, #tpu.memory_space<semaphore_mem>>) src(%dma_wait3A_1598 : memref<8x128xf32, #tpu.memory_space<hbm>>) dst(%dma_wait3A_1594 : memref<8x128xf32, #tpu.memory_space<vmem>>)
    %dma_wait3A_1599 = arith.constant 0 : i32
    %dma_wait3A_1600 = arith.constant 0 : i32
    %dma_wait3A_1601 = arith.constant 0 : i32
    %dma_wait3A_1602 = tpu.memref_slice %arg5[%dma_wait3A_1600, %dma_wait3A_1601] : memref<8x4096xf32, #tpu.memory_space<vmem>> -> memref<8x128xf32, #tpu.memory_space<vmem>>
    %dma_wait3A_1603 = arith.constant 0 : i32
    %dma_wait3A_1604 = arith.constant 0 : i32
    %dma_wait3A_1605 = tpu.memref_slice %arg3[%select_n3A_708, %dma_wait3A_1599, %dma_wait3A_1603, %dma_wait3A_1604] : memref<4096x16x8x128xf32, #tpu.memory_space<hbm>> -> memref<1x1x8x128xf32, #tpu.memory_space<hbm>>
    %dma_wait3A_1606 = tpu.memref_squeeze %dma_wait3A_1605 : memref<1x1x8x128xf32, #tpu.memory_space<hbm>> -> memref<8x128xf32, #tpu.memory_space<hbm>>
    %dma_wait3A_1607 = arith.constant 0 : i32
    %dma_wait3A_1608 = arith.constant 0 : i32
    %dma_wait3A_1609 = tpu.memref_slice %arg5[%dma_wait3A_1607, %dma_wait3A_1608] : memref<8x4096xf32, #tpu.memory_space<vmem>> -> memref<8x128xf32, #tpu.memory_space<vmem>>
    %dma_wait3A_1610 = arith.constant 0 : i32
    %dma_wait3A_1611 = arith.constant 0 : i32
    %dma_wait3A_1612 = tpu.memref_slice %arg3[%select_n3A_708, %dma_wait3A_1599, %dma_wait3A_1610, %dma_wait3A_1611] : memref<4096x16x8x128xf32, #tpu.memory_space<hbm>> -> memref<1x1x8x128xf32, #tpu.memory_space<hbm>>
    %dma_wait3A_1613 = tpu.memref_squeeze %dma_wait3A_1612 : memref<1x1x8x128xf32, #tpu.memory_space<hbm>> -> memref<8x128xf32, #tpu.memory_space<hbm>>
    tpu.wait_dma2 semaphore(%arg7 : memref<!tpu.dma_semaphore, #tpu.memory_space<semaphore_mem>>) src(%dma_wait3A_1613 : memref<8x128xf32, #tpu.memory_space<hbm>>) dst(%dma_wait3A_1609 : memref<8x128xf32, #tpu.memory_space<vmem>>)
    %dma_wait3A_1614 = arith.constant 0 : i32
    %dma_wait3A_1615 = arith.constant 0 : i32
    %dma_wait3A_1616 = arith.constant 0 : i32
    %dma_wait3A_1617 = tpu.memref_slice %arg5[%dma_wait3A_1615, %dma_wait3A_1616] : memref<8x4096xf32, #tpu.memory_space<vmem>> -> memref<8x128xf32, #tpu.memory_space<vmem>>
    %dma_wait3A_1618 = arith.constant 0 : i32
    %dma_wait3A_1619 = arith.constant 0 : i32
    %dma_wait3A_1620 = tpu.memref_slice %arg3[%select_n3A_708, %dma_wait3A_1614, %dma_wait3A_1618, %dma_wait3A_1619] : memref<4096x16x8x128xf32, #tpu.memory_space<hbm>> -> memref<1x1x8x128xf32, #tpu.memory_space<hbm>>
    %dma_wait3A_1621 = tpu.memref_squeeze %dma_wait3A_1620 : memref<1x1x8x128xf32, #tpu.memory_space<hbm>> -> memref<8x128xf32, #tpu.memory_space<hbm>>
    %dma_wait3A_1622 = arith.constant 0 : i32
    %dma_wait3A_1623 = arith.constant 0 : i32
    %dma_wait3A_1624 = tpu.memref_slice %arg5[%dma_wait3A_1622, %dma_wait3A_1623] : memref<8x4096xf32, #tpu.memory_space<vmem>> -> memref<8x128xf32, #tpu.memory_space<vmem>>
    %dma_wait3A_1625 = arith.constant 0 : i32
    %dma_wait3A_1626 = arith.constant 0 : i32
    %dma_wait3A_1627 = tpu.memref_slice %arg3[%select_n3A_708, %dma_wait3A_1614, %dma_wait3A_1625, %dma_wait3A_1626] : memref<4096x16x8x128xf32, #tpu.memory_space<hbm>> -> memref<1x1x8x128xf32, #tpu.memory_space<hbm>>
    %dma_wait3A_1628 = tpu.memref_squeeze %dma_wait3A_1627 : memref<1x1x8x128xf32, #tpu.memory_space<hbm>> -> memref<8x128xf32, #tpu.memory_space<hbm>>
    tpu.wait_dma2 semaphore(%arg7 : memref<!tpu.dma_semaphore, #tpu.memory_space<semaphore_mem>>) src(%dma_wait3A_1628 : memref<8x128xf32, #tpu.memory_space<hbm>>) dst(%dma_wait3A_1624 : memref<8x128xf32, #tpu.memory_space<vmem>>)
    %dma_wait3A_1629 = arith.constant 0 : i32
    %dma_wait3A_1630 = arith.constant 0 : i32
    %dma_wait3A_1631 = arith.constant 0 : i32
    %dma_wait3A_1632 = tpu.memref_slice %arg5[%dma_wait3A_1630, %dma_wait3A_1631] : memref<8x4096xf32, #tpu.memory_space<vmem>> -> memref<8x128xf32, #tpu.memory_space<vmem>>
    %dma_wait3A_1633 = arith.constant 0 : i32
    %dma_wait3A_1634 = arith.constant 0 : i32
    %dma_wait3A_1635 = tpu.memref_slice %arg3[%select_n3A_708, %dma_wait3A_1629, %dma_wait3A_1633, %dma_wait3A_1634] : memref<4096x16x8x128xf32, #tpu.memory_space<hbm>> -> memref<1x1x8x128xf32, #tpu.memory_space<hbm>>
    %dma_wait3A_1636 = tpu.memref_squeeze %dma_wait3A_1635 : memref<1x1x8x128xf32, #tpu.memory_space<hbm>> -> memref<8x128xf32, #tpu.memory_space<hbm>>
    %dma_wait3A_1637 = arith.constant 0 : i32
    %dma_wait3A_1638 = arith.constant 0 : i32
    %dma_wait3A_1639 = tpu.memref_slice %arg5[%dma_wait3A_1637, %dma_wait3A_1638] : memref<8x4096xf32, #tpu.memory_space<vmem>> -> memref<8x128xf32, #tpu.memory_space<vmem>>
    %dma_wait3A_1640 = arith.constant 0 : i32
    %dma_wait3A_1641 = arith.constant 0 : i32
    %dma_wait3A_1642 = tpu.memref_slice %arg3[%select_n3A_708, %dma_wait3A_1629, %dma_wait3A_1640, %dma_wait3A_1641] : memref<4096x16x8x128xf32, #tpu.memory_space<hbm>> -> memref<1x1x8x128xf32, #tpu.memory_space<hbm>>
    %dma_wait3A_1643 = tpu.memref_squeeze %dma_wait3A_1642 : memref<1x1x8x128xf32, #tpu.memory_space<hbm>> -> memref<8x128xf32, #tpu.memory_space<hbm>>
    tpu.wait_dma2 semaphore(%arg7 : memref<!tpu.dma_semaphore, #tpu.memory_space<semaphore_mem>>) src(%dma_wait3A_1643 : memref<8x128xf32, #tpu.memory_space<hbm>>) dst(%dma_wait3A_1639 : memref<8x128xf32, #tpu.memory_space<vmem>>)
    %dma_wait3A_1644 = arith.constant 0 : i32
    %dma_wait3A_1645 = arith.constant 0 : i32
    %dma_wait3A_1646 = arith.constant 0 : i32
    %dma_wait3A_1647 = tpu.memref_slice %arg5[%dma_wait3A_1645, %dma_wait3A_1646] : memref<8x4096xf32, #tpu.memory_space<vmem>> -> memref<8x128xf32, #tpu.memory_space<vmem>>
    %dma_wait3A_1648 = arith.constant 0 : i32
    %dma_wait3A_1649 = arith.constant 0 : i32
    %dma_wait3A_1650 = tpu.memref_slice %arg3[%select_n3A_708, %dma_wait3A_1644, %dma_wait3A_1648, %dma_wait3A_1649] : memref<4096x16x8x128xf32, #tpu.memory_space<hbm>> -> memref<1x1x8x128xf32, #tpu.memory_space<hbm>>
    %dma_wait3A_1651 = tpu.memref_squeeze %dma_wait3A_1650 : memref<1x1x8x128xf32, #tpu.memory_space<hbm>> -> memref<8x128xf32, #tpu.memory_space<hbm>>
    %dma_wait3A_1652 = arith.constant 0 : i32
    %dma_wait3A_1653 = arith.constant 0 : i32
    %dma_wait3A_1654 = tpu.memref_slice %arg5[%dma_wait3A_1652, %dma_wait3A_1653] : memref<8x4096xf32, #tpu.memory_space<vmem>> -> memref<8x128xf32, #tpu.memory_space<vmem>>
    %dma_wait3A_1655 = arith.constant 0 : i32
    %dma_wait3A_1656 = arith.constant 0 : i32
    %dma_wait3A_1657 = tpu.memref_slice %arg3[%select_n3A_708, %dma_wait3A_1644, %dma_wait3A_1655, %dma_wait3A_1656] : memref<4096x16x8x128xf32, #tpu.memory_space<hbm>> -> memref<1x1x8x128xf32, #tpu.memory_space<hbm>>
    %dma_wait3A_1658 = tpu.memref_squeeze %dma_wait3A_1657 : memref<1x1x8x128xf32, #tpu.memory_space<hbm>> -> memref<8x128xf32, #tpu.memory_space<hbm>>
    tpu.wait_dma2 semaphore(%arg7 : memref<!tpu.dma_semaphore, #tpu.memory_space<semaphore_mem>>) src(%dma_wait3A_1658 : memref<8x128xf32, #tpu.memory_space<hbm>>) dst(%dma_wait3A_1654 : memref<8x128xf32, #tpu.memory_space<vmem>>)
    %dma_wait3A_1659 = arith.constant 0 : i32
    %dma_wait3A_1660 = arith.constant 0 : i32
    %dma_wait3A_1661 = arith.constant 0 : i32
    %dma_wait3A_1662 = tpu.memref_slice %arg5[%dma_wait3A_1660, %dma_wait3A_1661] : memref<8x4096xf32, #tpu.memory_space<vmem>> -> memref<8x128xf32, #tpu.memory_space<vmem>>
    %dma_wait3A_1663 = arith.constant 0 : i32
    %dma_wait3A_1664 = arith.constant 0 : i32
    %dma_wait3A_1665 = tpu.memref_slice %arg3[%select_n3A_708, %dma_wait3A_1659, %dma_wait3A_1663, %dma_wait3A_1664] : memref<4096x16x8x128xf32, #tpu.memory_space<hbm>> -> memref<1x1x8x128xf32, #tpu.memory_space<hbm>>
    %dma_wait3A_1666 = tpu.memref_squeeze %dma_wait3A_1665 : memref<1x1x8x128xf32, #tpu.memory_space<hbm>> -> memref<8x128xf32, #tpu.memory_space<hbm>>
    %dma_wait3A_1667 = arith.constant 0 : i32
    %dma_wait3A_1668 = arith.constant 0 : i32
    %dma_wait3A_1669 = tpu.memref_slice %arg5[%dma_wait3A_1667, %dma_wait3A_1668] : memref<8x4096xf32, #tpu.memory_space<vmem>> -> memref<8x128xf32, #tpu.memory_space<vmem>>
    %dma_wait3A_1670 = arith.constant 0 : i32
    %dma_wait3A_1671 = arith.constant 0 : i32
    %dma_wait3A_1672 = tpu.memref_slice %arg3[%select_n3A_708, %dma_wait3A_1659, %dma_wait3A_1670, %dma_wait3A_1671] : memref<4096x16x8x128xf32, #tpu.memory_space<hbm>> -> memref<1x1x8x128xf32, #tpu.memory_space<hbm>>
    %dma_wait3A_1673 = tpu.memref_squeeze %dma_wait3A_1672 : memref<1x1x8x128xf32, #tpu.memory_space<hbm>> -> memref<8x128xf32, #tpu.memory_space<hbm>>
    tpu.wait_dma2 semaphore(%arg7 : memref<!tpu.dma_semaphore, #tpu.memory_space<semaphore_mem>>) src(%dma_wait3A_1673 : memref<8x128xf32, #tpu.memory_space<hbm>>) dst(%dma_wait3A_1669 : memref<8x128xf32, #tpu.memory_space<vmem>>)
    %dma_wait3A_1674 = arith.constant 0 : i32
    %dma_wait3A_1675 = arith.constant 0 : i32
    %dma_wait3A_1676 = arith.constant 0 : i32
    %dma_wait3A_1677 = tpu.memref_slice %arg5[%dma_wait3A_1675, %dma_wait3A_1676] : memref<8x4096xf32, #tpu.memory_space<vmem>> -> memref<8x128xf32, #tpu.memory_space<vmem>>
    %dma_wait3A_1678 = arith.constant 0 : i32
    %dma_wait3A_1679 = arith.constant 0 : i32
    %dma_wait3A_1680 = tpu.memref_slice %arg3[%select_n3A_708, %dma_wait3A_1674, %dma_wait3A_1678, %dma_wait3A_1679] : memref<4096x16x8x128xf32, #tpu.memory_space<hbm>> -> memref<1x1x8x128xf32, #tpu.memory_space<hbm>>
    %dma_wait3A_1681 = tpu.memref_squeeze %dma_wait3A_1680 : memref<1x1x8x128xf32, #tpu.memory_space<hbm>> -> memref<8x128xf32, #tpu.memory_space<hbm>>
    %dma_wait3A_1682 = arith.constant 0 : i32
    %dma_wait3A_1683 = arith.constant 0 : i32
    %dma_wait3A_1684 = tpu.memref_slice %arg5[%dma_wait3A_1682, %dma_wait3A_1683] : memref<8x4096xf32, #tpu.memory_space<vmem>> -> memref<8x128xf32, #tpu.memory_space<vmem>>
    %dma_wait3A_1685 = arith.constant 0 : i32
    %dma_wait3A_1686 = arith.constant 0 : i32
    %dma_wait3A_1687 = tpu.memref_slice %arg3[%select_n3A_708, %dma_wait3A_1674, %dma_wait3A_1685, %dma_wait3A_1686] : memref<4096x16x8x128xf32, #tpu.memory_space<hbm>> -> memref<1x1x8x128xf32, #tpu.memory_space<hbm>>
    %dma_wait3A_1688 = tpu.memref_squeeze %dma_wait3A_1687 : memref<1x1x8x128xf32, #tpu.memory_space<hbm>> -> memref<8x128xf32, #tpu.memory_space<hbm>>
    tpu.wait_dma2 semaphore(%arg7 : memref<!tpu.dma_semaphore, #tpu.memory_space<semaphore_mem>>) src(%dma_wait3A_1688 : memref<8x128xf32, #tpu.memory_space<hbm>>) dst(%dma_wait3A_1684 : memref<8x128xf32, #tpu.memory_space<vmem>>)
    %dma_wait3A_1689 = arith.constant 0 : i32
    %dma_wait3A_1690 = arith.constant 0 : i32
    %dma_wait3A_1691 = arith.constant 0 : i32
    %dma_wait3A_1692 = tpu.memref_slice %arg5[%dma_wait3A_1690, %dma_wait3A_1691] : memref<8x4096xf32, #tpu.memory_space<vmem>> -> memref<8x128xf32, #tpu.memory_space<vmem>>
    %dma_wait3A_1693 = arith.constant 0 : i32
    %dma_wait3A_1694 = arith.constant 0 : i32
    %dma_wait3A_1695 = tpu.memref_slice %arg3[%select_n3A_708, %dma_wait3A_1689, %dma_wait3A_1693, %dma_wait3A_1694] : memref<4096x16x8x128xf32, #tpu.memory_space<hbm>> -> memref<1x1x8x128xf32, #tpu.memory_space<hbm>>
    %dma_wait3A_1696 = tpu.memref_squeeze %dma_wait3A_1695 : memref<1x1x8x128xf32, #tpu.memory_space<hbm>> -> memref<8x128xf32, #tpu.memory_space<hbm>>
    %dma_wait3A_1697 = arith.constant 0 : i32
    %dma_wait3A_1698 = arith.constant 0 : i32
    %dma_wait3A_1699 = tpu.memref_slice %arg5[%dma_wait3A_1697, %dma_wait3A_1698] : memref<8x4096xf32, #tpu.memory_space<vmem>> -> memref<8x128xf32, #tpu.memory_space<vmem>>
    %dma_wait3A_1700 = arith.constant 0 : i32
    %dma_wait3A_1701 = arith.constant 0 : i32
    %dma_wait3A_1702 = tpu.memref_slice %arg3[%select_n3A_708, %dma_wait3A_1689, %dma_wait3A_1700, %dma_wait3A_1701] : memref<4096x16x8x128xf32, #tpu.memory_space<hbm>> -> memref<1x1x8x128xf32, #tpu.memory_space<hbm>>
    %dma_wait3A_1703 = tpu.memref_squeeze %dma_wait3A_1702 : memref<1x1x8x128xf32, #tpu.memory_space<hbm>> -> memref<8x128xf32, #tpu.memory_space<hbm>>
    tpu.wait_dma2 semaphore(%arg7 : memref<!tpu.dma_semaphore, #tpu.memory_space<semaphore_mem>>) src(%dma_wait3A_1703 : memref<8x128xf32, #tpu.memory_space<hbm>>) dst(%dma_wait3A_1699 : memref<8x128xf32, #tpu.memory_space<vmem>>)
    %dma_wait3A_1704 = arith.constant 0 : i32
    %dma_wait3A_1705 = arith.constant 0 : i32
    %dma_wait3A_1706 = arith.constant 0 : i32
    %dma_wait3A_1707 = tpu.memref_slice %arg5[%dma_wait3A_1705, %dma_wait3A_1706] : memref<8x4096xf32, #tpu.memory_space<vmem>> -> memref<8x128xf32, #tpu.memory_space<vmem>>
    %dma_wait3A_1708 = arith.constant 0 : i32
    %dma_wait3A_1709 = arith.constant 0 : i32
    %dma_wait3A_1710 = tpu.memref_slice %arg3[%select_n3A_708, %dma_wait3A_1704, %dma_wait3A_1708, %dma_wait3A_1709] : memref<4096x16x8x128xf32, #tpu.memory_space<hbm>> -> memref<1x1x8x128xf32, #tpu.memory_space<hbm>>
    %dma_wait3A_1711 = tpu.memref_squeeze %dma_wait3A_1710 : memref<1x1x8x128xf32, #tpu.memory_space<hbm>> -> memref<8x128xf32, #tpu.memory_space<hbm>>
    %dma_wait3A_1712 = arith.constant 0 : i32
    %dma_wait3A_1713 = arith.constant 0 : i32
    %dma_wait3A_1714 = tpu.memref_slice %arg5[%dma_wait3A_1712, %dma_wait3A_1713] : memref<8x4096xf32, #tpu.memory_space<vmem>> -> memref<8x128xf32, #tpu.memory_space<vmem>>
    %dma_wait3A_1715 = arith.constant 0 : i32
    %dma_wait3A_1716 = arith.constant 0 : i32
    %dma_wait3A_1717 = tpu.memref_slice %arg3[%select_n3A_708, %dma_wait3A_1704, %dma_wait3A_1715, %dma_wait3A_1716] : memref<4096x16x8x128xf32, #tpu.memory_space<hbm>> -> memref<1x1x8x128xf32, #tpu.memory_space<hbm>>
    %dma_wait3A_1718 = tpu.memref_squeeze %dma_wait3A_1717 : memref<1x1x8x128xf32, #tpu.memory_space<hbm>> -> memref<8x128xf32, #tpu.memory_space<hbm>>
    tpu.wait_dma2 semaphore(%arg7 : memref<!tpu.dma_semaphore, #tpu.memory_space<semaphore_mem>>) src(%dma_wait3A_1718 : memref<8x128xf32, #tpu.memory_space<hbm>>) dst(%dma_wait3A_1714 : memref<8x128xf32, #tpu.memory_space<vmem>>)
    %dma_wait3A_1719 = arith.constant 0 : i32
    %dma_wait3A_1720 = arith.constant 0 : i32
    %dma_wait3A_1721 = arith.constant 0 : i32
    %dma_wait3A_1722 = tpu.memref_slice %arg5[%dma_wait3A_1720, %dma_wait3A_1721] : memref<8x4096xf32, #tpu.memory_space<vmem>> -> memref<8x128xf32, #tpu.memory_space<vmem>>
    %dma_wait3A_1723 = arith.constant 0 : i32
    %dma_wait3A_1724 = arith.constant 0 : i32
    %dma_wait3A_1725 = tpu.memref_slice %arg3[%select_n3A_708, %dma_wait3A_1719, %dma_wait3A_1723, %dma_wait3A_1724] : memref<4096x16x8x128xf32, #tpu.memory_space<hbm>> -> memref<1x1x8x128xf32, #tpu.memory_space<hbm>>
    %dma_wait3A_1726 = tpu.memref_squeeze %dma_wait3A_1725 : memref<1x1x8x128xf32, #tpu.memory_space<hbm>> -> memref<8x128xf32, #tpu.memory_space<hbm>>
    %dma_wait3A_1727 = arith.constant 0 : i32
    %dma_wait3A_1728 = arith.constant 0 : i32
    %dma_wait3A_1729 = tpu.memref_slice %arg5[%dma_wait3A_1727, %dma_wait3A_1728] : memref<8x4096xf32, #tpu.memory_space<vmem>> -> memref<8x128xf32, #tpu.memory_space<vmem>>
    %dma_wait3A_1730 = arith.constant 0 : i32
    %dma_wait3A_1731 = arith.constant 0 : i32
    %dma_wait3A_1732 = tpu.memref_slice %arg3[%select_n3A_708, %dma_wait3A_1719, %dma_wait3A_1730, %dma_wait3A_1731] : memref<4096x16x8x128xf32, #tpu.memory_space<hbm>> -> memref<1x1x8x128xf32, #tpu.memory_space<hbm>>
    %dma_wait3A_1733 = tpu.memref_squeeze %dma_wait3A_1732 : memref<1x1x8x128xf32, #tpu.memory_space<hbm>> -> memref<8x128xf32, #tpu.memory_space<hbm>>
    tpu.wait_dma2 semaphore(%arg7 : memref<!tpu.dma_semaphore, #tpu.memory_space<semaphore_mem>>) src(%dma_wait3A_1733 : memref<8x128xf32, #tpu.memory_space<hbm>>) dst(%dma_wait3A_1729 : memref<8x128xf32, #tpu.memory_space<vmem>>)
    %dma_wait3A_1734 = arith.constant 0 : i32
    %dma_wait3A_1735 = arith.constant 0 : i32
    %dma_wait3A_1736 = arith.constant 0 : i32
    %dma_wait3A_1737 = tpu.memref_slice %arg5[%dma_wait3A_1735, %dma_wait3A_1736] : memref<8x4096xf32, #tpu.memory_space<vmem>> -> memref<8x128xf32, #tpu.memory_space<vmem>>
    %dma_wait3A_1738 = arith.constant 0 : i32
    %dma_wait3A_1739 = arith.constant 0 : i32
    %dma_wait3A_1740 = tpu.memref_slice %arg3[%select_n3A_708, %dma_wait3A_1734, %dma_wait3A_1738, %dma_wait3A_1739] : memref<4096x16x8x128xf32, #tpu.memory_space<hbm>> -> memref<1x1x8x128xf32, #tpu.memory_space<hbm>>
    %dma_wait3A_1741 = tpu.memref_squeeze %dma_wait3A_1740 : memref<1x1x8x128xf32, #tpu.memory_space<hbm>> -> memref<8x128xf32, #tpu.memory_space<hbm>>
    %dma_wait3A_1742 = arith.constant 0 : i32
    %dma_wait3A_1743 = arith.constant 0 : i32
    %dma_wait3A_1744 = tpu.memref_slice %arg5[%dma_wait3A_1742, %dma_wait3A_1743] : memref<8x4096xf32, #tpu.memory_space<vmem>> -> memref<8x128xf32, #tpu.memory_space<vmem>>
    %dma_wait3A_1745 = arith.constant 0 : i32
    %dma_wait3A_1746 = arith.constant 0 : i32
    %dma_wait3A_1747 = tpu.memref_slice %arg3[%select_n3A_708, %dma_wait3A_1734, %dma_wait3A_1745, %dma_wait3A_1746] : memref<4096x16x8x128xf32, #tpu.memory_space<hbm>> -> memref<1x1x8x128xf32, #tpu.memory_space<hbm>>
    %dma_wait3A_1748 = tpu.memref_squeeze %dma_wait3A_1747 : memref<1x1x8x128xf32, #tpu.memory_space<hbm>> -> memref<8x128xf32, #tpu.memory_space<hbm>>
    tpu.wait_dma2 semaphore(%arg7 : memref<!tpu.dma_semaphore, #tpu.memory_space<semaphore_mem>>) src(%dma_wait3A_1748 : memref<8x128xf32, #tpu.memory_space<hbm>>) dst(%dma_wait3A_1744 : memref<8x128xf32, #tpu.memory_space<vmem>>)
    %dma_wait3A_1749 = arith.constant 0 : i32
    %dma_wait3A_1750 = arith.constant 0 : i32
    %dma_wait3A_1751 = arith.constant 0 : i32
    %dma_wait3A_1752 = tpu.memref_slice %arg5[%dma_wait3A_1750, %dma_wait3A_1751] : memref<8x4096xf32, #tpu.memory_space<vmem>> -> memref<8x128xf32, #tpu.memory_space<vmem>>
    %dma_wait3A_1753 = arith.constant 0 : i32
    %dma_wait3A_1754 = arith.constant 0 : i32
    %dma_wait3A_1755 = tpu.memref_slice %arg3[%select_n3A_708, %dma_wait3A_1749, %dma_wait3A_1753, %dma_wait3A_1754] : memref<4096x16x8x128xf32, #tpu.memory_space<hbm>> -> memref<1x1x8x128xf32, #tpu.memory_space<hbm>>
    %dma_wait3A_1756 = tpu.memref_squeeze %dma_wait3A_1755 : memref<1x1x8x128xf32, #tpu.memory_space<hbm>> -> memref<8x128xf32, #tpu.memory_space<hbm>>
    %dma_wait3A_1757 = arith.constant 0 : i32
    %dma_wait3A_1758 = arith.constant 0 : i32
    %dma_wait3A_1759 = tpu.memref_slice %arg5[%dma_wait3A_1757, %dma_wait3A_1758] : memref<8x4096xf32, #tpu.memory_space<vmem>> -> memref<8x128xf32, #tpu.memory_space<vmem>>
    %dma_wait3A_1760 = arith.constant 0 : i32
    %dma_wait3A_1761 = arith.constant 0 : i32
    %dma_wait3A_1762 = tpu.memref_slice %arg3[%select_n3A_708, %dma_wait3A_1749, %dma_wait3A_1760, %dma_wait3A_1761] : memref<4096x16x8x128xf32, #tpu.memory_space<hbm>> -> memref<1x1x8x128xf32, #tpu.memory_space<hbm>>
    %dma_wait3A_1763 = tpu.memref_squeeze %dma_wait3A_1762 : memref<1x1x8x128xf32, #tpu.memory_space<hbm>> -> memref<8x128xf32, #tpu.memory_space<hbm>>
    tpu.wait_dma2 semaphore(%arg7 : memref<!tpu.dma_semaphore, #tpu.memory_space<semaphore_mem>>) src(%dma_wait3A_1763 : memref<8x128xf32, #tpu.memory_space<hbm>>) dst(%dma_wait3A_1759 : memref<8x128xf32, #tpu.memory_space<vmem>>)
    %dma_wait3A_1764 = arith.constant 0 : i32
    %dma_wait3A_1765 = arith.constant 0 : i32
    %dma_wait3A_1766 = arith.constant 0 : i32
    %dma_wait3A_1767 = tpu.memref_slice %arg5[%dma_wait3A_1765, %dma_wait3A_1766] : memref<8x4096xf32, #tpu.memory_space<vmem>> -> memref<8x128xf32, #tpu.memory_space<vmem>>
    %dma_wait3A_1768 = arith.constant 0 : i32
    %dma_wait3A_1769 = arith.constant 0 : i32
    %dma_wait3A_1770 = tpu.memref_slice %arg3[%select_n3A_708, %dma_wait3A_1764, %dma_wait3A_1768, %dma_wait3A_1769] : memref<4096x16x8x128xf32, #tpu.memory_space<hbm>> -> memref<1x1x8x128xf32, #tpu.memory_space<hbm>>
    %dma_wait3A_1771 = tpu.memref_squeeze %dma_wait3A_1770 : memref<1x1x8x128xf32, #tpu.memory_space<hbm>> -> memref<8x128xf32, #tpu.memory_space<hbm>>
    %dma_wait3A_1772 = arith.constant 0 : i32
    %dma_wait3A_1773 = arith.constant 0 : i32
    %dma_wait3A_1774 = tpu.memref_slice %arg5[%dma_wait3A_1772, %dma_wait3A_1773] : memref<8x4096xf32, #tpu.memory_space<vmem>> -> memref<8x128xf32, #tpu.memory_space<vmem>>
    %dma_wait3A_1775 = arith.constant 0 : i32
    %dma_wait3A_1776 = arith.constant 0 : i32
    %dma_wait3A_1777 = tpu.memref_slice %arg3[%select_n3A_708, %dma_wait3A_1764, %dma_wait3A_1775, %dma_wait3A_1776] : memref<4096x16x8x128xf32, #tpu.memory_space<hbm>> -> memref<1x1x8x128xf32, #tpu.memory_space<hbm>>
    %dma_wait3A_1778 = tpu.memref_squeeze %dma_wait3A_1777 : memref<1x1x8x128xf32, #tpu.memory_space<hbm>> -> memref<8x128xf32, #tpu.memory_space<hbm>>
    tpu.wait_dma2 semaphore(%arg7 : memref<!tpu.dma_semaphore, #tpu.memory_space<semaphore_mem>>) src(%dma_wait3A_1778 : memref<8x128xf32, #tpu.memory_space<hbm>>) dst(%dma_wait3A_1774 : memref<8x128xf32, #tpu.memory_space<vmem>>)
    %dma_wait3A_1779 = arith.constant 0 : i32
    %dma_wait3A_1780 = arith.constant 0 : i32
    %dma_wait3A_1781 = arith.constant 0 : i32
    %dma_wait3A_1782 = tpu.memref_slice %arg5[%dma_wait3A_1780, %dma_wait3A_1781] : memref<8x4096xf32, #tpu.memory_space<vmem>> -> memref<8x128xf32, #tpu.memory_space<vmem>>
    %dma_wait3A_1783 = arith.constant 0 : i32
    %dma_wait3A_1784 = arith.constant 0 : i32
    %dma_wait3A_1785 = tpu.memref_slice %arg3[%select_n3A_708, %dma_wait3A_1779, %dma_wait3A_1783, %dma_wait3A_1784] : memref<4096x16x8x128xf32, #tpu.memory_space<hbm>> -> memref<1x1x8x128xf32, #tpu.memory_space<hbm>>
    %dma_wait3A_1786 = tpu.memref_squeeze %dma_wait3A_1785 : memref<1x1x8x128xf32, #tpu.memory_space<hbm>> -> memref<8x128xf32, #tpu.memory_space<hbm>>
    %dma_wait3A_1787 = arith.constant 0 : i32
    %dma_wait3A_1788 = arith.constant 0 : i32
    %dma_wait3A_1789 = tpu.memref_slice %arg5[%dma_wait3A_1787, %dma_wait3A_1788] : memref<8x4096xf32, #tpu.memory_space<vmem>> -> memref<8x128xf32, #tpu.memory_space<vmem>>
    %dma_wait3A_1790 = arith.constant 0 : i32
    %dma_wait3A_1791 = arith.constant 0 : i32
    %dma_wait3A_1792 = tpu.memref_slice %arg3[%select_n3A_708, %dma_wait3A_1779, %dma_wait3A_1790, %dma_wait3A_1791] : memref<4096x16x8x128xf32, #tpu.memory_space<hbm>> -> memref<1x1x8x128xf32, #tpu.memory_space<hbm>>
    %dma_wait3A_1793 = tpu.memref_squeeze %dma_wait3A_1792 : memref<1x1x8x128xf32, #tpu.memory_space<hbm>> -> memref<8x128xf32, #tpu.memory_space<hbm>>
    tpu.wait_dma2 semaphore(%arg7 : memref<!tpu.dma_semaphore, #tpu.memory_space<semaphore_mem>>) src(%dma_wait3A_1793 : memref<8x128xf32, #tpu.memory_space<hbm>>) dst(%dma_wait3A_1789 : memref<8x128xf32, #tpu.memory_space<vmem>>)
    %dma_wait3A_1794 = arith.constant 0 : i32
    %dma_wait3A_1795 = arith.constant 0 : i32
    %dma_wait3A_1796 = arith.constant 0 : i32
    %dma_wait3A_1797 = tpu.memref_slice %arg5[%dma_wait3A_1795, %dma_wait3A_1796] : memref<8x4096xf32, #tpu.memory_space<vmem>> -> memref<8x128xf32, #tpu.memory_space<vmem>>
    %dma_wait3A_1798 = arith.constant 0 : i32
    %dma_wait3A_1799 = arith.constant 0 : i32
    %dma_wait3A_1800 = tpu.memref_slice %arg3[%select_n3A_708, %dma_wait3A_1794, %dma_wait3A_1798, %dma_wait3A_1799] : memref<4096x16x8x128xf32, #tpu.memory_space<hbm>> -> memref<1x1x8x128xf32, #tpu.memory_space<hbm>>
    %dma_wait3A_1801 = tpu.memref_squeeze %dma_wait3A_1800 : memref<1x1x8x128xf32, #tpu.memory_space<hbm>> -> memref<8x128xf32, #tpu.memory_space<hbm>>
    %dma_wait3A_1802 = arith.constant 0 : i32
    %dma_wait3A_1803 = arith.constant 0 : i32
    %dma_wait3A_1804 = tpu.memref_slice %arg5[%dma_wait3A_1802, %dma_wait3A_1803] : memref<8x4096xf32, #tpu.memory_space<vmem>> -> memref<8x128xf32, #tpu.memory_space<vmem>>
    %dma_wait3A_1805 = arith.constant 0 : i32
    %dma_wait3A_1806 = arith.constant 0 : i32
    %dma_wait3A_1807 = tpu.memref_slice %arg3[%select_n3A_708, %dma_wait3A_1794, %dma_wait3A_1805, %dma_wait3A_1806] : memref<4096x16x8x128xf32, #tpu.memory_space<hbm>> -> memref<1x1x8x128xf32, #tpu.memory_space<hbm>>
    %dma_wait3A_1808 = tpu.memref_squeeze %dma_wait3A_1807 : memref<1x1x8x128xf32, #tpu.memory_space<hbm>> -> memref<8x128xf32, #tpu.memory_space<hbm>>
    tpu.wait_dma2 semaphore(%arg7 : memref<!tpu.dma_semaphore, #tpu.memory_space<semaphore_mem>>) src(%dma_wait3A_1808 : memref<8x128xf32, #tpu.memory_space<hbm>>) dst(%dma_wait3A_1804 : memref<8x128xf32, #tpu.memory_space<vmem>>)
    %dma_wait3A_1809 = arith.constant 0 : i32
    %dma_wait3A_1810 = arith.constant 0 : i32
    %dma_wait3A_1811 = arith.constant 0 : i32
    %dma_wait3A_1812 = tpu.memref_slice %arg5[%dma_wait3A_1810, %dma_wait3A_1811] : memref<8x4096xf32, #tpu.memory_space<vmem>> -> memref<8x128xf32, #tpu.memory_space<vmem>>
    %dma_wait3A_1813 = arith.constant 0 : i32
    %dma_wait3A_1814 = arith.constant 0 : i32
    %dma_wait3A_1815 = tpu.memref_slice %arg3[%select_n3A_708, %dma_wait3A_1809, %dma_wait3A_1813, %dma_wait3A_1814] : memref<4096x16x8x128xf32, #tpu.memory_space<hbm>> -> memref<1x1x8x128xf32, #tpu.memory_space<hbm>>
    %dma_wait3A_1816 = tpu.memref_squeeze %dma_wait3A_1815 : memref<1x1x8x128xf32, #tpu.memory_space<hbm>> -> memref<8x128xf32, #tpu.memory_space<hbm>>
    %dma_wait3A_1817 = arith.constant 0 : i32
    %dma_wait3A_1818 = arith.constant 0 : i32
    %dma_wait3A_1819 = tpu.memref_slice %arg5[%dma_wait3A_1817, %dma_wait3A_1818] : memref<8x4096xf32, #tpu.memory_space<vmem>> -> memref<8x128xf32, #tpu.memory_space<vmem>>
    %dma_wait3A_1820 = arith.constant 0 : i32
    %dma_wait3A_1821 = arith.constant 0 : i32
    %dma_wait3A_1822 = tpu.memref_slice %arg3[%select_n3A_708, %dma_wait3A_1809, %dma_wait3A_1820, %dma_wait3A_1821] : memref<4096x16x8x128xf32, #tpu.memory_space<hbm>> -> memref<1x1x8x128xf32, #tpu.memory_space<hbm>>
    %dma_wait3A_1823 = tpu.memref_squeeze %dma_wait3A_1822 : memref<1x1x8x128xf32, #tpu.memory_space<hbm>> -> memref<8x128xf32, #tpu.memory_space<hbm>>
    tpu.wait_dma2 semaphore(%arg7 : memref<!tpu.dma_semaphore, #tpu.memory_space<semaphore_mem>>) src(%dma_wait3A_1823 : memref<8x128xf32, #tpu.memory_space<hbm>>) dst(%dma_wait3A_1819 : memref<8x128xf32, #tpu.memory_space<vmem>>)
    %dma_wait3A_1824 = arith.constant 0 : i32
    %dma_wait3A_1825 = arith.constant 0 : i32
    %dma_wait3A_1826 = arith.constant 0 : i32
    %dma_wait3A_1827 = tpu.memref_slice %arg5[%dma_wait3A_1825, %dma_wait3A_1826] : memref<8x4096xf32, #tpu.memory_space<vmem>> -> memref<8x128xf32, #tpu.memory_space<vmem>>
    %dma_wait3A_1828 = arith.constant 0 : i32
    %dma_wait3A_1829 = arith.constant 0 : i32
    %dma_wait3A_1830 = tpu.memref_slice %arg3[%select_n3A_708, %dma_wait3A_1824, %dma_wait3A_1828, %dma_wait3A_1829] : memref<4096x16x8x128xf32, #tpu.memory_space<hbm>> -> memref<1x1x8x128xf32, #tpu.memory_space<hbm>>
    %dma_wait3A_1831 = tpu.memref_squeeze %dma_wait3A_1830 : memref<1x1x8x128xf32, #tpu.memory_space<hbm>> -> memref<8x128xf32, #tpu.memory_space<hbm>>
    %dma_wait3A_1832 = arith.constant 0 : i32
    %dma_wait3A_1833 = arith.constant 0 : i32
    %dma_wait3A_1834 = tpu.memref_slice %arg5[%dma_wait3A_1832, %dma_wait3A_1833] : memref<8x4096xf32, #tpu.memory_space<vmem>> -> memref<8x128xf32, #tpu.memory_space<vmem>>
    %dma_wait3A_1835 = arith.constant 0 : i32
    %dma_wait3A_1836 = arith.constant 0 : i32
    %dma_wait3A_1837 = tpu.memref_slice %arg3[%select_n3A_708, %dma_wait3A_1824, %dma_wait3A_1835, %dma_wait3A_1836] : memref<4096x16x8x128xf32, #tpu.memory_space<hbm>> -> memref<1x1x8x128xf32, #tpu.memory_space<hbm>>
    %dma_wait3A_1838 = tpu.memref_squeeze %dma_wait3A_1837 : memref<1x1x8x128xf32, #tpu.memory_space<hbm>> -> memref<8x128xf32, #tpu.memory_space<hbm>>
    tpu.wait_dma2 semaphore(%arg7 : memref<!tpu.dma_semaphore, #tpu.memory_space<semaphore_mem>>) src(%dma_wait3A_1838 : memref<8x128xf32, #tpu.memory_space<hbm>>) dst(%dma_wait3A_1834 : memref<8x128xf32, #tpu.memory_space<vmem>>)
    %dma_wait3A_1839 = arith.constant 0 : i32
    %dma_wait3A_1840 = arith.constant 0 : i32
    %dma_wait3A_1841 = arith.constant 0 : i32
    %dma_wait3A_1842 = tpu.memref_slice %arg5[%dma_wait3A_1840, %dma_wait3A_1841] : memref<8x4096xf32, #tpu.memory_space<vmem>> -> memref<8x128xf32, #tpu.memory_space<vmem>>
    %dma_wait3A_1843 = arith.constant 0 : i32
    %dma_wait3A_1844 = arith.constant 0 : i32
    %dma_wait3A_1845 = tpu.memref_slice %arg3[%select_n3A_708, %dma_wait3A_1839, %dma_wait3A_1843, %dma_wait3A_1844] : memref<4096x16x8x128xf32, #tpu.memory_space<hbm>> -> memref<1x1x8x128xf32, #tpu.memory_space<hbm>>
    %dma_wait3A_1846 = tpu.memref_squeeze %dma_wait3A_1845 : memref<1x1x8x128xf32, #tpu.memory_space<hbm>> -> memref<8x128xf32, #tpu.memory_space<hbm>>
    %dma_wait3A_1847 = arith.constant 0 : i32
    %dma_wait3A_1848 = arith.constant 0 : i32
    %dma_wait3A_1849 = tpu.memref_slice %arg5[%dma_wait3A_1847, %dma_wait3A_1848] : memref<8x4096xf32, #tpu.memory_space<vmem>> -> memref<8x128xf32, #tpu.memory_space<vmem>>
    %dma_wait3A_1850 = arith.constant 0 : i32
    %dma_wait3A_1851 = arith.constant 0 : i32
    %dma_wait3A_1852 = tpu.memref_slice %arg3[%select_n3A_708, %dma_wait3A_1839, %dma_wait3A_1850, %dma_wait3A_1851] : memref<4096x16x8x128xf32, #tpu.memory_space<hbm>> -> memref<1x1x8x128xf32, #tpu.memory_space<hbm>>
    %dma_wait3A_1853 = tpu.memref_squeeze %dma_wait3A_1852 : memref<1x1x8x128xf32, #tpu.memory_space<hbm>> -> memref<8x128xf32, #tpu.memory_space<hbm>>
    tpu.wait_dma2 semaphore(%arg7 : memref<!tpu.dma_semaphore, #tpu.memory_space<semaphore_mem>>) src(%dma_wait3A_1853 : memref<8x128xf32, #tpu.memory_space<hbm>>) dst(%dma_wait3A_1849 : memref<8x128xf32, #tpu.memory_space<vmem>>)
    %dma_wait3A_1854 = arith.constant 0 : i32
    %dma_wait3A_1855 = arith.constant 0 : i32
    %dma_wait3A_1856 = arith.constant 0 : i32
    %dma_wait3A_1857 = tpu.memref_slice %arg5[%dma_wait3A_1855, %dma_wait3A_1856] : memref<8x4096xf32, #tpu.memory_space<vmem>> -> memref<8x128xf32, #tpu.memory_space<vmem>>
    %dma_wait3A_1858 = arith.constant 0 : i32
    %dma_wait3A_1859 = arith.constant 0 : i32
    %dma_wait3A_1860 = tpu.memref_slice %arg3[%select_n3A_708, %dma_wait3A_1854, %dma_wait3A_1858, %dma_wait3A_1859] : memref<4096x16x8x128xf32, #tpu.memory_space<hbm>> -> memref<1x1x8x128xf32, #tpu.memory_space<hbm>>
    %dma_wait3A_1861 = tpu.memref_squeeze %dma_wait3A_1860 : memref<1x1x8x128xf32, #tpu.memory_space<hbm>> -> memref<8x128xf32, #tpu.memory_space<hbm>>
    %dma_wait3A_1862 = arith.constant 0 : i32
    %dma_wait3A_1863 = arith.constant 0 : i32
    %dma_wait3A_1864 = tpu.memref_slice %arg5[%dma_wait3A_1862, %dma_wait3A_1863] : memref<8x4096xf32, #tpu.memory_space<vmem>> -> memref<8x128xf32, #tpu.memory_space<vmem>>
    %dma_wait3A_1865 = arith.constant 0 : i32
    %dma_wait3A_1866 = arith.constant 0 : i32
    %dma_wait3A_1867 = tpu.memref_slice %arg3[%select_n3A_708, %dma_wait3A_1854, %dma_wait3A_1865, %dma_wait3A_1866] : memref<4096x16x8x128xf32, #tpu.memory_space<hbm>> -> memref<1x1x8x128xf32, #tpu.memory_space<hbm>>
    %dma_wait3A_1868 = tpu.memref_squeeze %dma_wait3A_1867 : memref<1x1x8x128xf32, #tpu.memory_space<hbm>> -> memref<8x128xf32, #tpu.memory_space<hbm>>
    tpu.wait_dma2 semaphore(%arg7 : memref<!tpu.dma_semaphore, #tpu.memory_space<semaphore_mem>>) src(%dma_wait3A_1868 : memref<8x128xf32, #tpu.memory_space<hbm>>) dst(%dma_wait3A_1864 : memref<8x128xf32, #tpu.memory_space<vmem>>)
    %dma_wait3A_1869 = arith.constant 0 : i32
    %dma_wait3A_1870 = arith.constant 0 : i32
    %dma_wait3A_1871 = arith.constant 0 : i32
    %dma_wait3A_1872 = tpu.memref_slice %arg5[%dma_wait3A_1870, %dma_wait3A_1871] : memref<8x4096xf32, #tpu.memory_space<vmem>> -> memref<8x128xf32, #tpu.memory_space<vmem>>
    %dma_wait3A_1873 = arith.constant 0 : i32
    %dma_wait3A_1874 = arith.constant 0 : i32
    %dma_wait3A_1875 = tpu.memref_slice %arg3[%select_n3A_708, %dma_wait3A_1869, %dma_wait3A_1873, %dma_wait3A_1874] : memref<4096x16x8x128xf32, #tpu.memory_space<hbm>> -> memref<1x1x8x128xf32, #tpu.memory_space<hbm>>
    %dma_wait3A_1876 = tpu.memref_squeeze %dma_wait3A_1875 : memref<1x1x8x128xf32, #tpu.memory_space<hbm>> -> memref<8x128xf32, #tpu.memory_space<hbm>>
    %dma_wait3A_1877 = arith.constant 0 : i32
    %dma_wait3A_1878 = arith.constant 0 : i32
    %dma_wait3A_1879 = tpu.memref_slice %arg5[%dma_wait3A_1877, %dma_wait3A_1878] : memref<8x4096xf32, #tpu.memory_space<vmem>> -> memref<8x128xf32, #tpu.memory_space<vmem>>
    %dma_wait3A_1880 = arith.constant 0 : i32
    %dma_wait3A_1881 = arith.constant 0 : i32
    %dma_wait3A_1882 = tpu.memref_slice %arg3[%select_n3A_708, %dma_wait3A_1869, %dma_wait3A_1880, %dma_wait3A_1881] : memref<4096x16x8x128xf32, #tpu.memory_space<hbm>> -> memref<1x1x8x128xf32, #tpu.memory_space<hbm>>
    %dma_wait3A_1883 = tpu.memref_squeeze %dma_wait3A_1882 : memref<1x1x8x128xf32, #tpu.memory_space<hbm>> -> memref<8x128xf32, #tpu.memory_space<hbm>>
    tpu.wait_dma2 semaphore(%arg7 : memref<!tpu.dma_semaphore, #tpu.memory_space<semaphore_mem>>) src(%dma_wait3A_1883 : memref<8x128xf32, #tpu.memory_space<hbm>>) dst(%dma_wait3A_1879 : memref<8x128xf32, #tpu.memory_space<vmem>>)
    %dma_wait3A_1884 = arith.constant 0 : i32
    %dma_wait3A_1885 = arith.constant 0 : i32
    %dma_wait3A_1886 = arith.constant 0 : i32
    %dma_wait3A_1887 = tpu.memref_slice %arg5[%dma_wait3A_1885, %dma_wait3A_1886] : memref<8x4096xf32, #tpu.memory_space<vmem>> -> memref<8x128xf32, #tpu.memory_space<vmem>>
    %dma_wait3A_1888 = arith.constant 0 : i32
    %dma_wait3A_1889 = arith.constant 0 : i32
    %dma_wait3A_1890 = tpu.memref_slice %arg3[%select_n3A_708, %dma_wait3A_1884, %dma_wait3A_1888, %dma_wait3A_1889] : memref<4096x16x8x128xf32, #tpu.memory_space<hbm>> -> memref<1x1x8x128xf32, #tpu.memory_space<hbm>>
    %dma_wait3A_1891 = tpu.memref_squeeze %dma_wait3A_1890 : memref<1x1x8x128xf32, #tpu.memory_space<hbm>> -> memref<8x128xf32, #tpu.memory_space<hbm>>
    %dma_wait3A_1892 = arith.constant 0 : i32
    %dma_wait3A_1893 = arith.constant 0 : i32
    %dma_wait3A_1894 = tpu.memref_slice %arg5[%dma_wait3A_1892, %dma_wait3A_1893] : memref<8x4096xf32, #tpu.memory_space<vmem>> -> memref<8x128xf32, #tpu.memory_space<vmem>>
    %dma_wait3A_1895 = arith.constant 0 : i32
    %dma_wait3A_1896 = arith.constant 0 : i32
    %dma_wait3A_1897 = tpu.memref_slice %arg3[%select_n3A_708, %dma_wait3A_1884, %dma_wait3A_1895, %dma_wait3A_1896] : memref<4096x16x8x128xf32, #tpu.memory_space<hbm>> -> memref<1x1x8x128xf32, #tpu.memory_space<hbm>>
    %dma_wait3A_1898 = tpu.memref_squeeze %dma_wait3A_1897 : memref<1x1x8x128xf32, #tpu.memory_space<hbm>> -> memref<8x128xf32, #tpu.memory_space<hbm>>
    tpu.wait_dma2 semaphore(%arg7 : memref<!tpu.dma_semaphore, #tpu.memory_space<semaphore_mem>>) src(%dma_wait3A_1898 : memref<8x128xf32, #tpu.memory_space<hbm>>) dst(%dma_wait3A_1894 : memref<8x128xf32, #tpu.memory_space<vmem>>)
    return
  }
}

</mosaic_0001>

<sc_bundles>
// kernel: kernel.3.cloned.1.call-start
scs
__scs_entry_jumppad:
0x0: {  	(pc) =	sbr.rel $0x88, $3  }
0x1: {  	(tag) =	ssettag $0x0;
	lr =	simm.s32 $0x1  }
0x2: {  	[smem:$0x3FA0] =	sst lr;
	_ =	strace $0xD0000000  }
0x3: {  	_ = 	snop  }
0x4: {  	_ = 	snop  }
0x5: {  	_ = 	snop  }
0x6: {  	_ = 	snop  }
0x7: {  	_ = 	snop  }
__scs_overlays_trampoline_lowered:
0x8: {  	[smem:$0x3FAF] =	sst s0  }
0x9: {  	[smem:$0x3FB0] =	sst s1  }
0xa: {  	[smem:$0x3FB1] =	sst s2  }
0xb: {  	[smem:$0x3FB2] =	sst s3  }
0xc: {  	[smem:$0x3FB3] =	sst s4  }
0xd: {  	[smem:$0x3FB4] =	sst s5  }
0xe: {  	[smem:$0x3FB5] =	sst s6  }
0xf: {  	[smem:$0x3FB6] =	sst s7  }
0x10: {  	[smem:$0x3FB7] =	sst s8  }
0x11: {  	[smem:$0x3FB8] =	sst s9;
	s0 =	simm.s32 @!p0 $0x0  }
0x12: {  	s1 =	sld [smem:$0x3F9E];
	s0 =	simm.s32 @p0 $0x1  }
0x13: {  	[smem:$0x3FB9] =	sst s0;
	s0 =	simm.s32 @!p1 $0x0  }
0x14: {  	s2 =	sld [smem:$0x3F9D];
	s0 =	simm.s32 @p1 $0x1  }
0x15: {  	[smem:$0x3FBA] =	sst s0;
	s0 =	simm.s32 @!p2 $0x0  }
0x16: {  	s3 =	sld [smem:$0x3FDB];
	s0 =	simm.s32 @p2 $0x1  }
0x17: {  	s4 =	simm.s32 $0x1BF5;
	[smem:$0x3FBC] =	sst s0  }
0x18: {  	s0 =	sld [smem:$0x3F9F];
	_ =	swait.ge [sflag:s4], $0x0  }
0x19: {  	s7 =	sld [smem:$0x3FA0]  }
0x1a: {  	s8 =	sadd.s32 $0xFFFFE003, lr  }
0x1b: {  	s9 =	sadd.s32 $0xFFFFFEF7, lr;
	s5 =	simm.s32 $0xFFFFFFFF;
	p2 =	slt.u32 s8, $0xFFFFF086  }
0x1c: {  	p1 =	slt.u32 s9, $0xF7A;
	s5 =	simm.s32 @!p2 $0x0  }
0x1d: {  	s5 =	simm.s32 @p1 $0x1;
	p0 =	seq.s32 s7, s2  }
0x1e: {  	s7 =	smul.u32 @!p0 $0xF7A, s2;
	p2 =	seq.s32 @!p0 s5, $0x0  }
0x1f: {  	s9 =	smul.u32 $0xF7A, s1;
	s8 =	simm.s32 @!p0 $0x1BF5;
	p2 =	por !p2, p0  }
0x20: {  	[sflag:s8] =	ssyncset.s32 @!p0 $0xFFFFF086;
	s6 =	sadd.s32 @!p0 s3, s7;
	s7 =	simm.s32 @!p0 $0x108  }
0x21: {  	s3 =	sadd.s32 s3, s9;
	s6 =	sadd.s32 @!p0 $0x88, s6;
	s7 =	simm.s32 @p2 $0x1082  }
0x22: {  	[simem:s7], [sflag:s8] =	dma.local @!p0 [hbm:s6], $0xF7A  }
0x23: {  	s9 =	sor.u32 $0xD0000000, s2;
	s6 =	simm.s32 $0x108;
	_ =	swait.ge @!p0 [sflag:s8], $0x0  }
0x24: {  	s3 =	sadd.s32 $0x88, s3;
	s6 =	simm.s32 @!p1 $0x1082;
	[sflag:s4] =	ssyncset.s32 $0xFFFFF086  }
0x25: {  	[simem:s6], [sflag:s4] =	dma.local [hbm:s3], $0xF7A  }
0x26: {  	[smem:$0x3FA0] =	sst s1;
	(tag) =	ssettag s2;
	_ =	strace s9  }
0x27: {  	s1 =	sld [smem:$0x3FB0]  }
0x28: {  	s2 =	sld [smem:$0x3FB1]  }
0x29: {  	s4 =	sld [smem:$0x3FB3]  }
0x2a: {  	p0 =	seq.s32 s5, $0x0;
	s5 =	sld [smem:$0x3FB4]  }
0x2b: {  	s6 =	sld [smem:$0x3FB5]  }
0x2c: {  	s7 =	sld [smem:$0x3FB6]  }
0x2d: {  	s3 =	simm.s32 $0x108;
	s8 =	sld [smem:$0x3FB7]  }
0x2e: {  	s3 =	simm.s32 @!p0 $0x1082;
	s9 =	sld [smem:$0x3FB8]  }
0x2f: {  	lr =	sadd.s32 s0, s3;
	s0 =	sld [smem:$0x3FAF]  }
0x30: {  	s3 =	sld [smem:$0x3FB2]  }
0x31: {  	[smem:$0x3FBB] =	sst s10  }
0x32: {  	s10 =	sld [smem:$0x3FB9];
	_ =	sdelay $0x3  }
0x33: {  	p0 =	seq.s32 s10, $0x1;
	s10 =	sld [smem:$0x3FBB];
	_ =	sdelay $0x3  }
0x34: {  	[smem:$0x3FBB] =	sst s10  }
0x35: {  	s10 =	sld [smem:$0x3FBA];
	_ =	sdelay $0x3  }
0x36: {  	p1 =	seq.s32 s10, $0x1;
	s10 =	sld [smem:$0x3FBB];
	_ =	sdelay $0x3  }
0x37: {  	[smem:$0x3FBB] =	sst s10  }
0x38: {  	s10 =	sld [smem:$0x3FBC]  }
0x39: {  	_ = 	snop;
	(pc) =	sbr.ind lr, $3  }
0x3a: {  	_ = 	snop  }
0x3b: {  	_ = 	snop  }
0x3c: {  	p2 =	seq.s32 s10, $0x1;
	s10 =	sld [smem:$0x3FBB]  }
0x3d: {  	_ =	shalt  }
0x3e: {  	_ =	shalt  }
0x3f: {  	_ =	shalt  }
0x40: {  	_ =	shalt  }
0x41: {  	_ =	shalt  }
0x42: {  	_ =	shalt  }
0x43: {  	_ =	shalt  }
0x44: {  	_ =	shalt  }
0x45: {  	_ =	shalt  }
0x46: {  	_ =	shalt  }
0x47: {  	_ =	shalt  }
0x48: {  	_ =	shalt  }
0x49: {  	_ =	shalt  }
0x4a: {  	_ =	shalt  }
0x4b: {  	_ =	shalt  }
0x4c: {  	_ =	shalt  }
0x4d: {  	_ =	shalt  }
0x4e: {  	_ =	shalt  }
0x4f: {  	_ =	shalt  }
0x50: {  	_ =	shalt  }
0x51: {  	_ =	shalt  }
0x52: {  	_ =	shalt  }
0x53: {  	_ =	shalt  }
0x54: {  	_ =	shalt  }
0x55: {  	_ =	shalt  }
0x56: {  	_ =	shalt  }
0x57: {  	_ =	shalt  }
0x58: {  	_ =	shalt  }
0x59: {  	_ =	shalt  }
0x5a: {  	_ =	shalt  }
0x5b: {  	_ =	shalt  }
0x5c: {  	_ =	shalt  }
0x5d: {  	_ =	shalt  }
0x5e: {  	_ =	shalt  }
0x5f: {  	_ =	shalt  }
0x60: {  	_ =	shalt  }
0x61: {  	_ =	shalt  }
0x62: {  	_ =	shalt  }
0x63: {  	_ =	shalt  }
0x64: {  	_ =	shalt  }
0x65: {  	_ =	shalt  }
0x66: {  	_ =	shalt  }
0x67: {  	_ =	shalt  }
0x68: {  	_ =	shalt  }
0x69: {  	_ =	shalt  }
0x6a: {  	_ =	shalt  }
0x6b: {  	_ =	shalt  }
0x6c: {  	_ =	shalt  }
0x6d: {  	_ =	shalt  }
0x6e: {  	_ =	shalt  }
0x6f: {  	_ =	shalt  }
0x70: {  	_ =	shalt  }
0x71: {  	_ =	shalt  }
0x72: {  	_ =	shalt  }
0x73: {  	_ =	shalt  }
0x74: {  	_ =	shalt  }
0x75: {  	_ =	shalt  }
0x76: {  	_ =	shalt  }
0x77: {  	_ =	shalt  }
0x78: {  	_ =	shalt  }
0x79: {  	_ =	shalt  }
0x7a: {  	_ =	shalt  }
0x7b: {  	_ =	shalt  }
0x7c: {  	_ =	shalt  }
0x7d: {  	_ =	shalt  }
0x7e: {  	_ =	shalt  }
0x7f: {  	_ =	shalt  }
0x80: {  	_ =	shalt  }
0x81: {  	_ =	shalt  }
0x82: {  	_ =	shalt  }
0x83: {  	_ =	shalt  }
0x84: {  	_ =	shalt  }
0x85: {  	_ =	shalt  }
0x86: {  	_ =	shalt  }
0x87: {  	_ =	shalt  }
.Lfunc_end0:
.L_simem_size_0:
called_computation_lowered:
.L_overlay_start_0:
0x88: {  	s2 =	sld [smem:$0x3FD9]  }
0x89: {  	s3 =	sld [smem:$0x3FFE];
	_ =	sdelay $0x1  }
0x8a: {  	s1 =	srdreg.scid  }
0x8b: {  	s0 =	sand.u32 $0x1, s1  }
0x8c: {  	s17 =	sshll.u32 s0, $0xA;
	s2 =	sadd.s32 s3, s2  }
0x8d: {  	s2 =	sadd.s32 s2, s17  }
0x8e: {  	[smem:$0x3FC7] =	sst s2  }
0x8f: {  	_ = 	snop  }
0x90: {  	s2 =	sld [smem:$0x3FD0];
	(tm) =	ssettm $0x1  }
0x91: {  	s18 =	sld [smem:$0x3FFB];
	_ =	sdelay $0x3  }
0x92: {  	_ =	strace s18  }
0x93: {  	s3 =	sld [smem:$0x3FFC];
	_ =	sdelay $0x3  }
0x94: {  	_ =	strace s3  }
0x95: {  	s3 =	sld [smem:$0x3FFD];
	_ =	sdelay $0x3  }
0x96: {  	_ =	strace s3  }
0x97: {  	_ =	strace $0x8FFFFFFF  }
0x98: {  	s19 =	sld [smem:$0x3FDB];
	_ =	sdelay $0x1  }
0x99: {  	s4 =	simm.s32 $_scs_section_size  }
0x9a: {  	s5 =	simm.s32 $_size__tile_overlayer_lowered;
	s6 =	simm.s32 $_tile_overlayer_lowered  }
0x9b: {  	s22 =	simm.s32 $0x1BFF;
	s21 =	sshll.u32 s6, $0x1;
	s3 =	sadd.s32 s4, s19  }
0x9c: {  	s7 =	simm.s32 $0x0;
	s20 =	sshll.u32 s5, $0x1;
	s5 =	sadd.s32 s21, s3  }
0x9d: {  	[timem:s7], [sflag:s22] =	dma.local [hbm:s5], s20  }
0x9e: {  	_ =	swait.ge [sflag:s22], s20  }
0x9f: {  	s4 =	ssub.s32 $0x0, s20;
	[sflag:s22] =	ssyncset.done $0x0  }
0xa0: {  	[sflag:s22] =	ssyncadd.s32 s4;
	_ =	sdelay $0x1  }
0xa1: {  	s23 =	simm.s32 $0x1B8B  }
0xa2: {  	_ =	swait.ge [sflag:s23], $0x1  }
0xa3: {  	[sflag:s23] =	ssyncset.done $0x0  }
0xa4: {  	s25 =	simm.s32 $0x1B8E;
	s24 =	sld [smem:$0x3FFE];
	[sflag:s23] =	ssyncadd.s32 $0xFFFFFFFF  }
0xa5: {  	s26 =	simm.s32 $execute0_lowered;
	[smem:$0x3FD2] =	sst s25  }
0xa6: {  	s5 =	sshll.u32 s26, $0x1;
	_ =	strace $0x80000046;
	[dreg:$0x1] =	wrdreg $0xFFFFFFFF  }
0xa7: {  	s28 =	simm.s32 $_size_execute0_lowered;
	s3 =	sadd.s32 s3, s5;
	[dreg:$0x0] =	wrdreg $0x0  }
0xa8: {  	s5 =	sshll.u32 s28, $0x1;
	[dreg:$0x2] =	wrdreg s3  }
0xa9: {  	[dreg:$0x3] =	wrdreg s5  }
0xaa: {  	[dreg:$0x4] =	wrdreg $0xC0  }
0xab: {  	_ =	task [dreg:s7], $0x5FFFF  }
0xac: {  	[dreg:$0x1] =	wrdreg $0xFFFFFFFF  }
0xad: {  	[dreg:$0x0] =	wrdreg $0x60  }
0xae: {  	[dreg:$0x2] =	wrdreg s24  }
0xaf: {  	[dreg:$0x3] =	wrdreg s2  }
0xb0: {  	[dreg:$0x4] =	wrdreg $0x9  }
0xb1: {  	_ =	task.clear_ibuf [dreg:s7], $0x5FFFF;
	_ =	strace $0x90000046  }
0xb2: {  	s29 =	simm.s32 $0x9;
	_ =	strace $0x80000048  }
0xb3: {  	_ =	swait.ge [sflag:s29], $0x1  }
0xb4: {  	[sflag:s29] =	ssyncadd.s32 $0xFFFFFFFF  }
0xb5: {  	_ =	strace $0x90000048  }
0xb6: {  	_ =	sfence  }
0xb7: {  	s30 =	sld [smem:$0x0];
	_ =	sdelay $0x2  }
0xb8: {  	s31 =	sshll.u32 s1, $0xD;
	s1 =	sshrl.u32 s1, $0x2  }
0xb9: {  	s3 =	sand.u32 $0x4000, s31;
	s1 =	sadd.s32 s1, s30  }
0xba: {  	s0 =	sor.u32 s3, s0;
	s1 =	sshll.u32 s1, $0x11  }
0xbb: {  	s0 =	sor.u32 s1, s0  }
0xbc: {  	s0 =	sadd.s32 $0x8F2B, s0  }
0xbd: {  	[sflag:s0] =	ssyncadd.remote.s32 $0x1  }
0xbe: {  	_ =	sfence.sel $0xFFFF  }
0xbf: {  	[dreg:$0x0] =	wrdreg $0xFFFFFFFF;
	(pc) =	sbr.abs _section_cstart, $3  }
0xc0: {  	[dreg:$0x1] =	wrdreg $0xFFFFFFFF  }
0xc1: {  	_ =	task.clear_ibuf [dreg:s7], $0x2FFFF;
	_ =	strace $0x9FFFFFFF  }
0xc2: {  	(tm) =	ssettm $0x7FFFFFFF  }
0xc3: {  	_ =	shalt  }
tec
execute0_lowered:
.L_overlay_start_1:
0x0: {  	(tag) =	ssettag $0x1  }
0x1: {  	s0 =	srdreg.scid;
	s4 =	rddreg [dreg:$0x0]  }
0x2: {  	s6 =	stileid.u32;
	s30 =	rddreg [dreg:$0x1];
	s0 =	sand.u32 $0x1, s0  }
0x3: {  	s3 =	simm.s32 $0x0;
	s1 =	sshll.u32 s6, $0xB;
	s2 =	sshll.u32 s0, $0xA  }
0x4: {  	[smem:$0x7FF] =	sst s3;
	s2 =	sor.u32 s2, s1  }
0x5: {  	s10 =	sadd.s32 $0x400, s4;
	p1 =	seq.s32 s0, $0x1;
	p0 =	seq.s32 s2, $0x0  }
0x6: {  	_ =	strace $0x80000047;
	s5 =	ssub.s32 $0x2, s0;
	p0 =	por !p0, !p1  }
0x7: {  	s1 =	simm.s32 $0x1;
	s24 =	sshrl.u32 s5, $0x1;
	p0 =	por !p0, !p0  }
0x8: {  	[dreg:$0x12] =	wrdreg s10;
	s4 =	ssub.s32 s5, s24;
	s1 =	simm.s32 @!p0 $0x0  }
0x9: {  	s25 =	sshll.u32 s2, $0x8;
	s21 =	sshrl.u32 s2, $0x3;
	s1 =	ssub.s32 s6, s1  }
0xa: {  	s4 =	smax.u32 s4, $0x1;
	s0 =	smul.u32 $0x7D0, s1;
	s1 =	sshll.u32 s1, $0xB  }
0xb: {  	[smem:$0x6EC] =	sst s4;
	s20 =	ssub.s32 s2, s1;
	s2 =	sadd.s32 s30, s25  }
0xc: {  	s26 =	ssub.s32 $0x4818, s20;
	[dreg:$0x13] =	wrdreg s2  }
0xd: {  	s28 =	sadd.s32 $0x80, s2;
	[dreg:$0x14] =	wrdreg s26  }
0xe: {  	s29 =	ssub.s32 $0x4898, s20;
	[dreg:$0x15] =	wrdreg s28  }
0xf: {  	s31 =	sadd.s32 $0x100, s2;
	[dreg:$0x16] =	wrdreg s29  }
0x10: {  	s7 =	ssub.s32 $0x4918, s20;
	[dreg:$0x17] =	wrdreg s31  }
0x11: {  	s8 =	sadd.s32 $0x180, s2;
	[dreg:$0x18] =	wrdreg s7  }
0x12: {  	s9 =	ssub.s32 $0x4998, s20;
	[dreg:$0x19] =	wrdreg s8  }
0x13: {  	s11 =	sadd.s32 $0x200, s2;
	[dreg:$0x1a] =	wrdreg s9  }
0x14: {  	s12 =	ssub.s32 $0x4A18, s20;
	[dreg:$0x1b] =	wrdreg s11  }
0x15: {  	s13 =	sadd.s32 $0x280, s2;
	[dreg:$0x1c] =	wrdreg s12  }
0x16: {  	s14 =	ssub.s32 $0x4A98, s20;
	[dreg:$0x1d] =	wrdreg s13  }
0x17: {  	s15 =	sadd.s32 $0x300, s2;
	[dreg:$0x1e] =	wrdreg s14  }
0x18: {  	s16 =	ssub.s32 $0x4B18, s20;
	[dreg:$0x1f] =	wrdreg s15  }
0x19: {  	s17 =	sadd.s32 $0x380, s2;
	[smem:$0x6EA] =	sst s16  }
0x1a: {  	s18 =	ssub.s32 $0x4B98, s20;
	[smem:$0x6EB] =	sst s17  }
0x1b: {  	s19 =	sadd.s32 $0x400, s2;
	[smem:$0x6ED] =	sst s18  }
0x1c: {  	s22 =	ssub.s32 $0x4C18, s20;
	[smem:$0x6EE] =	sst s19  }
0x1d: {  	s23 =	sadd.s32 $0x480, s2;
	[smem:$0x6EF] =	sst s22  }
0x1e: {  	s24 =	ssub.s32 $0x4C98, s20;
	[smem:$0x6F0] =	sst s23  }
0x1f: {  	s25 =	sadd.s32 $0x500, s2;
	[smem:$0x6F1] =	sst s24  }
0x20: {  	s6 =	ssub.s32 $0x4E18, s20;
	[smem:$0x6F2] =	sst s25  }
0x21: {  	s4 =	ssub.s32 $0x9818, s20;
	[smem:$0x6F7] =	sst s6  }
0x22: {  	s26 =	ssub.s32 $0x4D18, s20;
	[smem:$0x722] =	sst s4  }
0x23: {  	s28 =	sadd.s32 $0x580, s2;
	[smem:$0x6F3] =	sst s26  }
0x24: {  	s29 =	ssub.s32 $0x4D98, s20;
	[smem:$0x6F4] =	sst s28  }
0x25: {  	s31 =	sadd.s32 $0x600, s2;
	[smem:$0x6F5] =	sst s29  }
0x26: {  	s7 =	sadd.s32 $0x680, s2;
	[smem:$0x6F6] =	sst s31  }
0x27: {  	s8 =	ssub.s32 $0x4E98, s20;
	[smem:$0x6F8] =	sst s7  }
0x28: {  	s9 =	sadd.s32 $0x700, s2;
	[smem:$0x6F9] =	sst s8  }
0x29: {  	s11 =	ssub.s32 $0x4F18, s20;
	[smem:$0x6FA] =	sst s9  }
0x2a: {  	s12 =	sadd.s32 $0x780, s2;
	[smem:$0x6FB] =	sst s11  }
0x2b: {  	s13 =	ssub.s32 $0x4F98, s20;
	[smem:$0x6FC] =	sst s12  }
0x2c: {  	s14 =	sadd.s32 $0x800, s2;
	[smem:$0x6FD] =	sst s13  }
0x2d: {  	s15 =	ssub.s32 $0x4810, s20;
	[smem:$0x6FE] =	sst s14  }
0x2e: {  	s16 =	sadd.s32 $0x880, s2;
	[smem:$0x6FF] =	sst s15  }
0x2f: {  	s17 =	ssub.s32 $0x4890, s20;
	[smem:$0x700] =	sst s16  }
0x30: {  	s18 =	sadd.s32 $0x900, s2;
	[smem:$0x701] =	sst s17  }
0x31: {  	s19 =	ssub.s32 $0x4910, s20;
	[smem:$0x702] =	sst s18  }
0x32: {  	s22 =	sadd.s32 $0x980, s2;
	[smem:$0x703] =	sst s19  }
0x33: {  	s23 =	ssub.s32 $0x4990, s20;
	[smem:$0x704] =	sst s22  }
0x34: {  	s24 =	sadd.s32 $0xA00, s2;
	[smem:$0x705] =	sst s23  }
0x35: {  	s25 =	ssub.s32 $0x4A10, s20;
	[smem:$0x706] =	sst s24  }
0x36: {  	s6 =	sadd.s32 $0xB80, s2;
	[smem:$0x707] =	sst s25  }
0x37: {  	s4 =	ssub.s32 $0xA998, s20;
	[smem:$0x70C] =	sst s6  }
0x38: {  	s26 =	sadd.s32 $0xA80, s2;
	[smem:$0x738] =	sst s4  }
0x39: {  	s28 =	ssub.s32 $0x4A90, s20;
	[smem:$0x708] =	sst s26  }
0x3a: {  	s29 =	sadd.s32 $0xB00, s2;
	[smem:$0x709] =	sst s28  }
0x3b: {  	s31 =	ssub.s32 $0x4B10, s20;
	[smem:$0x70A] =	sst s29  }
0x3c: {  	s7 =	ssub.s32 $0x4B90, s20;
	[smem:$0x70B] =	sst s31  }
0x3d: {  	s8 =	sadd.s32 $0xC00, s2;
	[smem:$0x70D] =	sst s7  }
0x3e: {  	s9 =	ssub.s32 $0x4C10, s20;
	[smem:$0x70E] =	sst s8  }
0x3f: {  	s11 =	sadd.s32 $0xC80, s2;
	[smem:$0x70F] =	sst s9  }
0x40: {  	s12 =	ssub.s32 $0x4C90, s20;
	[smem:$0x710] =	sst s11  }
0x41: {  	s13 =	sadd.s32 $0xD00, s2;
	[smem:$0x711] =	sst s12  }
0x42: {  	s14 =	ssub.s32 $0x4D10, s20;
	[smem:$0x712] =	sst s13  }
0x43: {  	s15 =	sadd.s32 $0xD80, s2;
	[smem:$0x713] =	sst s14  }
0x44: {  	s16 =	ssub.s32 $0x4D90, s20;
	[smem:$0x714] =	sst s15  }
0x45: {  	s17 =	sadd.s32 $0xE00, s2;
	[smem:$0x715] =	sst s16  }
0x46: {  	s18 =	ssub.s32 $0x4E10, s20;
	[smem:$0x716] =	sst s17  }
0x47: {  	s19 =	sadd.s32 $0xE80, s2;
	[smem:$0x717] =	sst s18  }
0x48: {  	s22 =	ssub.s32 $0x4E90, s20;
	[smem:$0x718] =	sst s19  }
0x49: {  	s23 =	sadd.s32 $0xF00, s2;
	[smem:$0x719] =	sst s22  }
0x4a: {  	s24 =	ssub.s32 $0x4F10, s20;
	[smem:$0x71A] =	sst s23  }
0x4b: {  	s2 =	sadd.s32 $0xF80, s2;
	[smem:$0x71B] =	sst s24  }
0x4c: {  	s25 =	ssub.s32 $0x4F90, s20;
	[smem:$0x71C] =	sst s2  }
0x4d: {  	s6 =	ssub.s32 $0xA818, s20;
	[smem:$0x71D] =	sst s25  }
0x4e: {  	s4 =	ssub.s32 $0xBB18, s20;
	[smem:$0x723] =	sst s6  }
0x4f: {  	s26 =	ssub.s32 $0x5818, s20;
	[smem:$0x74E] =	sst s4  }
0x50: {  	s28 =	ssub.s32 $0x6818, s20;
	[smem:$0x71E] =	sst s26  }
0x51: {  	s29 =	ssub.s32 $0x7818, s20;
	[smem:$0x71F] =	sst s28  }
0x52: {  	s31 =	ssub.s32 $0x8818, s20;
	[smem:$0x720] =	sst s29  }
0x53: {  	s7 =	ssub.s32 $0xB818, s20;
	[smem:$0x721] =	sst s31  }
0x54: {  	s8 =	ssub.s32 $0x5898, s20;
	[smem:$0x724] =	sst s7  }
0x55: {  	s9 =	ssub.s32 $0x6898, s20;
	[smem:$0x725] =	sst s8  }
0x56: {  	s11 =	ssub.s32 $0x7898, s20;
	[smem:$0x726] =	sst s9  }
0x57: {  	s12 =	ssub.s32 $0x8898, s20;
	[smem:$0x727] =	sst s11  }
0x58: {  	s13 =	ssub.s32 $0x9898, s20;
	[smem:$0x728] =	sst s12  }
0x59: {  	s14 =	ssub.s32 $0xA898, s20;
	[smem:$0x729] =	sst s13  }
0x5a: {  	s15 =	ssub.s32 $0xB898, s20;
	[smem:$0x72A] =	sst s14  }
0x5b: {  	s16 =	ssub.s32 $0x5918, s20;
	[smem:$0x72B] =	sst s15  }
0x5c: {  	s17 =	ssub.s32 $0x6918, s20;
	[smem:$0x72C] =	sst s16  }
0x5d: {  	s18 =	ssub.s32 $0x7918, s20;
	[smem:$0x72D] =	sst s17  }
0x5e: {  	s19 =	ssub.s32 $0x8918, s20;
	[smem:$0x72E] =	sst s18  }
0x5f: {  	s22 =	ssub.s32 $0x9918, s20;
	[smem:$0x72F] =	sst s19  }
0x60: {  	s23 =	ssub.s32 $0xA918, s20;
	[smem:$0x730] =	sst s22  }
0x61: {  	s24 =	ssub.s32 $0xB918, s20;
	[smem:$0x731] =	sst s23  }
0x62: {  	s25 =	ssub.s32 $0x5998, s20;
	[smem:$0x732] =	sst s24  }
0x63: {  	s6 =	ssub.s32 $0xB998, s20;
	[smem:$0x733] =	sst s25  }
0x64: {  	s4 =	ssub.s32 $0x5D18, s20;
	[smem:$0x739] =	sst s6  }
0x65: {  	s26 =	ssub.s32 $0x6998, s20;
	[smem:$0x764] =	sst s4  }
0x66: {  	s28 =	ssub.s32 $0x7998, s20;
	[smem:$0x734] =	sst s26  }
0x67: {  	s29 =	ssub.s32 $0x8998, s20;
	[smem:$0x735] =	sst s28  }
0x68: {  	s31 =	ssub.s32 $0x9998, s20;
	[smem:$0x736] =	sst s29  }
0x69: {  	s7 =	ssub.s32 $0x5A18, s20;
	[smem:$0x737] =	sst s31  }
0x6a: {  	s8 =	ssub.s32 $0x6A18, s20;
	[smem:$0x73A] =	sst s7  }
0x6b: {  	s9 =	ssub.s32 $0x7A18, s20;
	[smem:$0x73B] =	sst s8  }
0x6c: {  	s11 =	ssub.s32 $0x8A18, s20;
	[smem:$0x73C] =	sst s9  }
0x6d: {  	s12 =	ssub.s32 $0x9A18, s20;
	[smem:$0x73D] =	sst s11  }
0x6e: {  	s13 =	ssub.s32 $0xAA18, s20;
	[smem:$0x73E] =	sst s12  }
0x6f: {  	s14 =	ssub.s32 $0xBA18, s20;
	[smem:$0x73F] =	sst s13  }
0x70: {  	s15 =	ssub.s32 $0x5A98, s20;
	[smem:$0x740] =	sst s14  }
0x71: {  	s16 =	ssub.s32 $0x6A98, s20;
	[smem:$0x741] =	sst s15  }
0x72: {  	s17 =	ssub.s32 $0x7A98, s20;
	[smem:$0x742] =	sst s16  }
0x73: {  	s18 =	ssub.s32 $0x8A98, s20;
	[smem:$0x743] =	sst s17  }
0x74: {  	s19 =	ssub.s32 $0x9A98, s20;
	[smem:$0x744] =	sst s18  }
0x75: {  	s22 =	ssub.s32 $0xAA98, s20;
	[smem:$0x745] =	sst s19  }
0x76: {  	s23 =	ssub.s32 $0xBA98, s20;
	[smem:$0x746] =	sst s22  }
0x77: {  	s24 =	ssub.s32 $0x5B18, s20;
	[smem:$0x747] =	sst s23  }
0x78: {  	s25 =	ssub.s32 $0x6B18, s20;
	[smem:$0x748] =	sst s24  }
0x79: {  	s6 =	ssub.s32 $0x5B98, s20;
	[smem:$0x749] =	sst s25  }
0x7a: {  	s4 =	ssub.s32 $0x6E98, s20;
	[smem:$0x74F] =	sst s6  }
0x7b: {  	s26 =	ssub.s32 $0x7B18, s20;
	[smem:$0x77A] =	sst s4  }
0x7c: {  	s28 =	ssub.s32 $0x8B18, s20;
	[smem:$0x74A] =	sst s26  }
0x7d: {  	s29 =	ssub.s32 $0x9B18, s20;
	[smem:$0x74B] =	sst s28  }
0x7e: {  	s31 =	ssub.s32 $0xAB18, s20;
	[smem:$0x74C] =	sst s29  }
0x7f: {  	s7 =	ssub.s32 $0x6B98, s20;
	[smem:$0x74D] =	sst s31  }
0x80: {  	s8 =	ssub.s32 $0x7B98, s20;
	[smem:$0x750] =	sst s7  }
0x81: {  	s9 =	ssub.s32 $0x8B98, s20;
	[smem:$0x751] =	sst s8  }
0x82: {  	s11 =	ssub.s32 $0x9B98, s20;
	[smem:$0x752] =	sst s9  }
0x83: {  	s12 =	ssub.s32 $0xAB98, s20;
	[smem:$0x753] =	sst s11  }
0x84: {  	s13 =	ssub.s32 $0xBB98, s20;
	[smem:$0x754] =	sst s12  }
0x85: {  	s14 =	ssub.s32 $0x5C18, s20;
	[smem:$0x755] =	sst s13  }
0x86: {  	s15 =	ssub.s32 $0x6C18, s20;
	[smem:$0x756] =	sst s14  }
0x87: {  	s16 =	ssub.s32 $0x7C18, s20;
	[smem:$0x757] =	sst s15  }
0x88: {  	s17 =	ssub.s32 $0x8C18, s20;
	[smem:$0x758] =	sst s16  }
0x89: {  	s18 =	ssub.s32 $0x9C18, s20;
	[smem:$0x759] =	sst s17  }
0x8a: {  	s19 =	ssub.s32 $0xAC18, s20;
	[smem:$0x75A] =	sst s18  }
0x8b: {  	s22 =	ssub.s32 $0xBC18, s20;
	[smem:$0x75B] =	sst s19  }
0x8c: {  	s23 =	ssub.s32 $0x5C98, s20;
	[smem:$0x75C] =	sst s22  }
0x8d: {  	s24 =	ssub.s32 $0x6C98, s20;
	[smem:$0x75D] =	sst s23  }
0x8e: {  	s25 =	ssub.s32 $0x7C98, s20;
	[smem:$0x75E] =	sst s24  }
0x8f: {  	s6 =	ssub.s32 $0x6D18, s20;
	[smem:$0x75F] =	sst s25  }
0x90: {  	s4 =	ssub.s32 $0x7810, s20;
	[smem:$0x765] =	sst s6  }
0x91: {  	s26 =	ssub.s32 $0x8C98, s20;
	[smem:$0x790] =	sst s4  }
0x92: {  	s28 =	ssub.s32 $0x9C98, s20;
	[smem:$0x760] =	sst s26  }
0x93: {  	s29 =	ssub.s32 $0xAC98, s20;
	[smem:$0x761] =	sst s28  }
0x94: {  	s31 =	ssub.s32 $0xBC98, s20;
	[smem:$0x762] =	sst s29  }
0x95: {  	s7 =	ssub.s32 $0x7D18, s20;
	[smem:$0x763] =	sst s31  }
0x96: {  	s8 =	ssub.s32 $0x8D18, s20;
	[smem:$0x766] =	sst s7  }
0x97: {  	s9 =	ssub.s32 $0x9D18, s20;
	[smem:$0x767] =	sst s8  }
0x98: {  	s11 =	ssub.s32 $0xAD18, s20;
	[smem:$0x768] =	sst s9  }
0x99: {  	s12 =	ssub.s32 $0xBD18, s20;
	[smem:$0x769] =	sst s11  }
0x9a: {  	s13 =	ssub.s32 $0x5D98, s20;
	[smem:$0x76A] =	sst s12  }
0x9b: {  	s14 =	ssub.s32 $0x6D98, s20;
	[smem:$0x76B] =	sst s13  }
0x9c: {  	s15 =	ssub.s32 $0x7D98, s20;
	[smem:$0x76C] =	sst s14  }
0x9d: {  	s16 =	ssub.s32 $0x8D98, s20;
	[smem:$0x76D] =	sst s15  }
0x9e: {  	s17 =	ssub.s32 $0x9D98, s20;
	[smem:$0x76E] =	sst s16  }
0x9f: {  	s18 =	ssub.s32 $0xAD98, s20;
	[smem:$0x76F] =	sst s17  }
0xa0: {  	s19 =	ssub.s32 $0xBD98, s20;
	[smem:$0x770] =	sst s18  }
0xa1: {  	s22 =	ssub.s32 $0x5E18, s20;
	[smem:$0x771] =	sst s19  }
0xa2: {  	s23 =	ssub.s32 $0x6E18, s20;
	[smem:$0x772] =	sst s22  }
0xa3: {  	s24 =	ssub.s32 $0x7E18, s20;
	[smem:$0x773] =	sst s23  }
0xa4: {  	s25 =	ssub.s32 $0x8E18, s20;
	[smem:$0x774] =	sst s24  }
0xa5: {  	s6 =	ssub.s32 $0x7E98, s20;
	[smem:$0x775] =	sst s25  }
0xa6: {  	s4 =	ssub.s32 $0x8990, s20;
	[smem:$0x77B] =	sst s6  }
0xa7: {  	s26 =	ssub.s32 $0x9E18, s20;
	[smem:$0x7A6] =	sst s4  }
0xa8: {  	s28 =	ssub.s32 $0xAE18, s20;
	[smem:$0x776] =	sst s26  }
0xa9: {  	s29 =	ssub.s32 $0xBE18, s20;
	[smem:$0x777] =	sst s28  }
0xaa: {  	s31 =	ssub.s32 $0x5E98, s20;
	[smem:$0x778] =	sst s29  }
0xab: {  	s7 =	ssub.s32 $0x8E98, s20;
	[smem:$0x779] =	sst s31  }
0xac: {  	s8 =	ssub.s32 $0x9E98, s20;
	[smem:$0x77C] =	sst s7  }
0xad: {  	s9 =	ssub.s32 $0xAE98, s20;
	[smem:$0x77D] =	sst s8  }
0xae: {  	s11 =	ssub.s32 $0xBE98, s20;
	[smem:$0x77E] =	sst s9  }
0xaf: {  	s12 =	ssub.s32 $0x5F18, s20;
	[smem:$0x77F] =	sst s11  }
0xb0: {  	s13 =	ssub.s32 $0x6F18, s20;
	[smem:$0x780] =	sst s12  }
0xb1: {  	s14 =	ssub.s32 $0x7F18, s20;
	[smem:$0x781] =	sst s13  }
0xb2: {  	s15 =	ssub.s32 $0x8F18, s20;
	[smem:$0x782] =	sst s14  }
0xb3: {  	s16 =	ssub.s32 $0x9F18, s20;
	[smem:$0x783] =	sst s15  }
0xb4: {  	s17 =	ssub.s32 $0xAF18, s20;
	[smem:$0x784] =	sst s16  }
0xb5: {  	s18 =	ssub.s32 $0xBF18, s20;
	[smem:$0x785] =	sst s17  }
0xb6: {  	s19 =	ssub.s32 $0x5F98, s20;
	[smem:$0x786] =	sst s18  }
0xb7: {  	s22 =	ssub.s32 $0x6F98, s20;
	[smem:$0x787] =	sst s19  }
0xb8: {  	s23 =	ssub.s32 $0x7F98, s20;
	[smem:$0x788] =	sst s22  }
0xb9: {  	s24 =	ssub.s32 $0x8F98, s20;
	[smem:$0x789] =	sst s23  }
0xba: {  	s25 =	ssub.s32 $0x9F98, s20;
	[smem:$0x78A] =	sst s24  }
0xbb: {  	s6 =	ssub.s32 $0x8810, s20;
	[smem:$0x78B] =	sst s25  }
0xbc: {  	s4 =	ssub.s32 $0x9B10, s20;
	[smem:$0x791] =	sst s6  }
0xbd: {  	s26 =	ssub.s32 $0xAF98, s20;
	[smem:$0x7BC] =	sst s4  }
0xbe: {  	s28 =	ssub.s32 $0xBF98, s20;
	[smem:$0x78C] =	sst s26  }
0xbf: {  	s29 =	ssub.s32 $0x5810, s20;
	[smem:$0x78D] =	sst s28  }
0xc0: {  	s31 =	ssub.s32 $0x6810, s20;
	[smem:$0x78E] =	sst s29  }
0xc1: {  	s7 =	ssub.s32 $0x9810, s20;
	[smem:$0x78F] =	sst s31  }
0xc2: {  	s8 =	ssub.s32 $0xA810, s20;
	[smem:$0x792] =	sst s7  }
0xc3: {  	s9 =	ssub.s32 $0xB810, s20;
	[smem:$0x793] =	sst s8  }
0xc4: {  	s11 =	ssub.s32 $0x5890, s20;
	[smem:$0x794] =	sst s9  }
0xc5: {  	s12 =	ssub.s32 $0x6890, s20;
	[smem:$0x795] =	sst s11  }
0xc6: {  	s13 =	ssub.s32 $0x7890, s20;
	[smem:$0x796] =	sst s12  }
0xc7: {  	s14 =	ssub.s32 $0x8890, s20;
	[smem:$0x797] =	sst s13  }
0xc8: {  	s15 =	ssub.s32 $0x9890, s20;
	[smem:$0x798] =	sst s14  }
0xc9: {  	s16 =	ssub.s32 $0xA890, s20;
	[smem:$0x799] =	sst s15  }
0xca: {  	s17 =	ssub.s32 $0xB890, s20;
	[smem:$0x79A] =	sst s16  }
0xcb: {  	s18 =	ssub.s32 $0x5910, s20;
	[smem:$0x79B] =	sst s17  }
0xcc: {  	s19 =	ssub.s32 $0x6910, s20;
	[smem:$0x79C] =	sst s18  }
0xcd: {  	s22 =	ssub.s32 $0x7910, s20;
	[smem:$0x79D] =	sst s19  }
0xce: {  	s23 =	ssub.s32 $0x8910, s20;
	[smem:$0x79E] =	sst s22  }
0xcf: {  	s24 =	ssub.s32 $0x9910, s20;
	[smem:$0x79F] =	sst s23  }
0xd0: {  	s25 =	ssub.s32 $0xA910, s20;
	[smem:$0x7A0] =	sst s24  }
0xd1: {  	s6 =	ssub.s32 $0x9990, s20;
	[smem:$0x7A1] =	sst s25  }
0xd2: {  	s4 =	ssub.s32 $0xAC90, s20;
	[smem:$0x7A7] =	sst s6  }
0xd3: {  	s26 =	ssub.s32 $0xB910, s20;
	[smem:$0x7D2] =	sst s4  }
0xd4: {  	s28 =	ssub.s32 $0x5990, s20;
	[smem:$0x7A2] =	sst s26  }
0xd5: {  	s29 =	ssub.s32 $0x6990, s20;
	[smem:$0x7A3] =	sst s28  }
0xd6: {  	s31 =	ssub.s32 $0x7990, s20;
	[smem:$0x7A4] =	sst s29  }
0xd7: {  	s7 =	ssub.s32 $0xA990, s20;
	[smem:$0x7A5] =	sst s31  }
0xd8: {  	s8 =	ssub.s32 $0xB990, s20;
	[smem:$0x7A8] =	sst s7  }
0xd9: {  	s9 =	ssub.s32 $0x5A10, s20;
	[smem:$0x7A9] =	sst s8  }
0xda: {  	s11 =	ssub.s32 $0x6A10, s20;
	[smem:$0x7AA] =	sst s9  }
0xdb: {  	s12 =	ssub.s32 $0x7A10, s20;
	[smem:$0x7AB] =	sst s11  }
0xdc: {  	s13 =	ssub.s32 $0x8A10, s20;
	[smem:$0x7AC] =	sst s12  }
0xdd: {  	s14 =	ssub.s32 $0x9A10, s20;
	[smem:$0x7AD] =	sst s13  }
0xde: {  	s15 =	ssub.s32 $0xAA10, s20;
	[smem:$0x7AE] =	sst s14  }
0xdf: {  	s16 =	ssub.s32 $0xBA10, s20;
	[smem:$0x7AF] =	sst s15  }
0xe0: {  	s17 =	ssub.s32 $0x5A90, s20;
	[smem:$0x7B0] =	sst s16  }
0xe1: {  	s18 =	ssub.s32 $0x6A90, s20;
	[smem:$0x7B1] =	sst s17  }
0xe2: {  	s19 =	ssub.s32 $0x7A90, s20;
	[smem:$0x7B2] =	sst s18  }
0xe3: {  	s22 =	ssub.s32 $0x8A90, s20;
	[smem:$0x7B3] =	sst s19  }
0xe4: {  	s23 =	ssub.s32 $0x9A90, s20;
	[smem:$0x7B4] =	sst s22  }
0xe5: {  	s24 =	ssub.s32 $0xAA90, s20;
	[smem:$0x7B5] =	sst s23  }
0xe6: {  	s25 =	ssub.s32 $0xBA90, s20;
	[smem:$0x7B6] =	sst s24  }
0xe7: {  	s6 =	ssub.s32 $0xAB10, s20;
	[smem:$0x7B7] =	sst s25  }
0xe8: {  	s4 =	ssub.s32 $0xBE10, s20;
	[smem:$0x7BD] =	sst s6  }
0xe9: {  	s26 =	ssub.s32 $0x5B10, s20;
	[smem:$0x7E8] =	sst s4  }
0xea: {  	s28 =	ssub.s32 $0x6B10, s20;
	[smem:$0x7B8] =	sst s26  }
0xeb: {  	s29 =	ssub.s32 $0x7B10, s20;
	[smem:$0x7B9] =	sst s28  }
0xec: {  	s31 =	ssub.s32 $0x8B10, s20;
	[smem:$0x7BA] =	sst s29  }
0xed: {  	s7 =	ssub.s32 $0xBB10, s20;
	[smem:$0x7BB] =	sst s31  }
0xee: {  	s8 =	ssub.s32 $0x5B90, s20;
	[smem:$0x7BE] =	sst s7  }
0xef: {  	s9 =	ssub.s32 $0x6B90, s20;
	[smem:$0x7BF] =	sst s8  }
0xf0: {  	s11 =	ssub.s32 $0x7B90, s20;
	[smem:$0x7C0] =	sst s9  }
0xf1: {  	s12 =	ssub.s32 $0x8B90, s20;
	[smem:$0x7C1] =	sst s11  }
0xf2: {  	s13 =	ssub.s32 $0x9B90, s20;
	[smem:$0x7C2] =	sst s12  }
0xf3: {  	s14 =	ssub.s32 $0xAB90, s20;
	[smem:$0x7C3] =	sst s13  }
0xf4: {  	s15 =	ssub.s32 $0xBB90, s20;
	[smem:$0x7C4] =	sst s14  }
0xf5: {  	s16 =	ssub.s32 $0x5C10, s20;
	[smem:$0x7C5] =	sst s15  }
0xf6: {  	s17 =	ssub.s32 $0x6C10, s20;
	[smem:$0x7C6] =	sst s16  }
0xf7: {  	s18 =	ssub.s32 $0x7C10, s20;
	[smem:$0x7C7] =	sst s17  }
0xf8: {  	s19 =	ssub.s32 $0x8C10, s20;
	[smem:$0x7C8] =	sst s18  }
0xf9: {  	s22 =	ssub.s32 $0x9C10, s20;
	[smem:$0x7C9] =	sst s19  }
0xfa: {  	s23 =	ssub.s32 $0xAC10, s20;
	[smem:$0x7CA] =	sst s22  }
0xfb: {  	s24 =	ssub.s32 $0xBC10, s20;
	[smem:$0x7CB] =	sst s23  }
0xfc: {  	s25 =	ssub.s32 $0x5C90, s20;
	[smem:$0x7CC] =	sst s24  }
0xfd: {  	s6 =	ssub.s32 $0xBC90, s20;
	[smem:$0x7CD] =	sst s25  }
0xfe: {  	s26 =	ssub.s32 $0x6C90, s20;
	[smem:$0x7D3] =	sst s6  }
0xff: {  	s28 =	ssub.s32 $0x7C90, s20;
	[smem:$0x7CE] =	sst s26  }
0x100: {  	s29 =	ssub.s32 $0x8C90, s20;
	[smem:$0x7CF] =	sst s28  }
0x101: {  	s31 =	ssub.s32 $0x9C90, s20;
	[smem:$0x7D0] =	sst s29  }
0x102: {  	s7 =	ssub.s32 $0x5D10, s20;
	[smem:$0x7D1] =	sst s31  }
0x103: {  	s8 =	ssub.s32 $0x6D10, s20;
	[smem:$0x7D4] =	sst s7  }
0x104: {  	s9 =	ssub.s32 $0x7D10, s20;
	[smem:$0x7D5] =	sst s8  }
0x105: {  	s11 =	ssub.s32 $0x8D10, s20;
	[smem:$0x7D6] =	sst s9  }
0x106: {  	s12 =	ssub.s32 $0x9D10, s20;
	[smem:$0x7D7] =	sst s11  }
0x107: {  	s13 =	ssub.s32 $0xAD10, s20;
	[smem:$0x7D8] =	sst s12  }
0x108: {  	s14 =	ssub.s32 $0xBD10, s20;
	[smem:$0x7D9] =	sst s13  }
0x109: {  	s15 =	ssub.s32 $0x5D90, s20;
	[smem:$0x7DA] =	sst s14  }
0x10a: {  	s16 =	ssub.s32 $0x6D90, s20;
	[smem:$0x7DB] =	sst s15  }
0x10b: {  	s17 =	ssub.s32 $0x7D90, s20;
	[smem:$0x7DC] =	sst s16  }
0x10c: {  	s18 =	ssub.s32 $0x8D90, s20;
	[smem:$0x7DD] =	sst s17  }
0x10d: {  	s19 =	ssub.s32 $0x9D90, s20;
	[smem:$0x7DE] =	sst s18  }
0x10e: {  	s22 =	ssub.s32 $0xAD90, s20;
	[smem:$0x7DF] =	sst s19  }
0x10f: {  	s23 =	ssub.s32 $0xBD90, s20;
	[smem:$0x7E0] =	sst s22  }
0x110: {  	s24 =	ssub.s32 $0x5E10, s20;
	[smem:$0x7E1] =	sst s23  }
0x111: {  	s25 =	ssub.s32 $0x6E10, s20;
	[smem:$0x7E2] =	sst s24  }
0x112: {  	s6 =	ssub.s32 $0x5E90, s20;
	[smem:$0x7E3] =	sst s25  }
0x113: {  	s26 =	ssub.s32 $0x7E10, s20;
	[smem:$0x7E9] =	sst s6  }
0x114: {  	s28 =	ssub.s32 $0x8E10, s20;
	[smem:$0x7E4] =	sst s26  }
0x115: {  	s29 =	ssub.s32 $0x9E10, s20;
	[smem:$0x7E5] =	sst s28  }
0x116: {  	s31 =	ssub.s32 $0xAE10, s20;
	[smem:$0x7E6] =	sst s29  }
0x117: {  	s7 =	ssub.s32 $0x6E90, s20;
	[smem:$0x7E7] =	sst s31  }
0x118: {  	s8 =	ssub.s32 $0x7E90, s20;
	[smem:$0x7EA] =	sst s7  }
0x119: {  	s9 =	ssub.s32 $0x8E90, s20;
	[smem:$0x7EB] =	sst s8  }
0x11a: {  	s11 =	ssub.s32 $0x9E90, s20;
	[smem:$0x7EC] =	sst s9  }
0x11b: {  	s12 =	ssub.s32 $0xAE90, s20;
	[smem:$0x7ED] =	sst s11  }
0x11c: {  	s13 =	ssub.s32 $0xBE90, s20;
	[smem:$0x7EE] =	sst s12  }
0x11d: {  	s14 =	ssub.s32 $0x5F10, s20;
	[smem:$0x7EF] =	sst s13  }
0x11e: {  	s15 =	ssub.s32 $0x6F10, s20;
	[smem:$0x7F0] =	sst s14  }
0x11f: {  	s16 =	ssub.s32 $0x7F10, s20;
	[smem:$0x7F1] =	sst s15  }
0x120: {  	s17 =	ssub.s32 $0x8F10, s20;
	[smem:$0x7F2] =	sst s16  }
0x121: {  	s18 =	ssub.s32 $0x9F10, s20;
	[smem:$0x7F3] =	sst s17  }
0x122: {  	s19 =	ssub.s32 $0xAF10, s20;
	[smem:$0x7F4] =	sst s18  }
0x123: {  	s22 =	ssub.s32 $0xBF10, s20;
	[smem:$0x7F5] =	sst s19  }
0x124: {  	s23 =	ssub.s32 $0x5F90, s20;
	[smem:$0x7F6] =	sst s22  }
0x125: {  	s24 =	ssub.s32 $0x6F90, s20;
	[smem:$0x7F7] =	sst s23  }
0x126: {  	s25 =	ssub.s32 $0x7F90, s20;
	[smem:$0x7F8] =	sst s24  }
0x127: {  	[smem:$0x7F9] =	sst s25;
	s26 =	ssub.s32 $0x8F90, s20  }
0x128: {  	v0 =	vlaneseq.u32;
	s28 =	ssub.s32 $0x9F90, s20;
	[smem:$0x7FA] =	sst s26  }
0x129: {  	v3 =	vadd.s32 $0xFFFFFFFF, v0;
	v4 =	vadd.s32 $0xFFFFFFFE, v0;
	v5 =	vadd.s32 $0xFFFFFFFD, v0;
	s5 =	simm.s32 $0x1;
	s29 =	ssub.s32 $0xAF90, s20;
	[smem:$0x7FB] =	sst s28  }
0x12a: {  	v6 =	vadd.s32 $0xFFFFFFFC, v0;
	v7 =	vadd.s32 $0xFFFFFFFB, v0;
	v8 =	vadd.s32 $0xFFFFFFFA, v0;
	s1 =	sadd.s32 $0x7CF, s0;
	s31 =	ssub.s32 $0xBF90, s20;
	[smem:$0x7FC] =	sst s29  }
0x12b: {  	v9 =	vadd.s32 $0xFFFFFFF9, v0;
	v1 =	vmov s0;
	v2 =	vmov s1;
	s1 =	simm.s32 $0x0;
	s11 =	simm.s32 $0x80;
	[smem:$0x7FD] =	sst s31  }
.LBB2_1:
0x12c: {  	v11 =	vor.u32 s3, v0;
	v10 =	vadd.s32 s3, v3;
	v12 =	vadd.s32 s3, v4  }
0x12d: {  	v13 =	vadd.s32 s3, v5;
	v14 =	vadd.s32 s3, v6;
	v15 =	vadd.s32 s3, v7  }
0x12e: {  	v16 =	vadd.s32 s3, v8;
	v17 =	vadd.s32 s3, v9;
	vm0 =	vgt.s32 v10, $0x0  }
0x12f: {  	vm1 =	vgt.s32 v12, $0x0;
	vm2 =	vgt.s32 v13, $0x0;
	vm3 =	vgt.s32 v17, $0x0  }
0x130: {  	[tilespmem:$0x4000] =	vst v1;
	vm4 =	vgt.s32 v14, $0x0;
	vm5 =	vgt.s32 v15, $0x0;
	v17 =	vnsel vm3, $0x0, v17  }
0x131: {  	[tilespmem:$0x4010] =	vst v2;
	s0 =	simm.s32 $0x20;
	s29 =	simm.s32 $0x4000;
	s2 =	simm.s32 $0xC020;
	v10 =	vnsel vm0, $0x0, v10;
	vm0 =	vgt.s32 v16, $0x0;
	v12 =	vnsel vm1, $0x0, v12  }
0x132: {  	[tilespmem:s2], [sflag:$0x1] =	stream.indirect.gather [hbm4b:s10+s0], $0x1, s29, s0, $0xb8;
	v13 =	vnsel vm2, $0x0, v13;
	v14 =	vnsel vm4, $0x0, v14;
	v17 =	vmin.u32 v17, $0x7CF;
	[tilespmem:$0xC040] =	vst v63  }
0x133: {  	s0 =	simm.s32 $0x2000;
	v10 =	vmin.u32 v10, $0x7CF;
	v12 =	vmin.u32 v12, $0x7CF;
	v17 =	vadd.s32 v1, v17  }
0x134: {  	v13 =	vmin.u32 v13, $0x7CF;
	v10 =	vadd.s32 v1, v10;
	v12 =	vadd.s32 v1, v12;
	[tilespmem:s0+$0x1800] =	vst v17  }
0x135: {  	s31 =	simm.s32 $0x10;
	[tilespmem:s0+$0xFFFFE800] =	vst v10;
	v10 =	vadd.s32 v1, v13;
	v13 =	vmin.u32 v14, $0x7CF;
	v14 =	vnsel vm5, $0x0, v15  }
0x136: {  	[tilespmem:s0+$0xFFFFF000] =	vst v12;
	v15 =	vadd.s32 s31, v4;
	v17 =	vadd.s32 s31, v9;
	v12 =	vadd.s32 v1, v13  }
0x137: {  	v13 =	vmin.u32 v14, $0x7CF;
	v14 =	vnsel vm0, $0x0, v16;
	[tilespmem:s0+$0xFFFFF800] =	vst v10;
	vm0 =	vlt.s32 v11, $0x7CF  }
0x138: {  	v10 =	vor.u32 s31, v0;
	v13 =	vadd.s32 v1, v13;
	v14 =	vmin.u32 v14, $0x7CF;
	[tilespmem:s0+$0x0] =	vst v12  }
0x139: {  	v16 =	vadd.s32 s31, v3;
	v11 =	vnsel vm0, $0x7CF, v11;
	v12 =	vadd.s32 v1, v14;
	[tilespmem:s0+$0x800] =	vst v13  }
0x13a: {  	vm0 =	vgt.s32 v16, $0x0;
	v11 =	vadd.s32 v1, v11;
	v14 =	vadd.s32 s31, v5;
	[tilespmem:s0+$0x1000] =	vst v12  }
0x13b: {  	[smem:$0x6E9] =	sst s1;
	s1 =	simm.s32 $0x20;
	v13 =	vadd.s32 s31, v6;
	v12 =	vadd.s32 s31, v7;
	[tilespmem:s0+$0xFFFFE000] =	vst v11;
	v11 =	vadd.s32 s31, v8  }
.LBB2_2:
0x13c: {  	p0 =	sne.s32 s1, $0x7F0;
	vm1 =	vgt.s32 v15, $0x0;
	vm2 =	vgt.s32 v14, $0x0;
	vm3 =	vgt.s32 v17, $0x0  }
0x13d: {  	vm4 =	vgt.s32 v13, $0x0;
	vm5 =	vgt.s32 v12, $0x0;
	v17 =	vnsel vm3, $0x0, v17  }
0x13e: {  	v16 =	vnsel vm0, $0x0, v16;
	vm0 =	vgt.s32 v11, $0x0;
	v17 =	vmin.u32 v17, $0x7CF  }
0x13f: {  	s0 =	sadd.s32 $0x10, s0;
	v16 =	vmin.u32 v16, $0x7CF;
	v15 =	vnsel vm1, $0x0, v15;
	v17 =	vadd.s32 v1, v17  }
0x140: {  	v14 =	vnsel vm2, $0x0, v14;
	v16 =	vadd.s32 v1, v16;
	v15 =	vmin.u32 v15, $0x7CF;
	[tilespmem:s0+$0x1800] =	vst v17  }
0x141: {  	v13 =	vnsel vm4, $0x0, v13;
	v14 =	vmin.u32 v14, $0x7CF;
	v15 =	vadd.s32 v1, v15;
	[tilespmem:s0+$0xFFFFE800] =	vst v16  }
0x142: {  	v12 =	vnsel vm5, $0x0, v12;
	v13 =	vmin.u32 v13, $0x7CF;
	v14 =	vadd.s32 v1, v14;
	[tilespmem:s0+$0xFFFFF000] =	vst v15  }
0x143: {  	v11 =	vnsel vm0, $0x0, v11;
	v12 =	vmin.u32 v12, $0x7CF;
	v13 =	vadd.s32 v1, v13;
	[tilespmem:s0+$0xFFFFF800] =	vst v14  }
.Ltmp0:
0x144: {  	vm0 =	vlt.s32 v10, $0x7CF;
	v11 =	vmin.u32 v11, $0x7CF;
	v12 =	vadd.s32 v1, v12;
	[tilespmem:s0+$0x0] =	vst v13;
	(pc) =	sbr.rel @p0 .LBB2_2-.Ltmp0, $4  }
0x145: {  	v11 =	vadd.s32 v1, v11;
	v13 =	vnsel vm0, $0x7CF, v10;
	v10 =	vor.u32 s1, v0;
	[tilespmem:s0+$0x800] =	vst v12  }
0x146: {  	v16 =	vadd.s32 s1, v3;
	v15 =	vadd.s32 s1, v4;
	v17 =	vadd.s32 v1, v13;
	[tilespmem:s0+$0x1000] =	vst v11  }
0x147: {  	v14 =	vadd.s32 s1, v5;
	v13 =	vadd.s32 s1, v6;
	v12 =	vadd.s32 s1, v7;
	[tilespmem:s0+$0xFFFFE000] =	vst v17  }
0x148: {  	vm0 =	vgt.s32 v16, $0x0;
	v11 =	vadd.s32 s1, v8;
	v17 =	vadd.s32 s1, v9;
	s1 =	sadd.s32 $0x10, s1  }
0x149: {  	vm1 =	vgt.s32 v15, $0x0;
	vm2 =	vgt.s32 v14, $0x0;
	vm3 =	vgt.s32 v17, $0x0  }
0x14a: {  	vm4 =	vgt.s32 v13, $0x0;
	vm5 =	vgt.s32 v12, $0x0;
	v16 =	vnsel vm0, $0x0, v16  }
0x14b: {  	vm14 =	vgt.s32 v11, $0x0;
	vm15 =	vlt.s32 v10, $0x7CF;
	v16 =	vmin.u32 v16, $0x7CF  }
0x14c: {  	s0 =	sadd.s32 $0x10, s0;
	v17 =	vnsel vm3, $0x0, v17;
	v10 =	vnsel vm15, $0x7CF, v10;
	v16 =	vadd.s32 v1, v16  }
0x14d: {  	v15 =	vnsel vm1, $0x0, v15;
	v17 =	vmin.u32 v17, $0x7CF;
	v10 =	vadd.s32 v1, v10;
	[tilespmem:s0+$0xFFFFE800] =	vst v16  }
0x14e: {  	v14 =	vnsel vm2, $0x0, v14;
	v15 =	vmin.u32 v15, $0x7CF;
	v17 =	vadd.s32 v1, v17;
	[tilespmem:s0+$0xFFFFE000] =	vst v10  }
0x14f: {  	v13 =	vnsel vm4, $0x0, v13;
	v14 =	vmin.u32 v14, $0x7CF;
	v15 =	vadd.s32 v1, v15;
	[tilespmem:s0+$0x1800] =	vst v17  }
0x150: {  	v12 =	vnsel vm5, $0x0, v12;
	v13 =	vmin.u32 v13, $0x7CF;
	v14 =	vadd.s32 v1, v14;
	[tilespmem:s0+$0xFFFFF000] =	vst v15  }
0x151: {  	v11 =	vnsel vm14, $0x0, v11;
	v12 =	vmin.u32 v12, $0x7CF;
	v13 =	vadd.s32 v1, v13;
	[tilespmem:s0+$0xFFFFF800] =	vst v14  }
0x152: {  	v11 =	vmin.u32 v11, $0x7CF;
	v12 =	vadd.s32 v1, v12;
	[tilespmem:s0+$0x0] =	vst v13  }
0x153: {  	v11 =	vadd.s32 v1, v11;
	[tilespmem:s0+$0x800] =	vst v12  }
0x154: {  	[tilespmem:s0+$0x1000] =	vst v11  }
0x155: {  	_ =	swait.ge [sflag:s5], $0x20  }
0x156: {  	[sflag:s5] =	ssyncset.done $0x0  }
0x157: {  	[sflag:s5] =	ssyncadd.s32 $0xFFFFFFE0  }
0x158: {  	s16 =	simm.s32 $0x0;
	s1 =	simm.s32 $0x4430;
	v11 =	vld [tilespmem:$0xC020]  }
0x159: {  	v10 =	vld [tilespmem:$0xC030];
	[tilespmem:s1], [sflag:$0x1] =	stream.indirect.gather [hbm4b:s10+s11], $0x1, s16, s11, $0xb8  }
0x15a: {  	s17 =	simm.s32 $0x44B0  }
0x15b: {  	[tilespmem:s17], [sflag:$0x1] =	stream.indirect.gather [hbm4b:s10+s11], $0x1, s11, s11, $0xb8;
	[tilespmem:$0xC040] =	vst v63  }
0x15c: {  	s18 =	simm.s32 $0x100;
	s19 =	simm.s32 $0x4530  }
0x15d: {  	[tilespmem:s19], [sflag:$0x1] =	stream.indirect.gather [hbm4b:s10+s11], $0x1, s18, s11, $0xb8;
	[tilespmem:$0xC040] =	vst v63  }
0x15e: {  	s22 =	simm.s32 $0x180;
	s23 =	simm.s32 $0x45B0  }
0x15f: {  	[tilespmem:s23], [sflag:$0x1] =	stream.indirect.gather [hbm4b:s10+s11], $0x1, s22, s11, $0xb8;
	[tilespmem:$0xC040] =	vst v63  }
0x160: {  	s24 =	simm.s32 $0x200;
	s25 =	simm.s32 $0x4630  }
0x161: {  	[tilespmem:s25], [sflag:$0x1] =	stream.indirect.gather [hbm4b:s10+s11], $0x1, s24, s11, $0xb8;
	[tilespmem:$0xC040] =	vst v63  }
0x162: {  	s26 =	simm.s32 $0x280;
	s28 =	simm.s32 $0x46B0  }
0x163: {  	[tilespmem:s28], [sflag:$0x1] =	stream.indirect.gather [hbm4b:s10+s11], $0x1, s26, s11, $0xb8;
	[tilespmem:$0xC040] =	vst v63  }
0x164: {  	s29 =	simm.s32 $0x300;
	s31 =	simm.s32 $0x4730  }
0x165: {  	[tilespmem:s31], [sflag:$0x1] =	stream.indirect.gather [hbm4b:s10+s11], $0x1, s29, s11, $0xb8;
	[tilespmem:$0xC040] =	vst v63  }
0x166: {  	s2 =	simm.s32 $0x380;
	s4 =	simm.s32 $0x47B0  }
0x167: {  	[tilespmem:s4], [sflag:$0x1] =	stream.indirect.gather [hbm4b:s10+s11], $0x1, s2, s11, $0xb8;
	[tilespmem:$0xC040] =	vst v63  }
0x168: {  	s6 =	simm.s32 $0x400;
	s7 =	simm.s32 $0x4830  }
0x169: {  	[tilespmem:s7], [sflag:$0x1] =	stream.indirect.gather [hbm4b:s10+s11], $0x1, s6, s11, $0xb8;
	[tilespmem:$0xC040] =	vst v63  }
0x16a: {  	s8 =	simm.s32 $0x480;
	s9 =	simm.s32 $0x48B0  }
0x16b: {  	[tilespmem:s9], [sflag:$0x1] =	stream.indirect.gather [hbm4b:s10+s11], $0x1, s8, s11, $0xb8;
	[tilespmem:$0xC040] =	vst v63  }
0x16c: {  	s12 =	simm.s32 $0x500;
	s13 =	simm.s32 $0x4930  }
0x16d: {  	[tilespmem:s13], [sflag:$0x1] =	stream.indirect.gather [hbm4b:s10+s11], $0x1, s12, s11, $0xb8;
	[tilespmem:$0xC040] =	vst v63  }
0x16e: {  	s14 =	simm.s32 $0x580;
	s15 =	simm.s32 $0x49B0  }
0x16f: {  	[tilespmem:s15], [sflag:$0x1] =	stream.indirect.gather [hbm4b:s10+s11], $0x1, s14, s11, $0xb8;
	[tilespmem:$0xC040] =	vst v63  }
0x170: {  	s16 =	simm.s32 $0x600;
	s17 =	simm.s32 $0x4A30  }
0x171: {  	[tilespmem:s17], [sflag:$0x1] =	stream.indirect.gather [hbm4b:s10+s11], $0x1, s16, s11, $0xb8;
	[tilespmem:$0xC040] =	vst v63  }
0x172: {  	s18 =	simm.s32 $0x680;
	s19 =	simm.s32 $0x4AB0  }
0x173: {  	[tilespmem:s19], [sflag:$0x1] =	stream.indirect.gather [hbm4b:s10+s11], $0x1, s18, s11, $0xb8;
	[tilespmem:$0xC040] =	vst v63  }
0x174: {  	s22 =	simm.s32 $0x700;
	s23 =	simm.s32 $0x4B30  }
0x175: {  	[tilespmem:s23], [sflag:$0x1] =	stream.indirect.gather [hbm4b:s10+s11], $0x1, s22, s11, $0xb8;
	[tilespmem:$0xC040] =	vst v63  }
0x176: {  	s24 =	simm.s32 $0x780;
	s25 =	simm.s32 $0x4BB0  }
0x177: {  	[tilespmem:s25], [sflag:$0x1] =	stream.indirect.gather [hbm4b:s10+s11], $0x1, s24, s11, $0xb8;
	[tilespmem:$0xC040] =	vst v63  }
0x178: {  	s26 =	simm.s32 $0x800;
	s28 =	simm.s32 $0x5430  }
0x179: {  	[tilespmem:s28], [sflag:$0x1] =	stream.indirect.gather [hbm4b:s10+s11], $0x1, s26, s11, $0xb8;
	[tilespmem:$0xC040] =	vst v63  }
0x17a: {  	s29 =	simm.s32 $0x880;
	s31 =	simm.s32 $0x54B0  }
0x17b: {  	[tilespmem:s31], [sflag:$0x1] =	stream.indirect.gather [hbm4b:s10+s11], $0x1, s29, s11, $0xb8;
	[tilespmem:$0xC040] =	vst v63  }
0x17c: {  	s2 =	simm.s32 $0x900;
	s4 =	simm.s32 $0x5530  }
0x17d: {  	[tilespmem:s4], [sflag:$0x1] =	stream.indirect.gather [hbm4b:s10+s11], $0x1, s2, s11, $0xb8;
	[tilespmem:$0xC040] =	vst v63  }
0x17e: {  	s6 =	simm.s32 $0x980;
	s7 =	simm.s32 $0x55B0  }
0x17f: {  	[tilespmem:s7], [sflag:$0x1] =	stream.indirect.gather [hbm4b:s10+s11], $0x1, s6, s11, $0xb8;
	[tilespmem:$0xC040] =	vst v63  }
0x180: {  	s8 =	simm.s32 $0xA00;
	s9 =	simm.s32 $0x5630  }
0x181: {  	[tilespmem:s9], [sflag:$0x1] =	stream.indirect.gather [hbm4b:s10+s11], $0x1, s8, s11, $0xb8;
	[tilespmem:$0xC040] =	vst v63  }
0x182: {  	s12 =	simm.s32 $0xA80;
	s13 =	simm.s32 $0x56B0  }
0x183: {  	[tilespmem:s13], [sflag:$0x1] =	stream.indirect.gather [hbm4b:s10+s11], $0x1, s12, s11, $0xb8;
	[tilespmem:$0xC040] =	vst v63  }
0x184: {  	s14 =	simm.s32 $0xB00;
	s15 =	simm.s32 $0x5730  }
0x185: {  	[tilespmem:s15], [sflag:$0x1] =	stream.indirect.gather [hbm4b:s10+s11], $0x1, s14, s11, $0xb8;
	[tilespmem:$0xC040] =	vst v63  }
0x186: {  	s16 =	simm.s32 $0xB80;
	s17 =	simm.s32 $0x57B0  }
0x187: {  	[tilespmem:s17], [sflag:$0x1] =	stream.indirect.gather [hbm4b:s10+s11], $0x1, s16, s11, $0xb8;
	[tilespmem:$0xC040] =	vst v63  }
0x188: {  	s18 =	simm.s32 $0xC00;
	s19 =	simm.s32 $0x5830  }
0x189: {  	[tilespmem:s19], [sflag:$0x1] =	stream.indirect.gather [hbm4b:s10+s11], $0x1, s18, s11, $0xb8;
	[tilespmem:$0xC040] =	vst v63  }
0x18a: {  	s22 =	simm.s32 $0xC80;
	s23 =	simm.s32 $0x58B0  }
0x18b: {  	[tilespmem:s23], [sflag:$0x1] =	stream.indirect.gather [hbm4b:s10+s11], $0x1, s22, s11, $0xb8;
	[tilespmem:$0xC040] =	vst v63  }
0x18c: {  	s24 =	simm.s32 $0xD00;
	s25 =	simm.s32 $0x5930  }
0x18d: {  	[tilespmem:s25], [sflag:$0x1] =	stream.indirect.gather [hbm4b:s10+s11], $0x1, s24, s11, $0xb8;
	[tilespmem:$0xC040] =	vst v63  }
0x18e: {  	s26 =	simm.s32 $0xD80;
	s28 =	simm.s32 $0x59B0  }
0x18f: {  	[tilespmem:s28], [sflag:$0x1] =	stream.indirect.gather [hbm4b:s10+s11], $0x1, s26, s11, $0xb8;
	[tilespmem:$0xC040] =	vst v63  }
0x190: {  	s29 =	simm.s32 $0xE00;
	s31 =	simm.s32 $0x5A30  }
0x191: {  	[tilespmem:s31], [sflag:$0x1] =	stream.indirect.gather [hbm4b:s10+s11], $0x1, s29, s11, $0xb8;
	[tilespmem:$0xC040] =	vst v63  }
0x192: {  	s2 =	simm.s32 $0xE80;
	s4 =	simm.s32 $0x5AB0;
	s12 =	simm.s32 $0x1000  }
0x193: {  	[tilespmem:s4], [sflag:$0x1] =	stream.indirect.gather [hbm4b:s10+s11], $0x1, s2, s11, $0xb8;
	[tilespmem:$0xC040] =	vst v63  }
0x194: {  	s6 =	simm.s32 $0xF00;
	s7 =	simm.s32 $0x5B30;
	s0 =	sand.u32 $0x3FFFF800, s12  }
0x195: {  	[tilespmem:s7], [sflag:$0x1] =	stream.indirect.gather [hbm4b:s10+s11], $0x1, s6, s11, $0xb8;
	[tilespmem:$0xC040] =	vst v63  }
0x196: {  	s8 =	simm.s32 $0xF80;
	s9 =	simm.s32 $0x5BB0;
	s0 =	sadd.s32 $0x0, s0  }
0x197: {  	[tilespmem:s9], [sflag:$0x1] =	stream.indirect.gather [hbm4b:s10+s11], $0x1, s8, s11, $0xb8;
	[tilespmem:$0xC040] =	vst v63  }
0x198: {  	s13 =	simm.s32 $0x1000;
	s2 =	sadd.s32 $0x5430, s0  }
0x199: {  	[tilespmem:s2], [sflag:$0x1] =	stream.indirect.gather [hbm4b:s10+s11], $0x1, s13, s11, $0xb8;
	[tilespmem:$0xC040] =	vst v63  }
0x19a: {  	s15 =	simm.s32 $0x1080;
	s14 =	sadd.s32 $0x54B0, s0  }
0x19b: {  	[tilespmem:s14], [sflag:$0x1] =	stream.indirect.gather [hbm4b:s10+s11], $0x1, s15, s11, $0xb8;
	[tilespmem:$0xC040] =	vst v63  }
0x19c: {  	s16 =	sadd.s32 $0x5530, s0;
	s17 =	simm.s32 $0x1100  }
0x19d: {  	[tilespmem:s16], [sflag:$0x1] =	stream.indirect.gather [hbm4b:s10+s11], $0x1, s17, s11, $0xb8;
	[tilespmem:$0xC040] =	vst v63  }
0x19e: {  	s18 =	sadd.s32 $0x55B0, s0;
	s19 =	simm.s32 $0x1180  }
0x19f: {  	[tilespmem:s18], [sflag:$0x1] =	stream.indirect.gather [hbm4b:s10+s11], $0x1, s19, s11, $0xb8;
	[tilespmem:$0xC040] =	vst v63  }
0x1a0: {  	s22 =	sadd.s32 $0x5630, s0;
	s23 =	simm.s32 $0x1200  }
0x1a1: {  	[tilespmem:s22], [sflag:$0x1] =	stream.indirect.gather [hbm4b:s10+s11], $0x1, s23, s11, $0xb8;
	[tilespmem:$0xC040] =	vst v63  }
0x1a2: {  	s24 =	sadd.s32 $0x56B0, s0;
	s25 =	simm.s32 $0x1280  }
0x1a3: {  	[tilespmem:s24], [sflag:$0x1] =	stream.indirect.gather [hbm4b:s10+s11], $0x1, s25, s11, $0xb8;
	[tilespmem:$0xC040] =	vst v63  }
0x1a4: {  	s26 =	sadd.s32 $0x5730, s0;
	s28 =	simm.s32 $0x1300  }
0x1a5: {  	[tilespmem:s26], [sflag:$0x1] =	stream.indirect.gather [hbm4b:s10+s11], $0x1, s28, s11, $0xb8;
	[tilespmem:$0xC040] =	vst v63  }
0x1a6: {  	s29 =	simm.s32 $0x1380;
	s0 =	sadd.s32 $0x57B0, s0  }
0x1a7: {  	[tilespmem:s0], [sflag:$0x1] =	stream.indirect.gather [hbm4b:s10+s11], $0x1, s29, s11, $0xb8;
	[tilespmem:$0xC040] =	vst v63  }
0x1a8: {  	_ =	swait.ge [sflag:s5], $0x80  }
0x1a9: {  	[sflag:s5] =	ssyncset.done $0x0  }
0x1aa: {  	[sflag:s5] =	ssyncadd.s32 $0xFFFFFF80  }
0x1ab: {  	_ =	swait.ge [sflag:s5], $0x80  }
0x1ac: {  	[sflag:s5] =	ssyncset.done $0x0  }
0x1ad: {  	[sflag:s5] =	ssyncadd.s32 $0xFFFFFF80  }
0x1ae: {  	_ =	swait.ge [sflag:s5], $0x80  }
0x1af: {  	[sflag:s5] =	ssyncset.done $0x0  }
0x1b0: {  	[sflag:s5] =	ssyncadd.s32 $0xFFFFFF80  }
0x1b1: {  	_ =	swait.ge [sflag:s5], $0x80  }
0x1b2: {  	[sflag:s5] =	ssyncset.done $0x0  }
0x1b3: {  	[sflag:s5] =	ssyncadd.s32 $0xFFFFFF80  }
0x1b4: {  	_ =	swait.ge [sflag:s5], $0x80  }
0x1b5: {  	[sflag:s5] =	ssyncset.done $0x0  }
0x1b6: {  	[sflag:s5] =	ssyncadd.s32 $0xFFFFFF80  }
0x1b7: {  	_ =	swait.ge [sflag:s5], $0x80  }
0x1b8: {  	[sflag:s5] =	ssyncset.done $0x0  }
0x1b9: {  	[sflag:s5] =	ssyncadd.s32 $0xFFFFFF80  }
0x1ba: {  	s31 =	simm.s32 $0x1400;
	_ =	swait.ge [sflag:s5], $0x80  }
0x1bb: {  	s1 =	sand.u32 $0x3FFFF800, s31;
	[sflag:s5] =	ssyncset.done $0x0  }
0x1bc: {  	s4 =	sadd.s32 $0x400, s1;
	[sflag:s5] =	ssyncadd.s32 $0xFFFFFF80  }
0x1bd: {  	s7 =	simm.s32 $0x2000;
	s6 =	simm.s32 $0x400;
	_ =	swait.ge [sflag:s5], $0x80  }
0x1be: {  	s8 =	simm.s32 $0x1400;
	s0 =	simm.s32 $0x28;
	[sflag:s5] =	ssyncset.done $0x0  }
.LBB2_4:
0x1bf: {  	s9 =	sadd.s32 $0x5430, s4  }
0x1c0: {  	[sflag:s5] =	ssyncadd.s32 $0xFFFFFF80;
	s2 =	smov.u32 s7;
	s1 =	sadd.s32 $0x1000, s7  }
0x1c1: {  	[tilespmem:s9], [sflag:$0x1] =	stream.indirect.gather [hbm4b:s10+s11], $0x1, s8, s11, $0xb8;
	[tilespmem:$0xC040] =	vst v63  }
0x1c2: {  	p0 =	sne.s32 s7, $0xB000;
	s7 =	sadd.s32 $0x54B0, s4;
	s8 =	sadd.s32 $0x1080, s6  }
0x1c3: {  	[tilespmem:s7], [sflag:$0x1] =	stream.indirect.gather [hbm4b:s10+s11], $0x1, s8, s11, $0xb8;
	[tilespmem:$0xC040] =	vst v63  }
0x1c4: {  	s7 =	sadd.s32 $0x5530, s4;
	s8 =	sadd.s32 $0x1100, s6  }
0x1c5: {  	[tilespmem:s7], [sflag:$0x1] =	stream.indirect.gather [hbm4b:s10+s11], $0x1, s8, s11, $0xb8;
	[tilespmem:$0xC040] =	vst v63  }
0x1c6: {  	s7 =	sadd.s32 $0x55B0, s4;
	s8 =	sadd.s32 $0x1180, s6  }
0x1c7: {  	[tilespmem:s7], [sflag:$0x1] =	stream.indirect.gather [hbm4b:s10+s11], $0x1, s8, s11, $0xb8;
	[tilespmem:$0xC040] =	vst v63  }
0x1c8: {  	s7 =	sadd.s32 $0x5630, s4;
	s8 =	sadd.s32 $0x1200, s6  }
0x1c9: {  	[tilespmem:s7], [sflag:$0x1] =	stream.indirect.gather [hbm4b:s10+s11], $0x1, s8, s11, $0xb8;
	[tilespmem:$0xC040] =	vst v63  }
0x1ca: {  	s7 =	sadd.s32 $0x56B0, s4;
	s8 =	sadd.s32 $0x1280, s6  }
0x1cb: {  	[tilespmem:s7], [sflag:$0x1] =	stream.indirect.gather [hbm4b:s10+s11], $0x1, s8, s11, $0xb8;
	[tilespmem:$0xC040] =	vst v63  }
0x1cc: {  	s7 =	sadd.s32 $0x5730, s4;
	s8 =	sadd.s32 $0x1300, s6  }
0x1cd: {  	[tilespmem:s7], [sflag:$0x1] =	stream.indirect.gather [hbm4b:s10+s11], $0x1, s8, s11, $0xb8;
	[tilespmem:$0xC040] =	vst v63  }
0x1ce: {  	s4 =	sadd.s32 $0x57B0, s4;
	s6 =	sadd.s32 $0x1380, s6  }
0x1cf: {  	[tilespmem:s4], [sflag:$0x1] =	stream.indirect.gather [hbm4b:s10+s11], $0x1, s6, s11, $0xb8;
	[tilespmem:$0xC040] =	vst v63  }
0x1d0: {  	_ =	swait.ge [sflag:s5], $0x80  }
0x1d1: {  	[sflag:s5] =	ssyncset.done $0x0  }
0x1d2: {  	[sflag:s5] =	ssyncadd.s32 $0xFFFFFF80  }
0x1d3: {  	_ =	swait.ge [sflag:s5], $0x80  }
0x1d4: {  	[sflag:s5] =	ssyncset.done $0x0  }
0x1d5: {  	[sflag:s5] =	ssyncadd.s32 $0xFFFFFF80  }
0x1d6: {  	_ =	swait.ge [sflag:s5], $0x80  }
0x1d7: {  	[sflag:s5] =	ssyncset.done $0x0  }
0x1d8: {  	[sflag:s5] =	ssyncadd.s32 $0xFFFFFF80  }
0x1d9: {  	_ =	swait.ge [sflag:s5], $0x80  }
0x1da: {  	[sflag:s5] =	ssyncset.done $0x0  }
0x1db: {  	[sflag:s5] =	ssyncadd.s32 $0xFFFFFF80  }
0x1dc: {  	_ =	swait.ge [sflag:s5], $0x80  }
0x1dd: {  	[sflag:s5] =	ssyncset.done $0x0  }
0x1de: {  	[sflag:s5] =	ssyncadd.s32 $0xFFFFFF80  }
0x1df: {  	_ =	swait.ge [sflag:s5], $0x80  }
0x1e0: {  	[sflag:s5] =	ssyncset.done $0x0  }
0x1e1: {  	[sflag:s5] =	ssyncadd.s32 $0xFFFFFF80  }
.Ltmp1:
0x1e2: {  	_ =	swait.ge [sflag:s5], $0x80;
	(pc) =	sbr.rel @p0 .LBB2_4-.Ltmp1, $4  }
0x1e3: {  	s0 =	sadd.s32 $0x8, s0;
	[sflag:s5] =	ssyncset.done $0x0  }
0x1e4: {  	s7 =	smov.u32 s1;
	s4 =	sshll.u32 s0, $0x7;
	[sflag:s5] =	ssyncadd.s32 $0xFFFFFF80  }
0x1e5: {  	s6 =	sshra.s32 s2, $0x2;
	s4 =	sand.u32 $0x3FFFF800, s4;
	_ =	swait.ge [sflag:s5], $0x80  }
0x1e6: {  	s8 =	sadd.s32 $0x1000, s6;
	s4 =	sadd.s32 s6, s4;
	[sflag:s5] =	ssyncset.done $0x0  }
0x1e7: {  	s0 =	sadd.s32 $0x5430, s4;
	[sflag:s5] =	ssyncadd.s32 $0xFFFFFF80  }
0x1e8: {  	[tilespmem:s0], [sflag:$0x1] =	stream.indirect.gather [hbm4b:s10+s11], $0x1, s8, s11, $0xb8;
	[tilespmem:$0xC040] =	vst v63  }
0x1e9: {  	s15 =	sadd.s32 $0x54B0, s4;
	s1 =	sadd.s32 $0x1080, s6  }
0x1ea: {  	[tilespmem:s15], [sflag:$0x1] =	stream.indirect.gather [hbm4b:s10+s11], $0x1, s1, s11, $0xb8;
	[tilespmem:$0xC040] =	vst v63  }
0x1eb: {  	s16 =	sadd.s32 $0x5530, s4;
	s17 =	sadd.s32 $0x1100, s6  }
0x1ec: {  	[tilespmem:s16], [sflag:$0x1] =	stream.indirect.gather [hbm4b:s10+s11], $0x1, s17, s11, $0xb8;
	[tilespmem:$0xC040] =	vst v63  }
0x1ed: {  	s18 =	sadd.s32 $0x55B0, s4;
	s19 =	sadd.s32 $0x1180, s6  }
0x1ee: {  	[tilespmem:s18], [sflag:$0x1] =	stream.indirect.gather [hbm4b:s10+s11], $0x1, s19, s11, $0xb8;
	[tilespmem:$0xC040] =	vst v63  }
0x1ef: {  	s22 =	sadd.s32 $0x5630, s4;
	s23 =	sadd.s32 $0x1200, s6  }
0x1f0: {  	[tilespmem:s22], [sflag:$0x1] =	stream.indirect.gather [hbm4b:s10+s11], $0x1, s23, s11, $0xb8;
	[tilespmem:$0xC040] =	vst v63  }
0x1f1: {  	s24 =	sadd.s32 $0x56B0, s4;
	s25 =	sadd.s32 $0x1280, s6  }
0x1f2: {  	[tilespmem:s24], [sflag:$0x1] =	stream.indirect.gather [hbm4b:s10+s11], $0x1, s25, s11, $0xb8;
	[tilespmem:$0xC040] =	vst v63  }
0x1f3: {  	s26 =	sadd.s32 $0x5730, s4;
	s28 =	sadd.s32 $0x1300, s6  }
0x1f4: {  	[tilespmem:s26], [sflag:$0x1] =	stream.indirect.gather [hbm4b:s10+s11], $0x1, s28, s11, $0xb8;
	[tilespmem:$0xC040] =	vst v63  }
0x1f5: {  	s29 =	sadd.s32 $0x57B0, s4;
	s31 =	sadd.s32 $0x1380, s6  }
0x1f6: {  	[tilespmem:s29], [sflag:$0x1] =	stream.indirect.gather [hbm4b:s10+s11], $0x1, s31, s11, $0xb8;
	[tilespmem:$0xC040] =	vst v63  }
0x1f7: {  	_ =	swait.ge [sflag:s5], $0x80  }
0x1f8: {  	[sflag:s5] =	ssyncset.done $0x0  }
0x1f9: {  	[sflag:s5] =	ssyncadd.s32 $0xFFFFFF80  }
0x1fa: {  	_ =	swait.ge [sflag:s5], $0x80  }
0x1fb: {  	[sflag:s5] =	ssyncset.done $0x0  }
0x1fc: {  	[sflag:s5] =	ssyncadd.s32 $0xFFFFFF80  }
0x1fd: {  	_ =	swait.ge [sflag:s5], $0x80  }
0x1fe: {  	[sflag:s5] =	ssyncset.done $0x0  }
0x1ff: {  	[sflag:s5] =	ssyncadd.s32 $0xFFFFFF80  }
0x200: {  	_ =	swait.ge [sflag:s5], $0x80  }
0x201: {  	[sflag:s5] =	ssyncset.done $0x0  }
0x202: {  	[sflag:s5] =	ssyncadd.s32 $0xFFFFFF80  }
0x203: {  	_ =	swait.ge [sflag:s5], $0x80  }
0x204: {  	[sflag:s5] =	ssyncset.done $0x0  }
0x205: {  	[sflag:s5] =	ssyncadd.s32 $0xFFFFFF80  }
0x206: {  	_ =	swait.ge [sflag:s5], $0x80  }
0x207: {  	[sflag:s5] =	ssyncset.done $0x0  }
0x208: {  	[sflag:s5] =	ssyncadd.s32 $0xFFFFFF80  }
0x209: {  	_ =	swait.ge [sflag:s5], $0x80  }
0x20a: {  	[sflag:s5] =	ssyncset.done $0x0  }
0x20b: {  	[sflag:s5] =	ssyncadd.s32 $0xFFFFFF80  }
0x20c: {  	_ =	swait.ge [sflag:s5], $0x80  }
0x20d: {  	[sflag:s5] =	ssyncset.done $0x0  }
0x20e: {  	s0 =	simm.s32 $0x0;
	s1 =	simm.s32 $0x40;
	[sflag:s5] =	ssyncadd.s32 $0xFFFFFF80  }
.LBB2_6:
0x20f: {  	p0 =	sne.s32 s1, $0x1000;
	[tilespmem:s0+$0xB020] =	vst v11  }
0x210: {  	[tilespmem:s0+$0x4020] =	vst v11  }
0x211: {  	[tilespmem:s0+$0x5020] =	vst v11  }
.Ltmp2:
0x212: {  	[tilespmem:s0+$0x6020] =	vst v11;
	(pc) =	sbr.rel @p0 .LBB2_6-.Ltmp2, $4  }
0x213: {  	[tilespmem:s0+$0x7020] =	vst v11  }
0x214: {  	[tilespmem:s0+$0x8020] =	vst v11  }
0x215: {  	[tilespmem:s0+$0x9020] =	vst v11  }
0x216: {  	[tilespmem:s0+$0xA020] =	vst v11;
	s0 =	sshra.s32 s1, $0x2;
	s1 =	sadd.s32 $0x40, s1  }
0x217: {  	[tilespmem:s0+$0xB020] =	vst v11  }
0x218: {  	[tilespmem:s0+$0x4020] =	vst v11  }
0x219: {  	[tilespmem:s0+$0x5020] =	vst v11  }
0x21a: {  	[tilespmem:s0+$0x6020] =	vst v11  }
0x21b: {  	[tilespmem:s0+$0x7020] =	vst v11  }
0x21c: {  	[tilespmem:s0+$0x8020] =	vst v11  }
0x21d: {  	[tilespmem:s0+$0x9020] =	vst v11  }
0x21e: {  	[tilespmem:s0+$0xA020] =	vst v11;
	s0 =	simm.s32 $0x0;
	s1 =	simm.s32 $0x40  }
.LBB2_8:
0x21f: {  	p0 =	sne.s32 s1, $0xF80;
	[tilespmem:s0+$0xBC30] =	vst v10  }
0x220: {  	[tilespmem:s0+$0x4C30] =	vst v10  }
0x221: {  	[tilespmem:s0+$0x5C30] =	vst v10  }
.Ltmp3:
0x222: {  	[tilespmem:s0+$0x6C30] =	vst v10;
	(pc) =	sbr.rel @p0 .LBB2_8-.Ltmp3, $4  }
0x223: {  	[tilespmem:s0+$0x7C30] =	vst v10  }
0x224: {  	[tilespmem:s0+$0x8C30] =	vst v10  }
0x225: {  	[tilespmem:s0+$0x9C30] =	vst v10  }
0x226: {  	[tilespmem:s0+$0xAC30] =	vst v10;
	s0 =	sshra.s32 s1, $0x2;
	s1 =	sadd.s32 $0x40, s1  }
0x227: {  	[tilespmem:s0+$0xBC30] =	vst v10  }
0x228: {  	[tilespmem:s0+$0x4C30] =	vst v10  }
0x229: {  	[tilespmem:s0+$0x5C30] =	vst v10  }
0x22a: {  	[tilespmem:s0+$0x6C30] =	vst v10  }
0x22b: {  	[tilespmem:s0+$0x7C30] =	vst v10  }
0x22c: {  	[tilespmem:s0+$0x8C30] =	vst v10  }
0x22d: {  	[tilespmem:s0+$0x9C30] =	vst v10  }
0x22e: {  	[tilespmem:s0+$0xAC30] =	vst v10  }
0x22f: {  	_ =	swait.ge [sflag:s5], $0x80  }
0x230: {  	[sflag:s5] =	ssyncset.done $0x0  }
0x231: {  	[sflag:s5] =	ssyncadd.s32 $0xFFFFFF80  }
0x232: {  	_ =	swait.ge [sflag:s5], $0x80  }
0x233: {  	[sflag:s5] =	ssyncset.done $0x0  }
0x234: {  	[sflag:s5] =	ssyncadd.s32 $0xFFFFFF80  }
0x235: {  	_ =	swait.ge [sflag:s5], $0x80  }
0x236: {  	[sflag:s5] =	ssyncset.done $0x0  }
0x237: {  	[sflag:s5] =	ssyncadd.s32 $0xFFFFFF80  }
0x238: {  	_ =	swait.ge [sflag:s5], $0x80  }
0x239: {  	[sflag:s5] =	ssyncset.done $0x0  }
0x23a: {  	[sflag:s5] =	ssyncadd.s32 $0xFFFFFF80  }
0x23b: {  	_ =	swait.ge [sflag:s5], $0x80  }
0x23c: {  	[sflag:s5] =	ssyncset.done $0x0  }
0x23d: {  	[sflag:s5] =	ssyncadd.s32 $0xFFFFFF80  }
0x23e: {  	_ =	swait.ge [sflag:s5], $0x80  }
0x23f: {  	[sflag:s5] =	ssyncset.done $0x0  }
0x240: {  	[sflag:s5] =	ssyncadd.s32 $0xFFFFFF80  }
0x241: {  	_ =	swait.ge [sflag:s5], $0x80  }
0x242: {  	[sflag:s5] =	ssyncset.done $0x0  }
0x243: {  	[sflag:s5] =	ssyncadd.s32 $0xFFFFFF80  }
0x244: {  	_ =	swait.ge [sflag:s5], $0x80  }
0x245: {  	[sflag:s5] =	ssyncset.done $0x0  }
0x246: {  	[sflag:s5] =	ssyncadd.s32 $0xFFFFFF80  }
0x247: {  	_ =	swait.ge [sflag:s5], $0x80  }
0x248: {  	[sflag:s5] =	ssyncset.done $0x0  }
0x249: {  	[sflag:s5] =	ssyncadd.s32 $0xFFFFFF80  }
0x24a: {  	_ =	swait.ge [sflag:s5], $0x80  }
0x24b: {  	[sflag:s5] =	ssyncset.done $0x0  }
0x24c: {  	[sflag:s5] =	ssyncadd.s32 $0xFFFFFF80  }
0x24d: {  	_ =	swait.ge [sflag:s5], $0x80  }
0x24e: {  	[sflag:s5] =	ssyncset.done $0x0  }
0x24f: {  	[sflag:s5] =	ssyncadd.s32 $0xFFFFFF80  }
0x250: {  	_ =	swait.ge [sflag:s5], $0x80  }
0x251: {  	[sflag:s5] =	ssyncset.done $0x0  }
0x252: {  	[sflag:s5] =	ssyncadd.s32 $0xFFFFFF80  }
0x253: {  	_ =	swait.ge [sflag:s5], $0x80  }
0x254: {  	[sflag:s5] =	ssyncset.done $0x0  }
0x255: {  	[sflag:s5] =	ssyncadd.s32 $0xFFFFFF80  }
0x256: {  	_ =	swait.ge [sflag:s5], $0x80  }
0x257: {  	[sflag:s5] =	ssyncset.done $0x0  }
0x258: {  	[sflag:s5] =	ssyncadd.s32 $0xFFFFFF80  }
0x259: {  	_ =	swait.ge [sflag:s5], $0x80  }
0x25a: {  	[sflag:s5] =	ssyncset.done $0x0  }
0x25b: {  	[sflag:s5] =	ssyncadd.s32 $0xFFFFFF80  }
0x25c: {  	_ =	swait.ge [sflag:s5], $0x80  }
0x25d: {  	[sflag:s5] =	ssyncset.done $0x0  }
0x25e: {  	[sflag:s5] =	ssyncadd.s32 $0xFFFFFF80  }
0x25f: {  	_ =	swait.ge [sflag:s5], $0x80  }
0x260: {  	[sflag:s5] =	ssyncset.done $0x0  }
0x261: {  	[sflag:s5] =	ssyncadd.s32 $0xFFFFFF80  }
0x262: {  	_ =	swait.ge [sflag:s5], $0x80  }
0x263: {  	[sflag:s5] =	ssyncset.done $0x0  }
0x264: {  	[sflag:s5] =	ssyncadd.s32 $0xFFFFFF80  }
0x265: {  	_ =	swait.ge [sflag:s5], $0x80  }
0x266: {  	[sflag:s5] =	ssyncset.done $0x0  }
0x267: {  	[sflag:s5] =	ssyncadd.s32 $0xFFFFFF80  }
0x268: {  	_ =	swait.ge [sflag:s5], $0x80  }
0x269: {  	[sflag:s5] =	ssyncset.done $0x0  }
0x26a: {  	[sflag:s5] =	ssyncadd.s32 $0xFFFFFF80  }
0x26b: {  	_ =	swait.ge [sflag:s5], $0x80  }
0x26c: {  	[sflag:s5] =	ssyncset.done $0x0  }
0x26d: {  	[sflag:s5] =	ssyncadd.s32 $0xFFFFFF80  }
0x26e: {  	_ =	swait.ge [sflag:s5], $0x80  }
0x26f: {  	[sflag:s5] =	ssyncset.done $0x0  }
0x270: {  	[sflag:s5] =	ssyncadd.s32 $0xFFFFFF80  }
0x271: {  	_ =	swait.ge [sflag:s5], $0x80  }
0x272: {  	[sflag:s5] =	ssyncset.done $0x0  }
0x273: {  	[sflag:s5] =	ssyncadd.s32 $0xFFFFFF80  }
0x274: {  	_ =	swait.ge [sflag:s5], $0x80  }
0x275: {  	[sflag:s5] =	ssyncset.done $0x0  }
0x276: {  	[sflag:s5] =	ssyncadd.s32 $0xFFFFFF80  }
0x277: {  	_ =	swait.ge [sflag:s5], $0x80  }
0x278: {  	[sflag:s5] =	ssyncset.done $0x0  }
0x279: {  	[sflag:s5] =	ssyncadd.s32 $0xFFFFFF80  }
0x27a: {  	_ =	swait.ge [sflag:s5], $0x80  }
0x27b: {  	[sflag:s5] =	ssyncset.done $0x0  }
0x27c: {  	[sflag:s5] =	ssyncadd.s32 $0xFFFFFF80  }
0x27d: {  	_ =	swait.ge [sflag:s5], $0x80  }
0x27e: {  	[sflag:s5] =	ssyncset.done $0x0  }
0x27f: {  	[sflag:s5] =	ssyncadd.s32 $0xFFFFFF80  }
0x280: {  	_ =	swait.ge [sflag:s5], $0x80  }
0x281: {  	[sflag:s5] =	ssyncset.done $0x0  }
0x282: {  	[sflag:s5] =	ssyncadd.s32 $0xFFFFFF80  }
0x283: {  	_ =	swait.ge [sflag:s5], $0x80  }
0x284: {  	[sflag:s5] =	ssyncset.done $0x0  }
0x285: {  	[sflag:s5] =	ssyncadd.s32 $0xFFFFFF80  }
0x286: {  	_ =	swait.ge [sflag:s5], $0x80  }
0x287: {  	[sflag:s5] =	ssyncset.done $0x0  }
0x288: {  	[sflag:s5] =	ssyncadd.s32 $0xFFFFFF80  }
0x289: {  	_ =	swait.ge [sflag:s5], $0x80  }
0x28a: {  	[sflag:s5] =	ssyncset.done $0x0  }
0x28b: {  	[sflag:s5] =	ssyncadd.s32 $0xFFFFFF80  }
0x28c: {  	_ =	swait.ge [sflag:s5], $0x80  }
0x28d: {  	s1 =	rddreg [dreg:$0x13]  }
0x28e: {  	s22 =	rddreg [dreg:$0x14]  }
0x28f: {  	s2 =	sld [smem:$0x71E]  }
0x290: {  	s25 =	sld [smem:$0x71F]  }
0x291: {  	s28 =	sld [smem:$0x720]  }
0x292: {  	s7 =	sld [smem:$0x722]  }
0x293: {  	[sflag:s5] =	ssyncset.done $0x0;
	s9 =	sld [smem:$0x723]  }
0x294: {  	s11 =	sld [smem:$0x724];
	[sflag:s5] =	ssyncadd.s32 $0xFFFFFF80  }
0x295: {  	[hbm4b:s1+s3] =	stream.linear.scatter [tilespmem:s22], [sflag:$0x1], $0x80, $0x38;
	[tilespmem:$0xC040] =	vst v63  }
0x296: {  	s12 =	rddreg [dreg:$0x15];
	s23 =	sadd.s32 $0x10, s1  }
0x297: {  	[hbm4b:s23+s3] =	stream.linear.scatter [tilespmem:s2], [sflag:$0x1], $0x80, $0x38;
	[tilespmem:$0xC040] =	vst v63  }
0x298: {  	s13 =	rddreg [dreg:$0x16];
	s24 =	sadd.s32 $0x20, s1  }
0x299: {  	[hbm4b:s24+s3] =	stream.linear.scatter [tilespmem:s25], [sflag:$0x1], $0x80, $0x38;
	[tilespmem:$0xC040] =	vst v63  }
0x29a: {  	s26 =	sadd.s32 $0x30, s1;
	s5 =	sld [smem:$0x721]  }
0x29b: {  	[hbm4b:s26+s3] =	stream.linear.scatter [tilespmem:s28], [sflag:$0x1], $0x80, $0x38;
	[tilespmem:$0xC040] =	vst v63  }
0x29c: {  	s15 =	sld [smem:$0x725];
	s4 =	sadd.s32 $0x40, s1  }
0x29d: {  	[hbm4b:s4+s3] =	stream.linear.scatter [tilespmem:s5], [sflag:$0x1], $0x80, $0x38;
	[tilespmem:$0xC040] =	vst v63  }
0x29e: {  	s17 =	sld [smem:$0x726];
	s6 =	sadd.s32 $0x50, s1  }
0x29f: {  	[hbm4b:s6+s3] =	stream.linear.scatter [tilespmem:s7], [sflag:$0x1], $0x80, $0x38;
	[tilespmem:$0xC040] =	vst v63  }
0x2a0: {  	s19 =	sld [smem:$0x727];
	s8 =	sadd.s32 $0x60, s1  }
0x2a1: {  	[hbm4b:s8+s3] =	stream.linear.scatter [tilespmem:s9], [sflag:$0x1], $0x80, $0x38;
	[tilespmem:$0xC040] =	vst v63  }
0x2a2: {  	s10 =	sadd.s32 $0x70, s1;
	s23 =	sld [smem:$0x728]  }
0x2a3: {  	[hbm4b:s10+s3] =	stream.linear.scatter [tilespmem:s11], [sflag:$0x1], $0x80, $0x38;
	[tilespmem:$0xC040] =	vst v63  }
0x2a4: {  	s25 =	sld [smem:$0x729]  }
0x2a5: {  	[hbm4b:s12+s3] =	stream.linear.scatter [tilespmem:s13], [sflag:$0x1], $0x80, $0x38;
	[tilespmem:$0xC040] =	vst v63  }
0x2a6: {  	s14 =	sadd.s32 $0x10, s12;
	s28 =	sld [smem:$0x72A]  }
0x2a7: {  	[hbm4b:s14+s3] =	stream.linear.scatter [tilespmem:s15], [sflag:$0x1], $0x80, $0x38;
	[tilespmem:$0xC040] =	vst v63  }
0x2a8: {  	s16 =	sadd.s32 $0x20, s12;
	s5 =	sld [smem:$0x72B]  }
0x2a9: {  	[hbm4b:s16+s3] =	stream.linear.scatter [tilespmem:s17], [sflag:$0x1], $0x80, $0x38;
	[tilespmem:$0xC040] =	vst v63  }
0x2aa: {  	s18 =	sadd.s32 $0x30, s12;
	s6 =	rddreg [dreg:$0x17]  }
0x2ab: {  	[hbm4b:s18+s3] =	stream.linear.scatter [tilespmem:s19], [sflag:$0x1], $0x80, $0x38;
	[tilespmem:$0xC040] =	vst v63  }
0x2ac: {  	s22 =	sadd.s32 $0x40, s12;
	s7 =	rddreg [dreg:$0x18]  }
0x2ad: {  	[hbm4b:s22+s3] =	stream.linear.scatter [tilespmem:s23], [sflag:$0x1], $0x80, $0x38;
	[tilespmem:$0xC040] =	vst v63  }
0x2ae: {  	s24 =	sadd.s32 $0x50, s12;
	s9 =	sld [smem:$0x72C]  }
0x2af: {  	[hbm4b:s24+s3] =	stream.linear.scatter [tilespmem:s25], [sflag:$0x1], $0x80, $0x38;
	[tilespmem:$0xC040] =	vst v63  }
0x2b0: {  	s26 =	sadd.s32 $0x60, s12;
	s11 =	sld [smem:$0x72D]  }
0x2b1: {  	[hbm4b:s26+s3] =	stream.linear.scatter [tilespmem:s28], [sflag:$0x1], $0x80, $0x38;
	[tilespmem:$0xC040] =	vst v63  }
0x2b2: {  	s4 =	sadd.s32 $0x70, s12;
	s13 =	sld [smem:$0x72E]  }
0x2b3: {  	[hbm4b:s4+s3] =	stream.linear.scatter [tilespmem:s5], [sflag:$0x1], $0x80, $0x38;
	[tilespmem:$0xC040] =	vst v63  }
0x2b4: {  	s15 =	sld [smem:$0x72F]  }
0x2b5: {  	[hbm4b:s6+s3] =	stream.linear.scatter [tilespmem:s7], [sflag:$0x1], $0x80, $0x38;
	[tilespmem:$0xC040] =	vst v63  }
0x2b6: {  	s8 =	sadd.s32 $0x10, s6;
	s17 =	sld [smem:$0x730]  }
0x2b7: {  	[hbm4b:s8+s3] =	stream.linear.scatter [tilespmem:s9], [sflag:$0x1], $0x80, $0x38;
	[tilespmem:$0xC040] =	vst v63  }
0x2b8: {  	s10 =	sadd.s32 $0x20, s6;
	s19 =	sld [smem:$0x731]  }
0x2b9: {  	[hbm4b:s10+s3] =	stream.linear.scatter [tilespmem:s11], [sflag:$0x1], $0x80, $0x38;
	[tilespmem:$0xC040] =	vst v63  }
0x2ba: {  	s12 =	sadd.s32 $0x30, s6;
	s23 =	sld [smem:$0x732]  }
0x2bb: {  	[hbm4b:s12+s3] =	stream.linear.scatter [tilespmem:s13], [sflag:$0x1], $0x80, $0x38;
	[tilespmem:$0xC040] =	vst v63  }
0x2bc: {  	s14 =	sadd.s32 $0x40, s6;
	s24 =	rddreg [dreg:$0x19]  }
0x2bd: {  	[hbm4b:s14+s3] =	stream.linear.scatter [tilespmem:s15], [sflag:$0x1], $0x80, $0x38;
	[tilespmem:$0xC040] =	vst v63  }
0x2be: {  	s16 =	sadd.s32 $0x50, s6;
	s25 =	rddreg [dreg:$0x1a]  }
0x2bf: {  	[hbm4b:s16+s3] =	stream.linear.scatter [tilespmem:s17], [sflag:$0x1], $0x80, $0x38;
	[tilespmem:$0xC040] =	vst v63  }
0x2c0: {  	s18 =	sadd.s32 $0x60, s6;
	s28 =	sld [smem:$0x733]  }
0x2c1: {  	[hbm4b:s18+s3] =	stream.linear.scatter [tilespmem:s19], [sflag:$0x1], $0x80, $0x38;
	[tilespmem:$0xC040] =	vst v63  }
0x2c2: {  	s22 =	sadd.s32 $0x70, s6;
	s5 =	sld [smem:$0x734]  }
0x2c3: {  	[hbm4b:s22+s3] =	stream.linear.scatter [tilespmem:s23], [sflag:$0x1], $0x80, $0x38;
	[tilespmem:$0xC040] =	vst v63  }
0x2c4: {  	s7 =	sld [smem:$0x735]  }
0x2c5: {  	[hbm4b:s24+s3] =	stream.linear.scatter [tilespmem:s25], [sflag:$0x1], $0x80, $0x38;
	[tilespmem:$0xC040] =	vst v63  }
0x2c6: {  	s26 =	sadd.s32 $0x10, s24;
	s9 =	sld [smem:$0x736]  }
0x2c7: {  	[hbm4b:s26+s3] =	stream.linear.scatter [tilespmem:s28], [sflag:$0x1], $0x80, $0x38;
	[tilespmem:$0xC040] =	vst v63  }
0x2c8: {  	s4 =	sadd.s32 $0x20, s24;
	s11 =	sld [smem:$0x737]  }
0x2c9: {  	[hbm4b:s4+s3] =	stream.linear.scatter [tilespmem:s5], [sflag:$0x1], $0x80, $0x38;
	[tilespmem:$0xC040] =	vst v63  }
0x2ca: {  	s6 =	sadd.s32 $0x30, s24;
	s13 =	sld [smem:$0x738]  }
0x2cb: {  	[hbm4b:s6+s3] =	stream.linear.scatter [tilespmem:s7], [sflag:$0x1], $0x80, $0x38;
	[tilespmem:$0xC040] =	vst v63  }
0x2cc: {  	s8 =	sadd.s32 $0x40, s24;
	s15 =	sld [smem:$0x739]  }
0x2cd: {  	[hbm4b:s8+s3] =	stream.linear.scatter [tilespmem:s9], [sflag:$0x1], $0x80, $0x38;
	[tilespmem:$0xC040] =	vst v63  }
0x2ce: {  	s10 =	sadd.s32 $0x50, s24;
	s16 =	rddreg [dreg:$0x1b]  }
0x2cf: {  	[hbm4b:s10+s3] =	stream.linear.scatter [tilespmem:s11], [sflag:$0x1], $0x80, $0x38;
	[tilespmem:$0xC040] =	vst v63  }
0x2d0: {  	s12 =	sadd.s32 $0x60, s24;
	s17 =	rddreg [dreg:$0x1c]  }
0x2d1: {  	[hbm4b:s12+s3] =	stream.linear.scatter [tilespmem:s13], [sflag:$0x1], $0x80, $0x38;
	[tilespmem:$0xC040] =	vst v63  }
0x2d2: {  	s14 =	sadd.s32 $0x70, s24;
	s19 =	sld [smem:$0x73A]  }
0x2d3: {  	[hbm4b:s14+s3] =	stream.linear.scatter [tilespmem:s15], [sflag:$0x1], $0x80, $0x38;
	[tilespmem:$0xC040] =	vst v63  }
0x2d4: {  	s23 =	sld [smem:$0x73B]  }
0x2d5: {  	[hbm4b:s16+s3] =	stream.linear.scatter [tilespmem:s17], [sflag:$0x1], $0x80, $0x38;
	[tilespmem:$0xC040] =	vst v63  }
0x2d6: {  	s18 =	sadd.s32 $0x10, s16;
	s25 =	sld [smem:$0x73C]  }
0x2d7: {  	[hbm4b:s18+s3] =	stream.linear.scatter [tilespmem:s19], [sflag:$0x1], $0x80, $0x38;
	[tilespmem:$0xC040] =	vst v63  }
0x2d8: {  	s22 =	sadd.s32 $0x20, s16;
	s28 =	sld [smem:$0x73D]  }
0x2d9: {  	[hbm4b:s22+s3] =	stream.linear.scatter [tilespmem:s23], [sflag:$0x1], $0x80, $0x38;
	[tilespmem:$0xC040] =	vst v63  }
0x2da: {  	s24 =	sadd.s32 $0x30, s16;
	s4 =	sld [smem:$0x73E]  }
0x2db: {  	[hbm4b:s24+s3] =	stream.linear.scatter [tilespmem:s25], [sflag:$0x1], $0x80, $0x38;
	[tilespmem:$0xC040] =	vst v63  }
0x2dc: {  	s26 =	sadd.s32 $0x40, s16;
	s6 =	sld [smem:$0x73F]  }
0x2dd: {  	[hbm4b:s26+s3] =	stream.linear.scatter [tilespmem:s28], [sflag:$0x1], $0x80, $0x38;
	[tilespmem:$0xC040] =	vst v63  }
0x2de: {  	s2 =	sadd.s32 $0x50, s16;
	s8 =	sld [smem:$0x740]  }
0x2df: {  	[hbm4b:s2+s3] =	stream.linear.scatter [tilespmem:s4], [sflag:$0x1], $0x80, $0x38;
	[tilespmem:$0xC040] =	vst v63  }
0x2e0: {  	s5 =	sadd.s32 $0x60, s16;
	s9 =	rddreg [dreg:$0x1d]  }
0x2e1: {  	[hbm4b:s5+s3] =	stream.linear.scatter [tilespmem:s6], [sflag:$0x1], $0x80, $0x38;
	[tilespmem:$0xC040] =	vst v63  }
0x2e2: {  	s7 =	sadd.s32 $0x70, s16;
	s10 =	rddreg [dreg:$0x1e]  }
0x2e3: {  	[hbm4b:s7+s3] =	stream.linear.scatter [tilespmem:s8], [sflag:$0x1], $0x80, $0x38;
	[tilespmem:$0xC040] =	vst v63  }
0x2e4: {  	s12 =	sld [smem:$0x741]  }
0x2e5: {  	[hbm4b:s9+s3] =	stream.linear.scatter [tilespmem:s10], [sflag:$0x1], $0x80, $0x38;
	[tilespmem:$0xC040] =	vst v63  }
0x2e6: {  	s11 =	sadd.s32 $0x10, s9;
	s14 =	sld [smem:$0x742]  }
0x2e7: {  	[hbm4b:s11+s3] =	stream.linear.scatter [tilespmem:s12], [sflag:$0x1], $0x80, $0x38;
	[tilespmem:$0xC040] =	vst v63  }
0x2e8: {  	s13 =	sadd.s32 $0x20, s9;
	s16 =	sld [smem:$0x743]  }
0x2e9: {  	[hbm4b:s13+s3] =	stream.linear.scatter [tilespmem:s14], [sflag:$0x1], $0x80, $0x38;
	[tilespmem:$0xC040] =	vst v63  }
0x2ea: {  	s15 =	sadd.s32 $0x30, s9;
	s18 =	sld [smem:$0x744]  }
0x2eb: {  	[hbm4b:s15+s3] =	stream.linear.scatter [tilespmem:s16], [sflag:$0x1], $0x80, $0x38;
	[tilespmem:$0xC040] =	vst v63  }
0x2ec: {  	s17 =	sadd.s32 $0x40, s9;
	s22 =	sld [smem:$0x745]  }
0x2ed: {  	[hbm4b:s17+s3] =	stream.linear.scatter [tilespmem:s18], [sflag:$0x1], $0x80, $0x38;
	[tilespmem:$0xC040] =	vst v63  }
0x2ee: {  	s19 =	sadd.s32 $0x50, s9;
	s24 =	sld [smem:$0x746]  }
0x2ef: {  	[hbm4b:s19+s3] =	stream.linear.scatter [tilespmem:s22], [sflag:$0x1], $0x80, $0x38;
	[tilespmem:$0xC040] =	vst v63  }
0x2f0: {  	s23 =	sadd.s32 $0x60, s9;
	s26 =	sld [smem:$0x747]  }
0x2f1: {  	[hbm4b:s23+s3] =	stream.linear.scatter [tilespmem:s24], [sflag:$0x1], $0x80, $0x38;
	[tilespmem:$0xC040] =	vst v63  }
0x2f2: {  	s25 =	sadd.s32 $0x70, s9;
	s2 =	sld [smem:$0x6EA]  }
0x2f3: {  	[hbm4b:s25+s3] =	stream.linear.scatter [tilespmem:s26], [sflag:$0x1], $0x80, $0x38;
	[tilespmem:$0xC040] =	vst v63  }
0x2f4: {  	s28 =	rddreg [dreg:$0x1f]  }
0x2f5: {  	[hbm4b:s28+s3] =	stream.linear.scatter [tilespmem:s2], [sflag:$0x1], $0x80, $0x38;
	[tilespmem:$0xC040] =	vst v63  }
0x2f6: {  	s5 =	sld [smem:$0x748]  }
0x2f7: {  	s7 =	sld [smem:$0x749]  }
0x2f8: {  	s9 =	sld [smem:$0x74A]  }
0x2f9: {  	s11 =	sld [smem:$0x74B]  }
0x2fa: {  	s13 =	sld [smem:$0x74C]  }
0x2fb: {  	s15 =	sld [smem:$0x74D]  }
0x2fc: {  	s17 =	sld [smem:$0x74E]  }
0x2fd: {  	s18 =	sld [smem:$0x6EB]  }
0x2fe: {  	s4 =	sadd.s32 $0x10, s28;
	s19 =	sld [smem:$0x6ED]  }
0x2ff: {  	s6 =	sadd.s32 $0x20, s28;
	s8 =	sadd.s32 $0x30, s28;
	s23 =	sld [smem:$0x74F]  }
0x300: {  	s10 =	sadd.s32 $0x40, s28;
	s12 =	sadd.s32 $0x50, s28;
	s25 =	sld [smem:$0x750]  }
0x301: {  	s14 =	sadd.s32 $0x60, s28;
	s16 =	sadd.s32 $0x70, s28;
	s28 =	sld [smem:$0x751]  }
0x302: {  	[hbm4b:s4+s3] =	stream.linear.scatter [tilespmem:s5], [sflag:$0x1], $0x80, $0x38;
	[tilespmem:$0xC040] =	vst v63  }
0x303: {  	s5 =	sld [smem:$0x752]  }
0x304: {  	[hbm4b:s6+s3] =	stream.linear.scatter [tilespmem:s7], [sflag:$0x1], $0x80, $0x38;
	[tilespmem:$0xC040] =	vst v63  }
0x305: {  	s7 =	sld [smem:$0x753]  }
0x306: {  	[hbm4b:s8+s3] =	stream.linear.scatter [tilespmem:s9], [sflag:$0x1], $0x80, $0x38;
	[tilespmem:$0xC040] =	vst v63  }
0x307: {  	s9 =	sld [smem:$0x754]  }
0x308: {  	[hbm4b:s10+s3] =	stream.linear.scatter [tilespmem:s11], [sflag:$0x1], $0x80, $0x38;
	[tilespmem:$0xC040] =	vst v63  }
0x309: {  	s11 =	sld [smem:$0x755]  }
0x30a: {  	[hbm4b:s12+s3] =	stream.linear.scatter [tilespmem:s13], [sflag:$0x1], $0x80, $0x38;
	[tilespmem:$0xC040] =	vst v63  }
0x30b: {  	s12 =	sld [smem:$0x6EE]  }
0x30c: {  	s13 =	sld [smem:$0x6EF]  }
0x30d: {  	[hbm4b:s14+s3] =	stream.linear.scatter [tilespmem:s15], [sflag:$0x1], $0x80, $0x38;
	[tilespmem:$0xC040] =	vst v63  }
0x30e: {  	s15 =	sld [smem:$0x756]  }
0x30f: {  	[hbm4b:s16+s3] =	stream.linear.scatter [tilespmem:s17], [sflag:$0x1], $0x80, $0x38;
	[tilespmem:$0xC040] =	vst v63  }
0x310: {  	s17 =	sld [smem:$0x757]  }
0x311: {  	[hbm4b:s18+s3] =	stream.linear.scatter [tilespmem:s19], [sflag:$0x1], $0x80, $0x38;
	[tilespmem:$0xC040] =	vst v63  }
0x312: {  	s22 =	sadd.s32 $0x10, s18;
	s19 =	sld [smem:$0x758]  }
0x313: {  	[hbm4b:s22+s3] =	stream.linear.scatter [tilespmem:s23], [sflag:$0x1], $0x80, $0x38;
	[tilespmem:$0xC040] =	vst v63  }
0x314: {  	s24 =	sadd.s32 $0x20, s18;
	s23 =	sld [smem:$0x759]  }
0x315: {  	[hbm4b:s24+s3] =	stream.linear.scatter [tilespmem:s25], [sflag:$0x1], $0x80, $0x38;
	[tilespmem:$0xC040] =	vst v63  }
0x316: {  	s26 =	sadd.s32 $0x30, s18;
	s25 =	sld [smem:$0x75A]  }
0x317: {  	[hbm4b:s26+s3] =	stream.linear.scatter [tilespmem:s28], [sflag:$0x1], $0x80, $0x38;
	[tilespmem:$0xC040] =	vst v63  }
0x318: {  	s4 =	sadd.s32 $0x40, s18;
	s28 =	sld [smem:$0x75B]  }
0x319: {  	[hbm4b:s4+s3] =	stream.linear.scatter [tilespmem:s5], [sflag:$0x1], $0x80, $0x38;
	[tilespmem:$0xC040] =	vst v63  }
0x31a: {  	s6 =	sadd.s32 $0x50, s18;
	s5 =	sld [smem:$0x75C]  }
0x31b: {  	[hbm4b:s6+s3] =	stream.linear.scatter [tilespmem:s7], [sflag:$0x1], $0x80, $0x38;
	[tilespmem:$0xC040] =	vst v63  }
0x31c: {  	s6 =	sld [smem:$0x6F0]  }
0x31d: {  	s8 =	sadd.s32 $0x60, s18;
	s7 =	sld [smem:$0x6F1]  }
0x31e: {  	[hbm4b:s8+s3] =	stream.linear.scatter [tilespmem:s9], [sflag:$0x1], $0x80, $0x38;
	[tilespmem:$0xC040] =	vst v63  }
0x31f: {  	s10 =	sadd.s32 $0x70, s18;
	s9 =	sld [smem:$0x75D]  }
0x320: {  	[hbm4b:s10+s3] =	stream.linear.scatter [tilespmem:s11], [sflag:$0x1], $0x80, $0x38;
	[tilespmem:$0xC040] =	vst v63  }
0x321: {  	s11 =	sld [smem:$0x75E]  }
0x322: {  	[hbm4b:s12+s3] =	stream.linear.scatter [tilespmem:s13], [sflag:$0x1], $0x80, $0x38;
	[tilespmem:$0xC040] =	vst v63  }
0x323: {  	s14 =	sadd.s32 $0x10, s12;
	s13 =	sld [smem:$0x75F]  }
0x324: {  	[hbm4b:s14+s3] =	stream.linear.scatter [tilespmem:s15], [sflag:$0x1], $0x80, $0x38;
	[tilespmem:$0xC040] =	vst v63  }
0x325: {  	s16 =	sadd.s32 $0x20, s12;
	s15 =	sld [smem:$0x760]  }
0x326: {  	[hbm4b:s16+s3] =	stream.linear.scatter [tilespmem:s17], [sflag:$0x1], $0x80, $0x38;
	[tilespmem:$0xC040] =	vst v63  }
0x327: {  	s18 =	sadd.s32 $0x30, s12;
	s17 =	sld [smem:$0x761]  }
0x328: {  	[hbm4b:s18+s3] =	stream.linear.scatter [tilespmem:s19], [sflag:$0x1], $0x80, $0x38;
	[tilespmem:$0xC040] =	vst v63  }
0x329: {  	s22 =	sadd.s32 $0x40, s12;
	s19 =	sld [smem:$0x762]  }
0x32a: {  	[hbm4b:s22+s3] =	stream.linear.scatter [tilespmem:s23], [sflag:$0x1], $0x80, $0x38;
	[tilespmem:$0xC040] =	vst v63  }
0x32b: {  	s24 =	sadd.s32 $0x50, s12;
	s23 =	sld [smem:$0x763]  }
0x32c: {  	[hbm4b:s24+s3] =	stream.linear.scatter [tilespmem:s25], [sflag:$0x1], $0x80, $0x38;
	[tilespmem:$0xC040] =	vst v63  }
0x32d: {  	s24 =	sld [smem:$0x6F2]  }
0x32e: {  	s26 =	sadd.s32 $0x60, s12;
	s25 =	sld [smem:$0x6F3]  }
0x32f: {  	[hbm4b:s26+s3] =	stream.linear.scatter [tilespmem:s28], [sflag:$0x1], $0x80, $0x38;
	[tilespmem:$0xC040] =	vst v63  }
0x330: {  	s4 =	sadd.s32 $0x70, s12;
	s28 =	sld [smem:$0x764]  }
0x331: {  	[hbm4b:s4+s3] =	stream.linear.scatter [tilespmem:s5], [sflag:$0x1], $0x80, $0x38;
	[tilespmem:$0xC040] =	vst v63  }
0x332: {  	s5 =	sld [smem:$0x765]  }
0x333: {  	[hbm4b:s6+s3] =	stream.linear.scatter [tilespmem:s7], [sflag:$0x1], $0x80, $0x38;
	[tilespmem:$0xC040] =	vst v63  }
0x334: {  	s8 =	sadd.s32 $0x10, s6;
	s7 =	sld [smem:$0x766]  }
0x335: {  	[hbm4b:s8+s3] =	stream.linear.scatter [tilespmem:s9], [sflag:$0x1], $0x80, $0x38;
	[tilespmem:$0xC040] =	vst v63  }
0x336: {  	s10 =	sadd.s32 $0x20, s6;
	s9 =	sld [smem:$0x767]  }
0x337: {  	[hbm4b:s10+s3] =	stream.linear.scatter [tilespmem:s11], [sflag:$0x1], $0x80, $0x38;
	[tilespmem:$0xC040] =	vst v63  }
0x338: {  	s12 =	sadd.s32 $0x30, s6;
	s11 =	sld [smem:$0x768]  }
0x339: {  	[hbm4b:s12+s3] =	stream.linear.scatter [tilespmem:s13], [sflag:$0x1], $0x80, $0x38;
	[tilespmem:$0xC040] =	vst v63  }
0x33a: {  	s14 =	sadd.s32 $0x40, s6;
	s13 =	sld [smem:$0x769]  }
0x33b: {  	[hbm4b:s14+s3] =	stream.linear.scatter [tilespmem:s15], [sflag:$0x1], $0x80, $0x38;
	[tilespmem:$0xC040] =	vst v63  }
0x33c: {  	s16 =	sadd.s32 $0x50, s6;
	s15 =	sld [smem:$0x76A]  }
0x33d: {  	[hbm4b:s16+s3] =	stream.linear.scatter [tilespmem:s17], [sflag:$0x1], $0x80, $0x38;
	[tilespmem:$0xC040] =	vst v63  }
0x33e: {  	s16 =	sld [smem:$0x6F4]  }
0x33f: {  	s18 =	sadd.s32 $0x60, s6;
	s17 =	sld [smem:$0x6F5]  }
0x340: {  	[hbm4b:s18+s3] =	stream.linear.scatter [tilespmem:s19], [sflag:$0x1], $0x80, $0x38;
	[tilespmem:$0xC040] =	vst v63  }
0x341: {  	s22 =	sadd.s32 $0x70, s6;
	s19 =	sld [smem:$0x76B]  }
0x342: {  	[hbm4b:s22+s3] =	stream.linear.scatter [tilespmem:s23], [sflag:$0x1], $0x80, $0x38;
	[tilespmem:$0xC040] =	vst v63  }
0x343: {  	s23 =	sld [smem:$0x76C]  }
0x344: {  	[hbm4b:s24+s3] =	stream.linear.scatter [tilespmem:s25], [sflag:$0x1], $0x80, $0x38;
	[tilespmem:$0xC040] =	vst v63  }
0x345: {  	s26 =	sadd.s32 $0x10, s24;
	s25 =	sld [smem:$0x76D]  }
0x346: {  	[hbm4b:s26+s3] =	stream.linear.scatter [tilespmem:s28], [sflag:$0x1], $0x80, $0x38;
	[tilespmem:$0xC040] =	vst v63  }
0x347: {  	s4 =	sadd.s32 $0x20, s24;
	s28 =	sld [smem:$0x76E]  }
0x348: {  	[hbm4b:s4+s3] =	stream.linear.scatter [tilespmem:s5], [sflag:$0x1], $0x80, $0x38;
	[tilespmem:$0xC040] =	vst v63  }
0x349: {  	s6 =	sadd.s32 $0x30, s24;
	s4 =	sld [smem:$0x76F]  }
0x34a: {  	[hbm4b:s6+s3] =	stream.linear.scatter [tilespmem:s7], [sflag:$0x1], $0x80, $0x38;
	[tilespmem:$0xC040] =	vst v63  }
0x34b: {  	s8 =	sadd.s32 $0x40, s24;
	s6 =	sld [smem:$0x770]  }
0x34c: {  	[hbm4b:s8+s3] =	stream.linear.scatter [tilespmem:s9], [sflag:$0x1], $0x80, $0x38;
	[tilespmem:$0xC040] =	vst v63  }
0x34d: {  	s8 =	sld [smem:$0x771]  }
0x34e: {  	s10 =	sadd.s32 $0x50, s24;
	s12 =	sadd.s32 $0x60, s24;
	s9 =	sld [smem:$0x6F6]  }
0x34f: {  	[hbm4b:s10+s3] =	stream.linear.scatter [tilespmem:s11], [sflag:$0x1], $0x80, $0x38;
	[tilespmem:$0xC040] =	vst v63  }
0x350: {  	s14 =	sadd.s32 $0x70, s24;
	s18 =	sadd.s32 $0x10, s16;
	s10 =	sld [smem:$0x6F7]  }
0x351: {  	[hbm4b:s12+s3] =	stream.linear.scatter [tilespmem:s13], [sflag:$0x1], $0x80, $0x38;
	[tilespmem:$0xC040] =	vst v63  }
0x352: {  	s2 =	sadd.s32 $0x50, s16;
	s22 =	sadd.s32 $0x20, s16;
	s12 =	sld [smem:$0x772]  }
0x353: {  	[hbm4b:s14+s3] =	stream.linear.scatter [tilespmem:s15], [sflag:$0x1], $0x80, $0x38;
	[tilespmem:$0xC040] =	vst v63  }
0x354: {  	s24 =	sadd.s32 $0x30, s16;
	s26 =	sadd.s32 $0x40, s16;
	s14 =	sld [smem:$0x773]  }
0x355: {  	[hbm4b:s16+s3] =	stream.linear.scatter [tilespmem:s17], [sflag:$0x1], $0x80, $0x38;
	[tilespmem:$0xC040] =	vst v63  }
0x356: {  	s5 =	sadd.s32 $0x60, s16;
	s7 =	sadd.s32 $0x70, s16;
	s16 =	sld [smem:$0x774]  }
0x357: {  	[hbm4b:s18+s3] =	stream.linear.scatter [tilespmem:s19], [sflag:$0x1], $0x80, $0x38;
	[tilespmem:$0xC040] =	vst v63  }
0x358: {  	s18 =	sld [smem:$0x775]  }
0x359: {  	[hbm4b:s22+s3] =	stream.linear.scatter [tilespmem:s23], [sflag:$0x1], $0x80, $0x38;
	[tilespmem:$0xC040] =	vst v63  }
0x35a: {  	s22 =	sld [smem:$0x776]  }
0x35b: {  	[hbm4b:s24+s3] =	stream.linear.scatter [tilespmem:s25], [sflag:$0x1], $0x80, $0x38;
	[tilespmem:$0xC040] =	vst v63  }
0x35c: {  	s24 =	sld [smem:$0x777]  }
0x35d: {  	[hbm4b:s26+s3] =	stream.linear.scatter [tilespmem:s28], [sflag:$0x1], $0x80, $0x38;
	[tilespmem:$0xC040] =	vst v63  }
0x35e: {  	s26 =	sld [smem:$0x778]  }
0x35f: {  	s28 =	sld [smem:$0x6F8]  }
0x360: {  	[hbm4b:s2+s3] =	stream.linear.scatter [tilespmem:s4], [sflag:$0x1], $0x80, $0x38;
	[tilespmem:$0xC040] =	vst v63  }
0x361: {  	s11 =	sadd.s32 $0x10, s9;
	s2 =	sld [smem:$0x6F9]  }
0x362: {  	[hbm4b:s5+s3] =	stream.linear.scatter [tilespmem:s6], [sflag:$0x1], $0x80, $0x38;
	[tilespmem:$0xC040] =	vst v63  }
0x363: {  	s13 =	sadd.s32 $0x20, s9;
	s15 =	sadd.s32 $0x30, s9;
	s5 =	sld [smem:$0x779]  }
0x364: {  	[hbm4b:s7+s3] =	stream.linear.scatter [tilespmem:s8], [sflag:$0x1], $0x80, $0x38;
	[tilespmem:$0xC040] =	vst v63  }
0x365: {  	s17 =	sadd.s32 $0x40, s9;
	s19 =	sadd.s32 $0x50, s9;
	s7 =	sld [smem:$0x77A]  }
0x366: {  	[hbm4b:s9+s3] =	stream.linear.scatter [tilespmem:s10], [sflag:$0x1], $0x80, $0x38;
	[tilespmem:$0xC040] =	vst v63  }
0x367: {  	s23 =	sadd.s32 $0x60, s9;
	s25 =	sadd.s32 $0x70, s9;
	s9 =	sld [smem:$0x77B]  }
0x368: {  	[hbm4b:s11+s3] =	stream.linear.scatter [tilespmem:s12], [sflag:$0x1], $0x80, $0x38;
	[tilespmem:$0xC040] =	vst v63  }
0x369: {  	s11 =	sld [smem:$0x77C]  }
0x36a: {  	[hbm4b:s13+s3] =	stream.linear.scatter [tilespmem:s14], [sflag:$0x1], $0x80, $0x38;
	[tilespmem:$0xC040] =	vst v63  }
0x36b: {  	s13 =	sld [smem:$0x77D]  }
0x36c: {  	[hbm4b:s15+s3] =	stream.linear.scatter [tilespmem:s16], [sflag:$0x1], $0x80, $0x38;
	[tilespmem:$0xC040] =	vst v63  }
0x36d: {  	s15 =	sld [smem:$0x77E]  }
0x36e: {  	[hbm4b:s17+s3] =	stream.linear.scatter [tilespmem:s18], [sflag:$0x1], $0x80, $0x38;
	[tilespmem:$0xC040] =	vst v63  }
0x36f: {  	s17 =	sld [smem:$0x77F]  }
0x370: {  	s18 =	sld [smem:$0x6FA]  }
0x371: {  	[hbm4b:s19+s3] =	stream.linear.scatter [tilespmem:s22], [sflag:$0x1], $0x80, $0x38;
	[tilespmem:$0xC040] =	vst v63  }
0x372: {  	s4 =	sadd.s32 $0x10, s28;
	s19 =	sld [smem:$0x6FB]  }
0x373: {  	[hbm4b:s23+s3] =	stream.linear.scatter [tilespmem:s24], [sflag:$0x1], $0x80, $0x38;
	[tilespmem:$0xC040] =	vst v63  }
0x374: {  	s6 =	sadd.s32 $0x20, s28;
	s8 =	sadd.s32 $0x30, s28;
	s23 =	sld [smem:$0x780]  }
0x375: {  	[hbm4b:s25+s3] =	stream.linear.scatter [tilespmem:s26], [sflag:$0x1], $0x80, $0x38;
	[tilespmem:$0xC040] =	vst v63  }
0x376: {  	s10 =	sadd.s32 $0x40, s28;
	s12 =	sadd.s32 $0x50, s28;
	s25 =	sld [smem:$0x781]  }
0x377: {  	[hbm4b:s28+s3] =	stream.linear.scatter [tilespmem:s2], [sflag:$0x1], $0x80, $0x38;
	[tilespmem:$0xC040] =	vst v63  }
0x378: {  	s14 =	sadd.s32 $0x60, s28;
	s16 =	sadd.s32 $0x70, s28;
	s28 =	sld [smem:$0x782]  }
0x379: {  	[hbm4b:s4+s3] =	stream.linear.scatter [tilespmem:s5], [sflag:$0x1], $0x80, $0x38;
	[tilespmem:$0xC040] =	vst v63  }
0x37a: {  	s5 =	sld [smem:$0x783]  }
0x37b: {  	[hbm4b:s6+s3] =	stream.linear.scatter [tilespmem:s7], [sflag:$0x1], $0x80, $0x38;
	[tilespmem:$0xC040] =	vst v63  }
0x37c: {  	s7 =	sld [smem:$0x784]  }
0x37d: {  	[hbm4b:s8+s3] =	stream.linear.scatter [tilespmem:s9], [sflag:$0x1], $0x80, $0x38;
	[tilespmem:$0xC040] =	vst v63  }
0x37e: {  	s9 =	sld [smem:$0x785]  }
0x37f: {  	[hbm4b:s10+s3] =	stream.linear.scatter [tilespmem:s11], [sflag:$0x1], $0x80, $0x38;
	[tilespmem:$0xC040] =	vst v63  }
0x380: {  	s11 =	sld [smem:$0x786]  }
0x381: {  	[hbm4b:s12+s3] =	stream.linear.scatter [tilespmem:s13], [sflag:$0x1], $0x80, $0x38;
	[tilespmem:$0xC040] =	vst v63  }
0x382: {  	s12 =	sld [smem:$0x6FC]  }
0x383: {  	s13 =	sld [smem:$0x6FD]  }
0x384: {  	[hbm4b:s14+s3] =	stream.linear.scatter [tilespmem:s15], [sflag:$0x1], $0x80, $0x38;
	[tilespmem:$0xC040] =	vst v63  }
0x385: {  	s15 =	sld [smem:$0x787]  }
0x386: {  	[hbm4b:s16+s3] =	stream.linear.scatter [tilespmem:s17], [sflag:$0x1], $0x80, $0x38;
	[tilespmem:$0xC040] =	vst v63  }
0x387: {  	s17 =	sld [smem:$0x788]  }
0x388: {  	[hbm4b:s18+s3] =	stream.linear.scatter [tilespmem:s19], [sflag:$0x1], $0x80, $0x38;
	[tilespmem:$0xC040] =	vst v63  }
0x389: {  	s22 =	sadd.s32 $0x10, s18;
	s19 =	sld [smem:$0x789]  }
0x38a: {  	[hbm4b:s22+s3] =	stream.linear.scatter [tilespmem:s23], [sflag:$0x1], $0x80, $0x38;
	[tilespmem:$0xC040] =	vst v63  }
0x38b: {  	s24 =	sadd.s32 $0x20, s18;
	s23 =	sld [smem:$0x78A]  }
0x38c: {  	[hbm4b:s24+s3] =	stream.linear.scatter [tilespmem:s25], [sflag:$0x1], $0x80, $0x38;
	[tilespmem:$0xC040] =	vst v63  }
0x38d: {  	s26 =	sadd.s32 $0x30, s18;
	s25 =	sld [smem:$0x78B]  }
0x38e: {  	[hbm4b:s26+s3] =	stream.linear.scatter [tilespmem:s28], [sflag:$0x1], $0x80, $0x38;
	[tilespmem:$0xC040] =	vst v63  }
0x38f: {  	s4 =	sadd.s32 $0x40, s18;
	s28 =	sld [smem:$0x78C]  }
0x390: {  	[hbm4b:s4+s3] =	stream.linear.scatter [tilespmem:s5], [sflag:$0x1], $0x80, $0x38;
	[tilespmem:$0xC040] =	vst v63  }
0x391: {  	s6 =	sadd.s32 $0x50, s18;
	s5 =	sld [smem:$0x78D]  }
0x392: {  	[hbm4b:s6+s3] =	stream.linear.scatter [tilespmem:s7], [sflag:$0x1], $0x80, $0x38;
	[tilespmem:$0xC040] =	vst v63  }
0x393: {  	s6 =	sld [smem:$0x6FE]  }
0x394: {  	s8 =	sadd.s32 $0x60, s18;
	s7 =	sld [smem:$0x6FF]  }
0x395: {  	[hbm4b:s8+s3] =	stream.linear.scatter [tilespmem:s9], [sflag:$0x1], $0x80, $0x38;
	[tilespmem:$0xC040] =	vst v63  }
0x396: {  	s10 =	sadd.s32 $0x70, s18;
	s9 =	sld [smem:$0x78E]  }
0x397: {  	[hbm4b:s10+s3] =	stream.linear.scatter [tilespmem:s11], [sflag:$0x1], $0x80, $0x38;
	[tilespmem:$0xC040] =	vst v63  }
0x398: {  	s11 =	sld [smem:$0x78F]  }
0x399: {  	[hbm4b:s12+s3] =	stream.linear.scatter [tilespmem:s13], [sflag:$0x1], $0x80, $0x38;
	[tilespmem:$0xC040] =	vst v63  }
0x39a: {  	s14 =	sadd.s32 $0x10, s12;
	s13 =	sld [smem:$0x790]  }
0x39b: {  	[hbm4b:s14+s3] =	stream.linear.scatter [tilespmem:s15], [sflag:$0x1], $0x80, $0x38;
	[tilespmem:$0xC040] =	vst v63  }
0x39c: {  	s16 =	sadd.s32 $0x20, s12;
	s15 =	sld [smem:$0x791]  }
0x39d: {  	[hbm4b:s16+s3] =	stream.linear.scatter [tilespmem:s17], [sflag:$0x1], $0x80, $0x38;
	[tilespmem:$0xC040] =	vst v63  }
0x39e: {  	s18 =	sadd.s32 $0x30, s12;
	s17 =	sld [smem:$0x792]  }
0x39f: {  	[hbm4b:s18+s3] =	stream.linear.scatter [tilespmem:s19], [sflag:$0x1], $0x80, $0x38;
	[tilespmem:$0xC040] =	vst v63  }
0x3a0: {  	s22 =	sadd.s32 $0x40, s12;
	s19 =	sld [smem:$0x793]  }
0x3a1: {  	[hbm4b:s22+s3] =	stream.linear.scatter [tilespmem:s23], [sflag:$0x1], $0x80, $0x38;
	[tilespmem:$0xC040] =	vst v63  }
0x3a2: {  	s24 =	sadd.s32 $0x50, s12;
	s23 =	sld [smem:$0x794]  }
0x3a3: {  	[hbm4b:s24+s3] =	stream.linear.scatter [tilespmem:s25], [sflag:$0x1], $0x80, $0x38;
	[tilespmem:$0xC040] =	vst v63  }
0x3a4: {  	s24 =	sld [smem:$0x700]  }
0x3a5: {  	s26 =	sadd.s32 $0x60, s12;
	s25 =	sld [smem:$0x701]  }
0x3a6: {  	[hbm4b:s26+s3] =	stream.linear.scatter [tilespmem:s28], [sflag:$0x1], $0x80, $0x38;
	[tilespmem:$0xC040] =	vst v63  }
0x3a7: {  	s4 =	sadd.s32 $0x70, s12;
	s28 =	sld [smem:$0x795]  }
0x3a8: {  	[hbm4b:s4+s3] =	stream.linear.scatter [tilespmem:s5], [sflag:$0x1], $0x80, $0x38;
	[tilespmem:$0xC040] =	vst v63  }
0x3a9: {  	s5 =	sld [smem:$0x796]  }
0x3aa: {  	[hbm4b:s6+s3] =	stream.linear.scatter [tilespmem:s7], [sflag:$0x1], $0x80, $0x38;
	[tilespmem:$0xC040] =	vst v63  }
0x3ab: {  	s8 =	sadd.s32 $0x10, s6;
	s7 =	sld [smem:$0x797]  }
0x3ac: {  	[hbm4b:s8+s3] =	stream.linear.scatter [tilespmem:s9], [sflag:$0x1], $0x80, $0x38;
	[tilespmem:$0xC040] =	vst v63  }
0x3ad: {  	s10 =	sadd.s32 $0x20, s6;
	s9 =	sld [smem:$0x798]  }
0x3ae: {  	[hbm4b:s10+s3] =	stream.linear.scatter [tilespmem:s11], [sflag:$0x1], $0x80, $0x38;
	[tilespmem:$0xC040] =	vst v63  }
0x3af: {  	s12 =	sadd.s32 $0x30, s6;
	s11 =	sld [smem:$0x799]  }
0x3b0: {  	[hbm4b:s12+s3] =	stream.linear.scatter [tilespmem:s13], [sflag:$0x1], $0x80, $0x38;
	[tilespmem:$0xC040] =	vst v63  }
0x3b1: {  	s14 =	sadd.s32 $0x40, s6;
	s13 =	sld [smem:$0x79A]  }
0x3b2: {  	[hbm4b:s14+s3] =	stream.linear.scatter [tilespmem:s15], [sflag:$0x1], $0x80, $0x38;
	[tilespmem:$0xC040] =	vst v63  }
0x3b3: {  	s16 =	sadd.s32 $0x50, s6;
	s15 =	sld [smem:$0x79B]  }
0x3b4: {  	[hbm4b:s16+s3] =	stream.linear.scatter [tilespmem:s17], [sflag:$0x1], $0x80, $0x38;
	[tilespmem:$0xC040] =	vst v63  }
0x3b5: {  	s16 =	sld [smem:$0x702]  }
0x3b6: {  	s18 =	sadd.s32 $0x60, s6;
	s17 =	sld [smem:$0x703]  }
0x3b7: {  	[hbm4b:s18+s3] =	stream.linear.scatter [tilespmem:s19], [sflag:$0x1], $0x80, $0x38;
	[tilespmem:$0xC040] =	vst v63  }
0x3b8: {  	s22 =	sadd.s32 $0x70, s6;
	s19 =	sld [smem:$0x79C]  }
0x3b9: {  	[hbm4b:s22+s3] =	stream.linear.scatter [tilespmem:s23], [sflag:$0x1], $0x80, $0x38;
	[tilespmem:$0xC040] =	vst v63  }
0x3ba: {  	s23 =	sld [smem:$0x79D]  }
0x3bb: {  	[hbm4b:s24+s3] =	stream.linear.scatter [tilespmem:s25], [sflag:$0x1], $0x80, $0x38;
	[tilespmem:$0xC040] =	vst v63  }
0x3bc: {  	s26 =	sadd.s32 $0x10, s24;
	s25 =	sld [smem:$0x79E]  }
0x3bd: {  	[hbm4b:s26+s3] =	stream.linear.scatter [tilespmem:s28], [sflag:$0x1], $0x80, $0x38;
	[tilespmem:$0xC040] =	vst v63  }
0x3be: {  	s4 =	sadd.s32 $0x20, s24;
	s28 =	sld [smem:$0x79F]  }
0x3bf: {  	[hbm4b:s4+s3] =	stream.linear.scatter [tilespmem:s5], [sflag:$0x1], $0x80, $0x38;
	[tilespmem:$0xC040] =	vst v63  }
0x3c0: {  	s6 =	sadd.s32 $0x30, s24;
	s4 =	sld [smem:$0x7A0]  }
0x3c1: {  	[hbm4b:s6+s3] =	stream.linear.scatter [tilespmem:s7], [sflag:$0x1], $0x80, $0x38;
	[tilespmem:$0xC040] =	vst v63  }
0x3c2: {  	s8 =	sadd.s32 $0x40, s24;
	s6 =	sld [smem:$0x7A1]  }
0x3c3: {  	[hbm4b:s8+s3] =	stream.linear.scatter [tilespmem:s9], [sflag:$0x1], $0x80, $0x38;
	[tilespmem:$0xC040] =	vst v63  }
0x3c4: {  	s8 =	sld [smem:$0x7A2]  }
0x3c5: {  	s10 =	sadd.s32 $0x50, s24;
	s12 =	sadd.s32 $0x60, s24;
	s9 =	sld [smem:$0x704]  }
0x3c6: {  	[hbm4b:s10+s3] =	stream.linear.scatter [tilespmem:s11], [sflag:$0x1], $0x80, $0x38;
	[tilespmem:$0xC040] =	vst v63  }
0x3c7: {  	s14 =	sadd.s32 $0x70, s24;
	s18 =	sadd.s32 $0x10, s16;
	s10 =	sld [smem:$0x705]  }
0x3c8: {  	[hbm4b:s12+s3] =	stream.linear.scatter [tilespmem:s13], [sflag:$0x1], $0x80, $0x38;
	[tilespmem:$0xC040] =	vst v63  }
0x3c9: {  	s2 =	sadd.s32 $0x50, s16;
	s22 =	sadd.s32 $0x20, s16;
	s12 =	sld [smem:$0x7A3]  }
0x3ca: {  	[hbm4b:s14+s3] =	stream.linear.scatter [tilespmem:s15], [sflag:$0x1], $0x80, $0x38;
	[tilespmem:$0xC040] =	vst v63  }
0x3cb: {  	s24 =	sadd.s32 $0x30, s16;
	s26 =	sadd.s32 $0x40, s16;
	s14 =	sld [smem:$0x7A4]  }
0x3cc: {  	[hbm4b:s16+s3] =	stream.linear.scatter [tilespmem:s17], [sflag:$0x1], $0x80, $0x38;
	[tilespmem:$0xC040] =	vst v63  }
0x3cd: {  	s5 =	sadd.s32 $0x60, s16;
	s7 =	sadd.s32 $0x70, s16;
	s16 =	sld [smem:$0x7A5]  }
0x3ce: {  	[hbm4b:s18+s3] =	stream.linear.scatter [tilespmem:s19], [sflag:$0x1], $0x80, $0x38;
	[tilespmem:$0xC040] =	vst v63  }
0x3cf: {  	s18 =	sld [smem:$0x7A6]  }
0x3d0: {  	[hbm4b:s22+s3] =	stream.linear.scatter [tilespmem:s23], [sflag:$0x1], $0x80, $0x38;
	[tilespmem:$0xC040] =	vst v63  }
0x3d1: {  	s22 =	sld [smem:$0x7A7]  }
0x3d2: {  	[hbm4b:s24+s3] =	stream.linear.scatter [tilespmem:s25], [sflag:$0x1], $0x80, $0x38;
	[tilespmem:$0xC040] =	vst v63  }
0x3d3: {  	s24 =	sld [smem:$0x7A8]  }
0x3d4: {  	[hbm4b:s26+s3] =	stream.linear.scatter [tilespmem:s28], [sflag:$0x1], $0x80, $0x38;
	[tilespmem:$0xC040] =	vst v63  }
0x3d5: {  	s26 =	sld [smem:$0x7A9]  }
0x3d6: {  	s28 =	sld [smem:$0x706]  }
0x3d7: {  	[hbm4b:s2+s3] =	stream.linear.scatter [tilespmem:s4], [sflag:$0x1], $0x80, $0x38;
	[tilespmem:$0xC040] =	vst v63  }
0x3d8: {  	s11 =	sadd.s32 $0x10, s9;
	s2 =	sld [smem:$0x707]  }
0x3d9: {  	[hbm4b:s5+s3] =	stream.linear.scatter [tilespmem:s6], [sflag:$0x1], $0x80, $0x38;
	[tilespmem:$0xC040] =	vst v63  }
0x3da: {  	s13 =	sadd.s32 $0x20, s9;
	s15 =	sadd.s32 $0x30, s9;
	s5 =	sld [smem:$0x7AA]  }
0x3db: {  	[hbm4b:s7+s3] =	stream.linear.scatter [tilespmem:s8], [sflag:$0x1], $0x80, $0x38;
	[tilespmem:$0xC040] =	vst v63  }
0x3dc: {  	s17 =	sadd.s32 $0x40, s9;
	s19 =	sadd.s32 $0x50, s9;
	s7 =	sld [smem:$0x7AB]  }
0x3dd: {  	[hbm4b:s9+s3] =	stream.linear.scatter [tilespmem:s10], [sflag:$0x1], $0x80, $0x38;
	[tilespmem:$0xC040] =	vst v63  }
0x3de: {  	s23 =	sadd.s32 $0x60, s9;
	s25 =	sadd.s32 $0x70, s9;
	s9 =	sld [smem:$0x7AC]  }
0x3df: {  	[hbm4b:s11+s3] =	stream.linear.scatter [tilespmem:s12], [sflag:$0x1], $0x80, $0x38;
	[tilespmem:$0xC040] =	vst v63  }
0x3e0: {  	s11 =	sld [smem:$0x7AD]  }
0x3e1: {  	[hbm4b:s13+s3] =	stream.linear.scatter [tilespmem:s14], [sflag:$0x1], $0x80, $0x38;
	[tilespmem:$0xC040] =	vst v63  }
0x3e2: {  	s13 =	sld [smem:$0x7AE]  }
0x3e3: {  	[hbm4b:s15+s3] =	stream.linear.scatter [tilespmem:s16], [sflag:$0x1], $0x80, $0x38;
	[tilespmem:$0xC040] =	vst v63  }
0x3e4: {  	s15 =	sld [smem:$0x7AF]  }
0x3e5: {  	[hbm4b:s17+s3] =	stream.linear.scatter [tilespmem:s18], [sflag:$0x1], $0x80, $0x38;
	[tilespmem:$0xC040] =	vst v63  }
0x3e6: {  	s17 =	sld [smem:$0x7B0]  }
0x3e7: {  	s18 =	sld [smem:$0x708]  }
0x3e8: {  	[hbm4b:s19+s3] =	stream.linear.scatter [tilespmem:s22], [sflag:$0x1], $0x80, $0x38;
	[tilespmem:$0xC040] =	vst v63  }
0x3e9: {  	s4 =	sadd.s32 $0x10, s28;
	s19 =	sld [smem:$0x709]  }
0x3ea: {  	[hbm4b:s23+s3] =	stream.linear.scatter [tilespmem:s24], [sflag:$0x1], $0x80, $0x38;
	[tilespmem:$0xC040] =	vst v63  }
0x3eb: {  	s6 =	sadd.s32 $0x20, s28;
	s8 =	sadd.s32 $0x30, s28;
	s23 =	sld [smem:$0x7B1]  }
0x3ec: {  	[hbm4b:s25+s3] =	stream.linear.scatter [tilespmem:s26], [sflag:$0x1], $0x80, $0x38;
	[tilespmem:$0xC040] =	vst v63  }
0x3ed: {  	s10 =	sadd.s32 $0x40, s28;
	s12 =	sadd.s32 $0x50, s28;
	s25 =	sld [smem:$0x7B2]  }
0x3ee: {  	[hbm4b:s28+s3] =	stream.linear.scatter [tilespmem:s2], [sflag:$0x1], $0x80, $0x38;
	[tilespmem:$0xC040] =	vst v63  }
0x3ef: {  	s14 =	sadd.s32 $0x60, s28;
	s16 =	sadd.s32 $0x70, s28;
	s28 =	sld [smem:$0x7B3]  }
0x3f0: {  	[hbm4b:s4+s3] =	stream.linear.scatter [tilespmem:s5], [sflag:$0x1], $0x80, $0x38;
	[tilespmem:$0xC040] =	vst v63  }
0x3f1: {  	s5 =	sld [smem:$0x7B4]  }
0x3f2: {  	[hbm4b:s6+s3] =	stream.linear.scatter [tilespmem:s7], [sflag:$0x1], $0x80, $0x38;
	[tilespmem:$0xC040] =	vst v63  }
0x3f3: {  	s7 =	sld [smem:$0x7B5]  }
0x3f4: {  	[hbm4b:s8+s3] =	stream.linear.scatter [tilespmem:s9], [sflag:$0x1], $0x80, $0x38;
	[tilespmem:$0xC040] =	vst v63  }
0x3f5: {  	s9 =	sld [smem:$0x7B6]  }
0x3f6: {  	[hbm4b:s10+s3] =	stream.linear.scatter [tilespmem:s11], [sflag:$0x1], $0x80, $0x38;
	[tilespmem:$0xC040] =	vst v63  }
0x3f7: {  	s11 =	sld [smem:$0x7B7]  }
0x3f8: {  	[hbm4b:s12+s3] =	stream.linear.scatter [tilespmem:s13], [sflag:$0x1], $0x80, $0x38;
	[tilespmem:$0xC040] =	vst v63  }
0x3f9: {  	s12 =	sld [smem:$0x70A]  }
0x3fa: {  	s13 =	sld [smem:$0x70B]  }
0x3fb: {  	[hbm4b:s14+s3] =	stream.linear.scatter [tilespmem:s15], [sflag:$0x1], $0x80, $0x38;
	[tilespmem:$0xC040] =	vst v63  }
0x3fc: {  	s15 =	sld [smem:$0x7B8]  }
0x3fd: {  	[hbm4b:s16+s3] =	stream.linear.scatter [tilespmem:s17], [sflag:$0x1], $0x80, $0x38;
	[tilespmem:$0xC040] =	vst v63  }
0x3fe: {  	s17 =	sld [smem:$0x7B9]  }
0x3ff: {  	[hbm4b:s18+s3] =	stream.linear.scatter [tilespmem:s19], [sflag:$0x1], $0x80, $0x38;
	[tilespmem:$0xC040] =	vst v63  }
0x400: {  	s22 =	sadd.s32 $0x10, s18;
	s19 =	sld [smem:$0x7BA]  }
0x401: {  	[hbm4b:s22+s3] =	stream.linear.scatter [tilespmem:s23], [sflag:$0x1], $0x80, $0x38;
	[tilespmem:$0xC040] =	vst v63  }
0x402: {  	s24 =	sadd.s32 $0x20, s18;
	s23 =	sld [smem:$0x7BB]  }
0x403: {  	[hbm4b:s24+s3] =	stream.linear.scatter [tilespmem:s25], [sflag:$0x1], $0x80, $0x38;
	[tilespmem:$0xC040] =	vst v63  }
0x404: {  	s26 =	sadd.s32 $0x30, s18;
	s25 =	sld [smem:$0x7BC]  }
0x405: {  	[hbm4b:s26+s3] =	stream.linear.scatter [tilespmem:s28], [sflag:$0x1], $0x80, $0x38;
	[tilespmem:$0xC040] =	vst v63  }
0x406: {  	s4 =	sadd.s32 $0x40, s18;
	s28 =	sld [smem:$0x7BD]  }
0x407: {  	[hbm4b:s4+s3] =	stream.linear.scatter [tilespmem:s5], [sflag:$0x1], $0x80, $0x38;
	[tilespmem:$0xC040] =	vst v63  }
0x408: {  	s6 =	sadd.s32 $0x50, s18;
	s5 =	sld [smem:$0x7BE]  }
0x409: {  	[hbm4b:s6+s3] =	stream.linear.scatter [tilespmem:s7], [sflag:$0x1], $0x80, $0x38;
	[tilespmem:$0xC040] =	vst v63  }
0x40a: {  	s6 =	sld [smem:$0x70C]  }
0x40b: {  	s8 =	sadd.s32 $0x60, s18;
	s7 =	sld [smem:$0x70D]  }
0x40c: {  	[hbm4b:s8+s3] =	stream.linear.scatter [tilespmem:s9], [sflag:$0x1], $0x80, $0x38;
	[tilespmem:$0xC040] =	vst v63  }
0x40d: {  	s10 =	sadd.s32 $0x70, s18;
	s9 =	sld [smem:$0x7BF]  }
0x40e: {  	[hbm4b:s10+s3] =	stream.linear.scatter [tilespmem:s11], [sflag:$0x1], $0x80, $0x38;
	[tilespmem:$0xC040] =	vst v63  }
0x40f: {  	s11 =	sld [smem:$0x7C0]  }
0x410: {  	[hbm4b:s12+s3] =	stream.linear.scatter [tilespmem:s13], [sflag:$0x1], $0x80, $0x38;
	[tilespmem:$0xC040] =	vst v63  }
0x411: {  	s14 =	sadd.s32 $0x10, s12;
	s13 =	sld [smem:$0x7C1]  }
0x412: {  	[hbm4b:s14+s3] =	stream.linear.scatter [tilespmem:s15], [sflag:$0x1], $0x80, $0x38;
	[tilespmem:$0xC040] =	vst v63  }
0x413: {  	s16 =	sadd.s32 $0x20, s12;
	s15 =	sld [smem:$0x7C2]  }
0x414: {  	[hbm4b:s16+s3] =	stream.linear.scatter [tilespmem:s17], [sflag:$0x1], $0x80, $0x38;
	[tilespmem:$0xC040] =	vst v63  }
0x415: {  	s18 =	sadd.s32 $0x30, s12;
	s17 =	sld [smem:$0x7C3]  }
0x416: {  	[hbm4b:s18+s3] =	stream.linear.scatter [tilespmem:s19], [sflag:$0x1], $0x80, $0x38;
	[tilespmem:$0xC040] =	vst v63  }
0x417: {  	s22 =	sadd.s32 $0x40, s12;
	s19 =	sld [smem:$0x7C4]  }
0x418: {  	[hbm4b:s22+s3] =	stream.linear.scatter [tilespmem:s23], [sflag:$0x1], $0x80, $0x38;
	[tilespmem:$0xC040] =	vst v63  }
0x419: {  	s24 =	sadd.s32 $0x50, s12;
	s23 =	sld [smem:$0x7C5]  }
0x41a: {  	[hbm4b:s24+s3] =	stream.linear.scatter [tilespmem:s25], [sflag:$0x1], $0x80, $0x38;
	[tilespmem:$0xC040] =	vst v63  }
0x41b: {  	s24 =	sld [smem:$0x70E]  }
0x41c: {  	s26 =	sadd.s32 $0x60, s12;
	s25 =	sld [smem:$0x70F]  }
0x41d: {  	[hbm4b:s26+s3] =	stream.linear.scatter [tilespmem:s28], [sflag:$0x1], $0x80, $0x38;
	[tilespmem:$0xC040] =	vst v63  }
0x41e: {  	s4 =	sadd.s32 $0x70, s12;
	s28 =	sld [smem:$0x7C6]  }
0x41f: {  	[hbm4b:s4+s3] =	stream.linear.scatter [tilespmem:s5], [sflag:$0x1], $0x80, $0x38;
	[tilespmem:$0xC040] =	vst v63  }
0x420: {  	s5 =	sld [smem:$0x7C7]  }
0x421: {  	[hbm4b:s6+s3] =	stream.linear.scatter [tilespmem:s7], [sflag:$0x1], $0x80, $0x38;
	[tilespmem:$0xC040] =	vst v63  }
0x422: {  	s8 =	sadd.s32 $0x10, s6;
	s7 =	sld [smem:$0x7C8]  }
0x423: {  	[hbm4b:s8+s3] =	stream.linear.scatter [tilespmem:s9], [sflag:$0x1], $0x80, $0x38;
	[tilespmem:$0xC040] =	vst v63  }
0x424: {  	s10 =	sadd.s32 $0x20, s6;
	s9 =	sld [smem:$0x7C9]  }
0x425: {  	[hbm4b:s10+s3] =	stream.linear.scatter [tilespmem:s11], [sflag:$0x1], $0x80, $0x38;
	[tilespmem:$0xC040] =	vst v63  }
0x426: {  	s12 =	sadd.s32 $0x30, s6;
	s11 =	sld [smem:$0x7CA]  }
0x427: {  	[hbm4b:s12+s3] =	stream.linear.scatter [tilespmem:s13], [sflag:$0x1], $0x80, $0x38;
	[tilespmem:$0xC040] =	vst v63  }
0x428: {  	s14 =	sadd.s32 $0x40, s6;
	s13 =	sld [smem:$0x7CB]  }
0x429: {  	[hbm4b:s14+s3] =	stream.linear.scatter [tilespmem:s15], [sflag:$0x1], $0x80, $0x38;
	[tilespmem:$0xC040] =	vst v63  }
0x42a: {  	s16 =	sadd.s32 $0x50, s6;
	s15 =	sld [smem:$0x7CC]  }
0x42b: {  	[hbm4b:s16+s3] =	stream.linear.scatter [tilespmem:s17], [sflag:$0x1], $0x80, $0x38;
	[tilespmem:$0xC040] =	vst v63  }
0x42c: {  	s16 =	sld [smem:$0x710]  }
0x42d: {  	s18 =	sadd.s32 $0x60, s6;
	s17 =	sld [smem:$0x711]  }
0x42e: {  	[hbm4b:s18+s3] =	stream.linear.scatter [tilespmem:s19], [sflag:$0x1], $0x80, $0x38;
	[tilespmem:$0xC040] =	vst v63  }
0x42f: {  	s22 =	sadd.s32 $0x70, s6;
	s19 =	sld [smem:$0x7CD]  }
0x430: {  	[hbm4b:s22+s3] =	stream.linear.scatter [tilespmem:s23], [sflag:$0x1], $0x80, $0x38;
	[tilespmem:$0xC040] =	vst v63  }
0x431: {  	s23 =	sld [smem:$0x7CE]  }
0x432: {  	[hbm4b:s24+s3] =	stream.linear.scatter [tilespmem:s25], [sflag:$0x1], $0x80, $0x38;
	[tilespmem:$0xC040] =	vst v63  }
0x433: {  	s26 =	sadd.s32 $0x10, s24;
	s25 =	sld [smem:$0x7CF]  }
0x434: {  	[hbm4b:s26+s3] =	stream.linear.scatter [tilespmem:s28], [sflag:$0x1], $0x80, $0x38;
	[tilespmem:$0xC040] =	vst v63  }
0x435: {  	s4 =	sadd.s32 $0x20, s24;
	s28 =	sld [smem:$0x7D0]  }
0x436: {  	[hbm4b:s4+s3] =	stream.linear.scatter [tilespmem:s5], [sflag:$0x1], $0x80, $0x38;
	[tilespmem:$0xC040] =	vst v63  }
0x437: {  	s6 =	sadd.s32 $0x30, s24;
	s4 =	sld [smem:$0x7D1]  }
0x438: {  	[hbm4b:s6+s3] =	stream.linear.scatter [tilespmem:s7], [sflag:$0x1], $0x80, $0x38;
	[tilespmem:$0xC040] =	vst v63  }
0x439: {  	s8 =	sadd.s32 $0x40, s24;
	s6 =	sld [smem:$0x7D2]  }
0x43a: {  	[hbm4b:s8+s3] =	stream.linear.scatter [tilespmem:s9], [sflag:$0x1], $0x80, $0x38;
	[tilespmem:$0xC040] =	vst v63  }
0x43b: {  	s8 =	sld [smem:$0x7D3]  }
0x43c: {  	s10 =	sadd.s32 $0x50, s24;
	s12 =	sadd.s32 $0x60, s24;
	s9 =	sld [smem:$0x712]  }
0x43d: {  	[hbm4b:s10+s3] =	stream.linear.scatter [tilespmem:s11], [sflag:$0x1], $0x80, $0x38;
	[tilespmem:$0xC040] =	vst v63  }
0x43e: {  	s14 =	sadd.s32 $0x70, s24;
	s18 =	sadd.s32 $0x10, s16;
	s10 =	sld [smem:$0x713]  }
0x43f: {  	[hbm4b:s12+s3] =	stream.linear.scatter [tilespmem:s13], [sflag:$0x1], $0x80, $0x38;
	[tilespmem:$0xC040] =	vst v63  }
0x440: {  	s2 =	sadd.s32 $0x50, s16;
	s22 =	sadd.s32 $0x20, s16;
	s12 =	sld [smem:$0x7D4]  }
0x441: {  	[hbm4b:s14+s3] =	stream.linear.scatter [tilespmem:s15], [sflag:$0x1], $0x80, $0x38;
	[tilespmem:$0xC040] =	vst v63  }
0x442: {  	s24 =	sadd.s32 $0x30, s16;
	s26 =	sadd.s32 $0x40, s16;
	s14 =	sld [smem:$0x7D5]  }
0x443: {  	[hbm4b:s16+s3] =	stream.linear.scatter [tilespmem:s17], [sflag:$0x1], $0x80, $0x38;
	[tilespmem:$0xC040] =	vst v63  }
0x444: {  	s5 =	sadd.s32 $0x60, s16;
	s7 =	sadd.s32 $0x70, s16;
	s16 =	sld [smem:$0x7D6]  }
0x445: {  	[hbm4b:s18+s3] =	stream.linear.scatter [tilespmem:s19], [sflag:$0x1], $0x80, $0x38;
	[tilespmem:$0xC040] =	vst v63  }
0x446: {  	s18 =	sld [smem:$0x7D7]  }
0x447: {  	[hbm4b:s22+s3] =	stream.linear.scatter [tilespmem:s23], [sflag:$0x1], $0x80, $0x38;
	[tilespmem:$0xC040] =	vst v63  }
0x448: {  	s22 =	sld [smem:$0x7D8]  }
0x449: {  	[hbm4b:s24+s3] =	stream.linear.scatter [tilespmem:s25], [sflag:$0x1], $0x80, $0x38;
	[tilespmem:$0xC040] =	vst v63  }
0x44a: {  	s24 =	sld [smem:$0x7D9]  }
0x44b: {  	[hbm4b:s26+s3] =	stream.linear.scatter [tilespmem:s28], [sflag:$0x1], $0x80, $0x38;
	[tilespmem:$0xC040] =	vst v63  }
0x44c: {  	s26 =	sld [smem:$0x7DA]  }
0x44d: {  	s28 =	sld [smem:$0x714]  }
0x44e: {  	[hbm4b:s2+s3] =	stream.linear.scatter [tilespmem:s4], [sflag:$0x1], $0x80, $0x38;
	[tilespmem:$0xC040] =	vst v63  }
0x44f: {  	s11 =	sadd.s32 $0x10, s9;
	s2 =	sld [smem:$0x715]  }
0x450: {  	[hbm4b:s5+s3] =	stream.linear.scatter [tilespmem:s6], [sflag:$0x1], $0x80, $0x38;
	[tilespmem:$0xC040] =	vst v63  }
0x451: {  	s13 =	sadd.s32 $0x20, s9;
	s15 =	sadd.s32 $0x30, s9;
	s5 =	sld [smem:$0x7DB]  }
0x452: {  	[hbm4b:s7+s3] =	stream.linear.scatter [tilespmem:s8], [sflag:$0x1], $0x80, $0x38;
	[tilespmem:$0xC040] =	vst v63  }
0x453: {  	s17 =	sadd.s32 $0x40, s9;
	s19 =	sadd.s32 $0x50, s9;
	s7 =	sld [smem:$0x7DC]  }
0x454: {  	[hbm4b:s9+s3] =	stream.linear.scatter [tilespmem:s10], [sflag:$0x1], $0x80, $0x38;
	[tilespmem:$0xC040] =	vst v63  }
0x455: {  	s23 =	sadd.s32 $0x60, s9;
	s25 =	sadd.s32 $0x70, s9;
	s9 =	sld [smem:$0x7DD]  }
0x456: {  	[hbm4b:s11+s3] =	stream.linear.scatter [tilespmem:s12], [sflag:$0x1], $0x80, $0x38;
	[tilespmem:$0xC040] =	vst v63  }
0x457: {  	s11 =	sld [smem:$0x7DE]  }
0x458: {  	[hbm4b:s13+s3] =	stream.linear.scatter [tilespmem:s14], [sflag:$0x1], $0x80, $0x38;
	[tilespmem:$0xC040] =	vst v63  }
0x459: {  	s13 =	sld [smem:$0x7DF]  }
0x45a: {  	[hbm4b:s15+s3] =	stream.linear.scatter [tilespmem:s16], [sflag:$0x1], $0x80, $0x38;
	[tilespmem:$0xC040] =	vst v63  }
0x45b: {  	s15 =	sld [smem:$0x7E0]  }
0x45c: {  	[hbm4b:s17+s3] =	stream.linear.scatter [tilespmem:s18], [sflag:$0x1], $0x80, $0x38;
	[tilespmem:$0xC040] =	vst v63  }
0x45d: {  	s17 =	sld [smem:$0x7E1]  }
0x45e: {  	[hbm4b:s19+s3] =	stream.linear.scatter [tilespmem:s22], [sflag:$0x1], $0x80, $0x38;
	[tilespmem:$0xC040] =	vst v63  }
0x45f: {  	s18 =	sld [smem:$0x716]  }
0x460: {  	[hbm4b:s23+s3] =	stream.linear.scatter [tilespmem:s24], [sflag:$0x1], $0x80, $0x38;
	[tilespmem:$0xC040] =	vst v63  }
0x461: {  	s4 =	sadd.s32 $0x10, s28;
	s19 =	sld [smem:$0x717]  }
0x462: {  	[hbm4b:s25+s3] =	stream.linear.scatter [tilespmem:s26], [sflag:$0x1], $0x80, $0x38;
	[tilespmem:$0xC040] =	vst v63  }
0x463: {  	s6 =	sadd.s32 $0x20, s28;
	s8 =	sadd.s32 $0x30, s28;
	s23 =	sld [smem:$0x7E2]  }
0x464: {  	[hbm4b:s28+s3] =	stream.linear.scatter [tilespmem:s2], [sflag:$0x1], $0x80, $0x38;
	[tilespmem:$0xC040] =	vst v63  }
0x465: {  	s10 =	sadd.s32 $0x40, s28;
	s12 =	sadd.s32 $0x50, s28;
	s25 =	sld [smem:$0x7E3]  }
0x466: {  	[hbm4b:s4+s3] =	stream.linear.scatter [tilespmem:s5], [sflag:$0x1], $0x80, $0x38;
	[tilespmem:$0xC040] =	vst v63  }
0x467: {  	s14 =	sadd.s32 $0x60, s28;
	s16 =	sadd.s32 $0x70, s28;
	s28 =	sld [smem:$0x7E4]  }
0x468: {  	[hbm4b:s6+s3] =	stream.linear.scatter [tilespmem:s7], [sflag:$0x1], $0x80, $0x38;
	[tilespmem:$0xC040] =	vst v63  }
0x469: {  	s2 =	sld [smem:$0x7EF]  }
0x46a: {  	[hbm4b:s8+s3] =	stream.linear.scatter [tilespmem:s9], [sflag:$0x1], $0x80, $0x38;
	[tilespmem:$0xC040] =	vst v63  }
0x46b: {  	s5 =	sld [smem:$0x7E5]  }
0x46c: {  	[hbm4b:s10+s3] =	stream.linear.scatter [tilespmem:s11], [sflag:$0x1], $0x80, $0x38;
	[tilespmem:$0xC040] =	vst v63  }
0x46d: {  	s7 =	sld [smem:$0x7E6]  }
0x46e: {  	[hbm4b:s12+s3] =	stream.linear.scatter [tilespmem:s13], [sflag:$0x1], $0x80, $0x38;
	[tilespmem:$0xC040] =	vst v63  }
0x46f: {  	s9 =	sld [smem:$0x7E7]  }
0x470: {  	[hbm4b:s14+s3] =	stream.linear.scatter [tilespmem:s15], [sflag:$0x1], $0x80, $0x38;
	[tilespmem:$0xC040] =	vst v63  }
0x471: {  	s11 =	sld [smem:$0x7E8]  }
0x472: {  	[hbm4b:s16+s3] =	stream.linear.scatter [tilespmem:s17], [sflag:$0x1], $0x80, $0x38;
	[tilespmem:$0xC040] =	vst v63  }
0x473: {  	s12 =	sld [smem:$0x718]  }
0x474: {  	[hbm4b:s18+s3] =	stream.linear.scatter [tilespmem:s19], [sflag:$0x1], $0x80, $0x38;
	[tilespmem:$0xC040] =	vst v63  }
0x475: {  	s22 =	sadd.s32 $0x10, s18;
	s13 =	sld [smem:$0x719]  }
0x476: {  	[hbm4b:s22+s3] =	stream.linear.scatter [tilespmem:s23], [sflag:$0x1], $0x80, $0x38;
	[tilespmem:$0xC040] =	vst v63  }
0x477: {  	s24 =	sadd.s32 $0x20, s18;
	s15 =	sld [smem:$0x7E9]  }
0x478: {  	[hbm4b:s24+s3] =	stream.linear.scatter [tilespmem:s25], [sflag:$0x1], $0x80, $0x38;
	[tilespmem:$0xC040] =	vst v63  }
0x479: {  	s26 =	sadd.s32 $0x30, s18;
	s17 =	sld [smem:$0x7EA]  }
0x47a: {  	[hbm4b:s26+s3] =	stream.linear.scatter [tilespmem:s28], [sflag:$0x1], $0x80, $0x38;
	[tilespmem:$0xC040] =	vst v63  }
0x47b: {  	s4 =	sadd.s32 $0x40, s18;
	s19 =	sld [smem:$0x7EB]  }
0x47c: {  	[hbm4b:s4+s3] =	stream.linear.scatter [tilespmem:s5], [sflag:$0x1], $0x80, $0x38;
	[tilespmem:$0xC040] =	vst v63  }
0x47d: {  	s6 =	sadd.s32 $0x50, s18;
	s23 =	sld [smem:$0x7EC]  }
0x47e: {  	[hbm4b:s6+s3] =	stream.linear.scatter [tilespmem:s7], [sflag:$0x1], $0x80, $0x38;
	[tilespmem:$0xC040] =	vst v63  }
0x47f: {  	s8 =	sadd.s32 $0x60, s18;
	s25 =	sld [smem:$0x7ED]  }
0x480: {  	[hbm4b:s8+s3] =	stream.linear.scatter [tilespmem:s9], [sflag:$0x1], $0x80, $0x38;
	[tilespmem:$0xC040] =	vst v63  }
0x481: {  	s10 =	sadd.s32 $0x70, s18;
	s28 =	sld [smem:$0x7EE]  }
0x482: {  	[hbm4b:s10+s3] =	stream.linear.scatter [tilespmem:s11], [sflag:$0x1], $0x80, $0x38;
	[tilespmem:$0xC040] =	vst v63  }
0x483: {  	s4 =	sld [smem:$0x71A]  }
0x484: {  	[hbm4b:s12+s3] =	stream.linear.scatter [tilespmem:s13], [sflag:$0x1], $0x80, $0x38;
	[tilespmem:$0xC040] =	vst v63  }
0x485: {  	s14 =	sadd.s32 $0x10, s12;
	s5 =	sld [smem:$0x71B]  }
0x486: {  	[hbm4b:s14+s3] =	stream.linear.scatter [tilespmem:s15], [sflag:$0x1], $0x80, $0x38;
	[tilespmem:$0xC040] =	vst v63  }
0x487: {  	s16 =	sadd.s32 $0x20, s12;
	s7 =	sld [smem:$0x7F0]  }
0x488: {  	[hbm4b:s16+s3] =	stream.linear.scatter [tilespmem:s17], [sflag:$0x1], $0x80, $0x38;
	[tilespmem:$0xC040] =	vst v63  }
0x489: {  	s18 =	sadd.s32 $0x30, s12;
	s9 =	sld [smem:$0x7F1]  }
0x48a: {  	[hbm4b:s18+s3] =	stream.linear.scatter [tilespmem:s19], [sflag:$0x1], $0x80, $0x38;
	[tilespmem:$0xC040] =	vst v63  }
0x48b: {  	s22 =	sadd.s32 $0x40, s12;
	s11 =	sld [smem:$0x7F2]  }
0x48c: {  	[hbm4b:s22+s3] =	stream.linear.scatter [tilespmem:s23], [sflag:$0x1], $0x80, $0x38;
	[tilespmem:$0xC040] =	vst v63  }
0x48d: {  	s24 =	sadd.s32 $0x50, s12;
	s13 =	sld [smem:$0x7F3]  }
0x48e: {  	[hbm4b:s24+s3] =	stream.linear.scatter [tilespmem:s25], [sflag:$0x1], $0x80, $0x38;
	[tilespmem:$0xC040] =	vst v63  }
0x48f: {  	s26 =	sadd.s32 $0x60, s12;
	s15 =	sld [smem:$0x7F4]  }
0x490: {  	[hbm4b:s26+s3] =	stream.linear.scatter [tilespmem:s28], [sflag:$0x1], $0x80, $0x38;
	[tilespmem:$0xC040] =	vst v63  }
0x491: {  	s1 =	sadd.s32 $0x70, s12;
	s17 =	sld [smem:$0x7F5]  }
0x492: {  	[hbm4b:s1+s3] =	stream.linear.scatter [tilespmem:s2], [sflag:$0x1], $0x80, $0x38;
	[tilespmem:$0xC040] =	vst v63  }
0x493: {  	s19 =	sld [smem:$0x7F6]  }
0x494: {  	[hbm4b:s4+s3] =	stream.linear.scatter [tilespmem:s5], [sflag:$0x1], $0x80, $0x38;
	[tilespmem:$0xC040] =	vst v63  }
0x495: {  	s6 =	sadd.s32 $0x10, s4;
	s22 =	sld [smem:$0x71C]  }
0x496: {  	[hbm4b:s6+s3] =	stream.linear.scatter [tilespmem:s7], [sflag:$0x1], $0x80, $0x38;
	[tilespmem:$0xC040] =	vst v63  }
0x497: {  	s31 =	simm.s32 $0x37;
	s8 =	sadd.s32 $0x20, s4;
	s23 =	sld [smem:$0x71D]  }
0x498: {  	[hbm4b:s8+s3] =	stream.linear.scatter [tilespmem:s9], [sflag:$0x1], $0x80, $0x38;
	[tilespmem:$0xC040] =	vst v63  }
0x499: {  	s10 =	sadd.s32 $0x30, s4;
	s12 =	sadd.s32 $0x40, s4;
	s25 =	sld [smem:$0x7F7]  }
0x49a: {  	[hbm4b:s10+s3] =	stream.linear.scatter [tilespmem:s11], [sflag:$0x1], $0x80, $0x38;
	[tilespmem:$0xC040] =	vst v63  }
0x49b: {  	s14 =	sadd.s32 $0x50, s4;
	s16 =	sadd.s32 $0x60, s4;
	s28 =	sld [smem:$0x7F8]  }
0x49c: {  	[hbm4b:s12+s3] =	stream.linear.scatter [tilespmem:s13], [sflag:$0x1], $0x80, $0x38;
	[tilespmem:$0xC040] =	vst v63  }
0x49d: {  	s18 =	sadd.s32 $0x70, s4;
	s24 =	sadd.s32 $0x10, s22;
	s4 =	sld [smem:$0x7F9]  }
0x49e: {  	[hbm4b:s14+s3] =	stream.linear.scatter [tilespmem:s15], [sflag:$0x1], $0x80, $0x38;
	[tilespmem:$0xC040] =	vst v63  }
0x49f: {  	s26 =	sadd.s32 $0x20, s22;
	s2 =	sadd.s32 $0x30, s22;
	s6 =	sld [smem:$0x7FA]  }
0x4a0: {  	[hbm4b:s16+s3] =	stream.linear.scatter [tilespmem:s17], [sflag:$0x1], $0x80, $0x38;
	[tilespmem:$0xC040] =	vst v63  }
0x4a1: {  	s5 =	sadd.s32 $0x40, s22;
	s7 =	sadd.s32 $0x50, s22;
	s8 =	sld [smem:$0x7FB]  }
0x4a2: {  	[hbm4b:s18+s3] =	stream.linear.scatter [tilespmem:s19], [sflag:$0x1], $0x80, $0x38;
	[tilespmem:$0xC040] =	vst v63  }
0x4a3: {  	s9 =	sadd.s32 $0x60, s22;
	s10 =	sld [smem:$0x7FC];
	s11 =	sadd.s32 $0x70, s22  }
0x4a4: {  	[hbm4b:s22+s3] =	stream.linear.scatter [tilespmem:s23], [sflag:$0x1], $0x80, $0x38;
	[tilespmem:$0xC040] =	vst v63  }
0x4a5: {  	s12 =	sld [smem:$0x7FD];
	s13 =	simm.s32 $0x1380;
	s14 =	simm.s32 $0x1280  }
0x4a6: {  	[hbm4b:s24+s3] =	stream.linear.scatter [tilespmem:s25], [sflag:$0x1], $0x80, $0x38;
	[tilespmem:$0xC040] =	vst v63  }
0x4a7: {  	s15 =	sadd.s32 $0x2, s21;
	s0 =	sand.u32 $0x680, s14;
	s17 =	simm.s32 $0x0  }
0x4a8: {  	[hbm4b:s26+s3] =	stream.linear.scatter [tilespmem:s28], [sflag:$0x1], $0x80, $0x38;
	[tilespmem:$0xC040] =	vst v63  }
0x4a9: {  	s14 =	sadd.s32 $0x2, s21;
	s1 =	sand.u32 $0x400, s17;
	s18 =	sadd.s32 $0x10, s20  }
0x4aa: {  	[hbm4b:s2+s3] =	stream.linear.scatter [tilespmem:s4], [sflag:$0x1], $0x80, $0x38;
	[tilespmem:$0xC040] =	vst v63  }
0x4ab: {  	s16 =	sadd.s32 $0x10, s20;
	s25 =	simm.s32 $0x1080;
	s2 =	ssub.s32 s1, s18  }
0x4ac: {  	s4 =	ssub.s32 s0, s16;
	s16 =	sadd.s32 $0x10, s20;
	s22 =	sadd.s32 $0x4818, s2  }
0x4ad: {  	[hbm4b:s5+s3] =	stream.linear.scatter [tilespmem:s6], [sflag:$0x1], $0x80, $0x38;
	[tilespmem:$0xC040] =	vst v63  }
0x4ae: {  	s23 =	sadd.s32 $0xA818, s2;
	s24 =	sadd.s32 $0x5818, s2;
	s26 =	sadd.s32 $0x6818, s2  }
0x4af: {  	[hbm4b:s7+s3] =	stream.linear.scatter [tilespmem:s8], [sflag:$0x1], $0x80, $0x38;
	[tilespmem:$0xC040] =	vst v63  }
0x4b0: {  	s28 =	sadd.s32 $0x7818, s2;
	s17 =	sadd.s32 $0x9818, s2;
	s6 =	sadd.s32 $0x2, s21  }
0x4b1: {  	[hbm4b:s9+s3] =	stream.linear.scatter [tilespmem:s10], [sflag:$0x1], $0x80, $0x38;
	[tilespmem:$0xC040] =	vst v63  }
0x4b2: {  	s6 =	sshll.u32 s6, $0xB;
	s8 =	sand.u32 $0x780, s13;
	s7 =	sadd.s32 s30, s1  }
0x4b3: {  	[hbm4b:s11+s3] =	stream.linear.scatter [tilespmem:s12], [sflag:$0x1], $0x80, $0x38;
	[tilespmem:$0xC040] =	vst v63  }
0x4b4: {  	s1 =	sadd.s32 s30, s0;
	s19 =	sadd.s32 s6, s7;
	s7 =	sand.u32 $0x480, s25  }
0x4b5: {  	[hbm4b:s19+s3] =	stream.linear.scatter [tilespmem:s22], [sflag:$0x1], $0x80, $0x38;
	[tilespmem:$0xC040] =	vst v63  }
0x4b6: {  	s25 =	simm.s32 $0x1780;
	s9 =	sshll.u32 s15, $0xB;
	s10 =	sadd.s32 $0x10, s19  }
0x4b7: {  	[hbm4b:s10+s3] =	stream.linear.scatter [tilespmem:s24], [sflag:$0x1], $0x80, $0x38;
	[tilespmem:$0xC040] =	vst v63  }
0x4b8: {  	s5 =	sadd.s32 $0x50, s19;
	s15 =	sadd.s32 $0x8818, s2;
	s11 =	sadd.s32 $0x20, s19  }
0x4b9: {  	[hbm4b:s11+s3] =	stream.linear.scatter [tilespmem:s26], [sflag:$0x1], $0x80, $0x38;
	[tilespmem:$0xC040] =	vst v63  }
0x4ba: {  	s13 =	sadd.s32 $0x40, s19;
	s18 =	sadd.s32 $0x60, s19;
	s12 =	sadd.s32 $0x30, s19  }
0x4bb: {  	[hbm4b:s12+s3] =	stream.linear.scatter [tilespmem:s28], [sflag:$0x1], $0x80, $0x38;
	[tilespmem:$0xC040] =	vst v63  }
0x4bc: {  	s2 =	sadd.s32 $0xB818, s2;
	s0 =	sadd.s32 $0x70, s19;
	s1 =	sadd.s32 s9, s1  }
0x4bd: {  	[hbm4b:s13+s3] =	stream.linear.scatter [tilespmem:s15], [sflag:$0x1], $0x80, $0x38;
	[tilespmem:$0xC040] =	vst v63  }
0x4be: {  	s19 =	sadd.s32 s30, s7;
	s7 =	ssub.s32 s7, s16;
	s16 =	sadd.s32 $0x2, s21  }
0x4bf: {  	[hbm4b:s5+s3] =	stream.linear.scatter [tilespmem:s17], [sflag:$0x1], $0x80, $0x38;
	[tilespmem:$0xC040] =	vst v63  }
0x4c0: {  	s22 =	sadd.s32 $0x4818, s7;
	s10 =	sshll.u32 s14, $0xB;
	s24 =	sadd.s32 $0x5818, s7  }
0x4c1: {  	[hbm4b:s18+s3] =	stream.linear.scatter [tilespmem:s23], [sflag:$0x1], $0x80, $0x38;
	[tilespmem:$0xC040] =	vst v63  }
0x4c2: {  	s14 =	sadd.s32 $0x7818, s7;
	s26 =	sadd.s32 $0x6818, s7;
	s23 =	simm.s32 $0x1100  }
0x4c3: {  	[hbm4b:s0+s3] =	stream.linear.scatter [tilespmem:s2], [sflag:$0x1], $0x80, $0x38;
	[tilespmem:$0xC040] =	vst v63  }
0x4c4: {  	s17 =	sadd.s32 $0x8818, s7;
	s0 =	sadd.s32 s10, s19;
	s2 =	sand.u32 $0x500, s23  }
0x4c5: {  	[hbm4b:s0+s3] =	stream.linear.scatter [tilespmem:s22], [sflag:$0x1], $0x80, $0x38;
	[tilespmem:$0xC040] =	vst v63  }
0x4c6: {  	s19 =	sadd.s32 $0x9818, s7;
	s23 =	sadd.s32 $0x10, s20;
	s10 =	sadd.s32 $0x10, s0  }
0x4c7: {  	[hbm4b:s10+s3] =	stream.linear.scatter [tilespmem:s24], [sflag:$0x1], $0x80, $0x38;
	[tilespmem:$0xC040] =	vst v63  }
0x4c8: {  	s28 =	sadd.s32 $0x20, s0;
	s5 =	sadd.s32 s30, s2;
	s15 =	sadd.s32 $0x30, s0  }
0x4c9: {  	[hbm4b:s28+s3] =	stream.linear.scatter [tilespmem:s26], [sflag:$0x1], $0x80, $0x38;
	[tilespmem:$0xC040] =	vst v63  }
0x4ca: {  	s18 =	sadd.s32 $0x40, s0;
	s2 =	ssub.s32 s2, s23;
	s22 =	sadd.s32 $0x50, s0  }
0x4cb: {  	[hbm4b:s15+s3] =	stream.linear.scatter [tilespmem:s14], [sflag:$0x1], $0x80, $0x38;
	[tilespmem:$0xC040] =	vst v63  }
0x4cc: {  	s12 =	sadd.s32 $0x5818, s2;
	s10 =	sshll.u32 s16, $0xB;
	s24 =	sadd.s32 $0xA818, s7  }
0x4cd: {  	[hbm4b:s18+s3] =	stream.linear.scatter [tilespmem:s17], [sflag:$0x1], $0x80, $0x38;
	[tilespmem:$0xC040] =	vst v63  }
0x4ce: {  	s7 =	sadd.s32 $0xB818, s7;
	s16 =	sadd.s32 $0x7818, s2;
	s6 =	sadd.s32 s10, s5  }
0x4cf: {  	[hbm4b:s22+s3] =	stream.linear.scatter [tilespmem:s19], [sflag:$0x1], $0x80, $0x38;
	[tilespmem:$0xC040] =	vst v63  }
0x4d0: {  	s5 =	sadd.s32 $0x2, s21;
	s10 =	sadd.s32 $0x10, s20;
	s26 =	sadd.s32 $0x60, s0  }
0x4d1: {  	[hbm4b:s26+s3] =	stream.linear.scatter [tilespmem:s24], [sflag:$0x1], $0x80, $0x38;
	[tilespmem:$0xC040] =	vst v63  }
0x4d2: {  	s0 =	sadd.s32 $0x70, s0;
	s28 =	sadd.s32 $0x4818, s2;
	s13 =	sadd.s32 $0x10, s6  }
0x4d3: {  	[hbm4b:s0+s3] =	stream.linear.scatter [tilespmem:s7], [sflag:$0x1], $0x80, $0x38;
	[tilespmem:$0xC040] =	vst v63  }
0x4d4: {  	s23 =	sadd.s32 $0x70, s6;
	s14 =	sadd.s32 $0x6818, s2;
	s15 =	sadd.s32 $0x20, s6  }
0x4d5: {  	[hbm4b:s6+s3] =	stream.linear.scatter [tilespmem:s28], [sflag:$0x1], $0x80, $0x38;
	[tilespmem:$0xC040] =	vst v63  }
0x4d6: {  	s17 =	sadd.s32 $0x30, s6;
	s18 =	sadd.s32 $0x60, s6;
	s19 =	sadd.s32 $0x8818, s2  }
0x4d7: {  	[hbm4b:s13+s3] =	stream.linear.scatter [tilespmem:s12], [sflag:$0x1], $0x80, $0x38;
	[tilespmem:$0xC040] =	vst v63  }
0x4d8: {  	s22 =	sadd.s32 $0x40, s6;
	s24 =	sadd.s32 $0x9818, s2;
	s0 =	simm.s32 $0x1300  }
0x4d9: {  	[hbm4b:s15+s3] =	stream.linear.scatter [tilespmem:s14], [sflag:$0x1], $0x80, $0x38;
	[tilespmem:$0xC040] =	vst v63  }
0x4da: {  	s26 =	simm.s32 $0x1180;
	s7 =	sshll.u32 s5, $0xB;
	s0 =	sand.u32 $0x700, s0  }
0x4db: {  	[hbm4b:s17+s3] =	stream.linear.scatter [tilespmem:s16], [sflag:$0x1], $0x80, $0x38;
	[tilespmem:$0xC040] =	vst v63  }
0x4dc: {  	s6 =	sadd.s32 $0x50, s6;
	s28 =	sadd.s32 $0xA818, s2;
	s14 =	sadd.s32 $0x2, s21  }
0x4dd: {  	[hbm4b:s22+s3] =	stream.linear.scatter [tilespmem:s19], [sflag:$0x1], $0x80, $0x38;
	[tilespmem:$0xC040] =	vst v63  }
0x4de: {  	s2 =	sadd.s32 $0xB818, s2;
	s5 =	sshll.u32 s14, $0xB;
	s14 =	sadd.s32 $0x10, s20  }
0x4df: {  	[hbm4b:s6+s3] =	stream.linear.scatter [tilespmem:s24], [sflag:$0x1], $0x80, $0x38;
	[tilespmem:$0xC040] =	vst v63  }
0x4e0: {  	s16 =	sadd.s32 $0x2, s21;
	s19 =	sadd.s32 s30, s0;
	s6 =	sand.u32 $0x580, s26  }
0x4e1: {  	s7 =	sadd.s32 s7, s19;
	s15 =	sadd.s32 s30, s6;
	s13 =	ssub.s32 s6, s14  }
0x4e2: {  	[hbm4b:s18+s3] =	stream.linear.scatter [tilespmem:s28], [sflag:$0x1], $0x80, $0x38;
	[tilespmem:$0xC040] =	vst v63  }
0x4e3: {  	s6 =	sadd.s32 $0x4818, s13;
	s17 =	sadd.s32 $0x5818, s13;
	s22 =	sadd.s32 $0x6818, s13  }
0x4e4: {  	[hbm4b:s23+s3] =	stream.linear.scatter [tilespmem:s2], [sflag:$0x1], $0x80, $0x38;
	[tilespmem:$0xC040] =	vst v63  }
0x4e5: {  	s26 =	sadd.s32 $0x8818, s13;
	s19 =	sadd.s32 $0xB818, s13;
	s2 =	sadd.s32 s5, s15  }
0x4e6: {  	[hbm4b:s2+s3] =	stream.linear.scatter [tilespmem:s6], [sflag:$0x1], $0x80, $0x38;
	[tilespmem:$0xC040] =	vst v63  }
0x4e7: {  	s23 =	sadd.s32 $0x7818, s13;
	s5 =	sadd.s32 $0x10, s20;
	s18 =	sadd.s32 $0x10, s2  }
0x4e8: {  	[hbm4b:s18+s3] =	stream.linear.scatter [tilespmem:s17], [sflag:$0x1], $0x80, $0x38;
	[tilespmem:$0xC040] =	vst v63  }
0x4e9: {  	s14 =	sadd.s32 $0x20, s2;
	s24 =	sadd.s32 $0x30, s2;
	s28 =	sadd.s32 $0x40, s2  }
0x4ea: {  	[hbm4b:s14+s3] =	stream.linear.scatter [tilespmem:s22], [sflag:$0x1], $0x80, $0x38;
	[tilespmem:$0xC040] =	vst v63  }
0x4eb: {  	s15 =	sadd.s32 $0x50, s2;
	s6 =	ssub.s32 s0, s10;
	s0 =	simm.s32 $0x2F  }
0x4ec: {  	[hbm4b:s24+s3] =	stream.linear.scatter [tilespmem:s23], [sflag:$0x1], $0x80, $0x38;
	[tilespmem:$0xC040] =	vst v63  }
0x4ed: {  	s17 =	sadd.s32 $0x60, s2;
	s18 =	simm.s32 $0x1200;
	s2 =	sadd.s32 $0x70, s2  }
0x4ee: {  	[hbm4b:s28+s3] =	stream.linear.scatter [tilespmem:s26], [sflag:$0x1], $0x80, $0x38;
	[tilespmem:$0xC040] =	vst v63  }
0x4ef: {  	s10 =	sand.u32 $0x600, s18;
	s14 =	sadd.s32 $0x9818, s13;
	s22 =	sadd.s32 $0x2, s21  }
0x4f0: {  	[hbm4b:s15+s3] =	stream.linear.scatter [tilespmem:s14], [sflag:$0x1], $0x80, $0x38;
	[tilespmem:$0xC040] =	vst v63  }
0x4f1: {  	s23 =	sadd.s32 $0x10, s20;
	s14 =	sshll.u32 s16, $0xB;
	s16 =	sadd.s32 $0xA818, s13  }
0x4f2: {  	[hbm4b:s17+s3] =	stream.linear.scatter [tilespmem:s16], [sflag:$0x1], $0x80, $0x38;
	[tilespmem:$0xC040] =	vst v63  }
0x4f3: {  	s24 =	sadd.s32 s30, s10;
	s11 =	ssub.s32 s10, s23;
	s23 =	sadd.s32 $0x2, s21  }
0x4f4: {  	[hbm4b:s2+s3] =	stream.linear.scatter [tilespmem:s19], [sflag:$0x1], $0x80, $0x38;
	[tilespmem:$0xC040] =	vst v63  }
0x4f5: {  	s26 =	sadd.s32 $0x4818, s11;
	s28 =	sadd.s32 $0x5818, s11;
	s2 =	sshll.u32 s22, $0xB  }
0x4f6: {  	s18 =	sadd.s32 $0x8818, s11;
	s15 =	sadd.s32 $0x7818, s11;
	s2 =	sadd.s32 s2, s24  }
0x4f7: {  	[hbm4b:s2+s3] =	stream.linear.scatter [tilespmem:s26], [sflag:$0x1], $0x80, $0x38;
	[tilespmem:$0xC040] =	vst v63  }
0x4f8: {  	s13 =	sadd.s32 $0x4818, s4;
	s17 =	simm.s32 $0x1680;
	s12 =	sadd.s32 $0x10, s2  }
0x4f9: {  	[hbm4b:s12+s3] =	stream.linear.scatter [tilespmem:s28], [sflag:$0x1], $0x80, $0x38;
	[tilespmem:$0xC040] =	vst v63  }
0x4fa: {  	s19 =	ssub.s32 s8, s5;
	s5 =	sadd.s32 $0x6818, s11;
	s10 =	sadd.s32 $0x20, s2  }
0x4fb: {  	[hbm4b:s10+s3] =	stream.linear.scatter [tilespmem:s5], [sflag:$0x1], $0x80, $0x38;
	[tilespmem:$0xC040] =	vst v63  }
0x4fc: {  	s22 =	sadd.s32 $0x9818, s19;
	s24 =	sadd.s32 $0x9818, s11;
	s16 =	sadd.s32 $0x30, s2  }
0x4fd: {  	[hbm4b:s16+s3] =	stream.linear.scatter [tilespmem:s15], [sflag:$0x1], $0x80, $0x38;
	[tilespmem:$0xC040] =	vst v63  }
0x4fe: {  	s26 =	sadd.s32 $0xA818, s11;
	s11 =	sadd.s32 $0xB818, s11;
	s15 =	sadd.s32 $0x40, s2  }
0x4ff: {  	[hbm4b:s15+s3] =	stream.linear.scatter [tilespmem:s18], [sflag:$0x1], $0x80, $0x38;
	[tilespmem:$0xC040] =	vst v63  }
0x500: {  	s12 =	sand.u32 $0x680, s17;
	s28 =	sadd.s32 $0x60, s2;
	s16 =	sadd.s32 $0x50, s2  }
0x501: {  	[hbm4b:s16+s3] =	stream.linear.scatter [tilespmem:s24], [sflag:$0x1], $0x80, $0x38;
	[tilespmem:$0xC040] =	vst v63  }
0x502: {  	s17 =	sadd.s32 $0x10, s1;
	s29 =	sadd.s32 s30, s12;
	s5 =	sadd.s32 $0x10, s20  }
0x503: {  	[hbm4b:s28+s3] =	stream.linear.scatter [tilespmem:s26], [sflag:$0x1], $0x80, $0x38;
	[tilespmem:$0xC040] =	vst v63  }
0x504: {  	s9 =	ssub.s32 s12, s5;
	s5 =	simm.s32 $0x1700;
	s2 =	sadd.s32 $0x70, s2  }
0x505: {  	[hbm4b:s2+s3] =	stream.linear.scatter [tilespmem:s11], [sflag:$0x1], $0x80, $0x38;
	[tilespmem:$0xC040] =	vst v63  }
0x506: {  	s10 =	sand.u32 $0x780, s25;
	s12 =	simm.s32 $0x1B80;
	s5 =	sand.u32 $0x700, s5  }
0x507: {  	[hbm4b:s1+s3] =	stream.linear.scatter [tilespmem:s13], [sflag:$0x1], $0x80, $0x38;
	[tilespmem:$0xC040] =	vst v63  }
0x508: {  	s18 =	sadd.s32 $0x6818, s4;
	s15 =	sadd.s32 $0x40, s1;
	s16 =	sadd.s32 $0x5818, s4  }
0x509: {  	[hbm4b:s17+s3] =	stream.linear.scatter [tilespmem:s16], [sflag:$0x1], $0x80, $0x38;
	[tilespmem:$0xC040] =	vst v63  }
0x50a: {  	s24 =	sadd.s32 $0x7818, s4;
	s26 =	sshll.u32 s23, $0xB;
	s23 =	sadd.s32 $0x20, s1  }
0x50b: {  	[hbm4b:s23+s3] =	stream.linear.scatter [tilespmem:s18], [sflag:$0x1], $0x80, $0x38;
	[tilespmem:$0xC040] =	vst v63  }
0x50c: {  	s28 =	sadd.s32 $0x30, s1;
	s2 =	sadd.s32 $0x2, s21;
	s16 =	sadd.s32 $0x2, s21  }
0x50d: {  	[hbm4b:s28+s3] =	stream.linear.scatter [tilespmem:s24], [sflag:$0x1], $0x80, $0x38;
	[tilespmem:$0xC040] =	vst v63  }
0x50e: {  	s13 =	sadd.s32 $0x8818, s4;
	s17 =	sadd.s32 $0x9818, s4;
	s11 =	sshll.u32 s16, $0xB  }
0x50f: {  	[hbm4b:s15+s3] =	stream.linear.scatter [tilespmem:s13], [sflag:$0x1], $0x80, $0x38;
	[tilespmem:$0xC040] =	vst v63  }
0x510: {  	s16 =	sadd.s32 $0x30, s7;
	s18 =	sadd.s32 $0x50, s1;
	s23 =	sadd.s32 $0xA818, s4  }
0x511: {  	[hbm4b:s18+s3] =	stream.linear.scatter [tilespmem:s17], [sflag:$0x1], $0x80, $0x38;
	[tilespmem:$0xC040] =	vst v63  }
0x512: {  	s4 =	sadd.s32 $0xB818, s4;
	s24 =	sadd.s32 $0x60, s1;
	s28 =	sadd.s32 $0x10, s20  }
0x513: {  	[hbm4b:s24+s3] =	stream.linear.scatter [tilespmem:s23], [sflag:$0x1], $0x80, $0x38;
	[tilespmem:$0xC040] =	vst v63  }
0x514: {  	s1 =	sadd.s32 $0x70, s1;
	s15 =	sadd.s32 $0x7818, s6;
	s18 =	sadd.s32 s30, s5  }
0x515: {  	[hbm4b:s1+s3] =	stream.linear.scatter [tilespmem:s4], [sflag:$0x1], $0x80, $0x38;
	[tilespmem:$0xC040] =	vst v63  }
0x516: {  	s17 =	sadd.s32 $0x4818, s6;
	s18 =	sadd.s32 s11, s18;
	s11 =	sadd.s32 $0xA818, s6  }
0x517: {  	[hbm4b:s7+s3] =	stream.linear.scatter [tilespmem:s17], [sflag:$0x1], $0x80, $0x38;
	[tilespmem:$0xC040] =	vst v63  }
0x518: {  	s23 =	sadd.s32 $0x5818, s6;
	s24 =	sadd.s32 $0x10, s7;
	s17 =	sadd.s32 $0x10, s20  }
0x519: {  	[hbm4b:s24+s3] =	stream.linear.scatter [tilespmem:s23], [sflag:$0x1], $0x80, $0x38;
	[tilespmem:$0xC040] =	vst v63  }
0x51a: {  	s24 =	ssub.s32 s5, s28;
	s28 =	sadd.s32 $0x6818, s6;
	s5 =	sadd.s32 $0x20, s7  }
0x51b: {  	[hbm4b:s5+s3] =	stream.linear.scatter [tilespmem:s28], [sflag:$0x1], $0x80, $0x38;
	[tilespmem:$0xC040] =	vst v63  }
0x51c: {  	s4 =	sadd.s32 $0x9818, s6;
	s1 =	sadd.s32 $0xB818, s19;
	s13 =	ssub.s32 s10, s17  }
0x51d: {  	[hbm4b:s16+s3] =	stream.linear.scatter [tilespmem:s15], [sflag:$0x1], $0x80, $0x38;
	[tilespmem:$0xC040] =	vst v63  }
0x51e: {  	s17 =	sadd.s32 $0x70, s7;
	s23 =	sadd.s32 $0x8818, s6;
	s28 =	sadd.s32 $0x40, s7  }
0x51f: {  	[hbm4b:s28+s3] =	stream.linear.scatter [tilespmem:s23], [sflag:$0x1], $0x80, $0x38;
	[tilespmem:$0xC040] =	vst v63  }
0x520: {  	s5 =	sadd.s32 $0x50, s7;
	s15 =	sadd.s32 $0x60, s7;
	s16 =	sadd.s32 $0xB818, s6  }
0x521: {  	[hbm4b:s5+s3] =	stream.linear.scatter [tilespmem:s4], [sflag:$0x1], $0x80, $0x38;
	[tilespmem:$0xC040] =	vst v63  }
0x522: {  	s7 =	sadd.s32 $0x5818, s19;
	s23 =	sshll.u32 s2, $0xB;
	s28 =	sadd.s32 s30, s8  }
0x523: {  	[hbm4b:s15+s3] =	stream.linear.scatter [tilespmem:s11], [sflag:$0x1], $0x80, $0x38;
	[tilespmem:$0xC040] =	vst v63  }
0x524: {  	s2 =	simm.s32 $0x400;
	s6 =	sadd.s32 s14, s28;
	s14 =	simm.s32 $0x2  }
0x525: {  	[hbm4b:s17+s3] =	stream.linear.scatter [tilespmem:s16], [sflag:$0x1], $0x80, $0x38;
	[tilespmem:$0xC040] =	vst v63  }
0x526: {  	s5 =	sadd.s32 $0x4818, s19;
	s8 =	sadd.s32 $0x10, s6;
	s4 =	sadd.s32 $0x50, s6  }
0x527: {  	[hbm4b:s6+s3] =	stream.linear.scatter [tilespmem:s5], [sflag:$0x1], $0x80, $0x38;
	[tilespmem:$0xC040] =	vst v63  }
0x528: {  	s28 =	sadd.s32 $0x30, s6;
	s11 =	sadd.s32 $0x6818, s19;
	s15 =	sadd.s32 $0x20, s6  }
0x529: {  	[hbm4b:s8+s3] =	stream.linear.scatter [tilespmem:s7], [sflag:$0x1], $0x80, $0x38;
	[tilespmem:$0xC040] =	vst v63  }
0x52a: {  	s16 =	sadd.s32 $0x9818, s13;
	s17 =	sadd.s32 $0x7818, s19;
	s7 =	sadd.s32 $0x8818, s19  }
0x52b: {  	[hbm4b:s15+s3] =	stream.linear.scatter [tilespmem:s11], [sflag:$0x1], $0x80, $0x38;
	[tilespmem:$0xC040] =	vst v63  }
0x52c: {  	s8 =	sadd.s32 $0x60, s6;
	s11 =	sadd.s32 $0x40, s6;
	s6 =	sadd.s32 $0x70, s6  }
0x52d: {  	[hbm4b:s28+s3] =	stream.linear.scatter [tilespmem:s17], [sflag:$0x1], $0x80, $0x38;
	[tilespmem:$0xC040] =	vst v63  }
.LBB2_10:
0x52e: {  	[dreg:$0x11] =	wrdreg s16  }
0x52f: {  	[dreg:$0xe] =	wrdreg s0  }
0x530: {  	[dreg:$0xd] =	wrdreg s25  }
0x531: {  	[dreg:$0xc] =	wrdreg s26  }
0x532: {  	[dreg:$0xa] =	wrdreg s29  }
0x533: {  	[dreg:$0x5] =	wrdreg s10  }
0x534: {  	[hbm4b:s11+s3] =	stream.linear.scatter [tilespmem:s7], [sflag:$0x1], $0x80, $0x38;
	[tilespmem:$0xC040] =	vst v63  }
0x535: {  	s29 =	smov.u32 s12;
	s28 =	smov.u32 s18;
	s5 =	smov.u32 s23  }
0x536: {  	s15 =	sand.u32 $0x780, s12;
	s16 =	sshll.u32 s14, $0x3;
	s17 =	sadd.s32 $0xA818, s19  }
0x537: {  	s18 =	sadd.s32 $0xFFFFFFFE, s31;
	s2 =	sand.u32 $0x400, s2;
	[dreg:$0xb] =	wrdreg s29  }
0x538: {  	s10 =	simm.s32 $0x1;
	p0 =	sne.s32 s12, $0x3FF80;
	[dreg:$0x3] =	wrdreg s5  }
0x539: {  	[dreg:$0x10] =	wrdreg s15;
	s7 =	sadd.s32 s16, s20;
	s5 =	sshrl.u32 s18, $0x4  }
0x53a: {  	[hbm4b:s4+s3] =	stream.linear.scatter [tilespmem:s22], [sflag:$0x1], $0x80, $0x38;
	[tilespmem:$0xC040] =	vst v63  }
0x53b: {  	s15 =	sadd.s32 $0x400, s12;
	s16 =	sadd.s32 $0xFFFFFFFF, s31;
	s19 =	ssub.s32 s2, s7  }
0x53c: {  	s22 =	sadd.s32 s21, s14;
	s2 =	sadd.s32 s30, s2;
	s26 =	sadd.s32 $0xA818, s19  }
0x53d: {  	[hbm4b:s8+s3] =	stream.linear.scatter [tilespmem:s17], [sflag:$0x1], $0x80, $0x38;
	[tilespmem:$0xC040] =	vst v63  }
0x53e: {  	s7 =	sadd.s32 $0xFFFFFF00, s12;
	s4 =	sadd.s32 s21, s5;
	[dreg:$0xf] =	wrdreg s26  }
0x53f: {  	[hbm4b:s6+s3] =	stream.linear.scatter [tilespmem:s1], [sflag:$0x1], $0x80, $0x38;
	[tilespmem:$0xC040] =	vst v63  }
0x540: {  	s23 =	sshll.u32 s22, $0xB;
	s8 =	sshll.u32 s4, $0xB;
	_ =	swait.ge [sflag:s10], $0x400  }
0x541: {  	s6 =	sadd.s32 s23, s2;
	s1 =	sshll.u32 s5, $0x3;
	[sflag:s10] =	ssyncset.done $0x0  }
0x542: {  	s2 =	sand.u32 $0x680, s7;
	s1 =	sadd.s32 s20, s1;
	[sflag:s10] =	ssyncadd.s32 $0xFFFFFC00  }
0x543: {  	s1 =	ssub.s32 s2, s1;
	_ =	swait.ge [sflag:s10], $0x400;
	[dreg:$0x9] =	wrdreg s8  }
0x544: {  	s14 =	sadd.s32 $0x4818, s19;
	s11 =	sadd.s32 s30, s2;
	[dreg:$0x6] =	wrdreg s1  }
0x545: {  	s22 =	sadd.s32 $0xFFFFFD80, s25;
	[dreg:$0x8] =	wrdreg s11;
	[sflag:s10] =	ssyncset.done $0x0  }
0x546: {  	s17 =	sadd.s32 $0xFFFFFF80, s29;
	[dreg:$0x4] =	wrdreg s15;
	[sflag:s10] =	ssyncadd.s32 $0xFFFFFC00  }
0x547: {  	s26 =	sadd.s32 $0xFFFFFFFA, s0;
	s29 =	sadd.s32 $0x7818, s19;
	_ =	swait.ge [sflag:s10], $0x400  }
0x548: {  	s17 =	sand.u32 $0x700, s17;
	s23 =	sadd.s32 $0x5818, s19;
	[sflag:s10] =	ssyncset.done $0x0  }
0x549: {  	s7 =	sadd.s32 $0xFFFFFFFB, s0;
	s3 =	smov.u32 s21;
	[sflag:s10] =	ssyncadd.s32 $0xFFFFFC00  }
0x54a: {  	s5 =	sand.u32 $0x500, s22;
	s7 =	sshrl.u32 s7, $0x4;
	_ =	swait.ge [sflag:s10], $0x400  }
0x54b: {  	s4 =	sadd.s32 $0x10, s6;
	s22 =	sadd.s32 s3, s7;
	[sflag:s10] =	ssyncset.done $0x0  }
0x54c: {  	s7 =	sshll.u32 s7, $0x3;
	s15 =	sshrl.u32 s31, $0x4;
	[sflag:s10] =	ssyncadd.s32 $0xFFFFFC00  }
0x54d: {  	s1 =	sshrl.u32 s16, $0x4;
	s16 =	smov.u32 s13;
	_ =	swait.ge [sflag:s10], $0x400  }
0x54e: {  	s8 =	smov.u32 s9;
	s9 =	simm.s32 $0x0;
	[sflag:s10] =	ssyncset.done $0x0  }
0x54f: {  	s11 =	sadd.s32 $0x50, s6;
	s18 =	sadd.s32 s21, s1;
	[sflag:s10] =	ssyncadd.s32 $0xFFFFFC00  }
0x550: {  	s1 =	sshll.u32 s1, $0x3;
	s21 =	sadd.s32 $0x6818, s19;
	_ =	swait.ge [sflag:s10], $0x400  }
0x551: {  	s13 =	sshll.u32 s18, $0xB;
	s18 =	sadd.s32 s20, s1;
	[sflag:s10] =	ssyncset.done $0x0  }
0x552: {  	s1 =	sadd.s32 $0xFFFFFD00, s25;
	s25 =	sshrl.u32 s26, $0x4;
	[sflag:s10] =	ssyncadd.s32 $0xFFFFFC00  }
0x553: {  	s26 =	sshll.u32 s22, $0xB;
	s22 =	sadd.s32 s20, s7;
	_ =	swait.ge [sflag:s10], $0x400  }
0x554: {  	s0 =	sadd.s32 s3, s25;
	s25 =	sshll.u32 s25, $0x3;
	[sflag:s10] =	ssyncset.done $0x0  }
0x555: {  	s18 =	ssub.s32 s17, s18;
	s2 =	sshll.u32 s0, $0xB;
	[sflag:s10] =	ssyncadd.s32 $0xFFFFFC00  }
0x556: {  	s0 =	sadd.s32 s20, s25;
	s25 =	sadd.s32 s30, s5;
	_ =	swait.ge [sflag:s10], $0x400  }
0x557: {  	s1 =	sand.u32 $0x480, s1;
	s7 =	sadd.s32 s26, s25;
	[sflag:s10] =	ssyncset.done $0x0  }
0x558: {  	s25 =	ssub.s32 s5, s22;
	s5 =	sadd.s32 $0xFFFFFFF9, s31;
	[sflag:s10] =	ssyncadd.s32 $0xFFFFFC00  }
0x559: {  	[hbm4b:s6+s9] =	stream.linear.scatter [tilespmem:s14], [sflag:$0x1], $0x80, $0x38;
	[tilespmem:$0xC040] =	vst v63  }
0x55a: {  	s22 =	sadd.s32 s3, s15;
	s26 =	sadd.s32 s30, s17;
	s17 =	sadd.s32 $0x20, s6  }
0x55b: {  	[hbm4b:s4+s9] =	stream.linear.scatter [tilespmem:s23], [sflag:$0x1], $0x80, $0x38;
	[tilespmem:$0xC040] =	vst v63  }
0x55c: {  	[dreg:$0x7] =	wrdreg s18;
	s18 =	sadd.s32 s13, s26;
	s26 =	sadd.s32 $0x8818, s19  }
0x55d: {  	[hbm4b:s17+s9] =	stream.linear.scatter [tilespmem:s21], [sflag:$0x1], $0x80, $0x38;
	[tilespmem:$0xC040] =	vst v63  }
0x55e: {  	s10 =	sshll.u32 s15, $0x3;
	s23 =	sshll.u32 s22, $0xB;
	s22 =	sadd.s32 $0x30, s6  }
0x55f: {  	[hbm4b:s22+s9] =	stream.linear.scatter [tilespmem:s29], [sflag:$0x1], $0x80, $0x38;
	[tilespmem:$0xC040] =	vst v63  }
0x560: {  	s13 =	sadd.s32 $0x9818, s19;
	s14 =	sadd.s32 s20, s10;
	s10 =	sadd.s32 $0x40, s6  }
0x561: {  	[hbm4b:s10+s9] =	stream.linear.scatter [tilespmem:s26], [sflag:$0x1], $0x80, $0x38;
	[tilespmem:$0xC040] =	vst v63  }
0x562: {  	s15 =	rddreg [dreg:$0x10];
	s21 =	smov.u32 s3;
	s3 =	simm.s32 $0x0  }
0x563: {  	[hbm4b:s11+s3] =	stream.linear.scatter [tilespmem:s13], [sflag:$0x1], $0x80, $0x38;
	[tilespmem:$0xC040] =	vst v63  }
0x564: {  	s26 =	sadd.s32 $0x60, s6;
	s9 =	sadd.s32 $0xB818, s19;
	s19 =	rddreg [dreg:$0xf]  }
0x565: {  	[hbm4b:s26+s3] =	stream.linear.scatter [tilespmem:s19], [sflag:$0x1], $0x80, $0x38;
	[tilespmem:$0xC040] =	vst v63  }
0x566: {  	s10 =	sadd.s32 $0x70, s6;
	s11 =	sadd.s32 s30, s1;
	s1 =	ssub.s32 s1, s0  }
0x567: {  	[hbm4b:s10+s3] =	stream.linear.scatter [tilespmem:s9], [sflag:$0x1], $0x80, $0x38;
	[tilespmem:$0xC040] =	vst v63  }
0x568: {  	s4 =	ssub.s32 s15, s14;
	s2 =	sadd.s32 s2, s11;
	s22 =	sadd.s32 $0x4818, s1  }
0x569: {  	[hbm4b:s2+s3] =	stream.linear.scatter [tilespmem:s22], [sflag:$0x1], $0x80, $0x38;
	[tilespmem:$0xC040] =	vst v63  }
0x56a: {  	s14 =	sshrl.u32 s5, $0x4;
	s26 =	sadd.s32 $0x5818, s1;
	s9 =	sadd.s32 $0x10, s2  }
0x56b: {  	[hbm4b:s9+s3] =	stream.linear.scatter [tilespmem:s26], [sflag:$0x1], $0x80, $0x38;
	[tilespmem:$0xC040] =	vst v63  }
0x56c: {  	s17 =	sadd.s32 $0x9818, s4;
	s12 =	sadd.s32 $0x20, s2;
	s10 =	sadd.s32 $0x6818, s1  }
0x56d: {  	[hbm4b:s12+s3] =	stream.linear.scatter [tilespmem:s10], [sflag:$0x1], $0x80, $0x38;
	[tilespmem:$0xC040] =	vst v63  }
0x56e: {  	s19 =	smov.u32 s16;
	s0 =	sadd.s32 $0x30, s2;
	s26 =	sadd.s32 $0x7818, s1  }
0x56f: {  	[hbm4b:s0+s3] =	stream.linear.scatter [tilespmem:s26], [sflag:$0x1], $0x80, $0x38;
	[tilespmem:$0xC040] =	vst v63  }
0x570: {  	s16 =	rddreg [dreg:$0x11];
	s9 =	sadd.s32 $0x8818, s1;
	s10 =	sadd.s32 $0x40, s2  }
0x571: {  	[hbm4b:s10+s3] =	stream.linear.scatter [tilespmem:s9], [sflag:$0x1], $0x80, $0x38;
	[tilespmem:$0xC040] =	vst v63  }
0x572: {  	s11 =	sadd.s32 $0x9818, s1;
	s22 =	smov.u32 s16;
	s12 =	sadd.s32 $0x50, s2  }
0x573: {  	[hbm4b:s12+s3] =	stream.linear.scatter [tilespmem:s11], [sflag:$0x1], $0x80, $0x38;
	[tilespmem:$0xC040] =	vst v63  }
0x574: {  	s16 =	smov.u32 s17;
	s17 =	sadd.s32 $0xA818, s1;
	s26 =	sadd.s32 $0x60, s2  }
0x575: {  	[hbm4b:s26+s3] =	stream.linear.scatter [tilespmem:s17], [sflag:$0x1], $0x80, $0x38;
	[tilespmem:$0xC040] =	vst v63  }
0x576: {  	s5 =	sadd.s32 $0x5818, s25;
	s1 =	sadd.s32 $0xB818, s1;
	s2 =	sadd.s32 $0x70, s2  }
0x577: {  	[hbm4b:s2+s3] =	stream.linear.scatter [tilespmem:s1], [sflag:$0x1], $0x80, $0x38;
	[tilespmem:$0xC040] =	vst v63  }
0x578: {  	s6 =	sadd.s32 $0x10, s7;
	s13 =	smov.u32 s4;
	s0 =	sadd.s32 $0x4818, s25  }
0x579: {  	[hbm4b:s7+s3] =	stream.linear.scatter [tilespmem:s0], [sflag:$0x1], $0x80, $0x38;
	[tilespmem:$0xC040] =	vst v63  }
0x57a: {  	s4 =	sadd.s32 $0x60, s7;
	s9 =	sadd.s32 $0x6818, s25;
	s10 =	sadd.s32 $0x20, s7  }
0x57b: {  	[hbm4b:s6+s3] =	stream.linear.scatter [tilespmem:s5], [sflag:$0x1], $0x80, $0x38;
	[tilespmem:$0xC040] =	vst v63  }
0x57c: {  	s11 =	sadd.s32 $0x7818, s25;
	s12 =	sadd.s32 $0x30, s7;
	s17 =	sadd.s32 $0x8818, s25  }
0x57d: {  	[hbm4b:s10+s3] =	stream.linear.scatter [tilespmem:s9], [sflag:$0x1], $0x80, $0x38;
	[tilespmem:$0xC040] =	vst v63  }
0x57e: {  	s26 =	sadd.s32 $0x40, s7;
	s2 =	sadd.s32 $0xA818, s25;
	s9 =	rddreg [dreg:$0xe]  }
0x57f: {  	[hbm4b:s12+s3] =	stream.linear.scatter [tilespmem:s11], [sflag:$0x1], $0x80, $0x38;
	[tilespmem:$0xC040] =	vst v63  }
0x580: {  	s0 =	rddreg [dreg:$0xd];
	s5 =	sadd.s32 $0x70, s7;
	s10 =	sadd.s32 $0xFFFFFFFC, s9  }
0x581: {  	[hbm4b:s26+s3] =	stream.linear.scatter [tilespmem:s17], [sflag:$0x1], $0x80, $0x38;
	[tilespmem:$0xC040] =	vst v63  }
0x582: {  	s6 =	sadd.s32 $0xFFFFFE00, s0;
	s12 =	sadd.s32 $0x9818, s25;
	s26 =	sshrl.u32 s10, $0x4  }
0x583: {  	s25 =	sadd.s32 $0xB818, s25;
	s17 =	sadd.s32 $0x50, s7;
	s7 =	sshll.u32 s26, $0x3  }
0x584: {  	[hbm4b:s17+s3] =	stream.linear.scatter [tilespmem:s12], [sflag:$0x1], $0x80, $0x38;
	[tilespmem:$0xC040] =	vst v63  }
0x585: {  	s10 =	sadd.s32 s21, s26;
	s12 =	sand.u32 $0x580, s6;
	s17 =	sadd.s32 s20, s7  }
0x586: {  	[hbm4b:s4+s3] =	stream.linear.scatter [tilespmem:s2], [sflag:$0x1], $0x80, $0x38;
	[tilespmem:$0xC040] =	vst v63  }
0x587: {  	s11 =	sshll.u32 s10, $0xB;
	s26 =	sadd.s32 s30, s12;
	s2 =	ssub.s32 s12, s17  }
0x588: {  	[hbm4b:s5+s3] =	stream.linear.scatter [tilespmem:s25], [sflag:$0x1], $0x80, $0x38;
	[tilespmem:$0xC040] =	vst v63  }
0x589: {  	s1 =	sadd.s32 s11, s26;
	s4 =	sadd.s32 $0x4818, s2  }
0x58a: {  	[hbm4b:s1+s3] =	stream.linear.scatter [tilespmem:s4], [sflag:$0x1], $0x80, $0x38;
	[tilespmem:$0xC040] =	vst v63  }
0x58b: {  	s7 =	sadd.s32 $0xFFFFFE80, s0;
	s10 =	sadd.s32 $0x5818, s2;
	s11 =	sadd.s32 $0x10, s1  }
0x58c: {  	[hbm4b:s11+s3] =	stream.linear.scatter [tilespmem:s10], [sflag:$0x1], $0x80, $0x38;
	[tilespmem:$0xC040] =	vst v63  }
0x58d: {  	s12 =	sadd.s32 $0x6818, s2;
	s17 =	sadd.s32 $0x20, s1;
	s26 =	sadd.s32 $0x30, s1  }
0x58e: {  	[hbm4b:s17+s3] =	stream.linear.scatter [tilespmem:s12], [sflag:$0x1], $0x80, $0x38;
	[tilespmem:$0xC040] =	vst v63  }
0x58f: {  	s6 =	sadd.s32 $0x40, s1;
	s25 =	sadd.s32 $0x7818, s2;
	s5 =	sadd.s32 $0x8818, s2  }
0x590: {  	[hbm4b:s26+s3] =	stream.linear.scatter [tilespmem:s25], [sflag:$0x1], $0x80, $0x38;
	[tilespmem:$0xC040] =	vst v63  }
0x591: {  	s10 =	sadd.s32 $0x9818, s2;
	s11 =	sadd.s32 $0x50, s1;
	s12 =	sadd.s32 $0xFFFFFFFD, s9  }
0x592: {  	[hbm4b:s6+s3] =	stream.linear.scatter [tilespmem:s5], [sflag:$0x1], $0x80, $0x38;
	[tilespmem:$0xC040] =	vst v63  }
0x593: {  	s17 =	sadd.s32 $0xA818, s2;
	s2 =	sadd.s32 $0xB818, s2;
	s0 =	sshrl.u32 s12, $0x4  }
0x594: {  	[hbm4b:s11+s3] =	stream.linear.scatter [tilespmem:s10], [sflag:$0x1], $0x80, $0x38;
	[tilespmem:$0xC040] =	vst v63  }
0x595: {  	s25 =	sadd.s32 $0x60, s1;
	s1 =	sadd.s32 $0x70, s1;
	s26 =	sshll.u32 s0, $0x3  }
0x596: {  	[hbm4b:s25+s3] =	stream.linear.scatter [tilespmem:s17], [sflag:$0x1], $0x80, $0x38;
	[tilespmem:$0xC040] =	vst v63  }
0x597: {  	s0 =	sadd.s32 s21, s0;
	s5 =	sand.u32 $0x600, s7;
	s6 =	sadd.s32 s20, s26  }
0x598: {  	[hbm4b:s1+s3] =	stream.linear.scatter [tilespmem:s2], [sflag:$0x1], $0x80, $0x38;
	[tilespmem:$0xC040] =	vst v63  }
0x599: {  	s0 =	sshll.u32 s0, $0xB;
	s7 =	sadd.s32 s30, s5;
	s1 =	ssub.s32 s5, s6  }
0x59a: {  	s2 =	sadd.s32 s0, s7;
	s9 =	sadd.s32 $0x4818, s1  }
0x59b: {  	[hbm4b:s2+s3] =	stream.linear.scatter [tilespmem:s9], [sflag:$0x1], $0x80, $0x38;
	[tilespmem:$0xC040] =	vst v63  }
0x59c: {  	s11 =	sadd.s32 $0x5818, s1;
	s12 =	sadd.s32 $0x10, s2  }
0x59d: {  	[hbm4b:s12+s3] =	stream.linear.scatter [tilespmem:s11], [sflag:$0x1], $0x80, $0x38;
	[tilespmem:$0xC040] =	vst v63  }
0x59e: {  	s17 =	sadd.s32 $0x6818, s1;
	s26 =	sadd.s32 $0x20, s2  }
0x59f: {  	[hbm4b:s26+s3] =	stream.linear.scatter [tilespmem:s17], [sflag:$0x1], $0x80, $0x38;
	[tilespmem:$0xC040] =	vst v63  }
0x5a0: {  	s10 =	rddreg [dreg:$0xb];
	s6 =	sadd.s32 $0x7818, s1;
	s7 =	sadd.s32 $0x30, s2  }
0x5a1: {  	[hbm4b:s7+s3] =	stream.linear.scatter [tilespmem:s6], [sflag:$0x1], $0x80, $0x38;
	[tilespmem:$0xC040] =	vst v63  }
0x5a2: {  	s25 =	smov.u32 s10;
	s10 =	sadd.s32 $0x40, s2;
	s9 =	sadd.s32 $0x8818, s1  }
0x5a3: {  	[hbm4b:s10+s3] =	stream.linear.scatter [tilespmem:s9], [sflag:$0x1], $0x80, $0x38;
	[tilespmem:$0xC040] =	vst v63  }
0x5a4: {  	s11 =	sadd.s32 $0x9818, s1;
	s12 =	sadd.s32 $0x50, s2  }
0x5a5: {  	[hbm4b:s12+s3] =	stream.linear.scatter [tilespmem:s11], [sflag:$0x1], $0x80, $0x38;
	[tilespmem:$0xC040] =	vst v63  }
0x5a6: {  	s4 =	rddreg [dreg:$0xa];
	s17 =	sadd.s32 $0xA818, s1;
	s26 =	sadd.s32 $0x60, s2  }
0x5a7: {  	[hbm4b:s26+s3] =	stream.linear.scatter [tilespmem:s17], [sflag:$0x1], $0x80, $0x38;
	[tilespmem:$0xC040] =	vst v63  }
0x5a8: {  	s5 =	rddreg [dreg:$0xc];
	s1 =	sadd.s32 $0xB818, s1;
	s2 =	sadd.s32 $0x70, s2  }
0x5a9: {  	[hbm4b:s2+s3] =	stream.linear.scatter [tilespmem:s1], [sflag:$0x1], $0x80, $0x38;
	[tilespmem:$0xC040] =	vst v63  }
0x5aa: {  	s6 =	sadd.s32 $0x4818, s8;
	s1 =	sadd.s32 s5, s4  }
0x5ab: {  	[hbm4b:s1+s3] =	stream.linear.scatter [tilespmem:s6], [sflag:$0x1], $0x80, $0x38;
	[tilespmem:$0xC040] =	vst v63  }
0x5ac: {  	s0 =	smov.u32 s31;
	s9 =	sadd.s32 $0x5818, s8;
	s10 =	sadd.s32 $0x10, s1  }
0x5ad: {  	[hbm4b:s10+s3] =	stream.linear.scatter [tilespmem:s9], [sflag:$0x1], $0x80, $0x38;
	[tilespmem:$0xC040] =	vst v63  }
0x5ae: {  	s31 =	sadd.s32 $0x8, s31;
	s12 =	sadd.s32 $0x6818, s8;
	s17 =	sadd.s32 $0x20, s1  }
0x5af: {  	[hbm4b:s17+s3] =	stream.linear.scatter [tilespmem:s12], [sflag:$0x1], $0x80, $0x38;
	[tilespmem:$0xC040] =	vst v63  }
0x5b0: {  	s7 =	rddreg [dreg:$0x9];
	s4 =	sadd.s32 $0x7818, s8;
	s5 =	sadd.s32 $0x30, s1  }
0x5b1: {  	[hbm4b:s5+s3] =	stream.linear.scatter [tilespmem:s4], [sflag:$0x1], $0x80, $0x38;
	[tilespmem:$0xC040] =	vst v63  }
0x5b2: {  	s26 =	smov.u32 s7;
	s7 =	sadd.s32 $0x40, s1;
	s6 =	sadd.s32 $0x8818, s8  }
0x5b3: {  	[hbm4b:s7+s3] =	stream.linear.scatter [tilespmem:s6], [sflag:$0x1], $0x80, $0x38;
	[tilespmem:$0xC040] =	vst v63  }
0x5b4: {  	s11 =	rddreg [dreg:$0x8];
	s9 =	sadd.s32 $0x9818, s8;
	s10 =	sadd.s32 $0x50, s1  }
0x5b5: {  	[hbm4b:s10+s3] =	stream.linear.scatter [tilespmem:s9], [sflag:$0x1], $0x80, $0x38;
	[tilespmem:$0xC040] =	vst v63  }
0x5b6: {  	s29 =	smov.u32 s11;
	s11 =	sadd.s32 $0xA818, s8;
	s12 =	sadd.s32 $0x60, s1  }
0x5b7: {  	[hbm4b:s12+s3] =	stream.linear.scatter [tilespmem:s11], [sflag:$0x1], $0x80, $0x38;
	[tilespmem:$0xC040] =	vst v63  }
0x5b8: {  	s2 =	sadd.s32 $0xFFFFEC80, s25;
	s17 =	sadd.s32 $0xB818, s8;
	s1 =	sadd.s32 $0x70, s1  }
0x5b9: {  	[hbm4b:s1+s3] =	stream.linear.scatter [tilespmem:s17], [sflag:$0x1], $0x80, $0x38;
	[tilespmem:$0xC040] =	vst v63  }
0x5ba: {  	s8 =	sadd.s32 $0x10, s28;
	s5 =	rddreg [dreg:$0x6];
	s6 =	sadd.s32 $0x4818, s24  }
0x5bb: {  	[hbm4b:s28+s3] =	stream.linear.scatter [tilespmem:s6], [sflag:$0x1], $0x80, $0x38;
	[tilespmem:$0xC040] =	vst v63  }
0x5bc: {  	s4 =	sadd.s32 $0x8818, s24;
	s7 =	sadd.s32 $0x5818, s24;
	s9 =	smov.u32 s5  }
0x5bd: {  	[hbm4b:s8+s3] =	stream.linear.scatter [tilespmem:s7], [sflag:$0x1], $0x80, $0x38;
	[tilespmem:$0xC040] =	vst v63  }
0x5be: {  	s10 =	sadd.s32 $0x6818, s24;
	s5 =	sadd.s32 $0x40, s28;
	s11 =	sadd.s32 $0x20, s28  }
0x5bf: {  	[hbm4b:s11+s3] =	stream.linear.scatter [tilespmem:s10], [sflag:$0x1], $0x80, $0x38;
	[tilespmem:$0xC040] =	vst v63  }
0x5c0: {  	s12 =	sadd.s32 $0x7818, s24;
	s17 =	sadd.s32 $0x30, s28;
	s1 =	sadd.s32 $0xB818, s19  }
0x5c1: {  	[hbm4b:s17+s3] =	stream.linear.scatter [tilespmem:s12], [sflag:$0x1], $0x80, $0x38;
	[tilespmem:$0xC040] =	vst v63  }
0x5c2: {  	s6 =	sadd.s32 $0x9818, s24;
	s7 =	sadd.s32 $0x50, s28;
	s8 =	sadd.s32 $0xA818, s24  }
0x5c3: {  	[hbm4b:s5+s3] =	stream.linear.scatter [tilespmem:s4], [sflag:$0x1], $0x80, $0x38;
	[tilespmem:$0xC040] =	vst v63  }
0x5c4: {  	s10 =	sadd.s32 $0x60, s28;
	s11 =	sadd.s32 $0xB818, s24;
	s17 =	rddreg [dreg:$0x5]  }
0x5c5: {  	[hbm4b:s7+s3] =	stream.linear.scatter [tilespmem:s6], [sflag:$0x1], $0x80, $0x38;
	[tilespmem:$0xC040] =	vst v63  }
0x5c6: {  	s24 =	rddreg [dreg:$0x3];
	s12 =	sadd.s32 $0x70, s28;
	s4 =	sadd.s32 s30, s17  }
0x5c7: {  	[hbm4b:s10+s3] =	stream.linear.scatter [tilespmem:s8], [sflag:$0x1], $0x80, $0x38;
	[tilespmem:$0xC040] =	vst v63  }
0x5c8: {  	s28 =	sadd.s32 $0x4818, s19;
	s17 =	sadd.s32 $0x7818, s19;
	s5 =	sadd.s32 s24, s4  }
0x5c9: {  	[hbm4b:s12+s3] =	stream.linear.scatter [tilespmem:s11], [sflag:$0x1], $0x80, $0x38;
	[tilespmem:$0xC040] =	vst v63  }
0x5ca: {  	s4 =	sadd.s32 $0x50, s5;
	s7 =	rddreg [dreg:$0x7];
	s6 =	sadd.s32 $0x70, s5  }
0x5cb: {  	[hbm4b:s5+s3] =	stream.linear.scatter [tilespmem:s28], [sflag:$0x1], $0x80, $0x38;
	[tilespmem:$0xC040] =	vst v63  }
0x5cc: {  	s24 =	smov.u32 s7;
	s8 =	sadd.s32 $0x5818, s19;
	s11 =	sadd.s32 $0x10, s5  }
0x5cd: {  	[hbm4b:s11+s3] =	stream.linear.scatter [tilespmem:s8], [sflag:$0x1], $0x80, $0x38;
	[tilespmem:$0xC040] =	vst v63  }
.Ltmp4:
0x5ce: {  	s7 =	sadd.s32 $0x8818, s19;
	s10 =	smov.u32 s15;
	(pc) =	sbr.rel @p0 .LBB2_10-.Ltmp4, $4  }
0x5cf: {  	s15 =	sadd.s32 $0x20, s5;
	s12 =	sadd.s32 $0x6818, s19;
	s28 =	sadd.s32 $0x30, s5  }
0x5d0: {  	[hbm4b:s15+s3] =	stream.linear.scatter [tilespmem:s12], [sflag:$0x1], $0x80, $0x38;
	[tilespmem:$0xC040] =	vst v63  }
0x5d1: {  	s11 =	sadd.s32 $0x40, s5;
	s8 =	sadd.s32 $0x60, s5;
	s12 =	rddreg [dreg:$0x4]  }
0x5d2: {  	[hbm4b:s28+s3] =	stream.linear.scatter [tilespmem:s17], [sflag:$0x1], $0x80, $0x38;
	[tilespmem:$0xC040] =	vst v63  }
0x5d3: {  	[hbm4b:s11+s3] =	stream.linear.scatter [tilespmem:s7], [sflag:$0x1], $0x80, $0x38;
	[tilespmem:$0xC040] =	vst v63  }
0x5d4: {  	_ = 	snop  }
0x5d5: {  	[hbm4b:s4+s3] =	stream.linear.scatter [tilespmem:s22], [sflag:$0x1], $0x80, $0x38;
	[tilespmem:$0xC040] =	vst v63  }
0x5d6: {  	s11 =	sadd.s32 $0xA818, s19  }
0x5d7: {  	[hbm4b:s8+s3] =	stream.linear.scatter [tilespmem:s11], [sflag:$0x1], $0x80, $0x38;
	[tilespmem:$0xC040] =	vst v63  }
0x5d8: {  	_ = 	snop  }
0x5d9: {  	[hbm4b:s6+s3] =	stream.linear.scatter [tilespmem:s1], [sflag:$0x1], $0x80, $0x38;
	[tilespmem:$0xC040] =	vst v63  }
0x5da: {  	s6 =	simm.s32 $0x1  }
0x5db: {  	_ =	swait.ge [sflag:s6], $0x400  }
0x5dc: {  	[sflag:s6] =	ssyncset.done $0x0  }
0x5dd: {  	[sflag:s6] =	ssyncadd.s32 $0xFFFFFC00  }
0x5de: {  	_ =	swait.ge [sflag:s6], $0x400  }
0x5df: {  	[sflag:s6] =	ssyncset.done $0x0  }
0x5e0: {  	[sflag:s6] =	ssyncadd.s32 $0xFFFFFC00  }
0x5e1: {  	_ =	swait.ge [sflag:s6], $0x400  }
0x5e2: {  	[sflag:s6] =	ssyncset.done $0x0  }
0x5e3: {  	[sflag:s6] =	ssyncadd.s32 $0xFFFFFC00  }
0x5e4: {  	_ =	swait.ge [sflag:s6], $0x400  }
0x5e5: {  	[sflag:s6] =	ssyncset.done $0x0  }
0x5e6: {  	[sflag:s6] =	ssyncadd.s32 $0xFFFFFC00  }
0x5e7: {  	_ =	swait.ge [sflag:s6], $0x400  }
0x5e8: {  	[sflag:s6] =	ssyncset.done $0x0  }
0x5e9: {  	[sflag:s6] =	ssyncadd.s32 $0xFFFFFC00  }
0x5ea: {  	_ =	swait.ge [sflag:s6], $0x400  }
0x5eb: {  	[sflag:s6] =	ssyncset.done $0x0  }
0x5ec: {  	[sflag:s6] =	ssyncadd.s32 $0xFFFFFC00  }
0x5ed: {  	_ =	swait.ge [sflag:s6], $0x400  }
0x5ee: {  	s12 =	sshll.u32 s14, $0x3;
	[sflag:s6] =	ssyncset.done $0x0  }
0x5ef: {  	s2 =	sand.u32 $0x400, s2;
	s14 =	sadd.s32 s21, s14;
	[sflag:s6] =	ssyncadd.s32 $0xFFFFFC00  }
0x5f0: {  	s4 =	sshll.u32 s14, $0xB;
	s1 =	sadd.s32 s12, s20;
	_ =	swait.ge [sflag:s6], $0x400  }
0x5f1: {  	s1 =	ssub.s32 s2, s1;
	s2 =	sadd.s32 s30, s2;
	[sflag:s6] =	ssyncset.done $0x0  }
0x5f2: {  	s2 =	sadd.s32 s4, s2;
	s15 =	sadd.s32 $0x4818, s1;
	[sflag:s6] =	ssyncadd.s32 $0xFFFFFC00  }
0x5f3: {  	[hbm4b:s2+s3] =	stream.linear.scatter [tilespmem:s15], [sflag:$0x1], $0x80, $0x38;
	[tilespmem:$0xC040] =	vst v63  }
0x5f4: {  	s17 =	sadd.s32 $0x5818, s1;
	s5 =	sadd.s32 $0x10, s2  }
0x5f5: {  	[hbm4b:s5+s3] =	stream.linear.scatter [tilespmem:s17], [sflag:$0x1], $0x80, $0x38;
	[tilespmem:$0xC040] =	vst v63  }
0x5f6: {  	s19 =	sadd.s32 $0x6818, s1;
	s22 =	sadd.s32 $0x20, s2  }
0x5f7: {  	[hbm4b:s22+s3] =	stream.linear.scatter [tilespmem:s19], [sflag:$0x1], $0x80, $0x38;
	[tilespmem:$0xC040] =	vst v63  }
0x5f8: {  	s28 =	sadd.s32 $0x7818, s1;
	s31 =	sadd.s32 $0x30, s2  }
0x5f9: {  	[hbm4b:s31+s3] =	stream.linear.scatter [tilespmem:s28], [sflag:$0x1], $0x80, $0x38;
	[tilespmem:$0xC040] =	vst v63  }
0x5fa: {  	s11 =	sadd.s32 $0x9818, s1;
	s7 =	sadd.s32 $0x40, s2;
	s5 =	sadd.s32 $0x8818, s1  }
0x5fb: {  	[hbm4b:s7+s3] =	stream.linear.scatter [tilespmem:s5], [sflag:$0x1], $0x80, $0x38;
	[tilespmem:$0xC040] =	vst v63  }
0x5fc: {  	s12 =	sadd.s32 $0xA818, s1;
	s8 =	sadd.s32 $0x50, s2;
	s15 =	sadd.s32 $0xFFFFFFFA, s0  }
0x5fd: {  	[hbm4b:s8+s3] =	stream.linear.scatter [tilespmem:s11], [sflag:$0x1], $0x80, $0x38;
	[tilespmem:$0xC040] =	vst v63  }
0x5fe: {  	s14 =	sadd.s32 $0x60, s2;
	s2 =	sadd.s32 $0x70, s2;
	s4 =	sshrl.u32 s15, $0x4  }
0x5ff: {  	[hbm4b:s14+s3] =	stream.linear.scatter [tilespmem:s12], [sflag:$0x1], $0x80, $0x38;
	[tilespmem:$0xC040] =	vst v63  }
0x600: {  	s1 =	sadd.s32 $0xB818, s1;
	s17 =	sadd.s32 $0xFFFFFD00, s25;
	s19 =	sshll.u32 s4, $0x3  }
0x601: {  	[hbm4b:s2+s3] =	stream.linear.scatter [tilespmem:s1], [sflag:$0x1], $0x80, $0x38;
	[tilespmem:$0xC040] =	vst v63  }
0x602: {  	s4 =	sadd.s32 s21, s4;
	s2 =	sadd.s32 s20, s19;
	s1 =	sand.u32 $0x480, s17  }
0x603: {  	s4 =	sshll.u32 s4, $0xB;
	s22 =	sadd.s32 s30, s1;
	s1 =	ssub.s32 s1, s2  }
0x604: {  	s2 =	sadd.s32 s4, s22;
	s28 =	sadd.s32 $0x4818, s1  }
0x605: {  	[hbm4b:s2+s3] =	stream.linear.scatter [tilespmem:s28], [sflag:$0x1], $0x80, $0x38;
	[tilespmem:$0xC040] =	vst v63  }
0x606: {  	s31 =	sadd.s32 $0x5818, s1;
	s5 =	sadd.s32 $0x10, s2  }
0x607: {  	[hbm4b:s5+s3] =	stream.linear.scatter [tilespmem:s31], [sflag:$0x1], $0x80, $0x38;
	[tilespmem:$0xC040] =	vst v63  }
0x608: {  	s7 =	sadd.s32 $0x6818, s1;
	s8 =	sadd.s32 $0x20, s2  }
0x609: {  	[hbm4b:s8+s3] =	stream.linear.scatter [tilespmem:s7], [sflag:$0x1], $0x80, $0x38;
	[tilespmem:$0xC040] =	vst v63  }
0x60a: {  	s11 =	sadd.s32 $0x7818, s1;
	s12 =	sadd.s32 $0x30, s2  }
0x60b: {  	[hbm4b:s12+s3] =	stream.linear.scatter [tilespmem:s11], [sflag:$0x1], $0x80, $0x38;
	[tilespmem:$0xC040] =	vst v63  }
0x60c: {  	s14 =	sadd.s32 $0x8818, s1;
	s15 =	sadd.s32 $0x40, s2  }
0x60d: {  	[hbm4b:s15+s3] =	stream.linear.scatter [tilespmem:s14], [sflag:$0x1], $0x80, $0x38;
	[tilespmem:$0xC040] =	vst v63  }
0x60e: {  	s17 =	sadd.s32 $0x9818, s1;
	s19 =	sadd.s32 $0x50, s2  }
0x60f: {  	[hbm4b:s19+s3] =	stream.linear.scatter [tilespmem:s17], [sflag:$0x1], $0x80, $0x38;
	[tilespmem:$0xC040] =	vst v63  }
0x610: {  	s22 =	sadd.s32 $0xA818, s1;
	s28 =	sadd.s32 $0x60, s2;
	s31 =	sadd.s32 $0xFFFFFFFB, s0  }
0x611: {  	[hbm4b:s28+s3] =	stream.linear.scatter [tilespmem:s22], [sflag:$0x1], $0x80, $0x38;
	[tilespmem:$0xC040] =	vst v63  }
0x612: {  	s1 =	sadd.s32 $0xB818, s1;
	s2 =	sadd.s32 $0x70, s2;
	s4 =	sshrl.u32 s31, $0x4  }
0x613: {  	[hbm4b:s2+s3] =	stream.linear.scatter [tilespmem:s1], [sflag:$0x1], $0x80, $0x38;
	[tilespmem:$0xC040] =	vst v63  }
0x614: {  	s5 =	sshll.u32 s4, $0x3;
	s2 =	sadd.s32 $0xFFFFFD80, s25  }
0x615: {  	s4 =	sadd.s32 s21, s4;
	s1 =	sand.u32 $0x500, s2;
	s2 =	sadd.s32 s20, s5  }
0x616: {  	s4 =	sshll.u32 s4, $0xB;
	s7 =	sadd.s32 s30, s1;
	s1 =	ssub.s32 s1, s2  }
0x617: {  	s2 =	sadd.s32 s4, s7;
	s8 =	sadd.s32 $0x4818, s1  }
0x618: {  	[hbm4b:s2+s3] =	stream.linear.scatter [tilespmem:s8], [sflag:$0x1], $0x80, $0x38;
	[tilespmem:$0xC040] =	vst v63  }
0x619: {  	s11 =	sadd.s32 $0x5818, s1;
	s5 =	sadd.s32 $0x10, s2  }
0x61a: {  	[hbm4b:s5+s3] =	stream.linear.scatter [tilespmem:s11], [sflag:$0x1], $0x80, $0x38;
	[tilespmem:$0xC040] =	vst v63  }
0x61b: {  	s12 =	sadd.s32 $0x6818, s1;
	s14 =	sadd.s32 $0x20, s2  }
0x61c: {  	[hbm4b:s14+s3] =	stream.linear.scatter [tilespmem:s12], [sflag:$0x1], $0x80, $0x38;
	[tilespmem:$0xC040] =	vst v63  }
0x61d: {  	s15 =	sadd.s32 $0x7818, s1;
	s17 =	sadd.s32 $0x30, s2  }
0x61e: {  	[hbm4b:s17+s3] =	stream.linear.scatter [tilespmem:s15], [sflag:$0x1], $0x80, $0x38;
	[tilespmem:$0xC040] =	vst v63  }
0x61f: {  	s19 =	sadd.s32 $0x8818, s1;
	s28 =	sadd.s32 $0x9818, s1;
	s22 =	sadd.s32 $0x40, s2  }
0x620: {  	[hbm4b:s22+s3] =	stream.linear.scatter [tilespmem:s19], [sflag:$0x1], $0x80, $0x38;
	[tilespmem:$0xC040] =	vst v63  }
0x621: {  	s7 =	sadd.s32 $0xA818, s1;
	s31 =	sadd.s32 $0x50, s2;
	s8 =	sadd.s32 $0xFFFFFFFC, s0  }
0x622: {  	[hbm4b:s31+s3] =	stream.linear.scatter [tilespmem:s28], [sflag:$0x1], $0x80, $0x38;
	[tilespmem:$0xC040] =	vst v63  }
0x623: {  	s1 =	sadd.s32 $0xB818, s1;
	s4 =	sshrl.u32 s8, $0x4;
	s5 =	sadd.s32 $0x60, s2  }
0x624: {  	[hbm4b:s5+s3] =	stream.linear.scatter [tilespmem:s7], [sflag:$0x1], $0x80, $0x38;
	[tilespmem:$0xC040] =	vst v63  }
0x625: {  	s2 =	sadd.s32 $0x70, s2;
	s11 =	sadd.s32 $0xFFFFFE00, s25;
	s12 =	sshll.u32 s4, $0x3  }
0x626: {  	[hbm4b:s2+s3] =	stream.linear.scatter [tilespmem:s1], [sflag:$0x1], $0x80, $0x38;
	[tilespmem:$0xC040] =	vst v63  }
0x627: {  	s4 =	sadd.s32 s21, s4;
	s1 =	sand.u32 $0x580, s11;
	s2 =	sadd.s32 s20, s12  }
0x628: {  	s4 =	sshll.u32 s4, $0xB;
	s14 =	sadd.s32 s30, s1;
	s1 =	ssub.s32 s1, s2  }
0x629: {  	s2 =	sadd.s32 s4, s14;
	s15 =	sadd.s32 $0x4818, s1  }
0x62a: {  	[hbm4b:s2+s3] =	stream.linear.scatter [tilespmem:s15], [sflag:$0x1], $0x80, $0x38;
	[tilespmem:$0xC040] =	vst v63  }
0x62b: {  	s17 =	sadd.s32 $0x5818, s1;
	s5 =	sadd.s32 $0x10, s2  }
0x62c: {  	[hbm4b:s5+s3] =	stream.linear.scatter [tilespmem:s17], [sflag:$0x1], $0x80, $0x38;
	[tilespmem:$0xC040] =	vst v63  }
0x62d: {  	s19 =	sadd.s32 $0x6818, s1;
	s22 =	sadd.s32 $0x20, s2  }
0x62e: {  	[hbm4b:s22+s3] =	stream.linear.scatter [tilespmem:s19], [sflag:$0x1], $0x80, $0x38;
	[tilespmem:$0xC040] =	vst v63  }
0x62f: {  	s28 =	sadd.s32 $0x7818, s1;
	s31 =	sadd.s32 $0x30, s2  }
0x630: {  	[hbm4b:s31+s3] =	stream.linear.scatter [tilespmem:s28], [sflag:$0x1], $0x80, $0x38;
	[tilespmem:$0xC040] =	vst v63  }
0x631: {  	s8 =	sadd.s32 $0x9818, s1;
	s7 =	sadd.s32 $0x40, s2;
	s5 =	sadd.s32 $0x8818, s1  }
0x632: {  	[hbm4b:s7+s3] =	stream.linear.scatter [tilespmem:s5], [sflag:$0x1], $0x80, $0x38;
	[tilespmem:$0xC040] =	vst v63  }
0x633: {  	s12 =	sadd.s32 $0xA818, s1;
	s11 =	sadd.s32 $0x50, s2;
	s15 =	sadd.s32 $0xFFFFFFFD, s0  }
0x634: {  	[hbm4b:s11+s3] =	stream.linear.scatter [tilespmem:s8], [sflag:$0x1], $0x80, $0x38;
	[tilespmem:$0xC040] =	vst v63  }
0x635: {  	s14 =	sadd.s32 $0x60, s2;
	s2 =	sadd.s32 $0x70, s2;
	s0 =	sshrl.u32 s15, $0x4  }
0x636: {  	[hbm4b:s14+s3] =	stream.linear.scatter [tilespmem:s12], [sflag:$0x1], $0x80, $0x38;
	[tilespmem:$0xC040] =	vst v63  }
0x637: {  	s1 =	sadd.s32 $0xB818, s1;
	s17 =	sadd.s32 $0xFFFFFE80, s25;
	s19 =	sshll.u32 s0, $0x3  }
0x638: {  	[hbm4b:s2+s3] =	stream.linear.scatter [tilespmem:s1], [sflag:$0x1], $0x80, $0x38;
	[tilespmem:$0xC040] =	vst v63  }
0x639: {  	s0 =	sadd.s32 s21, s0;
	s1 =	sand.u32 $0x600, s17;
	s2 =	sadd.s32 s20, s19  }
0x63a: {  	s0 =	sshll.u32 s0, $0xB;
	s22 =	sadd.s32 s30, s1;
	s1 =	ssub.s32 s1, s2  }
0x63b: {  	s0 =	sadd.s32 s0, s22;
	s2 =	sadd.s32 $0x4818, s1  }
0x63c: {  	[hbm4b:s0+s3] =	stream.linear.scatter [tilespmem:s2], [sflag:$0x1], $0x80, $0x38;
	[tilespmem:$0xC040] =	vst v63  }
0x63d: {  	s25 =	sadd.s32 $0x5818, s1;
	s4 =	sadd.s32 $0x10, s0  }
0x63e: {  	[hbm4b:s4+s3] =	stream.linear.scatter [tilespmem:s25], [sflag:$0x1], $0x80, $0x38;
	[tilespmem:$0xC040] =	vst v63  }
0x63f: {  	s28 =	sadd.s32 $0x6818, s1;
	s31 =	sadd.s32 $0x20, s0  }
0x640: {  	[hbm4b:s31+s3] =	stream.linear.scatter [tilespmem:s28], [sflag:$0x1], $0x80, $0x38;
	[tilespmem:$0xC040] =	vst v63  }
0x641: {  	s5 =	sadd.s32 $0x30, s0;
	s4 =	sadd.s32 $0x7818, s1  }
0x642: {  	[hbm4b:s5+s3] =	stream.linear.scatter [tilespmem:s4], [sflag:$0x1], $0x80, $0x38;
	[tilespmem:$0xC040] =	vst v63  }
0x643: {  	s7 =	sadd.s32 $0x8818, s1;
	s8 =	sadd.s32 $0x40, s0  }
0x644: {  	[hbm4b:s8+s3] =	stream.linear.scatter [tilespmem:s7], [sflag:$0x1], $0x80, $0x38;
	[tilespmem:$0xC040] =	vst v63  }
0x645: {  	s11 =	sadd.s32 $0x9818, s1;
	s12 =	sadd.s32 $0x50, s0  }
0x646: {  	[hbm4b:s12+s3] =	stream.linear.scatter [tilespmem:s11], [sflag:$0x1], $0x80, $0x38;
	[tilespmem:$0xC040] =	vst v63  }
0x647: {  	s14 =	sadd.s32 $0xA818, s1;
	s15 =	sadd.s32 $0x60, s0  }
0x648: {  	[hbm4b:s15+s3] =	stream.linear.scatter [tilespmem:s14], [sflag:$0x1], $0x80, $0x38;
	[tilespmem:$0xC040] =	vst v63  }
0x649: {  	s0 =	sadd.s32 $0x70, s0;
	s1 =	sadd.s32 $0xB818, s1  }
0x64a: {  	[hbm4b:s0+s3] =	stream.linear.scatter [tilespmem:s1], [sflag:$0x1], $0x80, $0x38;
	[tilespmem:$0xC040] =	vst v63  }
0x64b: {  	s17 =	sadd.s32 s26, s29;
	s19 =	sadd.s32 $0x4818, s9  }
0x64c: {  	[hbm4b:s17+s3] =	stream.linear.scatter [tilespmem:s19], [sflag:$0x1], $0x80, $0x38;
	[tilespmem:$0xC040] =	vst v63  }
0x64d: {  	s22 =	sadd.s32 $0x5818, s9;
	s25 =	sadd.s32 $0x10, s17  }
0x64e: {  	[hbm4b:s25+s3] =	stream.linear.scatter [tilespmem:s22], [sflag:$0x1], $0x80, $0x38;
	[tilespmem:$0xC040] =	vst v63  }
0x64f: {  	s26 =	sadd.s32 $0x6818, s9;
	s28 =	sadd.s32 $0x20, s17  }
0x650: {  	[hbm4b:s28+s3] =	stream.linear.scatter [tilespmem:s26], [sflag:$0x1], $0x80, $0x38;
	[tilespmem:$0xC040] =	vst v63  }
0x651: {  	s29 =	sadd.s32 $0x7818, s9;
	s31 =	sadd.s32 $0x30, s17  }
0x652: {  	[hbm4b:s31+s3] =	stream.linear.scatter [tilespmem:s29], [sflag:$0x1], $0x80, $0x38;
	[tilespmem:$0xC040] =	vst v63  }
0x653: {  	s4 =	sadd.s32 $0x8818, s9;
	s5 =	sadd.s32 $0x40, s17  }
0x654: {  	[hbm4b:s5+s3] =	stream.linear.scatter [tilespmem:s4], [sflag:$0x1], $0x80, $0x38;
	[tilespmem:$0xC040] =	vst v63  }
0x655: {  	s7 =	sadd.s32 $0x9818, s9;
	s8 =	sadd.s32 $0x50, s17  }
0x656: {  	[hbm4b:s8+s3] =	stream.linear.scatter [tilespmem:s7], [sflag:$0x1], $0x80, $0x38;
	[tilespmem:$0xC040] =	vst v63  }
0x657: {  	s11 =	sadd.s32 $0xA818, s9;
	s12 =	sadd.s32 $0x60, s17  }
0x658: {  	[hbm4b:s12+s3] =	stream.linear.scatter [tilespmem:s11], [sflag:$0x1], $0x80, $0x38;
	[tilespmem:$0xC040] =	vst v63  }
0x659: {  	s14 =	sadd.s32 $0xB818, s9;
	s0 =	sadd.s32 $0x70, s17  }
0x65a: {  	[hbm4b:s0+s3] =	stream.linear.scatter [tilespmem:s14], [sflag:$0x1], $0x80, $0x38;
	[tilespmem:$0xC040] =	vst v63  }
0x65b: {  	s15 =	sadd.s32 $0x4818, s24  }
0x65c: {  	[hbm4b:s18+s3] =	stream.linear.scatter [tilespmem:s15], [sflag:$0x1], $0x80, $0x38;
	[tilespmem:$0xC040] =	vst v63  }
0x65d: {  	s17 =	sadd.s32 $0x5818, s24;
	s19 =	sadd.s32 $0x10, s18  }
0x65e: {  	[hbm4b:s19+s3] =	stream.linear.scatter [tilespmem:s17], [sflag:$0x1], $0x80, $0x38;
	[tilespmem:$0xC040] =	vst v63  }
0x65f: {  	s22 =	sadd.s32 $0x6818, s24;
	s25 =	sadd.s32 $0x20, s18  }
0x660: {  	[hbm4b:s25+s3] =	stream.linear.scatter [tilespmem:s22], [sflag:$0x1], $0x80, $0x38;
	[tilespmem:$0xC040] =	vst v63  }
0x661: {  	s26 =	sadd.s32 $0x7818, s24;
	s28 =	sadd.s32 $0x30, s18  }
0x662: {  	[hbm4b:s28+s3] =	stream.linear.scatter [tilespmem:s26], [sflag:$0x1], $0x80, $0x38;
	[tilespmem:$0xC040] =	vst v63  }
0x663: {  	s29 =	sadd.s32 $0x8818, s24;
	s31 =	sadd.s32 $0x40, s18  }
0x664: {  	[hbm4b:s31+s3] =	stream.linear.scatter [tilespmem:s29], [sflag:$0x1], $0x80, $0x38;
	[tilespmem:$0xC040] =	vst v63  }
0x665: {  	s2 =	sadd.s32 $0x9818, s24;
	s4 =	sadd.s32 $0x50, s18  }
0x666: {  	[hbm4b:s4+s3] =	stream.linear.scatter [tilespmem:s2], [sflag:$0x1], $0x80, $0x38;
	[tilespmem:$0xC040] =	vst v63  }
0x667: {  	s5 =	sadd.s32 $0xA818, s24;
	s7 =	sadd.s32 $0x60, s18  }
0x668: {  	[hbm4b:s7+s3] =	stream.linear.scatter [tilespmem:s5], [sflag:$0x1], $0x80, $0x38;
	[tilespmem:$0xC040] =	vst v63  }
0x669: {  	s10 =	sadd.s32 s30, s10;
	s9 =	sadd.s32 $0x70, s18;
	s8 =	sadd.s32 $0xB818, s24  }
0x66a: {  	[hbm4b:s9+s3] =	stream.linear.scatter [tilespmem:s8], [sflag:$0x1], $0x80, $0x38;
	[tilespmem:$0xC040] =	vst v63  }
0x66b: {  	s11 =	sadd.s32 $0x4818, s13;
	s0 =	sadd.s32 s23, s10  }
0x66c: {  	[hbm4b:s0+s3] =	stream.linear.scatter [tilespmem:s11], [sflag:$0x1], $0x80, $0x38;
	[tilespmem:$0xC040] =	vst v63  }
0x66d: {  	s12 =	sadd.s32 $0x5818, s13;
	s14 =	sadd.s32 $0x10, s0  }
0x66e: {  	[hbm4b:s14+s3] =	stream.linear.scatter [tilespmem:s12], [sflag:$0x1], $0x80, $0x38;
	[tilespmem:$0xC040] =	vst v63  }
0x66f: {  	s15 =	sadd.s32 $0x6818, s13;
	s17 =	sadd.s32 $0x20, s0  }
0x670: {  	[hbm4b:s17+s3] =	stream.linear.scatter [tilespmem:s15], [sflag:$0x1], $0x80, $0x38;
	[tilespmem:$0xC040] =	vst v63  }
0x671: {  	s18 =	sadd.s32 $0x7818, s13;
	s19 =	sadd.s32 $0x30, s0  }
0x672: {  	[hbm4b:s19+s3] =	stream.linear.scatter [tilespmem:s18], [sflag:$0x1], $0x80, $0x38;
	[tilespmem:$0xC040] =	vst v63  }
0x673: {  	s23 =	sadd.s32 $0x40, s0;
	s22 =	sadd.s32 $0x8818, s13  }
0x674: {  	[hbm4b:s23+s3] =	stream.linear.scatter [tilespmem:s22], [sflag:$0x1], $0x80, $0x38;
	[tilespmem:$0xC040] =	vst v63  }
0x675: {  	s24 =	sadd.s32 $0x50, s0  }
0x676: {  	[hbm4b:s24+s3] =	stream.linear.scatter [tilespmem:s16], [sflag:$0x1], $0x80, $0x38;
	[tilespmem:$0xC040] =	vst v63  }
0x677: {  	s25 =	sadd.s32 $0x60, s0;
	s26 =	sadd.s32 $0xA818, s13  }
0x678: {  	[hbm4b:s25+s3] =	stream.linear.scatter [tilespmem:s26], [sflag:$0x1], $0x80, $0x38;
	[tilespmem:$0xC040] =	vst v63  }
0x679: {  	s28 =	sadd.s32 $0xB818, s13;
	s0 =	sadd.s32 $0x70, s0  }
0x67a: {  	[hbm4b:s0+s3] =	stream.linear.scatter [tilespmem:s28], [sflag:$0x1], $0x80, $0x38;
	[tilespmem:$0xC040] =	vst v63  }
0x67b: {  	_ =	swait.ge [sflag:s6], $0x400  }
0x67c: {  	[sflag:s6] =	ssyncset.done $0x0  }
0x67d: {  	[sflag:s6] =	ssyncadd.s32 $0xFFFFFC00  }
0x67e: {  	_ =	swait.ge [sflag:s6], $0x400  }
0x67f: {  	[sflag:s6] =	ssyncset.done $0x0  }
0x680: {  	[sflag:s6] =	ssyncadd.s32 $0xFFFFFC00  }
0x681: {  	_ =	swait.ge [sflag:s6], $0x400  }
0x682: {  	[sflag:s6] =	ssyncset.done $0x0  }
0x683: {  	[sflag:s6] =	ssyncadd.s32 $0xFFFFFC00  }
0x684: {  	_ =	swait.ge [sflag:s6], $0x400  }
0x685: {  	[sflag:s6] =	ssyncset.done $0x0  }
0x686: {  	[sflag:s6] =	ssyncadd.s32 $0xFFFFFC00  }
0x687: {  	_ =	swait.ge [sflag:s6], $0x400  }
0x688: {  	[sflag:s6] =	ssyncset.done $0x0  }
0x689: {  	[sflag:s6] =	ssyncadd.s32 $0xFFFFFC00  }
0x68a: {  	_ =	swait.ge [sflag:s6], $0x400  }
0x68b: {  	[sflag:s6] =	ssyncset.done $0x0  }
0x68c: {  	[sflag:s6] =	ssyncadd.s32 $0xFFFFFC00  }
0x68d: {  	_ =	swait.ge [sflag:s6], $0x400  }
0x68e: {  	[sflag:s6] =	ssyncset.done $0x0  }
0x68f: {  	[sflag:s6] =	ssyncadd.s32 $0xFFFFFC00  }
0x690: {  	_ =	swait.ge [sflag:s6], $0x400  }
0x691: {  	[sflag:s6] =	ssyncset.done $0x0  }
0x692: {  	[sflag:s6] =	ssyncadd.s32 $0xFFFFFC00  }
0x693: {  	_ =	swait.ge [sflag:s6], $0x400  }
0x694: {  	[sflag:s6] =	ssyncset.done $0x0  }
0x695: {  	[sflag:s6] =	ssyncadd.s32 $0xFFFFFC00  }
0x696: {  	_ =	swait.ge [sflag:s6], $0x400  }
0x697: {  	[sflag:s6] =	ssyncset.done $0x0  }
0x698: {  	[sflag:s6] =	ssyncadd.s32 $0xFFFFFC00  }
0x699: {  	_ =	swait.ge [sflag:s6], $0x400  }
0x69a: {  	[sflag:s6] =	ssyncset.done $0x0  }
0x69b: {  	[sflag:s6] =	ssyncadd.s32 $0xFFFFFC00  }
0x69c: {  	_ =	swait.ge [sflag:s6], $0x400  }
0x69d: {  	[sflag:s6] =	ssyncset.done $0x0  }
0x69e: {  	[sflag:s6] =	ssyncadd.s32 $0xFFFFFC00  }
0x69f: {  	_ =	swait.ge [sflag:s6], $0x400  }
0x6a0: {  	[sflag:s6] =	ssyncset.done $0x0  }
0x6a1: {  	[sflag:s6] =	ssyncadd.s32 $0xFFFFFC00  }
0x6a2: {  	_ =	swait.ge [sflag:s6], $0x400  }
0x6a3: {  	[sflag:s6] =	ssyncset.done $0x0  }
0x6a4: {  	[sflag:s6] =	ssyncadd.s32 $0xFFFFFC00  }
0x6a5: {  	_ =	swait.ge [sflag:s6], $0x400  }
0x6a6: {  	[sflag:s6] =	ssyncset.done $0x0  }
0x6a7: {  	[sflag:s6] =	ssyncadd.s32 $0xFFFFFC00  }
0x6a8: {  	_ =	swait.ge [sflag:s6], $0x400  }
0x6a9: {  	[sflag:s6] =	ssyncset.done $0x0  }
0x6aa: {  	[sflag:s6] =	ssyncadd.s32 $0xFFFFFC00  }
0x6ab: {  	_ =	swait.ge [sflag:s6], $0x400  }
0x6ac: {  	[sflag:s6] =	ssyncset.done $0x0  }
0x6ad: {  	[sflag:s6] =	ssyncadd.s32 $0xFFFFFC00  }
0x6ae: {  	_ =	swait.ge [sflag:s6], $0x400  }
0x6af: {  	[sflag:s6] =	ssyncset.done $0x0  }
0x6b0: {  	[sflag:s6] =	ssyncadd.s32 $0xFFFFFC00  }
0x6b1: {  	_ =	swait.ge [sflag:s6], $0x400  }
0x6b2: {  	[sflag:s6] =	ssyncset.done $0x0  }
0x6b3: {  	[sflag:s6] =	ssyncadd.s32 $0xFFFFFC00  }
0x6b4: {  	_ =	swait.ge [sflag:s6], $0x400  }
0x6b5: {  	[sflag:s6] =	ssyncset.done $0x0  }
0x6b6: {  	[sflag:s6] =	ssyncadd.s32 $0xFFFFFC00  }
0x6b7: {  	_ =	swait.ge [sflag:s6], $0x400  }
0x6b8: {  	[sflag:s6] =	ssyncset.done $0x0  }
0x6b9: {  	[sflag:s6] =	ssyncadd.s32 $0xFFFFFC00  }
0x6ba: {  	_ =	swait.ge [sflag:s6], $0x400  }
0x6bb: {  	[sflag:s6] =	ssyncset.done $0x0  }
0x6bc: {  	[sflag:s6] =	ssyncadd.s32 $0xFFFFFC00  }
0x6bd: {  	_ =	swait.ge [sflag:s6], $0x400  }
0x6be: {  	[sflag:s6] =	ssyncset.done $0x0  }
0x6bf: {  	[sflag:s6] =	ssyncadd.s32 $0xFFFFFC00  }
0x6c0: {  	_ =	swait.ge [sflag:s6], $0x400  }
0x6c1: {  	[sflag:s6] =	ssyncset.done $0x0  }
0x6c2: {  	[sflag:s6] =	ssyncadd.s32 $0xFFFFFC00  }
0x6c3: {  	_ =	swait.ge [sflag:s6], $0x400  }
0x6c4: {  	[sflag:s6] =	ssyncset.done $0x0  }
0x6c5: {  	[sflag:s6] =	ssyncadd.s32 $0xFFFFFC00  }
0x6c6: {  	_ =	swait.ge [sflag:s6], $0x400  }
0x6c7: {  	[sflag:s6] =	ssyncset.done $0x0  }
0x6c8: {  	[sflag:s6] =	ssyncadd.s32 $0xFFFFFC00  }
0x6c9: {  	_ =	swait.ge [sflag:s6], $0x400  }
0x6ca: {  	[sflag:s6] =	ssyncset.done $0x0  }
0x6cb: {  	[sflag:s6] =	ssyncadd.s32 $0xFFFFFC00  }
0x6cc: {  	_ =	swait.ge [sflag:s6], $0x400  }
0x6cd: {  	[sflag:s6] =	ssyncset.done $0x0  }
0x6ce: {  	[sflag:s6] =	ssyncadd.s32 $0xFFFFFC00  }
0x6cf: {  	_ =	swait.ge [sflag:s6], $0x400  }
0x6d0: {  	[sflag:s6] =	ssyncset.done $0x0  }
0x6d1: {  	[sflag:s6] =	ssyncadd.s32 $0xFFFFFC00  }
0x6d2: {  	_ =	swait.ge [sflag:s6], $0x400  }
0x6d3: {  	[sflag:s6] =	ssyncset.done $0x0  }
0x6d4: {  	[sflag:s6] =	ssyncadd.s32 $0xFFFFFC00  }
0x6d5: {  	_ =	swait.ge [sflag:s6], $0x400  }
0x6d6: {  	[sflag:s6] =	ssyncset.done $0x0  }
0x6d7: {  	[sflag:s6] =	ssyncadd.s32 $0xFFFFFC00  }
0x6d8: {  	_ =	swait.ge [sflag:s6], $0x400  }
0x6d9: {  	[sflag:s6] =	ssyncset.done $0x0  }
0x6da: {  	[sflag:s6] =	ssyncadd.s32 $0xFFFFFC00  }
0x6db: {  	_ =	swait.ge [sflag:s6], $0x400  }
0x6dc: {  	[sflag:s6] =	ssyncset.done $0x0  }
0x6dd: {  	[sflag:s6] =	ssyncadd.s32 $0xFFFFFC00  }
0x6de: {  	_ =	swait.ge [sflag:s6], $0x400  }
0x6df: {  	[sflag:s6] =	ssyncset.done $0x0  }
0x6e0: {  	[sflag:s6] =	ssyncadd.s32 $0xFFFFFC00  }
0x6e1: {  	_ =	swait.ge [sflag:s6], $0x400  }
0x6e2: {  	[sflag:s6] =	ssyncset.done $0x0  }
0x6e3: {  	[sflag:s6] =	ssyncadd.s32 $0xFFFFFC00  }
0x6e4: {  	_ =	swait.ge [sflag:s6], $0x400  }
0x6e5: {  	[sflag:s6] =	ssyncset.done $0x0  }
0x6e6: {  	[sflag:s6] =	ssyncadd.s32 $0xFFFFFC00  }
0x6e7: {  	_ =	swait.ge [sflag:s6], $0x400  }
0x6e8: {  	[sflag:s6] =	ssyncset.done $0x0  }
0x6e9: {  	[sflag:s6] =	ssyncadd.s32 $0xFFFFFC00  }
0x6ea: {  	_ =	swait.ge [sflag:s6], $0x400  }
0x6eb: {  	[sflag:s6] =	ssyncset.done $0x0  }
0x6ec: {  	[sflag:s6] =	ssyncadd.s32 $0xFFFFFC00  }
0x6ed: {  	_ =	swait.ge [sflag:s6], $0x400  }
0x6ee: {  	[sflag:s6] =	ssyncset.done $0x0  }
0x6ef: {  	[sflag:s6] =	ssyncadd.s32 $0xFFFFFC00  }
0x6f0: {  	_ =	swait.ge [sflag:s6], $0x400  }
0x6f1: {  	s29 =	sld [smem:$0x6E9]  }
0x6f2: {  	s31 =	sld [smem:$0x6EC];
	_ =	sdelay $0x1  }
0x6f3: {  	s1 =	sadd.s32 $0x1, s29  }
0x6f4: {  	p0 =	sne.s32 s1, s31  }
.Ltmp5:
0x6f5: {  	_ = 	snop;
	(pc) =	sbr.rel @p0 .LBB2_1-.Ltmp5, $3  }
0x6f6: {  	_ =	sdelay $0x1  }
0x6f7: {  	s5 =	simm.s32 $0x1;
	[sflag:s6] =	ssyncset.done $0x0  }
0x6f8: {  	s11 =	simm.s32 $0x80;
	s10 =	rddreg [dreg:$0x12];
	[sflag:s6] =	ssyncadd.s32 $0xFFFFFC00  }
0x6f9: {  	_ =	sfence.sel $0x180000  }
0x6fa: {  	[bflag:$0x0] =	sbarrier.arrive $0xFFFF  }
0x6fb: {  	_ =	strace $0x90000047  }
0x6fc: {  	s0 =	stileid.u32;
	[bflag:$0x2] =	sbarrier.arrive $0xFFFF  }
0x6fd: {  	p0 =	sne.s32 s0, $0x0;
	s0 =	rddreg [dreg:$0x2]  }
0x6fe: {  	s0 =	sadd.s32 @!p0 $0x100000, s0  }
0x6ff: {  	[sflag:s0] =	ssyncadd.tile.s32 @!p0 $0x1;
	_ =	shalt  }
.Lfunc_end2:
_tile_overlayer_lowered:
.L_overlay_start_2:
0x700: {  	(tag) =	ssettag $0x2  }
0x701: {  	s0 =	rddreg [dreg:$0x0];
	s2 =	stileid.u32  }
0x702: {  	s1 =	rddreg [dreg:$0x1];
	p0 =	sne.s32 s2, $0x0  }
0x703: {  	s3 =	rddreg [dreg:$0x2];
	[bflag:$0x3] =	sbarrier.arrive $0xFFFF;
	s2 =	simm.s32 @!p0 $0x1C02  }
0x704: {  	[timem:s3], [sflag:s2] =	dma.local @!p0 [hbm:s0], s1  }
0x705: {  	s0 =	simm.s32 @!p0 $0x2  }
0x706: {  	_ =	swait.ge @!p0 [sflag:s0], s1  }
0x707: {  	s1 =	ssub.s32 @!p0 $0x0, s1;
	[sflag:s0] =	ssyncset.done @!p0 $0x0  }
0x708: {  	[sflag:s0] =	ssyncadd.s32 @!p0 s1  }
0x709: {  	[bflag:$0x3] =	sbarrier.arrive $0xFFFF  }
0x70a: {  	_ =	shalt  }

</sc_bundles>
